<compile_context>
chip_gen: v7x
topology: tpu7x:2x2x1
jax: 0.10.2.dev20260603
libtpu: 0.0.44.dev20260713+nightly
codegen_flags: <defaults>
</compile_context>

<pallas_src>
import functools

import jax
import jax.numpy as jnp
from jax import lax
from jax.experimental import pallas as pl
from jax.experimental.pallas import tpu as pltpu
from jax.experimental.pallas import tpu_sc as plsc

_MAX_VAL = 52000.0
_MIN_VAL = -53000.0
_LEVELS = 1000
_B, _T, _C, _D = 64, 50, 16, 1024
_NCORE, _NSUB = 2, 16
_NW = _NCORE * _NSUB
_NWIN = _T - 3
_W = _D // 32
_ROWW = _W + 1
_NROWS = _LEVELS + _C + _T


def _i16(v):
    return jnp.full((16,), v, jnp.int32)


def _pack_body(x_ref, wlo_ref, whi_ref, o_ref):
    x = x_ref[...].astype(jnp.bfloat16)
    lo = lax.dot(x, wlo_ref[...], preferred_element_type=jnp.float32)
    hi = lax.dot(x, whi_ref[...], preferred_element_type=jnp.float32)
    plo = ((65535.0 - lo) * 0.5).astype(jnp.int32)
    phi = ((65535.0 - hi) * 0.5).astype(jnp.int32)
    o_ref[...] = jnp.bitwise_or(plo, jnp.left_shift(phi, 16))


def _add_nums(a, b):
    out, carry = [], None
    for i in range(max(len(a), len(b))):
        terms = [t for t in (a[i] if i < len(a) else None,
                             b[i] if i < len(b) else None, carry)
                 if t is not None]
        if len(terms) == 3:
            x, y, z = terms
            s = x ^ y
            carry, s = (x & y) | (z & s), s ^ z
        elif len(terms) == 2:
            x, y = terms
            s, carry = x ^ y, x & y
        else:
            s, carry = terms[0], None
        out.append(s)
    if carry is not None:
        out.append(carry)
    return out


def _popcount_planes(xs):
    nums = [[x] for x in xs]
    while len(nums) > 1:
        nxt = [_add_nums(nums[i], nums[i + 1])
               for i in range(0, len(nums) - 1, 2)]
        if len(nums) % 2:
            nxt.append(nums[-1])
        nums = nxt
    return nums[0]


def _tec_body(idx_hbm, pkb_hbm, out_hbm,
              inp_v, lw_v, ch_v, ft_v, samp_v, r1_v, r2_v, r3_v, out_v, sem):
    wid = lax.axis_index("s") * _NCORE + lax.axis_index("c")
    pltpu.sync_copy(pkb_hbm.at[pl.ds(0, _LEVELS * _W)], lw_v)
    pltpu.sync_copy(pkb_hbm.at[pl.ds(_LEVELS * _W, _C * _W)], ch_v)
    pltpu.sync_copy(pkb_hbm.at[pl.ds((_LEVELS + _C) * _W, _T * _W)], ft_v)
    iota = lax.iota(jnp.int32, 16)

    def do_batch(b):
        pltpu.sync_copy(idx_hbm.at[pl.ds(b * (_T * _C), _T * _C)], inp_v)

        def do_t(t, carry):
            idx = inp_v[pl.ds(t * _C, 16)]
            addr = idx * _W
            hi_words = None
            for h in range(2):
                xs = []
                for c in range(_C):
                    ac = addr.at[_i16(c)].get(mode="promise_in_bounds")
                    lww = plsc.load_gather(lw_v, [ac + (iota + 16 * h)])
                    xs.append(lww ^ ch_v[pl.ds(c * _W + 16 * h, 16)])
                pa = _popcount_planes(xs[:8])
                pb = _popcount_planes(xs[8:])
                c1 = pa[0] & pb[0]
                c2 = (pa[1] & pb[1]) | (c1 & (pa[1] ^ pb[1]))
                c3 = (pa[2] & pb[2]) | (c2 & (pa[2] ^ pb[2]))
                neg = pa[3] | pb[3] | c3
                sw = neg ^ ft_v[pl.ds(t * _W + 16 * h, 16)]
                samp_v[pl.ds(t * _ROWW + 1 + 16 * h, 16)] = sw
                if h == 1:
                    hi_words = sw
            w31 = hi_words.at[_i16(15)].get(mode="promise_in_bounds")
            plsc.store_scatter(samp_v, [jnp.zeros((16,), jnp.int32) + t * _ROWW],
                               w31, mask=iota < 1)
            for h in range(2):
                a = samp_v[pl.ds(t * _ROWW + 1 + 16 * h, 16)]
                bb = samp_v[pl.ds(t * _ROWW + 16 * h, 16)]
                for s, rv in ((1, r1_v), (2, r2_v), (3, r3_v)):
                    r = (lax.shift_left(a, _i16(s))
                         | lax.shift_right_logical(bb, _i16(32 - s)))
                    rv[pl.ds(t * _W + 16 * h, 16)] = r
            return carry

        lax.fori_loop(0, _T, do_t, 0)

        for h in range(2):
            def win(t0, planes):
                g = (r3_v[pl.ds(t0 * _W + 16 * h, 16)]
                     ^ r2_v[pl.ds((t0 + 1) * _W + 16 * h, 16)]
                     ^ r1_v[pl.ds((t0 + 2) * _W + 16 * h, 16)]
                     ^ samp_v[pl.ds((t0 + 3) * _ROWW + 1 + 16 * h, 16)])
                out_p = []
                c = g
                for i in range(6):
                    out_p.append(planes[i] ^ c)
                    c = planes[i] & c
                return tuple(out_p)

            z = jnp.zeros((16,), jnp.int32)
            planes = lax.fori_loop(0, _NWIN, win, (z, z, z, z, z, z))
            negw = planes[5] | (planes[4] & planes[3])
            for wslot in range(16):
                w = negw.at[_i16(wslot)].get(mode="promise_in_bounds")
                wi = 16 * h + wslot
                b0 = lax.shift_right_logical(w, iota) & 1
                out_v[pl.ds(32 * wi, 16)] = jnp.where(b0 == 1, -1.0, 1.0)
                b1 = lax.shift_right_logical(w, iota + 16) & 1
                out_v[pl.ds(32 * wi + 16, 16)] = jnp.where(b1 == 1, -1.0, 1.0)

        pltpu.sync_copy(out_v, out_hbm.at[b])

    do_batch(wid)
    do_batch(wid + _NW)


@jax.jit
def _encode(inp, lw, ch, ft):
    x = jnp.round((inp - _MIN_VAL) / (_MAX_VAL - _MIN_VAL) * (_LEVELS - 1))
    idx = jnp.clip(x, 0, _LEVELS - 1).astype(jnp.int32)

    d = jnp.arange(_D)
    j, k = d // 32, d % 32
    onehot = (j[:, None] == jnp.arange(_W)[None, :]).astype(jnp.float32)
    wlo = (onehot * jnp.where(k < 16, jnp.left_shift(1, jnp.minimum(k, 15)),
                              0).astype(jnp.float32)[:, None]
           ).astype(jnp.bfloat16)
    whi = (onehot * jnp.where(k >= 16, jnp.left_shift(1, k - 16),
                              0).astype(jnp.float32)[:, None]
           ).astype(jnp.bfloat16)
    codes = jnp.concatenate([lw, ch, ft], axis=0)
    packed = pl.pallas_call(
        _pack_body,
        grid=(9,),
        in_specs=[
            pl.BlockSpec((120, _D), lambda i: (i, 0)),
            pl.BlockSpec((_D, _W), lambda i: (0, 0)),
            pl.BlockSpec((_D, _W), lambda i: (0, 0)),
        ],
        out_specs=pl.BlockSpec((120, _W), lambda i: (i, 0)),
        out_shape=jax.ShapeDtypeStruct((_NROWS, _W), jnp.int32),
        compiler_params=pltpu.CompilerParams(
            dimension_semantics=("arbitrary",)),
    )(codes, wlo, whi)
    pkb = packed.reshape(-1)

    mesh = plsc.VectorSubcoreMesh(core_axis_name="c", subcore_axis_name="s")
    f = functools.partial(
        pl.kernel,
        mesh=mesh,
        compiler_params=pltpu.CompilerParams(needs_layout_passes=False),
        out_type=jax.ShapeDtypeStruct((_B, _D), jnp.float32),
        scratch_types=[
            pltpu.VMEM((_T * _C,), jnp.int32),
            pltpu.VMEM((_LEVELS * _W,), jnp.int32),
            pltpu.VMEM((_C * _W,), jnp.int32),
            pltpu.VMEM((_T * _W,), jnp.int32),
            pltpu.VMEM((_T * _ROWW,), jnp.int32),
            pltpu.VMEM((_T * _W,), jnp.int32),
            pltpu.VMEM((_T * _W,), jnp.int32),
            pltpu.VMEM((_T * _W,), jnp.int32),
            pltpu.VMEM((_D,), jnp.float32),
            pltpu.SemaphoreType.DMA,
        ],
    )(_tec_body)
    return f(idx.reshape(-1), pkb)


def kernel(input, level_weight, channel_weight, feature_weight):
    return _encode(input, level_weight, channel_weight, feature_weight)

# --- scband reference (transcript-rebuilt; emitter-appended) ---
"""Pipeline reference for scband-featx-chx-val-encoder-88802743812299 (READ-ONLY COPY).

The authoritative reference and input builder live on the scoring server;
editing this copy changes nothing except your own understanding.
"""

import jax, jax.numpy as jnp
import numpy as np

MAX_VAL = 52000.0
MIN_VAL = -53000.0
NUM_LEVELS = 1000
N_GRAM_SIZE = 4

B, T, C, D = 64, 50, 16, 1024


def _bipolar(key, shape):
    return jnp.where(jax.random.uniform(key, shape) > 0.5, 1.0, -1.0).astype(jnp.float32)


def hard_quantize(x):
    return jnp.where(x > 0, 1.0, -1.0).astype(x.dtype)


def bind(a, b):
    return a * b


def permute(x, shifts):
    return jnp.roll(x, shifts, axis=-1)


def multiset(x):
    return jnp.sum(x, axis=-2)


def ngrams(x, n):
    n_gram = permute(x[..., : -(n - 1), :], n - 1)
    for i in range(1, n):
        stop = None if i == (n - 1) else -(n - 1 - i)
        sample = permute(x[..., i:stop, :], n - 1 - i)
        n_gram = bind(n_gram, sample)
    return multiset(n_gram)


def value_to_index(x):
    idx = jnp.round((x - MIN_VAL) / (MAX_VAL - MIN_VAL) * (NUM_LEVELS - 1))
    return jnp.clip(idx, 0, NUM_LEVELS - 1).astype(jnp.int32)


def setup_inputs(seed: int = 0) -> dict:
    key = jax.random.key(seed)
    k_in, k_b, k_e, k_t, k_ch, k_ft = jax.random.split(key, 6)
    inp = jax.random.uniform(k_in, (B, T, C), minval=MIN_VAL, maxval=MAX_VAL, dtype=jnp.float32)
    # Level embedding table (torchhd.embeddings.Level): interpolate between two
    # random bipolar hypervectors with a per-dimension random flip threshold.
    base = _bipolar(k_b, (D,))
    end = _bipolar(k_e, (D,))
    thr = jax.random.uniform(k_t, (D,))
    span = (jnp.arange(NUM_LEVELS, dtype=jnp.float32) / (NUM_LEVELS - 1))[:, None]
    level_weight = jnp.where(span >= thr[None, :], end[None, :], base[None, :]).astype(jnp.float32)
    channel_weight = _bipolar(k_ch, (C, D))
    feature_weight = _bipolar(k_ft, (T, D))
    return {"input": inp, "level_weight": level_weight, "channel_weight": channel_weight, "feature_weight": feature_weight}


def reference(input, level_weight, channel_weight, feature_weight):
    idx = value_to_index(input)                          # [B, T, C] int
    signal = jnp.take(level_weight, idx, axis=0)         # [B, T, C, D] gather
    samples = bind(signal, channel_weight[None, None, :, :])  # [B, T, C, D]
    samples = multiset(samples)                          # [B, T, D]
    samples = hard_quantize(samples)
    samples = bind(samples, feature_weight[None, :, :])  # [B, T, D]
    sample_hv = ngrams(samples, N_GRAM_SIZE)             # [B, D]
    return hard_quantize(sample_hv)

if __name__ == "__main__":
    import jax
    _d = setup_inputs()
    print(jax.jit(kernel)(*tuple(_d.values())))

</pallas_src>

<mosaic_0001>
#map = affine_map<(d0, d1) -> (0)>
#map1 = affine_map<(d0, d1) -> (0, 0)>
module attributes {stable_mosaic.version = 14 : i64} {
  func.func @_tec_body(%arg0: i32, %arg1: i32, %arg2: memref<51200xi32, #tpu.memory_space<hbm>>, %arg3: memref<34112xi32, #tpu.memory_space<hbm>>, %arg4: memref<64x1024xf32, #tpu.memory_space<hbm>>, %arg5: memref<800xi32, #tpu.memory_space<vmem>>, %arg6: memref<32000xi32, #tpu.memory_space<vmem>>, %arg7: memref<512xi32, #tpu.memory_space<vmem>>, %arg8: memref<1600xi32, #tpu.memory_space<vmem>>, %arg9: memref<1650xi32, #tpu.memory_space<vmem>>, %arg10: memref<1600xi32, #tpu.memory_space<vmem>>, %arg11: memref<1600xi32, #tpu.memory_space<vmem>>, %arg12: memref<1600xi32, #tpu.memory_space<vmem>>, %arg13: memref<1024xf32, #tpu.memory_space<vmem>>, %arg14: memref<!tpu.dma_semaphore, #tpu.memory_space<semaphore_mem>>) attributes {dimension_semantics = [#tpu.dimension_semantics<core_parallel>, #tpu.dimension_semantics<subcore_parallel>], iteration_bounds = array<i64: 2, 16>, scalar_prefetch = 0 : i64, scratch_operands = 10 : i64, tpu.core_type = #tpu.core_type<sc_vector_subcore>, window_params = [{transform_indices = #map}, {transform_indices = #map}, {transform_indices = #map1}]} {
    %mul3A = arith.constant 2 : i32
    %mul3A_0 = arith.muli %arg1, %mul3A : i32
    %add3A = arith.addi %mul3A_0, %arg0 : i32
    "tpu.region"() ({
      %run_scoped3A = tpu.sem_alloc : memref<!tpu.dma_semaphore, #tpu.memory_space<semaphore_mem>>
      %dma_start3A = arith.constant 0 : i32
      %dma_start3A_2800 = tpu.memref_slice %arg3[%dma_start3A] : memref<34112xi32, #tpu.memory_space<hbm>> -> memref<32000xi32, #tpu.memory_space<hbm>>
      %dma_start3A_2801 = arith.constant 0 : i32
      %dma_start3A_2802 = tpu.memref_slice %arg3[%dma_start3A_2801] : memref<34112xi32, #tpu.memory_space<hbm>> -> memref<32000xi32, #tpu.memory_space<hbm>>
      tpu.enqueue_dma source(%dma_start3A_2802 : memref<32000xi32, #tpu.memory_space<hbm>>) target(%arg6 : memref<32000xi32, #tpu.memory_space<vmem>>) target_semaphore(%run_scoped3A : memref<!tpu.dma_semaphore, #tpu.memory_space<semaphore_mem>>)
      %dma_wait3A = arith.constant 0 : i32
      %dma_wait3A_2803 = tpu.memref_slice %arg3[%dma_wait3A] : memref<34112xi32, #tpu.memory_space<hbm>> -> memref<32000xi32, #tpu.memory_space<hbm>>
      %dma_wait3A_2804 = arith.constant 0 : i32
      %dma_wait3A_2805 = tpu.memref_slice %arg3[%dma_wait3A_2804] : memref<34112xi32, #tpu.memory_space<hbm>> -> memref<32000xi32, #tpu.memory_space<hbm>>
      tpu.wait_dma2 semaphore(%run_scoped3A : memref<!tpu.dma_semaphore, #tpu.memory_space<semaphore_mem>>) src(%dma_wait3A_2805 : memref<32000xi32, #tpu.memory_space<hbm>>) dst(%arg6 : memref<32000xi32, #tpu.memory_space<vmem>>)
      tpu.yield
    }) : () -> ()
    "tpu.region"() ({
      %run_scoped3A = tpu.sem_alloc : memref<!tpu.dma_semaphore, #tpu.memory_space<semaphore_mem>>
      %dma_start3A = arith.constant 32000 : i32
      %dma_start3A_2800 = tpu.memref_slice %arg3[%dma_start3A] : memref<34112xi32, #tpu.memory_space<hbm>> -> memref<512xi32, #tpu.memory_space<hbm>>
      %dma_start3A_2801 = arith.constant 32000 : i32
      %dma_start3A_2802 = tpu.memref_slice %arg3[%dma_start3A_2801] : memref<34112xi32, #tpu.memory_space<hbm>> -> memref<512xi32, #tpu.memory_space<hbm>>
      tpu.enqueue_dma source(%dma_start3A_2802 : memref<512xi32, #tpu.memory_space<hbm>>) target(%arg7 : memref<512xi32, #tpu.memory_space<vmem>>) target_semaphore(%run_scoped3A : memref<!tpu.dma_semaphore, #tpu.memory_space<semaphore_mem>>)
      %dma_wait3A = arith.constant 32000 : i32
      %dma_wait3A_2803 = tpu.memref_slice %arg3[%dma_wait3A] : memref<34112xi32, #tpu.memory_space<hbm>> -> memref<512xi32, #tpu.memory_space<hbm>>
      %dma_wait3A_2804 = arith.constant 32000 : i32
      %dma_wait3A_2805 = tpu.memref_slice %arg3[%dma_wait3A_2804] : memref<34112xi32, #tpu.memory_space<hbm>> -> memref<512xi32, #tpu.memory_space<hbm>>
      tpu.wait_dma2 semaphore(%run_scoped3A : memref<!tpu.dma_semaphore, #tpu.memory_space<semaphore_mem>>) src(%dma_wait3A_2805 : memref<512xi32, #tpu.memory_space<hbm>>) dst(%arg7 : memref<512xi32, #tpu.memory_space<vmem>>)
      tpu.yield
    }) : () -> ()
    "tpu.region"() ({
      %run_scoped3A = tpu.sem_alloc : memref<!tpu.dma_semaphore, #tpu.memory_space<semaphore_mem>>
      %dma_start3A = arith.constant 32512 : i32
      %dma_start3A_2800 = tpu.memref_slice %arg3[%dma_start3A] : memref<34112xi32, #tpu.memory_space<hbm>> -> memref<1600xi32, #tpu.memory_space<hbm>>
      %dma_start3A_2801 = arith.constant 32512 : i32
      %dma_start3A_2802 = tpu.memref_slice %arg3[%dma_start3A_2801] : memref<34112xi32, #tpu.memory_space<hbm>> -> memref<1600xi32, #tpu.memory_space<hbm>>
      tpu.enqueue_dma source(%dma_start3A_2802 : memref<1600xi32, #tpu.memory_space<hbm>>) target(%arg8 : memref<1600xi32, #tpu.memory_space<vmem>>) target_semaphore(%run_scoped3A : memref<!tpu.dma_semaphore, #tpu.memory_space<semaphore_mem>>)
      %dma_wait3A = arith.constant 32512 : i32
      %dma_wait3A_2803 = tpu.memref_slice %arg3[%dma_wait3A] : memref<34112xi32, #tpu.memory_space<hbm>> -> memref<1600xi32, #tpu.memory_space<hbm>>
      %dma_wait3A_2804 = arith.constant 32512 : i32
      %dma_wait3A_2805 = tpu.memref_slice %arg3[%dma_wait3A_2804] : memref<34112xi32, #tpu.memory_space<hbm>> -> memref<1600xi32, #tpu.memory_space<hbm>>
      tpu.wait_dma2 semaphore(%run_scoped3A : memref<!tpu.dma_semaphore, #tpu.memory_space<semaphore_mem>>) src(%dma_wait3A_2805 : memref<1600xi32, #tpu.memory_space<hbm>>) dst(%arg8 : memref<1600xi32, #tpu.memory_space<vmem>>)
      tpu.yield
    }) : () -> ()
    %iota3A = tpu.iota {dimensions = array<i32: 0>} : vector<16xi32>
    %mul3A_1 = arith.constant 800 : i32
    %mul3A_2 = arith.muli %add3A, %mul3A_1 : i32
    "tpu.region"() ({
      %run_scoped3A = tpu.sem_alloc : memref<!tpu.dma_semaphore, #tpu.memory_space<semaphore_mem>>
      %dma_start3A = tpu.memref_slice %arg2[%mul3A_2] : memref<51200xi32, #tpu.memory_space<hbm>> -> memref<800xi32, #tpu.memory_space<hbm>>
      %dma_start3A_2800 = tpu.memref_slice %arg2[%mul3A_2] : memref<51200xi32, #tpu.memory_space<hbm>> -> memref<800xi32, #tpu.memory_space<hbm>>
      tpu.enqueue_dma source(%dma_start3A_2800 : memref<800xi32, #tpu.memory_space<hbm>>) target(%arg5 : memref<800xi32, #tpu.memory_space<vmem>>) target_semaphore(%run_scoped3A : memref<!tpu.dma_semaphore, #tpu.memory_space<semaphore_mem>>)
      %dma_wait3A = tpu.memref_slice %arg2[%mul3A_2] : memref<51200xi32, #tpu.memory_space<hbm>> -> memref<800xi32, #tpu.memory_space<hbm>>
      %dma_wait3A_2801 = tpu.memref_slice %arg2[%mul3A_2] : memref<51200xi32, #tpu.memory_space<hbm>> -> memref<800xi32, #tpu.memory_space<hbm>>
      tpu.wait_dma2 semaphore(%run_scoped3A : memref<!tpu.dma_semaphore, #tpu.memory_space<semaphore_mem>>) src(%dma_wait3A_2801 : memref<800xi32, #tpu.memory_space<hbm>>) dst(%arg5 : memref<800xi32, #tpu.memory_space<vmem>>)
      tpu.yield
    }) : () -> ()
    %scan3A = arith.constant 0 : i32
    %scan3A_3 = arith.constant 0 : i32
    %scan3A_4 = arith.constant 50 : i32
    %scan3A_5 = arith.addi %scan3A_3, %scan3A_4 : i32
    %scan3A_6 = arith.constant 1 : i32
    scf.for %scan3A_2800 = %scan3A_3 to %scan3A_5 step %scan3A_6  : i32 {
      %mul3A_2801 = arith.constant 16 : i32
      %mul3A_2802 = arith.muli %scan3A_2800, %mul3A_2801 : i32
      %get3A = arith.index_cast %mul3A_2802 : i32 to index
      %get3A_2803 = tpu.vector_load %arg5[%get3A] {strides = array<i32>} : memref<800xi32, #tpu.memory_space<vmem>>, vector<16xi32>,
      %mul3A_2804 = arith.constant 32 : i32
      %mul3A_2805 = vector.broadcast %mul3A_2804 : i32 to vector<16xi32>
      %mul3A_2806 = arith.muli %get3A_2803, %mul3A_2805 : vector<16xi32>
      %broadcast_in_dim3A_2807 = arith.constant 0 : i32
      %broadcast_in_dim3A_2808 = vector.broadcast %broadcast_in_dim3A_2807 : i32 to vector<16xi32>
      %lt3A_2809 = arith.constant 0 : i32
      %lt3A_2810 = vector.broadcast %lt3A_2809 : i32 to vector<16xi32>
      %lt3A_2811 = arith.cmpi slt, %broadcast_in_dim3A_2808, %lt3A_2810 : vector<16xi32>
      %add3A_2812 = arith.constant 16 : i32
      %add3A_2813 = vector.broadcast %add3A_2812 : i32 to vector<16xi32>
      %add3A_2814 = arith.addi %broadcast_in_dim3A_2808, %add3A_2813 : vector<16xi32>
      %select_n3A_2815 = arith.select %lt3A_2811, %add3A_2814, %broadcast_in_dim3A_2808 : vector<16xi1>, vector<16xi32>
      %broadcast_in_dim3A_2816 = vector.shape_cast %select_n3A_2815 : vector<16xi32> to vector<16x1xi32>
      %gather3A_2817 = vector.shape_cast %broadcast_in_dim3A_2816 : vector<16x1xi32> to vector<16xi32>
      %gather3A_2818 = tpu.dynamic_gather %mul3A_2806[%gather3A_2817] in [0] : vector<16xi32>, vector<16xi32> -> vector<16xi32>
      %add3A_2819 = arith.constant 0 : i32
      %add3A_2820 = vector.broadcast %add3A_2819 : i32 to vector<16xi32>
      %add3A_2821 = arith.addi %iota3A, %add3A_2820 : vector<16xi32>
      %add3A_2822 = arith.addi %gather3A_2818, %add3A_2821 : vector<16xi32>
      %gather3A_2823 = tpu.vector_load_idx %arg6[%add3A_2822] : memref<32000xi32, #tpu.memory_space<vmem>>[vector<16xi32>], vector<16xi32>,
      %get3A_2824 = arith.constant 0 : index
      %get3A_2825 = tpu.vector_load %arg7[%get3A_2824] {strides = array<i32>} : memref<512xi32, #tpu.memory_space<vmem>>, vector<16xi32>,
      %xor3A = arith.xori %gather3A_2823, %get3A_2825 : vector<16xi32>
      %broadcast_in_dim3A_2826 = arith.constant 1 : i32
      %broadcast_in_dim3A_2827 = vector.broadcast %broadcast_in_dim3A_2826 : i32 to vector<16xi32>
      %lt3A_2828 = arith.constant 0 : i32
      %lt3A_2829 = vector.broadcast %lt3A_2828 : i32 to vector<16xi32>
      %lt3A_2830 = arith.cmpi slt, %broadcast_in_dim3A_2827, %lt3A_2829 : vector<16xi32>
      %add3A_2831 = arith.constant 16 : i32
      %add3A_2832 = vector.broadcast %add3A_2831 : i32 to vector<16xi32>
      %add3A_2833 = arith.addi %broadcast_in_dim3A_2827, %add3A_2832 : vector<16xi32>
      %select_n3A_2834 = arith.select %lt3A_2830, %add3A_2833, %broadcast_in_dim3A_2827 : vector<16xi1>, vector<16xi32>
      %broadcast_in_dim3A_2835 = vector.shape_cast %select_n3A_2834 : vector<16xi32> to vector<16x1xi32>
      %gather3A_2836 = vector.shape_cast %broadcast_in_dim3A_2835 : vector<16x1xi32> to vector<16xi32>
      %gather3A_2837 = tpu.dynamic_gather %mul3A_2806[%gather3A_2836] in [0] : vector<16xi32>, vector<16xi32> -> vector<16xi32>
      %add3A_2838 = arith.constant 0 : i32
      %add3A_2839 = vector.broadcast %add3A_2838 : i32 to vector<16xi32>
      %add3A_2840 = arith.addi %iota3A, %add3A_2839 : vector<16xi32>
      %add3A_2841 = arith.addi %gather3A_2837, %add3A_2840 : vector<16xi32>
      %gather3A_2842 = tpu.vector_load_idx %arg6[%add3A_2841] : memref<32000xi32, #tpu.memory_space<vmem>>[vector<16xi32>], vector<16xi32>,
      %get3A_2843 = arith.constant 32 : index
      %get3A_2844 = tpu.vector_load %arg7[%get3A_2843] {strides = array<i32>} : memref<512xi32, #tpu.memory_space<vmem>>, vector<16xi32>,
      %xor3A_2845 = arith.xori %gather3A_2842, %get3A_2844 : vector<16xi32>
      %broadcast_in_dim3A_2846 = arith.constant 2 : i32
      %broadcast_in_dim3A_2847 = vector.broadcast %broadcast_in_dim3A_2846 : i32 to vector<16xi32>
      %lt3A_2848 = arith.constant 0 : i32
      %lt3A_2849 = vector.broadcast %lt3A_2848 : i32 to vector<16xi32>
      %lt3A_2850 = arith.cmpi slt, %broadcast_in_dim3A_2847, %lt3A_2849 : vector<16xi32>
      %add3A_2851 = arith.constant 16 : i32
      %add3A_2852 = vector.broadcast %add3A_2851 : i32 to vector<16xi32>
      %add3A_2853 = arith.addi %broadcast_in_dim3A_2847, %add3A_2852 : vector<16xi32>
      %select_n3A_2854 = arith.select %lt3A_2850, %add3A_2853, %broadcast_in_dim3A_2847 : vector<16xi1>, vector<16xi32>
      %broadcast_in_dim3A_2855 = vector.shape_cast %select_n3A_2854 : vector<16xi32> to vector<16x1xi32>
      %gather3A_2856 = vector.shape_cast %broadcast_in_dim3A_2855 : vector<16x1xi32> to vector<16xi32>
      %gather3A_2857 = tpu.dynamic_gather %mul3A_2806[%gather3A_2856] in [0] : vector<16xi32>, vector<16xi32> -> vector<16xi32>
      %add3A_2858 = arith.constant 0 : i32
      %add3A_2859 = vector.broadcast %add3A_2858 : i32 to vector<16xi32>
      %add3A_2860 = arith.addi %iota3A, %add3A_2859 : vector<16xi32>
      %add3A_2861 = arith.addi %gather3A_2857, %add3A_2860 : vector<16xi32>
      %gather3A_2862 = tpu.vector_load_idx %arg6[%add3A_2861] : memref<32000xi32, #tpu.memory_space<vmem>>[vector<16xi32>], vector<16xi32>,
      %get3A_2863 = arith.constant 64 : index
      %get3A_2864 = tpu.vector_load %arg7[%get3A_2863] {strides = array<i32>} : memref<512xi32, #tpu.memory_space<vmem>>, vector<16xi32>,
      %xor3A_2865 = arith.xori %gather3A_2862, %get3A_2864 : vector<16xi32>
      %broadcast_in_dim3A_2866 = arith.constant 3 : i32
      %broadcast_in_dim3A_2867 = vector.broadcast %broadcast_in_dim3A_2866 : i32 to vector<16xi32>
      %lt3A_2868 = arith.constant 0 : i32
      %lt3A_2869 = vector.broadcast %lt3A_2868 : i32 to vector<16xi32>
      %lt3A_2870 = arith.cmpi slt, %broadcast_in_dim3A_2867, %lt3A_2869 : vector<16xi32>
      %add3A_2871 = arith.constant 16 : i32
      %add3A_2872 = vector.broadcast %add3A_2871 : i32 to vector<16xi32>
      %add3A_2873 = arith.addi %broadcast_in_dim3A_2867, %add3A_2872 : vector<16xi32>
      %select_n3A_2874 = arith.select %lt3A_2870, %add3A_2873, %broadcast_in_dim3A_2867 : vector<16xi1>, vector<16xi32>
      %broadcast_in_dim3A_2875 = vector.shape_cast %select_n3A_2874 : vector<16xi32> to vector<16x1xi32>
      %gather3A_2876 = vector.shape_cast %broadcast_in_dim3A_2875 : vector<16x1xi32> to vector<16xi32>
      %gather3A_2877 = tpu.dynamic_gather %mul3A_2806[%gather3A_2876] in [0] : vector<16xi32>, vector<16xi32> -> vector<16xi32>
      %add3A_2878 = arith.constant 0 : i32
      %add3A_2879 = vector.broadcast %add3A_2878 : i32 to vector<16xi32>
      %add3A_2880 = arith.addi %iota3A, %add3A_2879 : vector<16xi32>
      %add3A_2881 = arith.addi %gather3A_2877, %add3A_2880 : vector<16xi32>
      %gather3A_2882 = tpu.vector_load_idx %arg6[%add3A_2881] : memref<32000xi32, #tpu.memory_space<vmem>>[vector<16xi32>], vector<16xi32>,
      %get3A_2883 = arith.constant 96 : index
      %get3A_2884 = tpu.vector_load %arg7[%get3A_2883] {strides = array<i32>} : memref<512xi32, #tpu.memory_space<vmem>>, vector<16xi32>,
      %xor3A_2885 = arith.xori %gather3A_2882, %get3A_2884 : vector<16xi32>
      %broadcast_in_dim3A_2886 = arith.constant 4 : i32
      %broadcast_in_dim3A_2887 = vector.broadcast %broadcast_in_dim3A_2886 : i32 to vector<16xi32>
      %lt3A_2888 = arith.constant 0 : i32
      %lt3A_2889 = vector.broadcast %lt3A_2888 : i32 to vector<16xi32>
      %lt3A_2890 = arith.cmpi slt, %broadcast_in_dim3A_2887, %lt3A_2889 : vector<16xi32>
      %add3A_2891 = arith.constant 16 : i32
      %add3A_2892 = vector.broadcast %add3A_2891 : i32 to vector<16xi32>
      %add3A_2893 = arith.addi %broadcast_in_dim3A_2887, %add3A_2892 : vector<16xi32>
      %select_n3A_2894 = arith.select %lt3A_2890, %add3A_2893, %broadcast_in_dim3A_2887 : vector<16xi1>, vector<16xi32>
      %broadcast_in_dim3A_2895 = vector.shape_cast %select_n3A_2894 : vector<16xi32> to vector<16x1xi32>
      %gather3A_2896 = vector.shape_cast %broadcast_in_dim3A_2895 : vector<16x1xi32> to vector<16xi32>
      %gather3A_2897 = tpu.dynamic_gather %mul3A_2806[%gather3A_2896] in [0] : vector<16xi32>, vector<16xi32> -> vector<16xi32>
      %add3A_2898 = arith.constant 0 : i32
      %add3A_2899 = vector.broadcast %add3A_2898 : i32 to vector<16xi32>
      %add3A_2900 = arith.addi %iota3A, %add3A_2899 : vector<16xi32>
      %add3A_2901 = arith.addi %gather3A_2897, %add3A_2900 : vector<16xi32>
      %gather3A_2902 = tpu.vector_load_idx %arg6[%add3A_2901] : memref<32000xi32, #tpu.memory_space<vmem>>[vector<16xi32>], vector<16xi32>,
      %get3A_2903 = arith.constant 128 : index
      %get3A_2904 = tpu.vector_load %arg7[%get3A_2903] {strides = array<i32>} : memref<512xi32, #tpu.memory_space<vmem>>, vector<16xi32>,
      %xor3A_2905 = arith.xori %gather3A_2902, %get3A_2904 : vector<16xi32>
      %broadcast_in_dim3A_2906 = arith.constant 5 : i32
      %broadcast_in_dim3A_2907 = vector.broadcast %broadcast_in_dim3A_2906 : i32 to vector<16xi32>
      %lt3A_2908 = arith.constant 0 : i32
      %lt3A_2909 = vector.broadcast %lt3A_2908 : i32 to vector<16xi32>
      %lt3A_2910 = arith.cmpi slt, %broadcast_in_dim3A_2907, %lt3A_2909 : vector<16xi32>
      %add3A_2911 = arith.constant 16 : i32
      %add3A_2912 = vector.broadcast %add3A_2911 : i32 to vector<16xi32>
      %add3A_2913 = arith.addi %broadcast_in_dim3A_2907, %add3A_2912 : vector<16xi32>
      %select_n3A_2914 = arith.select %lt3A_2910, %add3A_2913, %broadcast_in_dim3A_2907 : vector<16xi1>, vector<16xi32>
      %broadcast_in_dim3A_2915 = vector.shape_cast %select_n3A_2914 : vector<16xi32> to vector<16x1xi32>
      %gather3A_2916 = vector.shape_cast %broadcast_in_dim3A_2915 : vector<16x1xi32> to vector<16xi32>
      %gather3A_2917 = tpu.dynamic_gather %mul3A_2806[%gather3A_2916] in [0] : vector<16xi32>, vector<16xi32> -> vector<16xi32>
      %add3A_2918 = arith.constant 0 : i32
      %add3A_2919 = vector.broadcast %add3A_2918 : i32 to vector<16xi32>
      %add3A_2920 = arith.addi %iota3A, %add3A_2919 : vector<16xi32>
      %add3A_2921 = arith.addi %gather3A_2917, %add3A_2920 : vector<16xi32>
      %gather3A_2922 = tpu.vector_load_idx %arg6[%add3A_2921] : memref<32000xi32, #tpu.memory_space<vmem>>[vector<16xi32>], vector<16xi32>,
      %get3A_2923 = arith.constant 160 : index
      %get3A_2924 = tpu.vector_load %arg7[%get3A_2923] {strides = array<i32>} : memref<512xi32, #tpu.memory_space<vmem>>, vector<16xi32>,
      %xor3A_2925 = arith.xori %gather3A_2922, %get3A_2924 : vector<16xi32>
      %broadcast_in_dim3A_2926 = arith.constant 6 : i32
      %broadcast_in_dim3A_2927 = vector.broadcast %broadcast_in_dim3A_2926 : i32 to vector<16xi32>
      %lt3A_2928 = arith.constant 0 : i32
      %lt3A_2929 = vector.broadcast %lt3A_2928 : i32 to vector<16xi32>
      %lt3A_2930 = arith.cmpi slt, %broadcast_in_dim3A_2927, %lt3A_2929 : vector<16xi32>
      %add3A_2931 = arith.constant 16 : i32
      %add3A_2932 = vector.broadcast %add3A_2931 : i32 to vector<16xi32>
      %add3A_2933 = arith.addi %broadcast_in_dim3A_2927, %add3A_2932 : vector<16xi32>
      %select_n3A_2934 = arith.select %lt3A_2930, %add3A_2933, %broadcast_in_dim3A_2927 : vector<16xi1>, vector<16xi32>
      %broadcast_in_dim3A_2935 = vector.shape_cast %select_n3A_2934 : vector<16xi32> to vector<16x1xi32>
      %gather3A_2936 = vector.shape_cast %broadcast_in_dim3A_2935 : vector<16x1xi32> to vector<16xi32>
      %gather3A_2937 = tpu.dynamic_gather %mul3A_2806[%gather3A_2936] in [0] : vector<16xi32>, vector<16xi32> -> vector<16xi32>
      %add3A_2938 = arith.constant 0 : i32
      %add3A_2939 = vector.broadcast %add3A_2938 : i32 to vector<16xi32>
      %add3A_2940 = arith.addi %iota3A, %add3A_2939 : vector<16xi32>
      %add3A_2941 = arith.addi %gather3A_2937, %add3A_2940 : vector<16xi32>
      %gather3A_2942 = tpu.vector_load_idx %arg6[%add3A_2941] : memref<32000xi32, #tpu.memory_space<vmem>>[vector<16xi32>], vector<16xi32>,
      %get3A_2943 = arith.constant 192 : index
      %get3A_2944 = tpu.vector_load %arg7[%get3A_2943] {strides = array<i32>} : memref<512xi32, #tpu.memory_space<vmem>>, vector<16xi32>,
      %xor3A_2945 = arith.xori %gather3A_2942, %get3A_2944 : vector<16xi32>
      %broadcast_in_dim3A_2946 = arith.constant 7 : i32
      %broadcast_in_dim3A_2947 = vector.broadcast %broadcast_in_dim3A_2946 : i32 to vector<16xi32>
      %lt3A_2948 = arith.constant 0 : i32
      %lt3A_2949 = vector.broadcast %lt3A_2948 : i32 to vector<16xi32>
      %lt3A_2950 = arith.cmpi slt, %broadcast_in_dim3A_2947, %lt3A_2949 : vector<16xi32>
      %add3A_2951 = arith.constant 16 : i32
      %add3A_2952 = vector.broadcast %add3A_2951 : i32 to vector<16xi32>
      %add3A_2953 = arith.addi %broadcast_in_dim3A_2947, %add3A_2952 : vector<16xi32>
      %select_n3A_2954 = arith.select %lt3A_2950, %add3A_2953, %broadcast_in_dim3A_2947 : vector<16xi1>, vector<16xi32>
      %broadcast_in_dim3A_2955 = vector.shape_cast %select_n3A_2954 : vector<16xi32> to vector<16x1xi32>
      %gather3A_2956 = vector.shape_cast %broadcast_in_dim3A_2955 : vector<16x1xi32> to vector<16xi32>
      %gather3A_2957 = tpu.dynamic_gather %mul3A_2806[%gather3A_2956] in [0] : vector<16xi32>, vector<16xi32> -> vector<16xi32>
      %add3A_2958 = arith.constant 0 : i32
      %add3A_2959 = vector.broadcast %add3A_2958 : i32 to vector<16xi32>
      %add3A_2960 = arith.addi %iota3A, %add3A_2959 : vector<16xi32>
      %add3A_2961 = arith.addi %gather3A_2957, %add3A_2960 : vector<16xi32>
      %gather3A_2962 = tpu.vector_load_idx %arg6[%add3A_2961] : memref<32000xi32, #tpu.memory_space<vmem>>[vector<16xi32>], vector<16xi32>,
      %get3A_2963 = arith.constant 224 : index
      %get3A_2964 = tpu.vector_load %arg7[%get3A_2963] {strides = array<i32>} : memref<512xi32, #tpu.memory_space<vmem>>, vector<16xi32>,
      %xor3A_2965 = arith.xori %gather3A_2962, %get3A_2964 : vector<16xi32>
      %broadcast_in_dim3A_2966 = arith.constant 8 : i32
      %broadcast_in_dim3A_2967 = vector.broadcast %broadcast_in_dim3A_2966 : i32 to vector<16xi32>
      %lt3A_2968 = arith.constant 0 : i32
      %lt3A_2969 = vector.broadcast %lt3A_2968 : i32 to vector<16xi32>
      %lt3A_2970 = arith.cmpi slt, %broadcast_in_dim3A_2967, %lt3A_2969 : vector<16xi32>
      %add3A_2971 = arith.constant 16 : i32
      %add3A_2972 = vector.broadcast %add3A_2971 : i32 to vector<16xi32>
      %add3A_2973 = arith.addi %broadcast_in_dim3A_2967, %add3A_2972 : vector<16xi32>
      %select_n3A_2974 = arith.select %lt3A_2970, %add3A_2973, %broadcast_in_dim3A_2967 : vector<16xi1>, vector<16xi32>
      %broadcast_in_dim3A_2975 = vector.shape_cast %select_n3A_2974 : vector<16xi32> to vector<16x1xi32>
      %gather3A_2976 = vector.shape_cast %broadcast_in_dim3A_2975 : vector<16x1xi32> to vector<16xi32>
      %gather3A_2977 = tpu.dynamic_gather %mul3A_2806[%gather3A_2976] in [0] : vector<16xi32>, vector<16xi32> -> vector<16xi32>
      %add3A_2978 = arith.constant 0 : i32
      %add3A_2979 = vector.broadcast %add3A_2978 : i32 to vector<16xi32>
      %add3A_2980 = arith.addi %iota3A, %add3A_2979 : vector<16xi32>
      %add3A_2981 = arith.addi %gather3A_2977, %add3A_2980 : vector<16xi32>
      %gather3A_2982 = tpu.vector_load_idx %arg6[%add3A_2981] : memref<32000xi32, #tpu.memory_space<vmem>>[vector<16xi32>], vector<16xi32>,
      %get3A_2983 = arith.constant 256 : index
      %get3A_2984 = tpu.vector_load %arg7[%get3A_2983] {strides = array<i32>} : memref<512xi32, #tpu.memory_space<vmem>>, vector<16xi32>,
      %xor3A_2985 = arith.xori %gather3A_2982, %get3A_2984 : vector<16xi32>
      %broadcast_in_dim3A_2986 = arith.constant 9 : i32
      %broadcast_in_dim3A_2987 = vector.broadcast %broadcast_in_dim3A_2986 : i32 to vector<16xi32>
      %lt3A_2988 = arith.constant 0 : i32
      %lt3A_2989 = vector.broadcast %lt3A_2988 : i32 to vector<16xi32>
      %lt3A_2990 = arith.cmpi slt, %broadcast_in_dim3A_2987, %lt3A_2989 : vector<16xi32>
      %add3A_2991 = arith.constant 16 : i32
      %add3A_2992 = vector.broadcast %add3A_2991 : i32 to vector<16xi32>
      %add3A_2993 = arith.addi %broadcast_in_dim3A_2987, %add3A_2992 : vector<16xi32>
      %select_n3A_2994 = arith.select %lt3A_2990, %add3A_2993, %broadcast_in_dim3A_2987 : vector<16xi1>, vector<16xi32>
      %broadcast_in_dim3A_2995 = vector.shape_cast %select_n3A_2994 : vector<16xi32> to vector<16x1xi32>
      %gather3A_2996 = vector.shape_cast %broadcast_in_dim3A_2995 : vector<16x1xi32> to vector<16xi32>
      %gather3A_2997 = tpu.dynamic_gather %mul3A_2806[%gather3A_2996] in [0] : vector<16xi32>, vector<16xi32> -> vector<16xi32>
      %add3A_2998 = arith.constant 0 : i32
      %add3A_2999 = vector.broadcast %add3A_2998 : i32 to vector<16xi32>
      %add3A_3000 = arith.addi %iota3A, %add3A_2999 : vector<16xi32>
      %add3A_3001 = arith.addi %gather3A_2997, %add3A_3000 : vector<16xi32>
      %gather3A_3002 = tpu.vector_load_idx %arg6[%add3A_3001] : memref<32000xi32, #tpu.memory_space<vmem>>[vector<16xi32>], vector<16xi32>,
      %get3A_3003 = arith.constant 288 : index
      %get3A_3004 = tpu.vector_load %arg7[%get3A_3003] {strides = array<i32>} : memref<512xi32, #tpu.memory_space<vmem>>, vector<16xi32>,
      %xor3A_3005 = arith.xori %gather3A_3002, %get3A_3004 : vector<16xi32>
      %broadcast_in_dim3A_3006 = arith.constant 10 : i32
      %broadcast_in_dim3A_3007 = vector.broadcast %broadcast_in_dim3A_3006 : i32 to vector<16xi32>
      %lt3A_3008 = arith.constant 0 : i32
      %lt3A_3009 = vector.broadcast %lt3A_3008 : i32 to vector<16xi32>
      %lt3A_3010 = arith.cmpi slt, %broadcast_in_dim3A_3007, %lt3A_3009 : vector<16xi32>
      %add3A_3011 = arith.constant 16 : i32
      %add3A_3012 = vector.broadcast %add3A_3011 : i32 to vector<16xi32>
      %add3A_3013 = arith.addi %broadcast_in_dim3A_3007, %add3A_3012 : vector<16xi32>
      %select_n3A_3014 = arith.select %lt3A_3010, %add3A_3013, %broadcast_in_dim3A_3007 : vector<16xi1>, vector<16xi32>
      %broadcast_in_dim3A_3015 = vector.shape_cast %select_n3A_3014 : vector<16xi32> to vector<16x1xi32>
      %gather3A_3016 = vector.shape_cast %broadcast_in_dim3A_3015 : vector<16x1xi32> to vector<16xi32>
      %gather3A_3017 = tpu.dynamic_gather %mul3A_2806[%gather3A_3016] in [0] : vector<16xi32>, vector<16xi32> -> vector<16xi32>
      %add3A_3018 = arith.constant 0 : i32
      %add3A_3019 = vector.broadcast %add3A_3018 : i32 to vector<16xi32>
      %add3A_3020 = arith.addi %iota3A, %add3A_3019 : vector<16xi32>
      %add3A_3021 = arith.addi %gather3A_3017, %add3A_3020 : vector<16xi32>
      %gather3A_3022 = tpu.vector_load_idx %arg6[%add3A_3021] : memref<32000xi32, #tpu.memory_space<vmem>>[vector<16xi32>], vector<16xi32>,
      %get3A_3023 = arith.constant 320 : index
      %get3A_3024 = tpu.vector_load %arg7[%get3A_3023] {strides = array<i32>} : memref<512xi32, #tpu.memory_space<vmem>>, vector<16xi32>,
      %xor3A_3025 = arith.xori %gather3A_3022, %get3A_3024 : vector<16xi32>
      %broadcast_in_dim3A_3026 = arith.constant 11 : i32
      %broadcast_in_dim3A_3027 = vector.broadcast %broadcast_in_dim3A_3026 : i32 to vector<16xi32>
      %lt3A_3028 = arith.constant 0 : i32
      %lt3A_3029 = vector.broadcast %lt3A_3028 : i32 to vector<16xi32>
      %lt3A_3030 = arith.cmpi slt, %broadcast_in_dim3A_3027, %lt3A_3029 : vector<16xi32>
      %add3A_3031 = arith.constant 16 : i32
      %add3A_3032 = vector.broadcast %add3A_3031 : i32 to vector<16xi32>
      %add3A_3033 = arith.addi %broadcast_in_dim3A_3027, %add3A_3032 : vector<16xi32>
      %select_n3A_3034 = arith.select %lt3A_3030, %add3A_3033, %broadcast_in_dim3A_3027 : vector<16xi1>, vector<16xi32>
      %broadcast_in_dim3A_3035 = vector.shape_cast %select_n3A_3034 : vector<16xi32> to vector<16x1xi32>
      %gather3A_3036 = vector.shape_cast %broadcast_in_dim3A_3035 : vector<16x1xi32> to vector<16xi32>
      %gather3A_3037 = tpu.dynamic_gather %mul3A_2806[%gather3A_3036] in [0] : vector<16xi32>, vector<16xi32> -> vector<16xi32>
      %add3A_3038 = arith.constant 0 : i32
      %add3A_3039 = vector.broadcast %add3A_3038 : i32 to vector<16xi32>
      %add3A_3040 = arith.addi %iota3A, %add3A_3039 : vector<16xi32>
      %add3A_3041 = arith.addi %gather3A_3037, %add3A_3040 : vector<16xi32>
      %gather3A_3042 = tpu.vector_load_idx %arg6[%add3A_3041] : memref<32000xi32, #tpu.memory_space<vmem>>[vector<16xi32>], vector<16xi32>,
      %get3A_3043 = arith.constant 352 : index
      %get3A_3044 = tpu.vector_load %arg7[%get3A_3043] {strides = array<i32>} : memref<512xi32, #tpu.memory_space<vmem>>, vector<16xi32>,
      %xor3A_3045 = arith.xori %gather3A_3042, %get3A_3044 : vector<16xi32>
      %broadcast_in_dim3A_3046 = arith.constant 12 : i32
      %broadcast_in_dim3A_3047 = vector.broadcast %broadcast_in_dim3A_3046 : i32 to vector<16xi32>
      %lt3A_3048 = arith.constant 0 : i32
      %lt3A_3049 = vector.broadcast %lt3A_3048 : i32 to vector<16xi32>
      %lt3A_3050 = arith.cmpi slt, %broadcast_in_dim3A_3047, %lt3A_3049 : vector<16xi32>
      %add3A_3051 = arith.constant 16 : i32
      %add3A_3052 = vector.broadcast %add3A_3051 : i32 to vector<16xi32>
      %add3A_3053 = arith.addi %broadcast_in_dim3A_3047, %add3A_3052 : vector<16xi32>
      %select_n3A_3054 = arith.select %lt3A_3050, %add3A_3053, %broadcast_in_dim3A_3047 : vector<16xi1>, vector<16xi32>
      %broadcast_in_dim3A_3055 = vector.shape_cast %select_n3A_3054 : vector<16xi32> to vector<16x1xi32>
      %gather3A_3056 = vector.shape_cast %broadcast_in_dim3A_3055 : vector<16x1xi32> to vector<16xi32>
      %gather3A_3057 = tpu.dynamic_gather %mul3A_2806[%gather3A_3056] in [0] : vector<16xi32>, vector<16xi32> -> vector<16xi32>
      %add3A_3058 = arith.constant 0 : i32
      %add3A_3059 = vector.broadcast %add3A_3058 : i32 to vector<16xi32>
      %add3A_3060 = arith.addi %iota3A, %add3A_3059 : vector<16xi32>
      %add3A_3061 = arith.addi %gather3A_3057, %add3A_3060 : vector<16xi32>
      %gather3A_3062 = tpu.vector_load_idx %arg6[%add3A_3061] : memref<32000xi32, #tpu.memory_space<vmem>>[vector<16xi32>], vector<16xi32>,
      %get3A_3063 = arith.constant 384 : index
      %get3A_3064 = tpu.vector_load %arg7[%get3A_3063] {strides = array<i32>} : memref<512xi32, #tpu.memory_space<vmem>>, vector<16xi32>,
      %xor3A_3065 = arith.xori %gather3A_3062, %get3A_3064 : vector<16xi32>
      %broadcast_in_dim3A_3066 = arith.constant 13 : i32
      %broadcast_in_dim3A_3067 = vector.broadcast %broadcast_in_dim3A_3066 : i32 to vector<16xi32>
      %lt3A_3068 = arith.constant 0 : i32
      %lt3A_3069 = vector.broadcast %lt3A_3068 : i32 to vector<16xi32>
      %lt3A_3070 = arith.cmpi slt, %broadcast_in_dim3A_3067, %lt3A_3069 : vector<16xi32>
      %add3A_3071 = arith.constant 16 : i32
      %add3A_3072 = vector.broadcast %add3A_3071 : i32 to vector<16xi32>
      %add3A_3073 = arith.addi %broadcast_in_dim3A_3067, %add3A_3072 : vector<16xi32>
      %select_n3A_3074 = arith.select %lt3A_3070, %add3A_3073, %broadcast_in_dim3A_3067 : vector<16xi1>, vector<16xi32>
      %broadcast_in_dim3A_3075 = vector.shape_cast %select_n3A_3074 : vector<16xi32> to vector<16x1xi32>
      %gather3A_3076 = vector.shape_cast %broadcast_in_dim3A_3075 : vector<16x1xi32> to vector<16xi32>
      %gather3A_3077 = tpu.dynamic_gather %mul3A_2806[%gather3A_3076] in [0] : vector<16xi32>, vector<16xi32> -> vector<16xi32>
      %add3A_3078 = arith.constant 0 : i32
      %add3A_3079 = vector.broadcast %add3A_3078 : i32 to vector<16xi32>
      %add3A_3080 = arith.addi %iota3A, %add3A_3079 : vector<16xi32>
      %add3A_3081 = arith.addi %gather3A_3077, %add3A_3080 : vector<16xi32>
      %gather3A_3082 = tpu.vector_load_idx %arg6[%add3A_3081] : memref<32000xi32, #tpu.memory_space<vmem>>[vector<16xi32>], vector<16xi32>,
      %get3A_3083 = arith.constant 416 : index
      %get3A_3084 = tpu.vector_load %arg7[%get3A_3083] {strides = array<i32>} : memref<512xi32, #tpu.memory_space<vmem>>, vector<16xi32>,
      %xor3A_3085 = arith.xori %gather3A_3082, %get3A_3084 : vector<16xi32>
      %broadcast_in_dim3A_3086 = arith.constant 14 : i32
      %broadcast_in_dim3A_3087 = vector.broadcast %broadcast_in_dim3A_3086 : i32 to vector<16xi32>
      %lt3A_3088 = arith.constant 0 : i32
      %lt3A_3089 = vector.broadcast %lt3A_3088 : i32 to vector<16xi32>
      %lt3A_3090 = arith.cmpi slt, %broadcast_in_dim3A_3087, %lt3A_3089 : vector<16xi32>
      %add3A_3091 = arith.constant 16 : i32
      %add3A_3092 = vector.broadcast %add3A_3091 : i32 to vector<16xi32>
      %add3A_3093 = arith.addi %broadcast_in_dim3A_3087, %add3A_3092 : vector<16xi32>
      %select_n3A_3094 = arith.select %lt3A_3090, %add3A_3093, %broadcast_in_dim3A_3087 : vector<16xi1>, vector<16xi32>
      %broadcast_in_dim3A_3095 = vector.shape_cast %select_n3A_3094 : vector<16xi32> to vector<16x1xi32>
      %gather3A_3096 = vector.shape_cast %broadcast_in_dim3A_3095 : vector<16x1xi32> to vector<16xi32>
      %gather3A_3097 = tpu.dynamic_gather %mul3A_2806[%gather3A_3096] in [0] : vector<16xi32>, vector<16xi32> -> vector<16xi32>
      %add3A_3098 = arith.constant 0 : i32
      %add3A_3099 = vector.broadcast %add3A_3098 : i32 to vector<16xi32>
      %add3A_3100 = arith.addi %iota3A, %add3A_3099 : vector<16xi32>
      %add3A_3101 = arith.addi %gather3A_3097, %add3A_3100 : vector<16xi32>
      %gather3A_3102 = tpu.vector_load_idx %arg6[%add3A_3101] : memref<32000xi32, #tpu.memory_space<vmem>>[vector<16xi32>], vector<16xi32>,
      %get3A_3103 = arith.constant 448 : index
      %get3A_3104 = tpu.vector_load %arg7[%get3A_3103] {strides = array<i32>} : memref<512xi32, #tpu.memory_space<vmem>>, vector<16xi32>,
      %xor3A_3105 = arith.xori %gather3A_3102, %get3A_3104 : vector<16xi32>
      %broadcast_in_dim3A_3106 = arith.constant 15 : i32
      %broadcast_in_dim3A_3107 = vector.broadcast %broadcast_in_dim3A_3106 : i32 to vector<16xi32>
      %lt3A_3108 = arith.constant 0 : i32
      %lt3A_3109 = vector.broadcast %lt3A_3108 : i32 to vector<16xi32>
      %lt3A_3110 = arith.cmpi slt, %broadcast_in_dim3A_3107, %lt3A_3109 : vector<16xi32>
      %add3A_3111 = arith.constant 16 : i32
      %add3A_3112 = vector.broadcast %add3A_3111 : i32 to vector<16xi32>
      %add3A_3113 = arith.addi %broadcast_in_dim3A_3107, %add3A_3112 : vector<16xi32>
      %select_n3A_3114 = arith.select %lt3A_3110, %add3A_3113, %broadcast_in_dim3A_3107 : vector<16xi1>, vector<16xi32>
      %broadcast_in_dim3A_3115 = vector.shape_cast %select_n3A_3114 : vector<16xi32> to vector<16x1xi32>
      %gather3A_3116 = vector.shape_cast %broadcast_in_dim3A_3115 : vector<16x1xi32> to vector<16xi32>
      %gather3A_3117 = tpu.dynamic_gather %mul3A_2806[%gather3A_3116] in [0] : vector<16xi32>, vector<16xi32> -> vector<16xi32>
      %add3A_3118 = arith.constant 0 : i32
      %add3A_3119 = vector.broadcast %add3A_3118 : i32 to vector<16xi32>
      %add3A_3120 = arith.addi %iota3A, %add3A_3119 : vector<16xi32>
      %add3A_3121 = arith.addi %gather3A_3117, %add3A_3120 : vector<16xi32>
      %gather3A_3122 = tpu.vector_load_idx %arg6[%add3A_3121] : memref<32000xi32, #tpu.memory_space<vmem>>[vector<16xi32>], vector<16xi32>,
      %get3A_3123 = arith.constant 480 : index
      %get3A_3124 = tpu.vector_load %arg7[%get3A_3123] {strides = array<i32>} : memref<512xi32, #tpu.memory_space<vmem>>, vector<16xi32>,
      %xor3A_3125 = arith.xori %gather3A_3122, %get3A_3124 : vector<16xi32>
      %xor3A_3126 = arith.xori %xor3A, %xor3A_2845 : vector<16xi32>
      %and3A_3127 = arith.andi %xor3A, %xor3A_2845 : vector<16xi32>
      %xor3A_3128 = arith.xori %xor3A_2865, %xor3A_2885 : vector<16xi32>
      %and3A_3129 = arith.andi %xor3A_2865, %xor3A_2885 : vector<16xi32>
      %xor3A_3130 = arith.xori %xor3A_2905, %xor3A_2925 : vector<16xi32>
      %and3A_3131 = arith.andi %xor3A_2905, %xor3A_2925 : vector<16xi32>
      %xor3A_3132 = arith.xori %xor3A_2945, %xor3A_2965 : vector<16xi32>
      %and3A_3133 = arith.andi %xor3A_2945, %xor3A_2965 : vector<16xi32>
      %xor3A_3134 = arith.xori %xor3A_3126, %xor3A_3128 : vector<16xi32>
      %and3A_3135 = arith.andi %xor3A_3126, %xor3A_3128 : vector<16xi32>
      %xor3A_3136 = arith.xori %and3A_3127, %and3A_3129 : vector<16xi32>
      %and3A_3137 = arith.andi %and3A_3127, %and3A_3129 : vector<16xi32>
      %and3A_3138 = arith.andi %and3A_3135, %xor3A_3136 : vector<16xi32>
      %or3A_3139 = arith.ori %and3A_3137, %and3A_3138 : vector<16xi32>
      %xor3A_3140 = arith.xori %xor3A_3136, %and3A_3135 : vector<16xi32>
      %xor3A_3141 = arith.xori %xor3A_3130, %xor3A_3132 : vector<16xi32>
      %and3A_3142 = arith.andi %xor3A_3130, %xor3A_3132 : vector<16xi32>
      %xor3A_3143 = arith.xori %and3A_3131, %and3A_3133 : vector<16xi32>
      %and3A_3144 = arith.andi %and3A_3131, %and3A_3133 : vector<16xi32>
      %and3A_3145 = arith.andi %and3A_3142, %xor3A_3143 : vector<16xi32>
      %or3A_3146 = arith.ori %and3A_3144, %and3A_3145 : vector<16xi32>
      %xor3A_3147 = arith.xori %xor3A_3143, %and3A_3142 : vector<16xi32>
      %xor3A_3148 = arith.xori %xor3A_3134, %xor3A_3141 : vector<16xi32>
      %and3A_3149 = arith.andi %xor3A_3134, %xor3A_3141 : vector<16xi32>
      %xor3A_3150 = arith.xori %xor3A_3140, %xor3A_3147 : vector<16xi32>
      %and3A_3151 = arith.andi %xor3A_3140, %xor3A_3147 : vector<16xi32>
      %and3A_3152 = arith.andi %and3A_3149, %xor3A_3150 : vector<16xi32>
      %or3A_3153 = arith.ori %and3A_3151, %and3A_3152 : vector<16xi32>
      %xor3A_3154 = arith.xori %xor3A_3150, %and3A_3149 : vector<16xi32>
      %xor3A_3155 = arith.xori %or3A_3139, %or3A_3146 : vector<16xi32>
      %and3A_3156 = arith.andi %or3A_3139, %or3A_3146 : vector<16xi32>
      %and3A_3157 = arith.andi %or3A_3153, %xor3A_3155 : vector<16xi32>
      %or3A_3158 = arith.ori %and3A_3156, %and3A_3157 : vector<16xi32>
      %xor3A_3159 = arith.xori %xor3A_3155, %or3A_3153 : vector<16xi32>
      %xor3A_3160 = arith.xori %xor3A_2985, %xor3A_3005 : vector<16xi32>
      %and3A_3161 = arith.andi %xor3A_2985, %xor3A_3005 : vector<16xi32>
      %xor3A_3162 = arith.xori %xor3A_3025, %xor3A_3045 : vector<16xi32>
      %and3A_3163 = arith.andi %xor3A_3025, %xor3A_3045 : vector<16xi32>
      %xor3A_3164 = arith.xori %xor3A_3065, %xor3A_3085 : vector<16xi32>
      %and3A_3165 = arith.andi %xor3A_3065, %xor3A_3085 : vector<16xi32>
      %xor3A_3166 = arith.xori %xor3A_3105, %xor3A_3125 : vector<16xi32>
      %and3A_3167 = arith.andi %xor3A_3105, %xor3A_3125 : vector<16xi32>
      %xor3A_3168 = arith.xori %xor3A_3160, %xor3A_3162 : vector<16xi32>
      %and3A_3169 = arith.andi %xor3A_3160, %xor3A_3162 : vector<16xi32>
      %xor3A_3170 = arith.xori %and3A_3161, %and3A_3163 : vector<16xi32>
      %and3A_3171 = arith.andi %and3A_3161, %and3A_3163 : vector<16xi32>
      %and3A_3172 = arith.andi %and3A_3169, %xor3A_3170 : vector<16xi32>
      %or3A_3173 = arith.ori %and3A_3171, %and3A_3172 : vector<16xi32>
      %xor3A_3174 = arith.xori %xor3A_3170, %and3A_3169 : vector<16xi32>
      %xor3A_3175 = arith.xori %xor3A_3164, %xor3A_3166 : vector<16xi32>
      %and3A_3176 = arith.andi %xor3A_3164, %xor3A_3166 : vector<16xi32>
      %xor3A_3177 = arith.xori %and3A_3165, %and3A_3167 : vector<16xi32>
      %and3A_3178 = arith.andi %and3A_3165, %and3A_3167 : vector<16xi32>
      %and3A_3179 = arith.andi %and3A_3176, %xor3A_3177 : vector<16xi32>
      %or3A_3180 = arith.ori %and3A_3178, %and3A_3179 : vector<16xi32>
      %xor3A_3181 = arith.xori %xor3A_3177, %and3A_3176 : vector<16xi32>
      %xor3A_3182 = arith.xori %xor3A_3168, %xor3A_3175 : vector<16xi32>
      %and3A_3183 = arith.andi %xor3A_3168, %xor3A_3175 : vector<16xi32>
      %xor3A_3184 = arith.xori %xor3A_3174, %xor3A_3181 : vector<16xi32>
      %and3A_3185 = arith.andi %xor3A_3174, %xor3A_3181 : vector<16xi32>
      %and3A_3186 = arith.andi %and3A_3183, %xor3A_3184 : vector<16xi32>
      %or3A_3187 = arith.ori %and3A_3185, %and3A_3186 : vector<16xi32>
      %xor3A_3188 = arith.xori %xor3A_3184, %and3A_3183 : vector<16xi32>
      %xor3A_3189 = arith.xori %or3A_3173, %or3A_3180 : vector<16xi32>
      %and3A_3190 = arith.andi %or3A_3173, %or3A_3180 : vector<16xi32>
      %and3A_3191 = arith.andi %or3A_3187, %xor3A_3189 : vector<16xi32>
      %or3A_3192 = arith.ori %and3A_3190, %and3A_3191 : vector<16xi32>
      %xor3A_3193 = arith.xori %xor3A_3189, %or3A_3187 : vector<16xi32>
      %and3A_3194 = arith.andi %xor3A_3148, %xor3A_3182 : vector<16xi32>
      %and3A_3195 = arith.andi %xor3A_3154, %xor3A_3188 : vector<16xi32>
      %xor3A_3196 = arith.xori %xor3A_3154, %xor3A_3188 : vector<16xi32>
      %and3A_3197 = arith.andi %and3A_3194, %xor3A_3196 : vector<16xi32>
      %or3A_3198 = arith.ori %and3A_3195, %and3A_3197 : vector<16xi32>
      %and3A_3199 = arith.andi %xor3A_3159, %xor3A_3193 : vector<16xi32>
      %xor3A_3200 = arith.xori %xor3A_3159, %xor3A_3193 : vector<16xi32>
      %and3A_3201 = arith.andi %or3A_3198, %xor3A_3200 : vector<16xi32>
      %or3A_3202 = arith.ori %and3A_3199, %and3A_3201 : vector<16xi32>
      %or3A_3203 = arith.ori %or3A_3158, %or3A_3192 : vector<16xi32>
      %or3A_3204 = arith.ori %or3A_3203, %or3A_3202 : vector<16xi32>
      %mul3A_3205 = arith.constant 32 : i32
      %mul3A_3206 = arith.muli %scan3A_2800, %mul3A_3205 : i32
      %add3A_3207 = arith.constant 0 : i32
      %add3A_3208 = arith.addi %mul3A_3206, %add3A_3207 : i32
      %get3A_3209 = arith.index_cast %add3A_3208 : i32 to index
      %get3A_3210 = tpu.vector_load %arg8[%get3A_3209] {strides = array<i32>} : memref<1600xi32, #tpu.memory_space<vmem>>, vector<16xi32>,
      %xor3A_3211 = arith.xori %or3A_3204, %get3A_3210 : vector<16xi32>
      %mul3A_3212 = arith.constant 33 : i32
      %mul3A_3213 = arith.muli %scan3A_2800, %mul3A_3212 : i32
      %add3A_3214 = arith.constant 1 : i32
      %add3A_3215 = arith.addi %mul3A_3213, %add3A_3214 : i32
      %add3A_3216 = arith.constant 0 : i32
      %add3A_3217 = arith.addi %add3A_3215, %add3A_3216 : i32
      %swap3A_3218 = arith.index_cast %add3A_3217 : i32 to index
      %swap3A_3219 = tpu.vector_load %arg9[%swap3A_3218] {strides = array<i32>} : memref<1650xi32, #tpu.memory_space<vmem>>, vector<16xi32>,
      tpu.vector_store %arg9[%swap3A_3218], %xor3A_3211 {strides = array<i32>} : memref<1650xi32, #tpu.memory_space<vmem>>, vector<16xi32>,
      %broadcast_in_dim3A_3220 = arith.constant 0 : i32
      %broadcast_in_dim3A_3221 = vector.broadcast %broadcast_in_dim3A_3220 : i32 to vector<16xi32>
      %lt3A_3222 = arith.constant 0 : i32
      %lt3A_3223 = vector.broadcast %lt3A_3222 : i32 to vector<16xi32>
      %lt3A_3224 = arith.cmpi slt, %broadcast_in_dim3A_3221, %lt3A_3223 : vector<16xi32>
      %add3A_3225 = arith.constant 16 : i32
      %add3A_3226 = vector.broadcast %add3A_3225 : i32 to vector<16xi32>
      %add3A_3227 = arith.addi %broadcast_in_dim3A_3221, %add3A_3226 : vector<16xi32>
      %select_n3A_3228 = arith.select %lt3A_3224, %add3A_3227, %broadcast_in_dim3A_3221 : vector<16xi1>, vector<16xi32>
      %broadcast_in_dim3A_3229 = vector.shape_cast %select_n3A_3228 : vector<16xi32> to vector<16x1xi32>
      %gather3A_3230 = vector.shape_cast %broadcast_in_dim3A_3229 : vector<16x1xi32> to vector<16xi32>
      %gather3A_3231 = tpu.dynamic_gather %mul3A_2806[%gather3A_3230] in [0] : vector<16xi32>, vector<16xi32> -> vector<16xi32>
      %add3A_3232 = arith.constant 16 : i32
      %add3A_3233 = vector.broadcast %add3A_3232 : i32 to vector<16xi32>
      %add3A_3234 = arith.addi %iota3A, %add3A_3233 : vector<16xi32>
      %add3A_3235 = arith.addi %gather3A_3231, %add3A_3234 : vector<16xi32>
      %gather3A_3236 = tpu.vector_load_idx %arg6[%add3A_3235] : memref<32000xi32, #tpu.memory_space<vmem>>[vector<16xi32>], vector<16xi32>,
      %get3A_3237 = arith.constant 16 : index
      %get3A_3238 = tpu.vector_load %arg7[%get3A_3237] {strides = array<i32>} : memref<512xi32, #tpu.memory_space<vmem>>, vector<16xi32>,
      %xor3A_3239 = arith.xori %gather3A_3236, %get3A_3238 : vector<16xi32>
      %broadcast_in_dim3A_3240 = arith.constant 1 : i32
      %broadcast_in_dim3A_3241 = vector.broadcast %broadcast_in_dim3A_3240 : i32 to vector<16xi32>
      %lt3A_3242 = arith.constant 0 : i32
      %lt3A_3243 = vector.broadcast %lt3A_3242 : i32 to vector<16xi32>
      %lt3A_3244 = arith.cmpi slt, %broadcast_in_dim3A_3241, %lt3A_3243 : vector<16xi32>
      %add3A_3245 = arith.constant 16 : i32
      %add3A_3246 = vector.broadcast %add3A_3245 : i32 to vector<16xi32>
      %add3A_3247 = arith.addi %broadcast_in_dim3A_3241, %add3A_3246 : vector<16xi32>
      %select_n3A_3248 = arith.select %lt3A_3244, %add3A_3247, %broadcast_in_dim3A_3241 : vector<16xi1>, vector<16xi32>
      %broadcast_in_dim3A_3249 = vector.shape_cast %select_n3A_3248 : vector<16xi32> to vector<16x1xi32>
      %gather3A_3250 = vector.shape_cast %broadcast_in_dim3A_3249 : vector<16x1xi32> to vector<16xi32>
      %gather3A_3251 = tpu.dynamic_gather %mul3A_2806[%gather3A_3250] in [0] : vector<16xi32>, vector<16xi32> -> vector<16xi32>
      %add3A_3252 = arith.constant 16 : i32
      %add3A_3253 = vector.broadcast %add3A_3252 : i32 to vector<16xi32>
      %add3A_3254 = arith.addi %iota3A, %add3A_3253 : vector<16xi32>
      %add3A_3255 = arith.addi %gather3A_3251, %add3A_3254 : vector<16xi32>
      %gather3A_3256 = tpu.vector_load_idx %arg6[%add3A_3255] : memref<32000xi32, #tpu.memory_space<vmem>>[vector<16xi32>], vector<16xi32>,
      %get3A_3257 = arith.constant 48 : index
      %get3A_3258 = tpu.vector_load %arg7[%get3A_3257] {strides = array<i32>} : memref<512xi32, #tpu.memory_space<vmem>>, vector<16xi32>,
      %xor3A_3259 = arith.xori %gather3A_3256, %get3A_3258 : vector<16xi32>
      %broadcast_in_dim3A_3260 = arith.constant 2 : i32
      %broadcast_in_dim3A_3261 = vector.broadcast %broadcast_in_dim3A_3260 : i32 to vector<16xi32>
      %lt3A_3262 = arith.constant 0 : i32
      %lt3A_3263 = vector.broadcast %lt3A_3262 : i32 to vector<16xi32>
      %lt3A_3264 = arith.cmpi slt, %broadcast_in_dim3A_3261, %lt3A_3263 : vector<16xi32>
      %add3A_3265 = arith.constant 16 : i32
      %add3A_3266 = vector.broadcast %add3A_3265 : i32 to vector<16xi32>
      %add3A_3267 = arith.addi %broadcast_in_dim3A_3261, %add3A_3266 : vector<16xi32>
      %select_n3A_3268 = arith.select %lt3A_3264, %add3A_3267, %broadcast_in_dim3A_3261 : vector<16xi1>, vector<16xi32>
      %broadcast_in_dim3A_3269 = vector.shape_cast %select_n3A_3268 : vector<16xi32> to vector<16x1xi32>
      %gather3A_3270 = vector.shape_cast %broadcast_in_dim3A_3269 : vector<16x1xi32> to vector<16xi32>
      %gather3A_3271 = tpu.dynamic_gather %mul3A_2806[%gather3A_3270] in [0] : vector<16xi32>, vector<16xi32> -> vector<16xi32>
      %add3A_3272 = arith.constant 16 : i32
      %add3A_3273 = vector.broadcast %add3A_3272 : i32 to vector<16xi32>
      %add3A_3274 = arith.addi %iota3A, %add3A_3273 : vector<16xi32>
      %add3A_3275 = arith.addi %gather3A_3271, %add3A_3274 : vector<16xi32>
      %gather3A_3276 = tpu.vector_load_idx %arg6[%add3A_3275] : memref<32000xi32, #tpu.memory_space<vmem>>[vector<16xi32>], vector<16xi32>,
      %get3A_3277 = arith.constant 80 : index
      %get3A_3278 = tpu.vector_load %arg7[%get3A_3277] {strides = array<i32>} : memref<512xi32, #tpu.memory_space<vmem>>, vector<16xi32>,
      %xor3A_3279 = arith.xori %gather3A_3276, %get3A_3278 : vector<16xi32>
      %broadcast_in_dim3A_3280 = arith.constant 3 : i32
      %broadcast_in_dim3A_3281 = vector.broadcast %broadcast_in_dim3A_3280 : i32 to vector<16xi32>
      %lt3A_3282 = arith.constant 0 : i32
      %lt3A_3283 = vector.broadcast %lt3A_3282 : i32 to vector<16xi32>
      %lt3A_3284 = arith.cmpi slt, %broadcast_in_dim3A_3281, %lt3A_3283 : vector<16xi32>
      %add3A_3285 = arith.constant 16 : i32
      %add3A_3286 = vector.broadcast %add3A_3285 : i32 to vector<16xi32>
      %add3A_3287 = arith.addi %broadcast_in_dim3A_3281, %add3A_3286 : vector<16xi32>
      %select_n3A_3288 = arith.select %lt3A_3284, %add3A_3287, %broadcast_in_dim3A_3281 : vector<16xi1>, vector<16xi32>
      %broadcast_in_dim3A_3289 = vector.shape_cast %select_n3A_3288 : vector<16xi32> to vector<16x1xi32>
      %gather3A_3290 = vector.shape_cast %broadcast_in_dim3A_3289 : vector<16x1xi32> to vector<16xi32>
      %gather3A_3291 = tpu.dynamic_gather %mul3A_2806[%gather3A_3290] in [0] : vector<16xi32>, vector<16xi32> -> vector<16xi32>
      %add3A_3292 = arith.constant 16 : i32
      %add3A_3293 = vector.broadcast %add3A_3292 : i32 to vector<16xi32>
      %add3A_3294 = arith.addi %iota3A, %add3A_3293 : vector<16xi32>
      %add3A_3295 = arith.addi %gather3A_3291, %add3A_3294 : vector<16xi32>
      %gather3A_3296 = tpu.vector_load_idx %arg6[%add3A_3295] : memref<32000xi32, #tpu.memory_space<vmem>>[vector<16xi32>], vector<16xi32>,
      %get3A_3297 = arith.constant 112 : index
      %get3A_3298 = tpu.vector_load %arg7[%get3A_3297] {strides = array<i32>} : memref<512xi32, #tpu.memory_space<vmem>>, vector<16xi32>,
      %xor3A_3299 = arith.xori %gather3A_3296, %get3A_3298 : vector<16xi32>
      %broadcast_in_dim3A_3300 = arith.constant 4 : i32
      %broadcast_in_dim3A_3301 = vector.broadcast %broadcast_in_dim3A_3300 : i32 to vector<16xi32>
      %lt3A_3302 = arith.constant 0 : i32
      %lt3A_3303 = vector.broadcast %lt3A_3302 : i32 to vector<16xi32>
      %lt3A_3304 = arith.cmpi slt, %broadcast_in_dim3A_3301, %lt3A_3303 : vector<16xi32>
      %add3A_3305 = arith.constant 16 : i32
      %add3A_3306 = vector.broadcast %add3A_3305 : i32 to vector<16xi32>
      %add3A_3307 = arith.addi %broadcast_in_dim3A_3301, %add3A_3306 : vector<16xi32>
      %select_n3A_3308 = arith.select %lt3A_3304, %add3A_3307, %broadcast_in_dim3A_3301 : vector<16xi1>, vector<16xi32>
      %broadcast_in_dim3A_3309 = vector.shape_cast %select_n3A_3308 : vector<16xi32> to vector<16x1xi32>
      %gather3A_3310 = vector.shape_cast %broadcast_in_dim3A_3309 : vector<16x1xi32> to vector<16xi32>
      %gather3A_3311 = tpu.dynamic_gather %mul3A_2806[%gather3A_3310] in [0] : vector<16xi32>, vector<16xi32> -> vector<16xi32>
      %add3A_3312 = arith.constant 16 : i32
      %add3A_3313 = vector.broadcast %add3A_3312 : i32 to vector<16xi32>
      %add3A_3314 = arith.addi %iota3A, %add3A_3313 : vector<16xi32>
      %add3A_3315 = arith.addi %gather3A_3311, %add3A_3314 : vector<16xi32>
      %gather3A_3316 = tpu.vector_load_idx %arg6[%add3A_3315] : memref<32000xi32, #tpu.memory_space<vmem>>[vector<16xi32>], vector<16xi32>,
      %get3A_3317 = arith.constant 144 : index
      %get3A_3318 = tpu.vector_load %arg7[%get3A_3317] {strides = array<i32>} : memref<512xi32, #tpu.memory_space<vmem>>, vector<16xi32>,
      %xor3A_3319 = arith.xori %gather3A_3316, %get3A_3318 : vector<16xi32>
      %broadcast_in_dim3A_3320 = arith.constant 5 : i32
      %broadcast_in_dim3A_3321 = vector.broadcast %broadcast_in_dim3A_3320 : i32 to vector<16xi32>
      %lt3A_3322 = arith.constant 0 : i32
      %lt3A_3323 = vector.broadcast %lt3A_3322 : i32 to vector<16xi32>
      %lt3A_3324 = arith.cmpi slt, %broadcast_in_dim3A_3321, %lt3A_3323 : vector<16xi32>
      %add3A_3325 = arith.constant 16 : i32
      %add3A_3326 = vector.broadcast %add3A_3325 : i32 to vector<16xi32>
      %add3A_3327 = arith.addi %broadcast_in_dim3A_3321, %add3A_3326 : vector<16xi32>
      %select_n3A_3328 = arith.select %lt3A_3324, %add3A_3327, %broadcast_in_dim3A_3321 : vector<16xi1>, vector<16xi32>
      %broadcast_in_dim3A_3329 = vector.shape_cast %select_n3A_3328 : vector<16xi32> to vector<16x1xi32>
      %gather3A_3330 = vector.shape_cast %broadcast_in_dim3A_3329 : vector<16x1xi32> to vector<16xi32>
      %gather3A_3331 = tpu.dynamic_gather %mul3A_2806[%gather3A_3330] in [0] : vector<16xi32>, vector<16xi32> -> vector<16xi32>
      %add3A_3332 = arith.constant 16 : i32
      %add3A_3333 = vector.broadcast %add3A_3332 : i32 to vector<16xi32>
      %add3A_3334 = arith.addi %iota3A, %add3A_3333 : vector<16xi32>
      %add3A_3335 = arith.addi %gather3A_3331, %add3A_3334 : vector<16xi32>
      %gather3A_3336 = tpu.vector_load_idx %arg6[%add3A_3335] : memref<32000xi32, #tpu.memory_space<vmem>>[vector<16xi32>], vector<16xi32>,
      %get3A_3337 = arith.constant 176 : index
      %get3A_3338 = tpu.vector_load %arg7[%get3A_3337] {strides = array<i32>} : memref<512xi32, #tpu.memory_space<vmem>>, vector<16xi32>,
      %xor3A_3339 = arith.xori %gather3A_3336, %get3A_3338 : vector<16xi32>
      %broadcast_in_dim3A_3340 = arith.constant 6 : i32
      %broadcast_in_dim3A_3341 = vector.broadcast %broadcast_in_dim3A_3340 : i32 to vector<16xi32>
      %lt3A_3342 = arith.constant 0 : i32
      %lt3A_3343 = vector.broadcast %lt3A_3342 : i32 to vector<16xi32>
      %lt3A_3344 = arith.cmpi slt, %broadcast_in_dim3A_3341, %lt3A_3343 : vector<16xi32>
      %add3A_3345 = arith.constant 16 : i32
      %add3A_3346 = vector.broadcast %add3A_3345 : i32 to vector<16xi32>
      %add3A_3347 = arith.addi %broadcast_in_dim3A_3341, %add3A_3346 : vector<16xi32>
      %select_n3A_3348 = arith.select %lt3A_3344, %add3A_3347, %broadcast_in_dim3A_3341 : vector<16xi1>, vector<16xi32>
      %broadcast_in_dim3A_3349 = vector.shape_cast %select_n3A_3348 : vector<16xi32> to vector<16x1xi32>
      %gather3A_3350 = vector.shape_cast %broadcast_in_dim3A_3349 : vector<16x1xi32> to vector<16xi32>
      %gather3A_3351 = tpu.dynamic_gather %mul3A_2806[%gather3A_3350] in [0] : vector<16xi32>, vector<16xi32> -> vector<16xi32>
      %add3A_3352 = arith.constant 16 : i32
      %add3A_3353 = vector.broadcast %add3A_3352 : i32 to vector<16xi32>
      %add3A_3354 = arith.addi %iota3A, %add3A_3353 : vector<16xi32>
      %add3A_3355 = arith.addi %gather3A_3351, %add3A_3354 : vector<16xi32>
      %gather3A_3356 = tpu.vector_load_idx %arg6[%add3A_3355] : memref<32000xi32, #tpu.memory_space<vmem>>[vector<16xi32>], vector<16xi32>,
      %get3A_3357 = arith.constant 208 : index
      %get3A_3358 = tpu.vector_load %arg7[%get3A_3357] {strides = array<i32>} : memref<512xi32, #tpu.memory_space<vmem>>, vector<16xi32>,
      %xor3A_3359 = arith.xori %gather3A_3356, %get3A_3358 : vector<16xi32>
      %broadcast_in_dim3A_3360 = arith.constant 7 : i32
      %broadcast_in_dim3A_3361 = vector.broadcast %broadcast_in_dim3A_3360 : i32 to vector<16xi32>
      %lt3A_3362 = arith.constant 0 : i32
      %lt3A_3363 = vector.broadcast %lt3A_3362 : i32 to vector<16xi32>
      %lt3A_3364 = arith.cmpi slt, %broadcast_in_dim3A_3361, %lt3A_3363 : vector<16xi32>
      %add3A_3365 = arith.constant 16 : i32
      %add3A_3366 = vector.broadcast %add3A_3365 : i32 to vector<16xi32>
      %add3A_3367 = arith.addi %broadcast_in_dim3A_3361, %add3A_3366 : vector<16xi32>
      %select_n3A_3368 = arith.select %lt3A_3364, %add3A_3367, %broadcast_in_dim3A_3361 : vector<16xi1>, vector<16xi32>
      %broadcast_in_dim3A_3369 = vector.shape_cast %select_n3A_3368 : vector<16xi32> to vector<16x1xi32>
      %gather3A_3370 = vector.shape_cast %broadcast_in_dim3A_3369 : vector<16x1xi32> to vector<16xi32>
      %gather3A_3371 = tpu.dynamic_gather %mul3A_2806[%gather3A_3370] in [0] : vector<16xi32>, vector<16xi32> -> vector<16xi32>
      %add3A_3372 = arith.constant 16 : i32
      %add3A_3373 = vector.broadcast %add3A_3372 : i32 to vector<16xi32>
      %add3A_3374 = arith.addi %iota3A, %add3A_3373 : vector<16xi32>
      %add3A_3375 = arith.addi %gather3A_3371, %add3A_3374 : vector<16xi32>
      %gather3A_3376 = tpu.vector_load_idx %arg6[%add3A_3375] : memref<32000xi32, #tpu.memory_space<vmem>>[vector<16xi32>], vector<16xi32>,
      %get3A_3377 = arith.constant 240 : index
      %get3A_3378 = tpu.vector_load %arg7[%get3A_3377] {strides = array<i32>} : memref<512xi32, #tpu.memory_space<vmem>>, vector<16xi32>,
      %xor3A_3379 = arith.xori %gather3A_3376, %get3A_3378 : vector<16xi32>
      %broadcast_in_dim3A_3380 = arith.constant 8 : i32
      %broadcast_in_dim3A_3381 = vector.broadcast %broadcast_in_dim3A_3380 : i32 to vector<16xi32>
      %lt3A_3382 = arith.constant 0 : i32
      %lt3A_3383 = vector.broadcast %lt3A_3382 : i32 to vector<16xi32>
      %lt3A_3384 = arith.cmpi slt, %broadcast_in_dim3A_3381, %lt3A_3383 : vector<16xi32>
      %add3A_3385 = arith.constant 16 : i32
      %add3A_3386 = vector.broadcast %add3A_3385 : i32 to vector<16xi32>
      %add3A_3387 = arith.addi %broadcast_in_dim3A_3381, %add3A_3386 : vector<16xi32>
      %select_n3A_3388 = arith.select %lt3A_3384, %add3A_3387, %broadcast_in_dim3A_3381 : vector<16xi1>, vector<16xi32>
      %broadcast_in_dim3A_3389 = vector.shape_cast %select_n3A_3388 : vector<16xi32> to vector<16x1xi32>
      %gather3A_3390 = vector.shape_cast %broadcast_in_dim3A_3389 : vector<16x1xi32> to vector<16xi32>
      %gather3A_3391 = tpu.dynamic_gather %mul3A_2806[%gather3A_3390] in [0] : vector<16xi32>, vector<16xi32> -> vector<16xi32>
      %add3A_3392 = arith.constant 16 : i32
      %add3A_3393 = vector.broadcast %add3A_3392 : i32 to vector<16xi32>
      %add3A_3394 = arith.addi %iota3A, %add3A_3393 : vector<16xi32>
      %add3A_3395 = arith.addi %gather3A_3391, %add3A_3394 : vector<16xi32>
      %gather3A_3396 = tpu.vector_load_idx %arg6[%add3A_3395] : memref<32000xi32, #tpu.memory_space<vmem>>[vector<16xi32>], vector<16xi32>,
      %get3A_3397 = arith.constant 272 : index
      %get3A_3398 = tpu.vector_load %arg7[%get3A_3397] {strides = array<i32>} : memref<512xi32, #tpu.memory_space<vmem>>, vector<16xi32>,
      %xor3A_3399 = arith.xori %gather3A_3396, %get3A_3398 : vector<16xi32>
      %broadcast_in_dim3A_3400 = arith.constant 9 : i32
      %broadcast_in_dim3A_3401 = vector.broadcast %broadcast_in_dim3A_3400 : i32 to vector<16xi32>
      %lt3A_3402 = arith.constant 0 : i32
      %lt3A_3403 = vector.broadcast %lt3A_3402 : i32 to vector<16xi32>
      %lt3A_3404 = arith.cmpi slt, %broadcast_in_dim3A_3401, %lt3A_3403 : vector<16xi32>
      %add3A_3405 = arith.constant 16 : i32
      %add3A_3406 = vector.broadcast %add3A_3405 : i32 to vector<16xi32>
      %add3A_3407 = arith.addi %broadcast_in_dim3A_3401, %add3A_3406 : vector<16xi32>
      %select_n3A_3408 = arith.select %lt3A_3404, %add3A_3407, %broadcast_in_dim3A_3401 : vector<16xi1>, vector<16xi32>
      %broadcast_in_dim3A_3409 = vector.shape_cast %select_n3A_3408 : vector<16xi32> to vector<16x1xi32>
      %gather3A_3410 = vector.shape_cast %broadcast_in_dim3A_3409 : vector<16x1xi32> to vector<16xi32>
      %gather3A_3411 = tpu.dynamic_gather %mul3A_2806[%gather3A_3410] in [0] : vector<16xi32>, vector<16xi32> -> vector<16xi32>
      %add3A_3412 = arith.constant 16 : i32
      %add3A_3413 = vector.broadcast %add3A_3412 : i32 to vector<16xi32>
      %add3A_3414 = arith.addi %iota3A, %add3A_3413 : vector<16xi32>
      %add3A_3415 = arith.addi %gather3A_3411, %add3A_3414 : vector<16xi32>
      %gather3A_3416 = tpu.vector_load_idx %arg6[%add3A_3415] : memref<32000xi32, #tpu.memory_space<vmem>>[vector<16xi32>], vector<16xi32>,
      %get3A_3417 = arith.constant 304 : index
      %get3A_3418 = tpu.vector_load %arg7[%get3A_3417] {strides = array<i32>} : memref<512xi32, #tpu.memory_space<vmem>>, vector<16xi32>,
      %xor3A_3419 = arith.xori %gather3A_3416, %get3A_3418 : vector<16xi32>
      %broadcast_in_dim3A_3420 = arith.constant 10 : i32
      %broadcast_in_dim3A_3421 = vector.broadcast %broadcast_in_dim3A_3420 : i32 to vector<16xi32>
      %lt3A_3422 = arith.constant 0 : i32
      %lt3A_3423 = vector.broadcast %lt3A_3422 : i32 to vector<16xi32>
      %lt3A_3424 = arith.cmpi slt, %broadcast_in_dim3A_3421, %lt3A_3423 : vector<16xi32>
      %add3A_3425 = arith.constant 16 : i32
      %add3A_3426 = vector.broadcast %add3A_3425 : i32 to vector<16xi32>
      %add3A_3427 = arith.addi %broadcast_in_dim3A_3421, %add3A_3426 : vector<16xi32>
      %select_n3A_3428 = arith.select %lt3A_3424, %add3A_3427, %broadcast_in_dim3A_3421 : vector<16xi1>, vector<16xi32>
      %broadcast_in_dim3A_3429 = vector.shape_cast %select_n3A_3428 : vector<16xi32> to vector<16x1xi32>
      %gather3A_3430 = vector.shape_cast %broadcast_in_dim3A_3429 : vector<16x1xi32> to vector<16xi32>
      %gather3A_3431 = tpu.dynamic_gather %mul3A_2806[%gather3A_3430] in [0] : vector<16xi32>, vector<16xi32> -> vector<16xi32>
      %add3A_3432 = arith.constant 16 : i32
      %add3A_3433 = vector.broadcast %add3A_3432 : i32 to vector<16xi32>
      %add3A_3434 = arith.addi %iota3A, %add3A_3433 : vector<16xi32>
      %add3A_3435 = arith.addi %gather3A_3431, %add3A_3434 : vector<16xi32>
      %gather3A_3436 = tpu.vector_load_idx %arg6[%add3A_3435] : memref<32000xi32, #tpu.memory_space<vmem>>[vector<16xi32>], vector<16xi32>,
      %get3A_3437 = arith.constant 336 : index
      %get3A_3438 = tpu.vector_load %arg7[%get3A_3437] {strides = array<i32>} : memref<512xi32, #tpu.memory_space<vmem>>, vector<16xi32>,
      %xor3A_3439 = arith.xori %gather3A_3436, %get3A_3438 : vector<16xi32>
      %broadcast_in_dim3A_3440 = arith.constant 11 : i32
      %broadcast_in_dim3A_3441 = vector.broadcast %broadcast_in_dim3A_3440 : i32 to vector<16xi32>
      %lt3A_3442 = arith.constant 0 : i32
      %lt3A_3443 = vector.broadcast %lt3A_3442 : i32 to vector<16xi32>
      %lt3A_3444 = arith.cmpi slt, %broadcast_in_dim3A_3441, %lt3A_3443 : vector<16xi32>
      %add3A_3445 = arith.constant 16 : i32
      %add3A_3446 = vector.broadcast %add3A_3445 : i32 to vector<16xi32>
      %add3A_3447 = arith.addi %broadcast_in_dim3A_3441, %add3A_3446 : vector<16xi32>
      %select_n3A_3448 = arith.select %lt3A_3444, %add3A_3447, %broadcast_in_dim3A_3441 : vector<16xi1>, vector<16xi32>
      %broadcast_in_dim3A_3449 = vector.shape_cast %select_n3A_3448 : vector<16xi32> to vector<16x1xi32>
      %gather3A_3450 = vector.shape_cast %broadcast_in_dim3A_3449 : vector<16x1xi32> to vector<16xi32>
      %gather3A_3451 = tpu.dynamic_gather %mul3A_2806[%gather3A_3450] in [0] : vector<16xi32>, vector<16xi32> -> vector<16xi32>
      %add3A_3452 = arith.constant 16 : i32
      %add3A_3453 = vector.broadcast %add3A_3452 : i32 to vector<16xi32>
      %add3A_3454 = arith.addi %iota3A, %add3A_3453 : vector<16xi32>
      %add3A_3455 = arith.addi %gather3A_3451, %add3A_3454 : vector<16xi32>
      %gather3A_3456 = tpu.vector_load_idx %arg6[%add3A_3455] : memref<32000xi32, #tpu.memory_space<vmem>>[vector<16xi32>], vector<16xi32>,
      %get3A_3457 = arith.constant 368 : index
      %get3A_3458 = tpu.vector_load %arg7[%get3A_3457] {strides = array<i32>} : memref<512xi32, #tpu.memory_space<vmem>>, vector<16xi32>,
      %xor3A_3459 = arith.xori %gather3A_3456, %get3A_3458 : vector<16xi32>
      %broadcast_in_dim3A_3460 = arith.constant 12 : i32
      %broadcast_in_dim3A_3461 = vector.broadcast %broadcast_in_dim3A_3460 : i32 to vector<16xi32>
      %lt3A_3462 = arith.constant 0 : i32
      %lt3A_3463 = vector.broadcast %lt3A_3462 : i32 to vector<16xi32>
      %lt3A_3464 = arith.cmpi slt, %broadcast_in_dim3A_3461, %lt3A_3463 : vector<16xi32>
      %add3A_3465 = arith.constant 16 : i32
      %add3A_3466 = vector.broadcast %add3A_3465 : i32 to vector<16xi32>
      %add3A_3467 = arith.addi %broadcast_in_dim3A_3461, %add3A_3466 : vector<16xi32>
      %select_n3A_3468 = arith.select %lt3A_3464, %add3A_3467, %broadcast_in_dim3A_3461 : vector<16xi1>, vector<16xi32>
      %broadcast_in_dim3A_3469 = vector.shape_cast %select_n3A_3468 : vector<16xi32> to vector<16x1xi32>
      %gather3A_3470 = vector.shape_cast %broadcast_in_dim3A_3469 : vector<16x1xi32> to vector<16xi32>
      %gather3A_3471 = tpu.dynamic_gather %mul3A_2806[%gather3A_3470] in [0] : vector<16xi32>, vector<16xi32> -> vector<16xi32>
      %add3A_3472 = arith.constant 16 : i32
      %add3A_3473 = vector.broadcast %add3A_3472 : i32 to vector<16xi32>
      %add3A_3474 = arith.addi %iota3A, %add3A_3473 : vector<16xi32>
      %add3A_3475 = arith.addi %gather3A_3471, %add3A_3474 : vector<16xi32>
      %gather3A_3476 = tpu.vector_load_idx %arg6[%add3A_3475] : memref<32000xi32, #tpu.memory_space<vmem>>[vector<16xi32>], vector<16xi32>,
      %get3A_3477 = arith.constant 400 : index
      %get3A_3478 = tpu.vector_load %arg7[%get3A_3477] {strides = array<i32>} : memref<512xi32, #tpu.memory_space<vmem>>, vector<16xi32>,
      %xor3A_3479 = arith.xori %gather3A_3476, %get3A_3478 : vector<16xi32>
      %broadcast_in_dim3A_3480 = arith.constant 13 : i32
      %broadcast_in_dim3A_3481 = vector.broadcast %broadcast_in_dim3A_3480 : i32 to vector<16xi32>
      %lt3A_3482 = arith.constant 0 : i32
      %lt3A_3483 = vector.broadcast %lt3A_3482 : i32 to vector<16xi32>
      %lt3A_3484 = arith.cmpi slt, %broadcast_in_dim3A_3481, %lt3A_3483 : vector<16xi32>
      %add3A_3485 = arith.constant 16 : i32
      %add3A_3486 = vector.broadcast %add3A_3485 : i32 to vector<16xi32>
      %add3A_3487 = arith.addi %broadcast_in_dim3A_3481, %add3A_3486 : vector<16xi32>
      %select_n3A_3488 = arith.select %lt3A_3484, %add3A_3487, %broadcast_in_dim3A_3481 : vector<16xi1>, vector<16xi32>
      %broadcast_in_dim3A_3489 = vector.shape_cast %select_n3A_3488 : vector<16xi32> to vector<16x1xi32>
      %gather3A_3490 = vector.shape_cast %broadcast_in_dim3A_3489 : vector<16x1xi32> to vector<16xi32>
      %gather3A_3491 = tpu.dynamic_gather %mul3A_2806[%gather3A_3490] in [0] : vector<16xi32>, vector<16xi32> -> vector<16xi32>
      %add3A_3492 = arith.constant 16 : i32
      %add3A_3493 = vector.broadcast %add3A_3492 : i32 to vector<16xi32>
      %add3A_3494 = arith.addi %iota3A, %add3A_3493 : vector<16xi32>
      %add3A_3495 = arith.addi %gather3A_3491, %add3A_3494 : vector<16xi32>
      %gather3A_3496 = tpu.vector_load_idx %arg6[%add3A_3495] : memref<32000xi32, #tpu.memory_space<vmem>>[vector<16xi32>], vector<16xi32>,
      %get3A_3497 = arith.constant 432 : index
      %get3A_3498 = tpu.vector_load %arg7[%get3A_3497] {strides = array<i32>} : memref<512xi32, #tpu.memory_space<vmem>>, vector<16xi32>,
      %xor3A_3499 = arith.xori %gather3A_3496, %get3A_3498 : vector<16xi32>
      %broadcast_in_dim3A_3500 = arith.constant 14 : i32
      %broadcast_in_dim3A_3501 = vector.broadcast %broadcast_in_dim3A_3500 : i32 to vector<16xi32>
      %lt3A_3502 = arith.constant 0 : i32
      %lt3A_3503 = vector.broadcast %lt3A_3502 : i32 to vector<16xi32>
      %lt3A_3504 = arith.cmpi slt, %broadcast_in_dim3A_3501, %lt3A_3503 : vector<16xi32>
      %add3A_3505 = arith.constant 16 : i32
      %add3A_3506 = vector.broadcast %add3A_3505 : i32 to vector<16xi32>
      %add3A_3507 = arith.addi %broadcast_in_dim3A_3501, %add3A_3506 : vector<16xi32>
      %select_n3A_3508 = arith.select %lt3A_3504, %add3A_3507, %broadcast_in_dim3A_3501 : vector<16xi1>, vector<16xi32>
      %broadcast_in_dim3A_3509 = vector.shape_cast %select_n3A_3508 : vector<16xi32> to vector<16x1xi32>
      %gather3A_3510 = vector.shape_cast %broadcast_in_dim3A_3509 : vector<16x1xi32> to vector<16xi32>
      %gather3A_3511 = tpu.dynamic_gather %mul3A_2806[%gather3A_3510] in [0] : vector<16xi32>, vector<16xi32> -> vector<16xi32>
      %add3A_3512 = arith.constant 16 : i32
      %add3A_3513 = vector.broadcast %add3A_3512 : i32 to vector<16xi32>
      %add3A_3514 = arith.addi %iota3A, %add3A_3513 : vector<16xi32>
      %add3A_3515 = arith.addi %gather3A_3511, %add3A_3514 : vector<16xi32>
      %gather3A_3516 = tpu.vector_load_idx %arg6[%add3A_3515] : memref<32000xi32, #tpu.memory_space<vmem>>[vector<16xi32>], vector<16xi32>,
      %get3A_3517 = arith.constant 464 : index
      %get3A_3518 = tpu.vector_load %arg7[%get3A_3517] {strides = array<i32>} : memref<512xi32, #tpu.memory_space<vmem>>, vector<16xi32>,
      %xor3A_3519 = arith.xori %gather3A_3516, %get3A_3518 : vector<16xi32>
      %broadcast_in_dim3A_3520 = arith.constant 15 : i32
      %broadcast_in_dim3A_3521 = vector.broadcast %broadcast_in_dim3A_3520 : i32 to vector<16xi32>
      %lt3A_3522 = arith.constant 0 : i32
      %lt3A_3523 = vector.broadcast %lt3A_3522 : i32 to vector<16xi32>
      %lt3A_3524 = arith.cmpi slt, %broadcast_in_dim3A_3521, %lt3A_3523 : vector<16xi32>
      %add3A_3525 = arith.constant 16 : i32
      %add3A_3526 = vector.broadcast %add3A_3525 : i32 to vector<16xi32>
      %add3A_3527 = arith.addi %broadcast_in_dim3A_3521, %add3A_3526 : vector<16xi32>
      %select_n3A_3528 = arith.select %lt3A_3524, %add3A_3527, %broadcast_in_dim3A_3521 : vector<16xi1>, vector<16xi32>
      %broadcast_in_dim3A_3529 = vector.shape_cast %select_n3A_3528 : vector<16xi32> to vector<16x1xi32>
      %gather3A_3530 = vector.shape_cast %broadcast_in_dim3A_3529 : vector<16x1xi32> to vector<16xi32>
      %gather3A_3531 = tpu.dynamic_gather %mul3A_2806[%gather3A_3530] in [0] : vector<16xi32>, vector<16xi32> -> vector<16xi32>
      %add3A_3532 = arith.constant 16 : i32
      %add3A_3533 = vector.broadcast %add3A_3532 : i32 to vector<16xi32>
      %add3A_3534 = arith.addi %iota3A, %add3A_3533 : vector<16xi32>
      %add3A_3535 = arith.addi %gather3A_3531, %add3A_3534 : vector<16xi32>
      %gather3A_3536 = tpu.vector_load_idx %arg6[%add3A_3535] : memref<32000xi32, #tpu.memory_space<vmem>>[vector<16xi32>], vector<16xi32>,
      %get3A_3537 = arith.constant 496 : index
      %get3A_3538 = tpu.vector_load %arg7[%get3A_3537] {strides = array<i32>} : memref<512xi32, #tpu.memory_space<vmem>>, vector<16xi32>,
      %xor3A_3539 = arith.xori %gather3A_3536, %get3A_3538 : vector<16xi32>
      %xor3A_3540 = arith.xori %xor3A_3239, %xor3A_3259 : vector<16xi32>
      %and3A_3541 = arith.andi %xor3A_3239, %xor3A_3259 : vector<16xi32>
      %xor3A_3542 = arith.xori %xor3A_3279, %xor3A_3299 : vector<16xi32>
      %and3A_3543 = arith.andi %xor3A_3279, %xor3A_3299 : vector<16xi32>
      %xor3A_3544 = arith.xori %xor3A_3319, %xor3A_3339 : vector<16xi32>
      %and3A_3545 = arith.andi %xor3A_3319, %xor3A_3339 : vector<16xi32>
      %xor3A_3546 = arith.xori %xor3A_3359, %xor3A_3379 : vector<16xi32>
      %and3A_3547 = arith.andi %xor3A_3359, %xor3A_3379 : vector<16xi32>
      %xor3A_3548 = arith.xori %xor3A_3540, %xor3A_3542 : vector<16xi32>
      %and3A_3549 = arith.andi %xor3A_3540, %xor3A_3542 : vector<16xi32>
      %xor3A_3550 = arith.xori %and3A_3541, %and3A_3543 : vector<16xi32>
      %and3A_3551 = arith.andi %and3A_3541, %and3A_3543 : vector<16xi32>
      %and3A_3552 = arith.andi %and3A_3549, %xor3A_3550 : vector<16xi32>
      %or3A_3553 = arith.ori %and3A_3551, %and3A_3552 : vector<16xi32>
      %xor3A_3554 = arith.xori %xor3A_3550, %and3A_3549 : vector<16xi32>
      %xor3A_3555 = arith.xori %xor3A_3544, %xor3A_3546 : vector<16xi32>
      %and3A_3556 = arith.andi %xor3A_3544, %xor3A_3546 : vector<16xi32>
      %xor3A_3557 = arith.xori %and3A_3545, %and3A_3547 : vector<16xi32>
      %and3A_3558 = arith.andi %and3A_3545, %and3A_3547 : vector<16xi32>
      %and3A_3559 = arith.andi %and3A_3556, %xor3A_3557 : vector<16xi32>
      %or3A_3560 = arith.ori %and3A_3558, %and3A_3559 : vector<16xi32>
      %xor3A_3561 = arith.xori %xor3A_3557, %and3A_3556 : vector<16xi32>
      %xor3A_3562 = arith.xori %xor3A_3548, %xor3A_3555 : vector<16xi32>
      %and3A_3563 = arith.andi %xor3A_3548, %xor3A_3555 : vector<16xi32>
      %xor3A_3564 = arith.xori %xor3A_3554, %xor3A_3561 : vector<16xi32>
      %and3A_3565 = arith.andi %xor3A_3554, %xor3A_3561 : vector<16xi32>
      %and3A_3566 = arith.andi %and3A_3563, %xor3A_3564 : vector<16xi32>
      %or3A_3567 = arith.ori %and3A_3565, %and3A_3566 : vector<16xi32>
      %xor3A_3568 = arith.xori %xor3A_3564, %and3A_3563 : vector<16xi32>
      %xor3A_3569 = arith.xori %or3A_3553, %or3A_3560 : vector<16xi32>
      %and3A_3570 = arith.andi %or3A_3553, %or3A_3560 : vector<16xi32>
      %and3A_3571 = arith.andi %or3A_3567, %xor3A_3569 : vector<16xi32>
      %or3A_3572 = arith.ori %and3A_3570, %and3A_3571 : vector<16xi32>
      %xor3A_3573 = arith.xori %xor3A_3569, %or3A_3567 : vector<16xi32>
      %xor3A_3574 = arith.xori %xor3A_3399, %xor3A_3419 : vector<16xi32>
      %and3A_3575 = arith.andi %xor3A_3399, %xor3A_3419 : vector<16xi32>
      %xor3A_3576 = arith.xori %xor3A_3439, %xor3A_3459 : vector<16xi32>
      %and3A_3577 = arith.andi %xor3A_3439, %xor3A_3459 : vector<16xi32>
      %xor3A_3578 = arith.xori %xor3A_3479, %xor3A_3499 : vector<16xi32>
      %and3A_3579 = arith.andi %xor3A_3479, %xor3A_3499 : vector<16xi32>
      %xor3A_3580 = arith.xori %xor3A_3519, %xor3A_3539 : vector<16xi32>
      %and3A_3581 = arith.andi %xor3A_3519, %xor3A_3539 : vector<16xi32>
      %xor3A_3582 = arith.xori %xor3A_3574, %xor3A_3576 : vector<16xi32>
      %and3A_3583 = arith.andi %xor3A_3574, %xor3A_3576 : vector<16xi32>
      %xor3A_3584 = arith.xori %and3A_3575, %and3A_3577 : vector<16xi32>
      %and3A_3585 = arith.andi %and3A_3575, %and3A_3577 : vector<16xi32>
      %and3A_3586 = arith.andi %and3A_3583, %xor3A_3584 : vector<16xi32>
      %or3A_3587 = arith.ori %and3A_3585, %and3A_3586 : vector<16xi32>
      %xor3A_3588 = arith.xori %xor3A_3584, %and3A_3583 : vector<16xi32>
      %xor3A_3589 = arith.xori %xor3A_3578, %xor3A_3580 : vector<16xi32>
      %and3A_3590 = arith.andi %xor3A_3578, %xor3A_3580 : vector<16xi32>
      %xor3A_3591 = arith.xori %and3A_3579, %and3A_3581 : vector<16xi32>
      %and3A_3592 = arith.andi %and3A_3579, %and3A_3581 : vector<16xi32>
      %and3A_3593 = arith.andi %and3A_3590, %xor3A_3591 : vector<16xi32>
      %or3A_3594 = arith.ori %and3A_3592, %and3A_3593 : vector<16xi32>
      %xor3A_3595 = arith.xori %xor3A_3591, %and3A_3590 : vector<16xi32>
      %xor3A_3596 = arith.xori %xor3A_3582, %xor3A_3589 : vector<16xi32>
      %and3A_3597 = arith.andi %xor3A_3582, %xor3A_3589 : vector<16xi32>
      %xor3A_3598 = arith.xori %xor3A_3588, %xor3A_3595 : vector<16xi32>
      %and3A_3599 = arith.andi %xor3A_3588, %xor3A_3595 : vector<16xi32>
      %and3A_3600 = arith.andi %and3A_3597, %xor3A_3598 : vector<16xi32>
      %or3A_3601 = arith.ori %and3A_3599, %and3A_3600 : vector<16xi32>
      %xor3A_3602 = arith.xori %xor3A_3598, %and3A_3597 : vector<16xi32>
      %xor3A_3603 = arith.xori %or3A_3587, %or3A_3594 : vector<16xi32>
      %and3A_3604 = arith.andi %or3A_3587, %or3A_3594 : vector<16xi32>
      %and3A_3605 = arith.andi %or3A_3601, %xor3A_3603 : vector<16xi32>
      %or3A_3606 = arith.ori %and3A_3604, %and3A_3605 : vector<16xi32>
      %xor3A_3607 = arith.xori %xor3A_3603, %or3A_3601 : vector<16xi32>
      %and3A_3608 = arith.andi %xor3A_3562, %xor3A_3596 : vector<16xi32>
      %and3A_3609 = arith.andi %xor3A_3568, %xor3A_3602 : vector<16xi32>
      %xor3A_3610 = arith.xori %xor3A_3568, %xor3A_3602 : vector<16xi32>
      %and3A_3611 = arith.andi %and3A_3608, %xor3A_3610 : vector<16xi32>
      %or3A_3612 = arith.ori %and3A_3609, %and3A_3611 : vector<16xi32>
      %and3A_3613 = arith.andi %xor3A_3573, %xor3A_3607 : vector<16xi32>
      %xor3A_3614 = arith.xori %xor3A_3573, %xor3A_3607 : vector<16xi32>
      %and3A_3615 = arith.andi %or3A_3612, %xor3A_3614 : vector<16xi32>
      %or3A_3616 = arith.ori %and3A_3613, %and3A_3615 : vector<16xi32>
      %or3A_3617 = arith.ori %or3A_3572, %or3A_3606 : vector<16xi32>
      %or3A_3618 = arith.ori %or3A_3617, %or3A_3616 : vector<16xi32>
      %mul3A_3619 = arith.constant 32 : i32
      %mul3A_3620 = arith.muli %scan3A_2800, %mul3A_3619 : i32
      %add3A_3621 = arith.constant 16 : i32
      %add3A_3622 = arith.addi %mul3A_3620, %add3A_3621 : i32
      %get3A_3623 = arith.index_cast %add3A_3622 : i32 to index
      %get3A_3624 = tpu.vector_load %arg8[%get3A_3623] {strides = array<i32>} : memref<1600xi32, #tpu.memory_space<vmem>>, vector<16xi32>,
      %xor3A_3625 = arith.xori %or3A_3618, %get3A_3624 : vector<16xi32>
      %mul3A_3626 = arith.constant 33 : i32
      %mul3A_3627 = arith.muli %scan3A_2800, %mul3A_3626 : i32
      %add3A_3628 = arith.constant 1 : i32
      %add3A_3629 = arith.addi %mul3A_3627, %add3A_3628 : i32
      %add3A_3630 = arith.constant 16 : i32
      %add3A_3631 = arith.addi %add3A_3629, %add3A_3630 : i32
      %swap3A_3632 = arith.index_cast %add3A_3631 : i32 to index
      %swap3A_3633 = tpu.vector_load %arg9[%swap3A_3632] {strides = array<i32>} : memref<1650xi32, #tpu.memory_space<vmem>>, vector<16xi32>,
      tpu.vector_store %arg9[%swap3A_3632], %xor3A_3625 {strides = array<i32>} : memref<1650xi32, #tpu.memory_space<vmem>>, vector<16xi32>,
      %broadcast_in_dim3A_3634 = arith.constant 15 : i32
      %broadcast_in_dim3A_3635 = vector.broadcast %broadcast_in_dim3A_3634 : i32 to vector<16xi32>
      %lt3A_3636 = arith.constant 0 : i32
      %lt3A_3637 = vector.broadcast %lt3A_3636 : i32 to vector<16xi32>
      %lt3A_3638 = arith.cmpi slt, %broadcast_in_dim3A_3635, %lt3A_3637 : vector<16xi32>
      %add3A_3639 = arith.constant 16 : i32
      %add3A_3640 = vector.broadcast %add3A_3639 : i32 to vector<16xi32>
      %add3A_3641 = arith.addi %broadcast_in_dim3A_3635, %add3A_3640 : vector<16xi32>
      %select_n3A_3642 = arith.select %lt3A_3638, %add3A_3641, %broadcast_in_dim3A_3635 : vector<16xi1>, vector<16xi32>
      %broadcast_in_dim3A_3643 = vector.shape_cast %select_n3A_3642 : vector<16xi32> to vector<16x1xi32>
      %gather3A_3644 = vector.shape_cast %broadcast_in_dim3A_3643 : vector<16x1xi32> to vector<16xi32>
      %gather3A_3645 = tpu.dynamic_gather %xor3A_3625[%gather3A_3644] in [0] : vector<16xi32>, vector<16xi32> -> vector<16xi32>
      %broadcast_in_dim3A_3646 = arith.constant 0 : i32
      %broadcast_in_dim3A_3647 = vector.broadcast %broadcast_in_dim3A_3646 : i32 to vector<16xi32>
      %mul3A_3648 = arith.constant 33 : i32
      %mul3A_3649 = arith.muli %scan3A_2800, %mul3A_3648 : i32
      %add3A_3650 = vector.broadcast %mul3A_3649 : i32 to vector<16xi32>
      %add3A_3651 = arith.addi %broadcast_in_dim3A_3647, %add3A_3650 : vector<16xi32>
      %lt3A_3652 = arith.constant 1 : i32
      %lt3A_3653 = vector.broadcast %lt3A_3652 : i32 to vector<16xi32>
      %lt3A_3654 = arith.cmpi slt, %iota3A, %lt3A_3653 : vector<16xi32>
      tpu.vector_store_idx %arg9[%add3A_3651], %gather3A_3645 masked %lt3A_3654 : memref<1650xi32, #tpu.memory_space<vmem>>[vector<16xi32>], vector<16xi32>, vector<16xi1>
      %mul3A_3655 = arith.constant 33 : i32
      %mul3A_3656 = arith.muli %scan3A_2800, %mul3A_3655 : i32
      %add3A_3657 = arith.constant 1 : i32
      %add3A_3658 = arith.addi %mul3A_3656, %add3A_3657 : i32
      %add3A_3659 = arith.constant 0 : i32
      %add3A_3660 = arith.addi %add3A_3658, %add3A_3659 : i32
      %get3A_3661 = arith.index_cast %add3A_3660 : i32 to index
      %get3A_3662 = tpu.vector_load %arg9[%get3A_3661] {strides = array<i32>} : memref<1650xi32, #tpu.memory_space<vmem>>, vector<16xi32>,
      %mul3A_3663 = arith.constant 33 : i32
      %mul3A_3664 = arith.muli %scan3A_2800, %mul3A_3663 : i32
      %add3A_3665 = arith.constant 0 : i32
      %add3A_3666 = arith.addi %mul3A_3664, %add3A_3665 : i32
      %get3A_3667 = arith.index_cast %add3A_3666 : i32 to index
      %get3A_3668 = tpu.vector_load %arg9[%get3A_3667] {strides = array<i32>} : memref<1650xi32, #tpu.memory_space<vmem>>, vector<16xi32>,
      %broadcast_in_dim3A_3669 = arith.constant 1 : i32
      %broadcast_in_dim3A_3670 = vector.broadcast %broadcast_in_dim3A_3669 : i32 to vector<16xi32>
      %shift_left3A = arith.shli %get3A_3662, %broadcast_in_dim3A_3670 : vector<16xi32>
      %broadcast_in_dim3A_3671 = arith.constant 31 : i32
      %broadcast_in_dim3A_3672 = vector.broadcast %broadcast_in_dim3A_3671 : i32 to vector<16xi32>
      %shift_right_logical3A_3673 = arith.shrui %get3A_3668, %broadcast_in_dim3A_3672 : vector<16xi32>
      %or3A_3674 = arith.ori %shift_left3A, %shift_right_logical3A_3673 : vector<16xi32>
      %mul3A_3675 = arith.constant 32 : i32
      %mul3A_3676 = arith.muli %scan3A_2800, %mul3A_3675 : i32
      %add3A_3677 = arith.constant 0 : i32
      %add3A_3678 = arith.addi %mul3A_3676, %add3A_3677 : i32
      %swap3A_3679 = arith.index_cast %add3A_3678 : i32 to index
      %swap3A_3680 = tpu.vector_load %arg10[%swap3A_3679] {strides = array<i32>} : memref<1600xi32, #tpu.memory_space<vmem>>, vector<16xi32>,
      tpu.vector_store %arg10[%swap3A_3679], %or3A_3674 {strides = array<i32>} : memref<1600xi32, #tpu.memory_space<vmem>>, vector<16xi32>,
      %broadcast_in_dim3A_3681 = arith.constant 2 : i32
      %broadcast_in_dim3A_3682 = vector.broadcast %broadcast_in_dim3A_3681 : i32 to vector<16xi32>
      %shift_left3A_3683 = arith.shli %get3A_3662, %broadcast_in_dim3A_3682 : vector<16xi32>
      %broadcast_in_dim3A_3684 = arith.constant 30 : i32
      %broadcast_in_dim3A_3685 = vector.broadcast %broadcast_in_dim3A_3684 : i32 to vector<16xi32>
      %shift_right_logical3A_3686 = arith.shrui %get3A_3668, %broadcast_in_dim3A_3685 : vector<16xi32>
      %or3A_3687 = arith.ori %shift_left3A_3683, %shift_right_logical3A_3686 : vector<16xi32>
      %mul3A_3688 = arith.constant 32 : i32
      %mul3A_3689 = arith.muli %scan3A_2800, %mul3A_3688 : i32
      %add3A_3690 = arith.constant 0 : i32
      %add3A_3691 = arith.addi %mul3A_3689, %add3A_3690 : i32
      %swap3A_3692 = arith.index_cast %add3A_3691 : i32 to index
      %swap3A_3693 = tpu.vector_load %arg11[%swap3A_3692] {strides = array<i32>} : memref<1600xi32, #tpu.memory_space<vmem>>, vector<16xi32>,
      tpu.vector_store %arg11[%swap3A_3692], %or3A_3687 {strides = array<i32>} : memref<1600xi32, #tpu.memory_space<vmem>>, vector<16xi32>,
      %broadcast_in_dim3A_3694 = arith.constant 3 : i32
      %broadcast_in_dim3A_3695 = vector.broadcast %broadcast_in_dim3A_3694 : i32 to vector<16xi32>
      %shift_left3A_3696 = arith.shli %get3A_3662, %broadcast_in_dim3A_3695 : vector<16xi32>
      %broadcast_in_dim3A_3697 = arith.constant 29 : i32
      %broadcast_in_dim3A_3698 = vector.broadcast %broadcast_in_dim3A_3697 : i32 to vector<16xi32>
      %shift_right_logical3A_3699 = arith.shrui %get3A_3668, %broadcast_in_dim3A_3698 : vector<16xi32>
      %or3A_3700 = arith.ori %shift_left3A_3696, %shift_right_logical3A_3699 : vector<16xi32>
      %mul3A_3701 = arith.constant 32 : i32
      %mul3A_3702 = arith.muli %scan3A_2800, %mul3A_3701 : i32
      %add3A_3703 = arith.constant 0 : i32
      %add3A_3704 = arith.addi %mul3A_3702, %add3A_3703 : i32
      %swap3A_3705 = arith.index_cast %add3A_3704 : i32 to index
      %swap3A_3706 = tpu.vector_load %arg12[%swap3A_3705] {strides = array<i32>} : memref<1600xi32, #tpu.memory_space<vmem>>, vector<16xi32>,
      tpu.vector_store %arg12[%swap3A_3705], %or3A_3700 {strides = array<i32>} : memref<1600xi32, #tpu.memory_space<vmem>>, vector<16xi32>,
      %mul3A_3707 = arith.constant 33 : i32
      %mul3A_3708 = arith.muli %scan3A_2800, %mul3A_3707 : i32
      %add3A_3709 = arith.constant 1 : i32
      %add3A_3710 = arith.addi %mul3A_3708, %add3A_3709 : i32
      %add3A_3711 = arith.constant 16 : i32
      %add3A_3712 = arith.addi %add3A_3710, %add3A_3711 : i32
      %get3A_3713 = arith.index_cast %add3A_3712 : i32 to index
      %get3A_3714 = tpu.vector_load %arg9[%get3A_3713] {strides = array<i32>} : memref<1650xi32, #tpu.memory_space<vmem>>, vector<16xi32>,
      %mul3A_3715 = arith.constant 33 : i32
      %mul3A_3716 = arith.muli %scan3A_2800, %mul3A_3715 : i32
      %add3A_3717 = arith.constant 16 : i32
      %add3A_3718 = arith.addi %mul3A_3716, %add3A_3717 : i32
      %get3A_3719 = arith.index_cast %add3A_3718 : i32 to index
      %get3A_3720 = tpu.vector_load %arg9[%get3A_3719] {strides = array<i32>} : memref<1650xi32, #tpu.memory_space<vmem>>, vector<16xi32>,
      %broadcast_in_dim3A_3721 = arith.constant 1 : i32
      %broadcast_in_dim3A_3722 = vector.broadcast %broadcast_in_dim3A_3721 : i32 to vector<16xi32>
      %shift_left3A_3723 = arith.shli %get3A_3714, %broadcast_in_dim3A_3722 : vector<16xi32>
      %broadcast_in_dim3A_3724 = arith.constant 31 : i32
      %broadcast_in_dim3A_3725 = vector.broadcast %broadcast_in_dim3A_3724 : i32 to vector<16xi32>
      %shift_right_logical3A_3726 = arith.shrui %get3A_3720, %broadcast_in_dim3A_3725 : vector<16xi32>
      %or3A_3727 = arith.ori %shift_left3A_3723, %shift_right_logical3A_3726 : vector<16xi32>
      %mul3A_3728 = arith.constant 32 : i32
      %mul3A_3729 = arith.muli %scan3A_2800, %mul3A_3728 : i32
      %add3A_3730 = arith.constant 16 : i32
      %add3A_3731 = arith.addi %mul3A_3729, %add3A_3730 : i32
      %swap3A_3732 = arith.index_cast %add3A_3731 : i32 to index
      %swap3A_3733 = tpu.vector_load %arg10[%swap3A_3732] {strides = array<i32>} : memref<1600xi32, #tpu.memory_space<vmem>>, vector<16xi32>,
      tpu.vector_store %arg10[%swap3A_3732], %or3A_3727 {strides = array<i32>} : memref<1600xi32, #tpu.memory_space<vmem>>, vector<16xi32>,
      %broadcast_in_dim3A_3734 = arith.constant 2 : i32
      %broadcast_in_dim3A_3735 = vector.broadcast %broadcast_in_dim3A_3734 : i32 to vector<16xi32>
      %shift_left3A_3736 = arith.shli %get3A_3714, %broadcast_in_dim3A_3735 : vector<16xi32>
      %broadcast_in_dim3A_3737 = arith.constant 30 : i32
      %broadcast_in_dim3A_3738 = vector.broadcast %broadcast_in_dim3A_3737 : i32 to vector<16xi32>
      %shift_right_logical3A_3739 = arith.shrui %get3A_3720, %broadcast_in_dim3A_3738 : vector<16xi32>
      %or3A_3740 = arith.ori %shift_left3A_3736, %shift_right_logical3A_3739 : vector<16xi32>
      %mul3A_3741 = arith.constant 32 : i32
      %mul3A_3742 = arith.muli %scan3A_2800, %mul3A_3741 : i32
      %add3A_3743 = arith.constant 16 : i32
      %add3A_3744 = arith.addi %mul3A_3742, %add3A_3743 : i32
      %swap3A_3745 = arith.index_cast %add3A_3744 : i32 to index
      %swap3A_3746 = tpu.vector_load %arg11[%swap3A_3745] {strides = array<i32>} : memref<1600xi32, #tpu.memory_space<vmem>>, vector<16xi32>,
      tpu.vector_store %arg11[%swap3A_3745], %or3A_3740 {strides = array<i32>} : memref<1600xi32, #tpu.memory_space<vmem>>, vector<16xi32>,
      %broadcast_in_dim3A_3747 = arith.constant 3 : i32
      %broadcast_in_dim3A_3748 = vector.broadcast %broadcast_in_dim3A_3747 : i32 to vector<16xi32>
      %shift_left3A_3749 = arith.shli %get3A_3714, %broadcast_in_dim3A_3748 : vector<16xi32>
      %broadcast_in_dim3A_3750 = arith.constant 29 : i32
      %broadcast_in_dim3A_3751 = vector.broadcast %broadcast_in_dim3A_3750 : i32 to vector<16xi32>
      %shift_right_logical3A_3752 = arith.shrui %get3A_3720, %broadcast_in_dim3A_3751 : vector<16xi32>
      %or3A_3753 = arith.ori %shift_left3A_3749, %shift_right_logical3A_3752 : vector<16xi32>
      %mul3A_3754 = arith.constant 32 : i32
      %mul3A_3755 = arith.muli %scan3A_2800, %mul3A_3754 : i32
      %add3A_3756 = arith.constant 16 : i32
      %add3A_3757 = arith.addi %mul3A_3755, %add3A_3756 : i32
      %swap3A_3758 = arith.index_cast %add3A_3757 : i32 to index
      %swap3A_3759 = tpu.vector_load %arg12[%swap3A_3758] {strides = array<i32>} : memref<1600xi32, #tpu.memory_space<vmem>>, vector<16xi32>,
      tpu.vector_store %arg12[%swap3A_3758], %or3A_3753 {strides = array<i32>} : memref<1600xi32, #tpu.memory_space<vmem>>, vector<16xi32>,
    }
    %scan3A_7 = arith.constant 50 : i32
    %broadcast_in_dim3A = arith.constant 0 : i32
    %broadcast_in_dim3A_8 = vector.broadcast %broadcast_in_dim3A : i32 to vector<16xi32>
    %scan3A_9 = arith.constant 0 : i32
    %scan3A_10 = arith.constant 47 : i32
    %scan3A_11 = arith.addi %scan3A_9, %scan3A_10 : i32
    %scan3A_12 = arith.constant 1 : i32
    %scan3A_13:6 = scf.for %scan3A_2800 = %scan3A_9 to %scan3A_11 step %scan3A_12 iter_args(%scan3A_2801 = %broadcast_in_dim3A_8, %scan3A_2802 = %broadcast_in_dim3A_8, %scan3A_2803 = %broadcast_in_dim3A_8, %scan3A_2804 = %broadcast_in_dim3A_8, %scan3A_2805 = %broadcast_in_dim3A_8, %scan3A_2806 = %broadcast_in_dim3A_8) -> (vector<16xi32>, vector<16xi32>, vector<16xi32>, vector<16xi32>, vector<16xi32>, vector<16xi32>)  : i32 {
      %mul3A_2807 = arith.constant 32 : i32
      %mul3A_2808 = arith.muli %scan3A_2800, %mul3A_2807 : i32
      %add3A_2809 = arith.constant 0 : i32
      %add3A_2810 = arith.addi %mul3A_2808, %add3A_2809 : i32
      %get3A = arith.index_cast %add3A_2810 : i32 to index
      %get3A_2811 = tpu.vector_load %arg12[%get3A] {strides = array<i32>} : memref<1600xi32, #tpu.memory_space<vmem>>, vector<16xi32>,
      %add3A_2812 = arith.constant 1 : i32
      %add3A_2813 = arith.addi %scan3A_2800, %add3A_2812 : i32
      %mul3A_2814 = arith.constant 32 : i32
      %mul3A_2815 = arith.muli %add3A_2813, %mul3A_2814 : i32
      %add3A_2816 = arith.constant 0 : i32
      %add3A_2817 = arith.addi %mul3A_2815, %add3A_2816 : i32
      %get3A_2818 = arith.index_cast %add3A_2817 : i32 to index
      %get3A_2819 = tpu.vector_load %arg11[%get3A_2818] {strides = array<i32>} : memref<1600xi32, #tpu.memory_space<vmem>>, vector<16xi32>,
      %xor3A = arith.xori %get3A_2811, %get3A_2819 : vector<16xi32>
      %add3A_2820 = arith.constant 2 : i32
      %add3A_2821 = arith.addi %scan3A_2800, %add3A_2820 : i32
      %mul3A_2822 = arith.constant 32 : i32
      %mul3A_2823 = arith.muli %add3A_2821, %mul3A_2822 : i32
      %add3A_2824 = arith.constant 0 : i32
      %add3A_2825 = arith.addi %mul3A_2823, %add3A_2824 : i32
      %get3A_2826 = arith.index_cast %add3A_2825 : i32 to index
      %get3A_2827 = tpu.vector_load %arg10[%get3A_2826] {strides = array<i32>} : memref<1600xi32, #tpu.memory_space<vmem>>, vector<16xi32>,
      %xor3A_2828 = arith.xori %xor3A, %get3A_2827 : vector<16xi32>
      %add3A_2829 = arith.constant 3 : i32
      %add3A_2830 = arith.addi %scan3A_2800, %add3A_2829 : i32
      %mul3A_2831 = arith.constant 33 : i32
      %mul3A_2832 = arith.muli %add3A_2830, %mul3A_2831 : i32
      %add3A_2833 = arith.constant 1 : i32
      %add3A_2834 = arith.addi %mul3A_2832, %add3A_2833 : i32
      %add3A_2835 = arith.constant 0 : i32
      %add3A_2836 = arith.addi %add3A_2834, %add3A_2835 : i32
      %get3A_2837 = arith.index_cast %add3A_2836 : i32 to index
      %get3A_2838 = tpu.vector_load %arg9[%get3A_2837] {strides = array<i32>} : memref<1650xi32, #tpu.memory_space<vmem>>, vector<16xi32>,
      %xor3A_2839 = arith.xori %xor3A_2828, %get3A_2838 : vector<16xi32>
      %xor3A_2840 = arith.xori %scan3A_2801, %xor3A_2839 : vector<16xi32>
      %and3A_2841 = arith.andi %scan3A_2801, %xor3A_2839 : vector<16xi32>
      %xor3A_2842 = arith.xori %scan3A_2802, %and3A_2841 : vector<16xi32>
      %and3A_2843 = arith.andi %scan3A_2802, %and3A_2841 : vector<16xi32>
      %xor3A_2844 = arith.xori %scan3A_2803, %and3A_2843 : vector<16xi32>
      %and3A_2845 = arith.andi %scan3A_2803, %and3A_2843 : vector<16xi32>
      %xor3A_2846 = arith.xori %scan3A_2804, %and3A_2845 : vector<16xi32>
      %and3A_2847 = arith.andi %scan3A_2804, %and3A_2845 : vector<16xi32>
      %xor3A_2848 = arith.xori %scan3A_2805, %and3A_2847 : vector<16xi32>
      %and3A_2849 = arith.andi %scan3A_2805, %and3A_2847 : vector<16xi32>
      %xor3A_2850 = arith.xori %scan3A_2806, %and3A_2849 : vector<16xi32>
      %and3A_2851 = arith.andi %scan3A_2806, %and3A_2849 : vector<16xi32>
      scf.yield %xor3A_2840, %xor3A_2842, %xor3A_2844, %xor3A_2846, %xor3A_2848, %xor3A_2850 : vector<16xi32>, vector<16xi32>, vector<16xi32>, vector<16xi32>, vector<16xi32>, vector<16xi32>
    }
    %scan3A_14 = arith.constant 47 : i32
    %and3A = arith.andi %scan3A_13#4, %scan3A_13#3 : vector<16xi32>
    %or3A = arith.ori %scan3A_13#5, %and3A : vector<16xi32>
    %broadcast_in_dim3A_15 = arith.constant 0 : i32
    %broadcast_in_dim3A_16 = vector.broadcast %broadcast_in_dim3A_15 : i32 to vector<16xi32>
    %lt3A = arith.constant 0 : i32
    %lt3A_17 = vector.broadcast %lt3A : i32 to vector<16xi32>
    %lt3A_18 = arith.cmpi slt, %broadcast_in_dim3A_16, %lt3A_17 : vector<16xi32>
    %add3A_19 = arith.constant 16 : i32
    %add3A_20 = vector.broadcast %add3A_19 : i32 to vector<16xi32>
    %add3A_21 = arith.addi %broadcast_in_dim3A_16, %add3A_20 : vector<16xi32>
    %select_n3A = arith.select %lt3A_18, %add3A_21, %broadcast_in_dim3A_16 : vector<16xi1>, vector<16xi32>
    %broadcast_in_dim3A_22 = vector.shape_cast %select_n3A : vector<16xi32> to vector<16x1xi32>
    %gather3A = vector.shape_cast %broadcast_in_dim3A_22 : vector<16x1xi32> to vector<16xi32>
    %gather3A_23 = tpu.dynamic_gather %or3A[%gather3A] in [0] : vector<16xi32>, vector<16xi32> -> vector<16xi32>
    %shift_right_logical3A = arith.shrui %gather3A_23, %iota3A : vector<16xi32>
    %and3A_24 = arith.constant 1 : i32
    %and3A_25 = vector.broadcast %and3A_24 : i32 to vector<16xi32>
    %and3A_26 = arith.andi %shift_right_logical3A, %and3A_25 : vector<16xi32>
    %eq3A = arith.constant 1 : i32
    %eq3A_27 = vector.broadcast %eq3A : i32 to vector<16xi32>
    %eq3A_28 = arith.cmpi eq, %and3A_26, %eq3A_27 : vector<16xi32>
    %jit3A = arith.constant -1.000000e+00 : f32
    %jit3A_29 = arith.constant 1.000000e+00 : f32
    %broadcast_in_dim3A_30 = vector.broadcast %jit3A : f32 to vector<16xf32>
    %broadcast_in_dim3A_31 = vector.broadcast %jit3A_29 : f32 to vector<16xf32>
    %select_n3A_32 = arith.select %eq3A_28, %broadcast_in_dim3A_30, %broadcast_in_dim3A_31 : vector<16xi1>, vector<16xf32>
    %swap3A = arith.constant 0 : index
    %swap3A_33 = tpu.vector_load %arg13[%swap3A] {strides = array<i32>} : memref<1024xf32, #tpu.memory_space<vmem>>, vector<16xf32>,
    tpu.vector_store %arg13[%swap3A], %select_n3A_32 {strides = array<i32>} : memref<1024xf32, #tpu.memory_space<vmem>>, vector<16xf32>,
    %add3A_34 = arith.constant 16 : i32
    %add3A_35 = vector.broadcast %add3A_34 : i32 to vector<16xi32>
    %add3A_36 = arith.addi %iota3A, %add3A_35 : vector<16xi32>
    %shift_right_logical3A_37 = arith.shrui %gather3A_23, %add3A_36 : vector<16xi32>
    %and3A_38 = arith.constant 1 : i32
    %and3A_39 = vector.broadcast %and3A_38 : i32 to vector<16xi32>
    %and3A_40 = arith.andi %shift_right_logical3A_37, %and3A_39 : vector<16xi32>
    %eq3A_41 = arith.constant 1 : i32
    %eq3A_42 = vector.broadcast %eq3A_41 : i32 to vector<16xi32>
    %eq3A_43 = arith.cmpi eq, %and3A_40, %eq3A_42 : vector<16xi32>
    %jit3A_44 = arith.constant -1.000000e+00 : f32
    %jit3A_45 = arith.constant 1.000000e+00 : f32
    %broadcast_in_dim3A_46 = vector.broadcast %jit3A_44 : f32 to vector<16xf32>
    %broadcast_in_dim3A_47 = vector.broadcast %jit3A_45 : f32 to vector<16xf32>
    %select_n3A_48 = arith.select %eq3A_43, %broadcast_in_dim3A_46, %broadcast_in_dim3A_47 : vector<16xi1>, vector<16xf32>
    %swap3A_49 = arith.constant 16 : index
    %swap3A_50 = tpu.vector_load %arg13[%swap3A_49] {strides = array<i32>} : memref<1024xf32, #tpu.memory_space<vmem>>, vector<16xf32>,
    tpu.vector_store %arg13[%swap3A_49], %select_n3A_48 {strides = array<i32>} : memref<1024xf32, #tpu.memory_space<vmem>>, vector<16xf32>,
    %broadcast_in_dim3A_51 = arith.constant 1 : i32
    %broadcast_in_dim3A_52 = vector.broadcast %broadcast_in_dim3A_51 : i32 to vector<16xi32>
    %lt3A_53 = arith.constant 0 : i32
    %lt3A_54 = vector.broadcast %lt3A_53 : i32 to vector<16xi32>
    %lt3A_55 = arith.cmpi slt, %broadcast_in_dim3A_52, %lt3A_54 : vector<16xi32>
    %add3A_56 = arith.constant 16 : i32
    %add3A_57 = vector.broadcast %add3A_56 : i32 to vector<16xi32>
    %add3A_58 = arith.addi %broadcast_in_dim3A_52, %add3A_57 : vector<16xi32>
    %select_n3A_59 = arith.select %lt3A_55, %add3A_58, %broadcast_in_dim3A_52 : vector<16xi1>, vector<16xi32>
    %broadcast_in_dim3A_60 = vector.shape_cast %select_n3A_59 : vector<16xi32> to vector<16x1xi32>
    %gather3A_61 = vector.shape_cast %broadcast_in_dim3A_60 : vector<16x1xi32> to vector<16xi32>
    %gather3A_62 = tpu.dynamic_gather %or3A[%gather3A_61] in [0] : vector<16xi32>, vector<16xi32> -> vector<16xi32>
    %shift_right_logical3A_63 = arith.shrui %gather3A_62, %iota3A : vector<16xi32>
    %and3A_64 = arith.constant 1 : i32
    %and3A_65 = vector.broadcast %and3A_64 : i32 to vector<16xi32>
    %and3A_66 = arith.andi %shift_right_logical3A_63, %and3A_65 : vector<16xi32>
    %eq3A_67 = arith.constant 1 : i32
    %eq3A_68 = vector.broadcast %eq3A_67 : i32 to vector<16xi32>
    %eq3A_69 = arith.cmpi eq, %and3A_66, %eq3A_68 : vector<16xi32>
    %jit3A_70 = arith.constant -1.000000e+00 : f32
    %jit3A_71 = arith.constant 1.000000e+00 : f32
    %broadcast_in_dim3A_72 = vector.broadcast %jit3A_70 : f32 to vector<16xf32>
    %broadcast_in_dim3A_73 = vector.broadcast %jit3A_71 : f32 to vector<16xf32>
    %select_n3A_74 = arith.select %eq3A_69, %broadcast_in_dim3A_72, %broadcast_in_dim3A_73 : vector<16xi1>, vector<16xf32>
    %swap3A_75 = arith.constant 32 : index
    %swap3A_76 = tpu.vector_load %arg13[%swap3A_75] {strides = array<i32>} : memref<1024xf32, #tpu.memory_space<vmem>>, vector<16xf32>,
    tpu.vector_store %arg13[%swap3A_75], %select_n3A_74 {strides = array<i32>} : memref<1024xf32, #tpu.memory_space<vmem>>, vector<16xf32>,
    %add3A_77 = arith.constant 16 : i32
    %add3A_78 = vector.broadcast %add3A_77 : i32 to vector<16xi32>
    %add3A_79 = arith.addi %iota3A, %add3A_78 : vector<16xi32>
    %shift_right_logical3A_80 = arith.shrui %gather3A_62, %add3A_79 : vector<16xi32>
    %and3A_81 = arith.constant 1 : i32
    %and3A_82 = vector.broadcast %and3A_81 : i32 to vector<16xi32>
    %and3A_83 = arith.andi %shift_right_logical3A_80, %and3A_82 : vector<16xi32>
    %eq3A_84 = arith.constant 1 : i32
    %eq3A_85 = vector.broadcast %eq3A_84 : i32 to vector<16xi32>
    %eq3A_86 = arith.cmpi eq, %and3A_83, %eq3A_85 : vector<16xi32>
    %jit3A_87 = arith.constant -1.000000e+00 : f32
    %jit3A_88 = arith.constant 1.000000e+00 : f32
    %broadcast_in_dim3A_89 = vector.broadcast %jit3A_87 : f32 to vector<16xf32>
    %broadcast_in_dim3A_90 = vector.broadcast %jit3A_88 : f32 to vector<16xf32>
    %select_n3A_91 = arith.select %eq3A_86, %broadcast_in_dim3A_89, %broadcast_in_dim3A_90 : vector<16xi1>, vector<16xf32>
    %swap3A_92 = arith.constant 48 : index
    %swap3A_93 = tpu.vector_load %arg13[%swap3A_92] {strides = array<i32>} : memref<1024xf32, #tpu.memory_space<vmem>>, vector<16xf32>,
    tpu.vector_store %arg13[%swap3A_92], %select_n3A_91 {strides = array<i32>} : memref<1024xf32, #tpu.memory_space<vmem>>, vector<16xf32>,
    %broadcast_in_dim3A_94 = arith.constant 2 : i32
    %broadcast_in_dim3A_95 = vector.broadcast %broadcast_in_dim3A_94 : i32 to vector<16xi32>
    %lt3A_96 = arith.constant 0 : i32
    %lt3A_97 = vector.broadcast %lt3A_96 : i32 to vector<16xi32>
    %lt3A_98 = arith.cmpi slt, %broadcast_in_dim3A_95, %lt3A_97 : vector<16xi32>
    %add3A_99 = arith.constant 16 : i32
    %add3A_100 = vector.broadcast %add3A_99 : i32 to vector<16xi32>
    %add3A_101 = arith.addi %broadcast_in_dim3A_95, %add3A_100 : vector<16xi32>
    %select_n3A_102 = arith.select %lt3A_98, %add3A_101, %broadcast_in_dim3A_95 : vector<16xi1>, vector<16xi32>
    %broadcast_in_dim3A_103 = vector.shape_cast %select_n3A_102 : vector<16xi32> to vector<16x1xi32>
    %gather3A_104 = vector.shape_cast %broadcast_in_dim3A_103 : vector<16x1xi32> to vector<16xi32>
    %gather3A_105 = tpu.dynamic_gather %or3A[%gather3A_104] in [0] : vector<16xi32>, vector<16xi32> -> vector<16xi32>
    %shift_right_logical3A_106 = arith.shrui %gather3A_105, %iota3A : vector<16xi32>
    %and3A_107 = arith.constant 1 : i32
    %and3A_108 = vector.broadcast %and3A_107 : i32 to vector<16xi32>
    %and3A_109 = arith.andi %shift_right_logical3A_106, %and3A_108 : vector<16xi32>
    %eq3A_110 = arith.constant 1 : i32
    %eq3A_111 = vector.broadcast %eq3A_110 : i32 to vector<16xi32>
    %eq3A_112 = arith.cmpi eq, %and3A_109, %eq3A_111 : vector<16xi32>
    %jit3A_113 = arith.constant -1.000000e+00 : f32
    %jit3A_114 = arith.constant 1.000000e+00 : f32
    %broadcast_in_dim3A_115 = vector.broadcast %jit3A_113 : f32 to vector<16xf32>
    %broadcast_in_dim3A_116 = vector.broadcast %jit3A_114 : f32 to vector<16xf32>
    %select_n3A_117 = arith.select %eq3A_112, %broadcast_in_dim3A_115, %broadcast_in_dim3A_116 : vector<16xi1>, vector<16xf32>
    %swap3A_118 = arith.constant 64 : index
    %swap3A_119 = tpu.vector_load %arg13[%swap3A_118] {strides = array<i32>} : memref<1024xf32, #tpu.memory_space<vmem>>, vector<16xf32>,
    tpu.vector_store %arg13[%swap3A_118], %select_n3A_117 {strides = array<i32>} : memref<1024xf32, #tpu.memory_space<vmem>>, vector<16xf32>,
    %add3A_120 = arith.constant 16 : i32
    %add3A_121 = vector.broadcast %add3A_120 : i32 to vector<16xi32>
    %add3A_122 = arith.addi %iota3A, %add3A_121 : vector<16xi32>
    %shift_right_logical3A_123 = arith.shrui %gather3A_105, %add3A_122 : vector<16xi32>
    %and3A_124 = arith.constant 1 : i32
    %and3A_125 = vector.broadcast %and3A_124 : i32 to vector<16xi32>
    %and3A_126 = arith.andi %shift_right_logical3A_123, %and3A_125 : vector<16xi32>
    %eq3A_127 = arith.constant 1 : i32
    %eq3A_128 = vector.broadcast %eq3A_127 : i32 to vector<16xi32>
    %eq3A_129 = arith.cmpi eq, %and3A_126, %eq3A_128 : vector<16xi32>
    %jit3A_130 = arith.constant -1.000000e+00 : f32
    %jit3A_131 = arith.constant 1.000000e+00 : f32
    %broadcast_in_dim3A_132 = vector.broadcast %jit3A_130 : f32 to vector<16xf32>
    %broadcast_in_dim3A_133 = vector.broadcast %jit3A_131 : f32 to vector<16xf32>
    %select_n3A_134 = arith.select %eq3A_129, %broadcast_in_dim3A_132, %broadcast_in_dim3A_133 : vector<16xi1>, vector<16xf32>
    %swap3A_135 = arith.constant 80 : index
    %swap3A_136 = tpu.vector_load %arg13[%swap3A_135] {strides = array<i32>} : memref<1024xf32, #tpu.memory_space<vmem>>, vector<16xf32>,
    tpu.vector_store %arg13[%swap3A_135], %select_n3A_134 {strides = array<i32>} : memref<1024xf32, #tpu.memory_space<vmem>>, vector<16xf32>,
    %broadcast_in_dim3A_137 = arith.constant 3 : i32
    %broadcast_in_dim3A_138 = vector.broadcast %broadcast_in_dim3A_137 : i32 to vector<16xi32>
    %lt3A_139 = arith.constant 0 : i32
    %lt3A_140 = vector.broadcast %lt3A_139 : i32 to vector<16xi32>
    %lt3A_141 = arith.cmpi slt, %broadcast_in_dim3A_138, %lt3A_140 : vector<16xi32>
    %add3A_142 = arith.constant 16 : i32
    %add3A_143 = vector.broadcast %add3A_142 : i32 to vector<16xi32>
    %add3A_144 = arith.addi %broadcast_in_dim3A_138, %add3A_143 : vector<16xi32>
    %select_n3A_145 = arith.select %lt3A_141, %add3A_144, %broadcast_in_dim3A_138 : vector<16xi1>, vector<16xi32>
    %broadcast_in_dim3A_146 = vector.shape_cast %select_n3A_145 : vector<16xi32> to vector<16x1xi32>
    %gather3A_147 = vector.shape_cast %broadcast_in_dim3A_146 : vector<16x1xi32> to vector<16xi32>
    %gather3A_148 = tpu.dynamic_gather %or3A[%gather3A_147] in [0] : vector<16xi32>, vector<16xi32> -> vector<16xi32>
    %shift_right_logical3A_149 = arith.shrui %gather3A_148, %iota3A : vector<16xi32>
    %and3A_150 = arith.constant 1 : i32
    %and3A_151 = vector.broadcast %and3A_150 : i32 to vector<16xi32>
    %and3A_152 = arith.andi %shift_right_logical3A_149, %and3A_151 : vector<16xi32>
    %eq3A_153 = arith.constant 1 : i32
    %eq3A_154 = vector.broadcast %eq3A_153 : i32 to vector<16xi32>
    %eq3A_155 = arith.cmpi eq, %and3A_152, %eq3A_154 : vector<16xi32>
    %jit3A_156 = arith.constant -1.000000e+00 : f32
    %jit3A_157 = arith.constant 1.000000e+00 : f32
    %broadcast_in_dim3A_158 = vector.broadcast %jit3A_156 : f32 to vector<16xf32>
    %broadcast_in_dim3A_159 = vector.broadcast %jit3A_157 : f32 to vector<16xf32>
    %select_n3A_160 = arith.select %eq3A_155, %broadcast_in_dim3A_158, %broadcast_in_dim3A_159 : vector<16xi1>, vector<16xf32>
    %swap3A_161 = arith.constant 96 : index
    %swap3A_162 = tpu.vector_load %arg13[%swap3A_161] {strides = array<i32>} : memref<1024xf32, #tpu.memory_space<vmem>>, vector<16xf32>,
    tpu.vector_store %arg13[%swap3A_161], %select_n3A_160 {strides = array<i32>} : memref<1024xf32, #tpu.memory_space<vmem>>, vector<16xf32>,
    %add3A_163 = arith.constant 16 : i32
    %add3A_164 = vector.broadcast %add3A_163 : i32 to vector<16xi32>
    %add3A_165 = arith.addi %iota3A, %add3A_164 : vector<16xi32>
    %shift_right_logical3A_166 = arith.shrui %gather3A_148, %add3A_165 : vector<16xi32>
    %and3A_167 = arith.constant 1 : i32
    %and3A_168 = vector.broadcast %and3A_167 : i32 to vector<16xi32>
    %and3A_169 = arith.andi %shift_right_logical3A_166, %and3A_168 : vector<16xi32>
    %eq3A_170 = arith.constant 1 : i32
    %eq3A_171 = vector.broadcast %eq3A_170 : i32 to vector<16xi32>
    %eq3A_172 = arith.cmpi eq, %and3A_169, %eq3A_171 : vector<16xi32>
    %jit3A_173 = arith.constant -1.000000e+00 : f32
    %jit3A_174 = arith.constant 1.000000e+00 : f32
    %broadcast_in_dim3A_175 = vector.broadcast %jit3A_173 : f32 to vector<16xf32>
    %broadcast_in_dim3A_176 = vector.broadcast %jit3A_174 : f32 to vector<16xf32>
    %select_n3A_177 = arith.select %eq3A_172, %broadcast_in_dim3A_175, %broadcast_in_dim3A_176 : vector<16xi1>, vector<16xf32>
    %swap3A_178 = arith.constant 112 : index
    %swap3A_179 = tpu.vector_load %arg13[%swap3A_178] {strides = array<i32>} : memref<1024xf32, #tpu.memory_space<vmem>>, vector<16xf32>,
    tpu.vector_store %arg13[%swap3A_178], %select_n3A_177 {strides = array<i32>} : memref<1024xf32, #tpu.memory_space<vmem>>, vector<16xf32>,
    %broadcast_in_dim3A_180 = arith.constant 4 : i32
    %broadcast_in_dim3A_181 = vector.broadcast %broadcast_in_dim3A_180 : i32 to vector<16xi32>
    %lt3A_182 = arith.constant 0 : i32
    %lt3A_183 = vector.broadcast %lt3A_182 : i32 to vector<16xi32>
    %lt3A_184 = arith.cmpi slt, %broadcast_in_dim3A_181, %lt3A_183 : vector<16xi32>
    %add3A_185 = arith.constant 16 : i32
    %add3A_186 = vector.broadcast %add3A_185 : i32 to vector<16xi32>
    %add3A_187 = arith.addi %broadcast_in_dim3A_181, %add3A_186 : vector<16xi32>
    %select_n3A_188 = arith.select %lt3A_184, %add3A_187, %broadcast_in_dim3A_181 : vector<16xi1>, vector<16xi32>
    %broadcast_in_dim3A_189 = vector.shape_cast %select_n3A_188 : vector<16xi32> to vector<16x1xi32>
    %gather3A_190 = vector.shape_cast %broadcast_in_dim3A_189 : vector<16x1xi32> to vector<16xi32>
    %gather3A_191 = tpu.dynamic_gather %or3A[%gather3A_190] in [0] : vector<16xi32>, vector<16xi32> -> vector<16xi32>
    %shift_right_logical3A_192 = arith.shrui %gather3A_191, %iota3A : vector<16xi32>
    %and3A_193 = arith.constant 1 : i32
    %and3A_194 = vector.broadcast %and3A_193 : i32 to vector<16xi32>
    %and3A_195 = arith.andi %shift_right_logical3A_192, %and3A_194 : vector<16xi32>
    %eq3A_196 = arith.constant 1 : i32
    %eq3A_197 = vector.broadcast %eq3A_196 : i32 to vector<16xi32>
    %eq3A_198 = arith.cmpi eq, %and3A_195, %eq3A_197 : vector<16xi32>
    %jit3A_199 = arith.constant -1.000000e+00 : f32
    %jit3A_200 = arith.constant 1.000000e+00 : f32
    %broadcast_in_dim3A_201 = vector.broadcast %jit3A_199 : f32 to vector<16xf32>
    %broadcast_in_dim3A_202 = vector.broadcast %jit3A_200 : f32 to vector<16xf32>
    %select_n3A_203 = arith.select %eq3A_198, %broadcast_in_dim3A_201, %broadcast_in_dim3A_202 : vector<16xi1>, vector<16xf32>
    %swap3A_204 = arith.constant 128 : index
    %swap3A_205 = tpu.vector_load %arg13[%swap3A_204] {strides = array<i32>} : memref<1024xf32, #tpu.memory_space<vmem>>, vector<16xf32>,
    tpu.vector_store %arg13[%swap3A_204], %select_n3A_203 {strides = array<i32>} : memref<1024xf32, #tpu.memory_space<vmem>>, vector<16xf32>,
    %add3A_206 = arith.constant 16 : i32
    %add3A_207 = vector.broadcast %add3A_206 : i32 to vector<16xi32>
    %add3A_208 = arith.addi %iota3A, %add3A_207 : vector<16xi32>
    %shift_right_logical3A_209 = arith.shrui %gather3A_191, %add3A_208 : vector<16xi32>
    %and3A_210 = arith.constant 1 : i32
    %and3A_211 = vector.broadcast %and3A_210 : i32 to vector<16xi32>
    %and3A_212 = arith.andi %shift_right_logical3A_209, %and3A_211 : vector<16xi32>
    %eq3A_213 = arith.constant 1 : i32
    %eq3A_214 = vector.broadcast %eq3A_213 : i32 to vector<16xi32>
    %eq3A_215 = arith.cmpi eq, %and3A_212, %eq3A_214 : vector<16xi32>
    %jit3A_216 = arith.constant -1.000000e+00 : f32
    %jit3A_217 = arith.constant 1.000000e+00 : f32
    %broadcast_in_dim3A_218 = vector.broadcast %jit3A_216 : f32 to vector<16xf32>
    %broadcast_in_dim3A_219 = vector.broadcast %jit3A_217 : f32 to vector<16xf32>
    %select_n3A_220 = arith.select %eq3A_215, %broadcast_in_dim3A_218, %broadcast_in_dim3A_219 : vector<16xi1>, vector<16xf32>
    %swap3A_221 = arith.constant 144 : index
    %swap3A_222 = tpu.vector_load %arg13[%swap3A_221] {strides = array<i32>} : memref<1024xf32, #tpu.memory_space<vmem>>, vector<16xf32>,
    tpu.vector_store %arg13[%swap3A_221], %select_n3A_220 {strides = array<i32>} : memref<1024xf32, #tpu.memory_space<vmem>>, vector<16xf32>,
    %broadcast_in_dim3A_223 = arith.constant 5 : i32
    %broadcast_in_dim3A_224 = vector.broadcast %broadcast_in_dim3A_223 : i32 to vector<16xi32>
    %lt3A_225 = arith.constant 0 : i32
    %lt3A_226 = vector.broadcast %lt3A_225 : i32 to vector<16xi32>
    %lt3A_227 = arith.cmpi slt, %broadcast_in_dim3A_224, %lt3A_226 : vector<16xi32>
    %add3A_228 = arith.constant 16 : i32
    %add3A_229 = vector.broadcast %add3A_228 : i32 to vector<16xi32>
    %add3A_230 = arith.addi %broadcast_in_dim3A_224, %add3A_229 : vector<16xi32>
    %select_n3A_231 = arith.select %lt3A_227, %add3A_230, %broadcast_in_dim3A_224 : vector<16xi1>, vector<16xi32>
    %broadcast_in_dim3A_232 = vector.shape_cast %select_n3A_231 : vector<16xi32> to vector<16x1xi32>
    %gather3A_233 = vector.shape_cast %broadcast_in_dim3A_232 : vector<16x1xi32> to vector<16xi32>
    %gather3A_234 = tpu.dynamic_gather %or3A[%gather3A_233] in [0] : vector<16xi32>, vector<16xi32> -> vector<16xi32>
    %shift_right_logical3A_235 = arith.shrui %gather3A_234, %iota3A : vector<16xi32>
    %and3A_236 = arith.constant 1 : i32
    %and3A_237 = vector.broadcast %and3A_236 : i32 to vector<16xi32>
    %and3A_238 = arith.andi %shift_right_logical3A_235, %and3A_237 : vector<16xi32>
    %eq3A_239 = arith.constant 1 : i32
    %eq3A_240 = vector.broadcast %eq3A_239 : i32 to vector<16xi32>
    %eq3A_241 = arith.cmpi eq, %and3A_238, %eq3A_240 : vector<16xi32>
    %jit3A_242 = arith.constant -1.000000e+00 : f32
    %jit3A_243 = arith.constant 1.000000e+00 : f32
    %broadcast_in_dim3A_244 = vector.broadcast %jit3A_242 : f32 to vector<16xf32>
    %broadcast_in_dim3A_245 = vector.broadcast %jit3A_243 : f32 to vector<16xf32>
    %select_n3A_246 = arith.select %eq3A_241, %broadcast_in_dim3A_244, %broadcast_in_dim3A_245 : vector<16xi1>, vector<16xf32>
    %swap3A_247 = arith.constant 160 : index
    %swap3A_248 = tpu.vector_load %arg13[%swap3A_247] {strides = array<i32>} : memref<1024xf32, #tpu.memory_space<vmem>>, vector<16xf32>,
    tpu.vector_store %arg13[%swap3A_247], %select_n3A_246 {strides = array<i32>} : memref<1024xf32, #tpu.memory_space<vmem>>, vector<16xf32>,
    %add3A_249 = arith.constant 16 : i32
    %add3A_250 = vector.broadcast %add3A_249 : i32 to vector<16xi32>
    %add3A_251 = arith.addi %iota3A, %add3A_250 : vector<16xi32>
    %shift_right_logical3A_252 = arith.shrui %gather3A_234, %add3A_251 : vector<16xi32>
    %and3A_253 = arith.constant 1 : i32
    %and3A_254 = vector.broadcast %and3A_253 : i32 to vector<16xi32>
    %and3A_255 = arith.andi %shift_right_logical3A_252, %and3A_254 : vector<16xi32>
    %eq3A_256 = arith.constant 1 : i32
    %eq3A_257 = vector.broadcast %eq3A_256 : i32 to vector<16xi32>
    %eq3A_258 = arith.cmpi eq, %and3A_255, %eq3A_257 : vector<16xi32>
    %jit3A_259 = arith.constant -1.000000e+00 : f32
    %jit3A_260 = arith.constant 1.000000e+00 : f32
    %broadcast_in_dim3A_261 = vector.broadcast %jit3A_259 : f32 to vector<16xf32>
    %broadcast_in_dim3A_262 = vector.broadcast %jit3A_260 : f32 to vector<16xf32>
    %select_n3A_263 = arith.select %eq3A_258, %broadcast_in_dim3A_261, %broadcast_in_dim3A_262 : vector<16xi1>, vector<16xf32>
    %swap3A_264 = arith.constant 176 : index
    %swap3A_265 = tpu.vector_load %arg13[%swap3A_264] {strides = array<i32>} : memref<1024xf32, #tpu.memory_space<vmem>>, vector<16xf32>,
    tpu.vector_store %arg13[%swap3A_264], %select_n3A_263 {strides = array<i32>} : memref<1024xf32, #tpu.memory_space<vmem>>, vector<16xf32>,
    %broadcast_in_dim3A_266 = arith.constant 6 : i32
    %broadcast_in_dim3A_267 = vector.broadcast %broadcast_in_dim3A_266 : i32 to vector<16xi32>
    %lt3A_268 = arith.constant 0 : i32
    %lt3A_269 = vector.broadcast %lt3A_268 : i32 to vector<16xi32>
    %lt3A_270 = arith.cmpi slt, %broadcast_in_dim3A_267, %lt3A_269 : vector<16xi32>
    %add3A_271 = arith.constant 16 : i32
    %add3A_272 = vector.broadcast %add3A_271 : i32 to vector<16xi32>
    %add3A_273 = arith.addi %broadcast_in_dim3A_267, %add3A_272 : vector<16xi32>
    %select_n3A_274 = arith.select %lt3A_270, %add3A_273, %broadcast_in_dim3A_267 : vector<16xi1>, vector<16xi32>
    %broadcast_in_dim3A_275 = vector.shape_cast %select_n3A_274 : vector<16xi32> to vector<16x1xi32>
    %gather3A_276 = vector.shape_cast %broadcast_in_dim3A_275 : vector<16x1xi32> to vector<16xi32>
    %gather3A_277 = tpu.dynamic_gather %or3A[%gather3A_276] in [0] : vector<16xi32>, vector<16xi32> -> vector<16xi32>
    %shift_right_logical3A_278 = arith.shrui %gather3A_277, %iota3A : vector<16xi32>
    %and3A_279 = arith.constant 1 : i32
    %and3A_280 = vector.broadcast %and3A_279 : i32 to vector<16xi32>
    %and3A_281 = arith.andi %shift_right_logical3A_278, %and3A_280 : vector<16xi32>
    %eq3A_282 = arith.constant 1 : i32
    %eq3A_283 = vector.broadcast %eq3A_282 : i32 to vector<16xi32>
    %eq3A_284 = arith.cmpi eq, %and3A_281, %eq3A_283 : vector<16xi32>
    %jit3A_285 = arith.constant -1.000000e+00 : f32
    %jit3A_286 = arith.constant 1.000000e+00 : f32
    %broadcast_in_dim3A_287 = vector.broadcast %jit3A_285 : f32 to vector<16xf32>
    %broadcast_in_dim3A_288 = vector.broadcast %jit3A_286 : f32 to vector<16xf32>
    %select_n3A_289 = arith.select %eq3A_284, %broadcast_in_dim3A_287, %broadcast_in_dim3A_288 : vector<16xi1>, vector<16xf32>
    %swap3A_290 = arith.constant 192 : index
    %swap3A_291 = tpu.vector_load %arg13[%swap3A_290] {strides = array<i32>} : memref<1024xf32, #tpu.memory_space<vmem>>, vector<16xf32>,
    tpu.vector_store %arg13[%swap3A_290], %select_n3A_289 {strides = array<i32>} : memref<1024xf32, #tpu.memory_space<vmem>>, vector<16xf32>,
    %add3A_292 = arith.constant 16 : i32
    %add3A_293 = vector.broadcast %add3A_292 : i32 to vector<16xi32>
    %add3A_294 = arith.addi %iota3A, %add3A_293 : vector<16xi32>
    %shift_right_logical3A_295 = arith.shrui %gather3A_277, %add3A_294 : vector<16xi32>
    %and3A_296 = arith.constant 1 : i32
    %and3A_297 = vector.broadcast %and3A_296 : i32 to vector<16xi32>
    %and3A_298 = arith.andi %shift_right_logical3A_295, %and3A_297 : vector<16xi32>
    %eq3A_299 = arith.constant 1 : i32
    %eq3A_300 = vector.broadcast %eq3A_299 : i32 to vector<16xi32>
    %eq3A_301 = arith.cmpi eq, %and3A_298, %eq3A_300 : vector<16xi32>
    %jit3A_302 = arith.constant -1.000000e+00 : f32
    %jit3A_303 = arith.constant 1.000000e+00 : f32
    %broadcast_in_dim3A_304 = vector.broadcast %jit3A_302 : f32 to vector<16xf32>
    %broadcast_in_dim3A_305 = vector.broadcast %jit3A_303 : f32 to vector<16xf32>
    %select_n3A_306 = arith.select %eq3A_301, %broadcast_in_dim3A_304, %broadcast_in_dim3A_305 : vector<16xi1>, vector<16xf32>
    %swap3A_307 = arith.constant 208 : index
    %swap3A_308 = tpu.vector_load %arg13[%swap3A_307] {strides = array<i32>} : memref<1024xf32, #tpu.memory_space<vmem>>, vector<16xf32>,
    tpu.vector_store %arg13[%swap3A_307], %select_n3A_306 {strides = array<i32>} : memref<1024xf32, #tpu.memory_space<vmem>>, vector<16xf32>,
    %broadcast_in_dim3A_309 = arith.constant 7 : i32
    %broadcast_in_dim3A_310 = vector.broadcast %broadcast_in_dim3A_309 : i32 to vector<16xi32>
    %lt3A_311 = arith.constant 0 : i32
    %lt3A_312 = vector.broadcast %lt3A_311 : i32 to vector<16xi32>
    %lt3A_313 = arith.cmpi slt, %broadcast_in_dim3A_310, %lt3A_312 : vector<16xi32>
    %add3A_314 = arith.constant 16 : i32
    %add3A_315 = vector.broadcast %add3A_314 : i32 to vector<16xi32>
    %add3A_316 = arith.addi %broadcast_in_dim3A_310, %add3A_315 : vector<16xi32>
    %select_n3A_317 = arith.select %lt3A_313, %add3A_316, %broadcast_in_dim3A_310 : vector<16xi1>, vector<16xi32>
    %broadcast_in_dim3A_318 = vector.shape_cast %select_n3A_317 : vector<16xi32> to vector<16x1xi32>
    %gather3A_319 = vector.shape_cast %broadcast_in_dim3A_318 : vector<16x1xi32> to vector<16xi32>
    %gather3A_320 = tpu.dynamic_gather %or3A[%gather3A_319] in [0] : vector<16xi32>, vector<16xi32> -> vector<16xi32>
    %shift_right_logical3A_321 = arith.shrui %gather3A_320, %iota3A : vector<16xi32>
    %and3A_322 = arith.constant 1 : i32
    %and3A_323 = vector.broadcast %and3A_322 : i32 to vector<16xi32>
    %and3A_324 = arith.andi %shift_right_logical3A_321, %and3A_323 : vector<16xi32>
    %eq3A_325 = arith.constant 1 : i32
    %eq3A_326 = vector.broadcast %eq3A_325 : i32 to vector<16xi32>
    %eq3A_327 = arith.cmpi eq, %and3A_324, %eq3A_326 : vector<16xi32>
    %jit3A_328 = arith.constant -1.000000e+00 : f32
    %jit3A_329 = arith.constant 1.000000e+00 : f32
    %broadcast_in_dim3A_330 = vector.broadcast %jit3A_328 : f32 to vector<16xf32>
    %broadcast_in_dim3A_331 = vector.broadcast %jit3A_329 : f32 to vector<16xf32>
    %select_n3A_332 = arith.select %eq3A_327, %broadcast_in_dim3A_330, %broadcast_in_dim3A_331 : vector<16xi1>, vector<16xf32>
    %swap3A_333 = arith.constant 224 : index
    %swap3A_334 = tpu.vector_load %arg13[%swap3A_333] {strides = array<i32>} : memref<1024xf32, #tpu.memory_space<vmem>>, vector<16xf32>,
    tpu.vector_store %arg13[%swap3A_333], %select_n3A_332 {strides = array<i32>} : memref<1024xf32, #tpu.memory_space<vmem>>, vector<16xf32>,
    %add3A_335 = arith.constant 16 : i32
    %add3A_336 = vector.broadcast %add3A_335 : i32 to vector<16xi32>
    %add3A_337 = arith.addi %iota3A, %add3A_336 : vector<16xi32>
    %shift_right_logical3A_338 = arith.shrui %gather3A_320, %add3A_337 : vector<16xi32>
    %and3A_339 = arith.constant 1 : i32
    %and3A_340 = vector.broadcast %and3A_339 : i32 to vector<16xi32>
    %and3A_341 = arith.andi %shift_right_logical3A_338, %and3A_340 : vector<16xi32>
    %eq3A_342 = arith.constant 1 : i32
    %eq3A_343 = vector.broadcast %eq3A_342 : i32 to vector<16xi32>
    %eq3A_344 = arith.cmpi eq, %and3A_341, %eq3A_343 : vector<16xi32>
    %jit3A_345 = arith.constant -1.000000e+00 : f32
    %jit3A_346 = arith.constant 1.000000e+00 : f32
    %broadcast_in_dim3A_347 = vector.broadcast %jit3A_345 : f32 to vector<16xf32>
    %broadcast_in_dim3A_348 = vector.broadcast %jit3A_346 : f32 to vector<16xf32>
    %select_n3A_349 = arith.select %eq3A_344, %broadcast_in_dim3A_347, %broadcast_in_dim3A_348 : vector<16xi1>, vector<16xf32>
    %swap3A_350 = arith.constant 240 : index
    %swap3A_351 = tpu.vector_load %arg13[%swap3A_350] {strides = array<i32>} : memref<1024xf32, #tpu.memory_space<vmem>>, vector<16xf32>,
    tpu.vector_store %arg13[%swap3A_350], %select_n3A_349 {strides = array<i32>} : memref<1024xf32, #tpu.memory_space<vmem>>, vector<16xf32>,
    %broadcast_in_dim3A_352 = arith.constant 8 : i32
    %broadcast_in_dim3A_353 = vector.broadcast %broadcast_in_dim3A_352 : i32 to vector<16xi32>
    %lt3A_354 = arith.constant 0 : i32
    %lt3A_355 = vector.broadcast %lt3A_354 : i32 to vector<16xi32>
    %lt3A_356 = arith.cmpi slt, %broadcast_in_dim3A_353, %lt3A_355 : vector<16xi32>
    %add3A_357 = arith.constant 16 : i32
    %add3A_358 = vector.broadcast %add3A_357 : i32 to vector<16xi32>
    %add3A_359 = arith.addi %broadcast_in_dim3A_353, %add3A_358 : vector<16xi32>
    %select_n3A_360 = arith.select %lt3A_356, %add3A_359, %broadcast_in_dim3A_353 : vector<16xi1>, vector<16xi32>
    %broadcast_in_dim3A_361 = vector.shape_cast %select_n3A_360 : vector<16xi32> to vector<16x1xi32>
    %gather3A_362 = vector.shape_cast %broadcast_in_dim3A_361 : vector<16x1xi32> to vector<16xi32>
    %gather3A_363 = tpu.dynamic_gather %or3A[%gather3A_362] in [0] : vector<16xi32>, vector<16xi32> -> vector<16xi32>
    %shift_right_logical3A_364 = arith.shrui %gather3A_363, %iota3A : vector<16xi32>
    %and3A_365 = arith.constant 1 : i32
    %and3A_366 = vector.broadcast %and3A_365 : i32 to vector<16xi32>
    %and3A_367 = arith.andi %shift_right_logical3A_364, %and3A_366 : vector<16xi32>
    %eq3A_368 = arith.constant 1 : i32
    %eq3A_369 = vector.broadcast %eq3A_368 : i32 to vector<16xi32>
    %eq3A_370 = arith.cmpi eq, %and3A_367, %eq3A_369 : vector<16xi32>
    %jit3A_371 = arith.constant -1.000000e+00 : f32
    %jit3A_372 = arith.constant 1.000000e+00 : f32
    %broadcast_in_dim3A_373 = vector.broadcast %jit3A_371 : f32 to vector<16xf32>
    %broadcast_in_dim3A_374 = vector.broadcast %jit3A_372 : f32 to vector<16xf32>
    %select_n3A_375 = arith.select %eq3A_370, %broadcast_in_dim3A_373, %broadcast_in_dim3A_374 : vector<16xi1>, vector<16xf32>
    %swap3A_376 = arith.constant 256 : index
    %swap3A_377 = tpu.vector_load %arg13[%swap3A_376] {strides = array<i32>} : memref<1024xf32, #tpu.memory_space<vmem>>, vector<16xf32>,
    tpu.vector_store %arg13[%swap3A_376], %select_n3A_375 {strides = array<i32>} : memref<1024xf32, #tpu.memory_space<vmem>>, vector<16xf32>,
    %add3A_378 = arith.constant 16 : i32
    %add3A_379 = vector.broadcast %add3A_378 : i32 to vector<16xi32>
    %add3A_380 = arith.addi %iota3A, %add3A_379 : vector<16xi32>
    %shift_right_logical3A_381 = arith.shrui %gather3A_363, %add3A_380 : vector<16xi32>
    %and3A_382 = arith.constant 1 : i32
    %and3A_383 = vector.broadcast %and3A_382 : i32 to vector<16xi32>
    %and3A_384 = arith.andi %shift_right_logical3A_381, %and3A_383 : vector<16xi32>
    %eq3A_385 = arith.constant 1 : i32
    %eq3A_386 = vector.broadcast %eq3A_385 : i32 to vector<16xi32>
    %eq3A_387 = arith.cmpi eq, %and3A_384, %eq3A_386 : vector<16xi32>
    %jit3A_388 = arith.constant -1.000000e+00 : f32
    %jit3A_389 = arith.constant 1.000000e+00 : f32
    %broadcast_in_dim3A_390 = vector.broadcast %jit3A_388 : f32 to vector<16xf32>
    %broadcast_in_dim3A_391 = vector.broadcast %jit3A_389 : f32 to vector<16xf32>
    %select_n3A_392 = arith.select %eq3A_387, %broadcast_in_dim3A_390, %broadcast_in_dim3A_391 : vector<16xi1>, vector<16xf32>
    %swap3A_393 = arith.constant 272 : index
    %swap3A_394 = tpu.vector_load %arg13[%swap3A_393] {strides = array<i32>} : memref<1024xf32, #tpu.memory_space<vmem>>, vector<16xf32>,
    tpu.vector_store %arg13[%swap3A_393], %select_n3A_392 {strides = array<i32>} : memref<1024xf32, #tpu.memory_space<vmem>>, vector<16xf32>,
    %broadcast_in_dim3A_395 = arith.constant 9 : i32
    %broadcast_in_dim3A_396 = vector.broadcast %broadcast_in_dim3A_395 : i32 to vector<16xi32>
    %lt3A_397 = arith.constant 0 : i32
    %lt3A_398 = vector.broadcast %lt3A_397 : i32 to vector<16xi32>
    %lt3A_399 = arith.cmpi slt, %broadcast_in_dim3A_396, %lt3A_398 : vector<16xi32>
    %add3A_400 = arith.constant 16 : i32
    %add3A_401 = vector.broadcast %add3A_400 : i32 to vector<16xi32>
    %add3A_402 = arith.addi %broadcast_in_dim3A_396, %add3A_401 : vector<16xi32>
    %select_n3A_403 = arith.select %lt3A_399, %add3A_402, %broadcast_in_dim3A_396 : vector<16xi1>, vector<16xi32>
    %broadcast_in_dim3A_404 = vector.shape_cast %select_n3A_403 : vector<16xi32> to vector<16x1xi32>
    %gather3A_405 = vector.shape_cast %broadcast_in_dim3A_404 : vector<16x1xi32> to vector<16xi32>
    %gather3A_406 = tpu.dynamic_gather %or3A[%gather3A_405] in [0] : vector<16xi32>, vector<16xi32> -> vector<16xi32>
    %shift_right_logical3A_407 = arith.shrui %gather3A_406, %iota3A : vector<16xi32>
    %and3A_408 = arith.constant 1 : i32
    %and3A_409 = vector.broadcast %and3A_408 : i32 to vector<16xi32>
    %and3A_410 = arith.andi %shift_right_logical3A_407, %and3A_409 : vector<16xi32>
    %eq3A_411 = arith.constant 1 : i32
    %eq3A_412 = vector.broadcast %eq3A_411 : i32 to vector<16xi32>
    %eq3A_413 = arith.cmpi eq, %and3A_410, %eq3A_412 : vector<16xi32>
    %jit3A_414 = arith.constant -1.000000e+00 : f32
    %jit3A_415 = arith.constant 1.000000e+00 : f32
    %broadcast_in_dim3A_416 = vector.broadcast %jit3A_414 : f32 to vector<16xf32>
    %broadcast_in_dim3A_417 = vector.broadcast %jit3A_415 : f32 to vector<16xf32>
    %select_n3A_418 = arith.select %eq3A_413, %broadcast_in_dim3A_416, %broadcast_in_dim3A_417 : vector<16xi1>, vector<16xf32>
    %swap3A_419 = arith.constant 288 : index
    %swap3A_420 = tpu.vector_load %arg13[%swap3A_419] {strides = array<i32>} : memref<1024xf32, #tpu.memory_space<vmem>>, vector<16xf32>,
    tpu.vector_store %arg13[%swap3A_419], %select_n3A_418 {strides = array<i32>} : memref<1024xf32, #tpu.memory_space<vmem>>, vector<16xf32>,
    %add3A_421 = arith.constant 16 : i32
    %add3A_422 = vector.broadcast %add3A_421 : i32 to vector<16xi32>
    %add3A_423 = arith.addi %iota3A, %add3A_422 : vector<16xi32>
    %shift_right_logical3A_424 = arith.shrui %gather3A_406, %add3A_423 : vector<16xi32>
    %and3A_425 = arith.constant 1 : i32
    %and3A_426 = vector.broadcast %and3A_425 : i32 to vector<16xi32>
    %and3A_427 = arith.andi %shift_right_logical3A_424, %and3A_426 : vector<16xi32>
    %eq3A_428 = arith.constant 1 : i32
    %eq3A_429 = vector.broadcast %eq3A_428 : i32 to vector<16xi32>
    %eq3A_430 = arith.cmpi eq, %and3A_427, %eq3A_429 : vector<16xi32>
    %jit3A_431 = arith.constant -1.000000e+00 : f32
    %jit3A_432 = arith.constant 1.000000e+00 : f32
    %broadcast_in_dim3A_433 = vector.broadcast %jit3A_431 : f32 to vector<16xf32>
    %broadcast_in_dim3A_434 = vector.broadcast %jit3A_432 : f32 to vector<16xf32>
    %select_n3A_435 = arith.select %eq3A_430, %broadcast_in_dim3A_433, %broadcast_in_dim3A_434 : vector<16xi1>, vector<16xf32>
    %swap3A_436 = arith.constant 304 : index
    %swap3A_437 = tpu.vector_load %arg13[%swap3A_436] {strides = array<i32>} : memref<1024xf32, #tpu.memory_space<vmem>>, vector<16xf32>,
    tpu.vector_store %arg13[%swap3A_436], %select_n3A_435 {strides = array<i32>} : memref<1024xf32, #tpu.memory_space<vmem>>, vector<16xf32>,
    %broadcast_in_dim3A_438 = arith.constant 10 : i32
    %broadcast_in_dim3A_439 = vector.broadcast %broadcast_in_dim3A_438 : i32 to vector<16xi32>
    %lt3A_440 = arith.constant 0 : i32
    %lt3A_441 = vector.broadcast %lt3A_440 : i32 to vector<16xi32>
    %lt3A_442 = arith.cmpi slt, %broadcast_in_dim3A_439, %lt3A_441 : vector<16xi32>
    %add3A_443 = arith.constant 16 : i32
    %add3A_444 = vector.broadcast %add3A_443 : i32 to vector<16xi32>
    %add3A_445 = arith.addi %broadcast_in_dim3A_439, %add3A_444 : vector<16xi32>
    %select_n3A_446 = arith.select %lt3A_442, %add3A_445, %broadcast_in_dim3A_439 : vector<16xi1>, vector<16xi32>
    %broadcast_in_dim3A_447 = vector.shape_cast %select_n3A_446 : vector<16xi32> to vector<16x1xi32>
    %gather3A_448 = vector.shape_cast %broadcast_in_dim3A_447 : vector<16x1xi32> to vector<16xi32>
    %gather3A_449 = tpu.dynamic_gather %or3A[%gather3A_448] in [0] : vector<16xi32>, vector<16xi32> -> vector<16xi32>
    %shift_right_logical3A_450 = arith.shrui %gather3A_449, %iota3A : vector<16xi32>
    %and3A_451 = arith.constant 1 : i32
    %and3A_452 = vector.broadcast %and3A_451 : i32 to vector<16xi32>
    %and3A_453 = arith.andi %shift_right_logical3A_450, %and3A_452 : vector<16xi32>
    %eq3A_454 = arith.constant 1 : i32
    %eq3A_455 = vector.broadcast %eq3A_454 : i32 to vector<16xi32>
    %eq3A_456 = arith.cmpi eq, %and3A_453, %eq3A_455 : vector<16xi32>
    %jit3A_457 = arith.constant -1.000000e+00 : f32
    %jit3A_458 = arith.constant 1.000000e+00 : f32
    %broadcast_in_dim3A_459 = vector.broadcast %jit3A_457 : f32 to vector<16xf32>
    %broadcast_in_dim3A_460 = vector.broadcast %jit3A_458 : f32 to vector<16xf32>
    %select_n3A_461 = arith.select %eq3A_456, %broadcast_in_dim3A_459, %broadcast_in_dim3A_460 : vector<16xi1>, vector<16xf32>
    %swap3A_462 = arith.constant 320 : index
    %swap3A_463 = tpu.vector_load %arg13[%swap3A_462] {strides = array<i32>} : memref<1024xf32, #tpu.memory_space<vmem>>, vector<16xf32>,
    tpu.vector_store %arg13[%swap3A_462], %select_n3A_461 {strides = array<i32>} : memref<1024xf32, #tpu.memory_space<vmem>>, vector<16xf32>,
    %add3A_464 = arith.constant 16 : i32
    %add3A_465 = vector.broadcast %add3A_464 : i32 to vector<16xi32>
    %add3A_466 = arith.addi %iota3A, %add3A_465 : vector<16xi32>
    %shift_right_logical3A_467 = arith.shrui %gather3A_449, %add3A_466 : vector<16xi32>
    %and3A_468 = arith.constant 1 : i32
    %and3A_469 = vector.broadcast %and3A_468 : i32 to vector<16xi32>
    %and3A_470 = arith.andi %shift_right_logical3A_467, %and3A_469 : vector<16xi32>
    %eq3A_471 = arith.constant 1 : i32
    %eq3A_472 = vector.broadcast %eq3A_471 : i32 to vector<16xi32>
    %eq3A_473 = arith.cmpi eq, %and3A_470, %eq3A_472 : vector<16xi32>
    %jit3A_474 = arith.constant -1.000000e+00 : f32
    %jit3A_475 = arith.constant 1.000000e+00 : f32
    %broadcast_in_dim3A_476 = vector.broadcast %jit3A_474 : f32 to vector<16xf32>
    %broadcast_in_dim3A_477 = vector.broadcast %jit3A_475 : f32 to vector<16xf32>
    %select_n3A_478 = arith.select %eq3A_473, %broadcast_in_dim3A_476, %broadcast_in_dim3A_477 : vector<16xi1>, vector<16xf32>
    %swap3A_479 = arith.constant 336 : index
    %swap3A_480 = tpu.vector_load %arg13[%swap3A_479] {strides = array<i32>} : memref<1024xf32, #tpu.memory_space<vmem>>, vector<16xf32>,
    tpu.vector_store %arg13[%swap3A_479], %select_n3A_478 {strides = array<i32>} : memref<1024xf32, #tpu.memory_space<vmem>>, vector<16xf32>,
    %broadcast_in_dim3A_481 = arith.constant 11 : i32
    %broadcast_in_dim3A_482 = vector.broadcast %broadcast_in_dim3A_481 : i32 to vector<16xi32>
    %lt3A_483 = arith.constant 0 : i32
    %lt3A_484 = vector.broadcast %lt3A_483 : i32 to vector<16xi32>
    %lt3A_485 = arith.cmpi slt, %broadcast_in_dim3A_482, %lt3A_484 : vector<16xi32>
    %add3A_486 = arith.constant 16 : i32
    %add3A_487 = vector.broadcast %add3A_486 : i32 to vector<16xi32>
    %add3A_488 = arith.addi %broadcast_in_dim3A_482, %add3A_487 : vector<16xi32>
    %select_n3A_489 = arith.select %lt3A_485, %add3A_488, %broadcast_in_dim3A_482 : vector<16xi1>, vector<16xi32>
    %broadcast_in_dim3A_490 = vector.shape_cast %select_n3A_489 : vector<16xi32> to vector<16x1xi32>
    %gather3A_491 = vector.shape_cast %broadcast_in_dim3A_490 : vector<16x1xi32> to vector<16xi32>
    %gather3A_492 = tpu.dynamic_gather %or3A[%gather3A_491] in [0] : vector<16xi32>, vector<16xi32> -> vector<16xi32>
    %shift_right_logical3A_493 = arith.shrui %gather3A_492, %iota3A : vector<16xi32>
    %and3A_494 = arith.constant 1 : i32
    %and3A_495 = vector.broadcast %and3A_494 : i32 to vector<16xi32>
    %and3A_496 = arith.andi %shift_right_logical3A_493, %and3A_495 : vector<16xi32>
    %eq3A_497 = arith.constant 1 : i32
    %eq3A_498 = vector.broadcast %eq3A_497 : i32 to vector<16xi32>
    %eq3A_499 = arith.cmpi eq, %and3A_496, %eq3A_498 : vector<16xi32>
    %jit3A_500 = arith.constant -1.000000e+00 : f32
    %jit3A_501 = arith.constant 1.000000e+00 : f32
    %broadcast_in_dim3A_502 = vector.broadcast %jit3A_500 : f32 to vector<16xf32>
    %broadcast_in_dim3A_503 = vector.broadcast %jit3A_501 : f32 to vector<16xf32>
    %select_n3A_504 = arith.select %eq3A_499, %broadcast_in_dim3A_502, %broadcast_in_dim3A_503 : vector<16xi1>, vector<16xf32>
    %swap3A_505 = arith.constant 352 : index
    %swap3A_506 = tpu.vector_load %arg13[%swap3A_505] {strides = array<i32>} : memref<1024xf32, #tpu.memory_space<vmem>>, vector<16xf32>,
    tpu.vector_store %arg13[%swap3A_505], %select_n3A_504 {strides = array<i32>} : memref<1024xf32, #tpu.memory_space<vmem>>, vector<16xf32>,
    %add3A_507 = arith.constant 16 : i32
    %add3A_508 = vector.broadcast %add3A_507 : i32 to vector<16xi32>
    %add3A_509 = arith.addi %iota3A, %add3A_508 : vector<16xi32>
    %shift_right_logical3A_510 = arith.shrui %gather3A_492, %add3A_509 : vector<16xi32>
    %and3A_511 = arith.constant 1 : i32
    %and3A_512 = vector.broadcast %and3A_511 : i32 to vector<16xi32>
    %and3A_513 = arith.andi %shift_right_logical3A_510, %and3A_512 : vector<16xi32>
    %eq3A_514 = arith.constant 1 : i32
    %eq3A_515 = vector.broadcast %eq3A_514 : i32 to vector<16xi32>
    %eq3A_516 = arith.cmpi eq, %and3A_513, %eq3A_515 : vector<16xi32>
    %jit3A_517 = arith.constant -1.000000e+00 : f32
    %jit3A_518 = arith.constant 1.000000e+00 : f32
    %broadcast_in_dim3A_519 = vector.broadcast %jit3A_517 : f32 to vector<16xf32>
    %broadcast_in_dim3A_520 = vector.broadcast %jit3A_518 : f32 to vector<16xf32>
    %select_n3A_521 = arith.select %eq3A_516, %broadcast_in_dim3A_519, %broadcast_in_dim3A_520 : vector<16xi1>, vector<16xf32>
    %swap3A_522 = arith.constant 368 : index
    %swap3A_523 = tpu.vector_load %arg13[%swap3A_522] {strides = array<i32>} : memref<1024xf32, #tpu.memory_space<vmem>>, vector<16xf32>,
    tpu.vector_store %arg13[%swap3A_522], %select_n3A_521 {strides = array<i32>} : memref<1024xf32, #tpu.memory_space<vmem>>, vector<16xf32>,
    %broadcast_in_dim3A_524 = arith.constant 12 : i32
    %broadcast_in_dim3A_525 = vector.broadcast %broadcast_in_dim3A_524 : i32 to vector<16xi32>
    %lt3A_526 = arith.constant 0 : i32
    %lt3A_527 = vector.broadcast %lt3A_526 : i32 to vector<16xi32>
    %lt3A_528 = arith.cmpi slt, %broadcast_in_dim3A_525, %lt3A_527 : vector<16xi32>
    %add3A_529 = arith.constant 16 : i32
    %add3A_530 = vector.broadcast %add3A_529 : i32 to vector<16xi32>
    %add3A_531 = arith.addi %broadcast_in_dim3A_525, %add3A_530 : vector<16xi32>
    %select_n3A_532 = arith.select %lt3A_528, %add3A_531, %broadcast_in_dim3A_525 : vector<16xi1>, vector<16xi32>
    %broadcast_in_dim3A_533 = vector.shape_cast %select_n3A_532 : vector<16xi32> to vector<16x1xi32>
    %gather3A_534 = vector.shape_cast %broadcast_in_dim3A_533 : vector<16x1xi32> to vector<16xi32>
    %gather3A_535 = tpu.dynamic_gather %or3A[%gather3A_534] in [0] : vector<16xi32>, vector<16xi32> -> vector<16xi32>
    %shift_right_logical3A_536 = arith.shrui %gather3A_535, %iota3A : vector<16xi32>
    %and3A_537 = arith.constant 1 : i32
    %and3A_538 = vector.broadcast %and3A_537 : i32 to vector<16xi32>
    %and3A_539 = arith.andi %shift_right_logical3A_536, %and3A_538 : vector<16xi32>
    %eq3A_540 = arith.constant 1 : i32
    %eq3A_541 = vector.broadcast %eq3A_540 : i32 to vector<16xi32>
    %eq3A_542 = arith.cmpi eq, %and3A_539, %eq3A_541 : vector<16xi32>
    %jit3A_543 = arith.constant -1.000000e+00 : f32
    %jit3A_544 = arith.constant 1.000000e+00 : f32
    %broadcast_in_dim3A_545 = vector.broadcast %jit3A_543 : f32 to vector<16xf32>
    %broadcast_in_dim3A_546 = vector.broadcast %jit3A_544 : f32 to vector<16xf32>
    %select_n3A_547 = arith.select %eq3A_542, %broadcast_in_dim3A_545, %broadcast_in_dim3A_546 : vector<16xi1>, vector<16xf32>
    %swap3A_548 = arith.constant 384 : index
    %swap3A_549 = tpu.vector_load %arg13[%swap3A_548] {strides = array<i32>} : memref<1024xf32, #tpu.memory_space<vmem>>, vector<16xf32>,
    tpu.vector_store %arg13[%swap3A_548], %select_n3A_547 {strides = array<i32>} : memref<1024xf32, #tpu.memory_space<vmem>>, vector<16xf32>,
    %add3A_550 = arith.constant 16 : i32
    %add3A_551 = vector.broadcast %add3A_550 : i32 to vector<16xi32>
    %add3A_552 = arith.addi %iota3A, %add3A_551 : vector<16xi32>
    %shift_right_logical3A_553 = arith.shrui %gather3A_535, %add3A_552 : vector<16xi32>
    %and3A_554 = arith.constant 1 : i32
    %and3A_555 = vector.broadcast %and3A_554 : i32 to vector<16xi32>
    %and3A_556 = arith.andi %shift_right_logical3A_553, %and3A_555 : vector<16xi32>
    %eq3A_557 = arith.constant 1 : i32
    %eq3A_558 = vector.broadcast %eq3A_557 : i32 to vector<16xi32>
    %eq3A_559 = arith.cmpi eq, %and3A_556, %eq3A_558 : vector<16xi32>
    %jit3A_560 = arith.constant -1.000000e+00 : f32
    %jit3A_561 = arith.constant 1.000000e+00 : f32
    %broadcast_in_dim3A_562 = vector.broadcast %jit3A_560 : f32 to vector<16xf32>
    %broadcast_in_dim3A_563 = vector.broadcast %jit3A_561 : f32 to vector<16xf32>
    %select_n3A_564 = arith.select %eq3A_559, %broadcast_in_dim3A_562, %broadcast_in_dim3A_563 : vector<16xi1>, vector<16xf32>
    %swap3A_565 = arith.constant 400 : index
    %swap3A_566 = tpu.vector_load %arg13[%swap3A_565] {strides = array<i32>} : memref<1024xf32, #tpu.memory_space<vmem>>, vector<16xf32>,
    tpu.vector_store %arg13[%swap3A_565], %select_n3A_564 {strides = array<i32>} : memref<1024xf32, #tpu.memory_space<vmem>>, vector<16xf32>,
    %broadcast_in_dim3A_567 = arith.constant 13 : i32
    %broadcast_in_dim3A_568 = vector.broadcast %broadcast_in_dim3A_567 : i32 to vector<16xi32>
    %lt3A_569 = arith.constant 0 : i32
    %lt3A_570 = vector.broadcast %lt3A_569 : i32 to vector<16xi32>
    %lt3A_571 = arith.cmpi slt, %broadcast_in_dim3A_568, %lt3A_570 : vector<16xi32>
    %add3A_572 = arith.constant 16 : i32
    %add3A_573 = vector.broadcast %add3A_572 : i32 to vector<16xi32>
    %add3A_574 = arith.addi %broadcast_in_dim3A_568, %add3A_573 : vector<16xi32>
    %select_n3A_575 = arith.select %lt3A_571, %add3A_574, %broadcast_in_dim3A_568 : vector<16xi1>, vector<16xi32>
    %broadcast_in_dim3A_576 = vector.shape_cast %select_n3A_575 : vector<16xi32> to vector<16x1xi32>
    %gather3A_577 = vector.shape_cast %broadcast_in_dim3A_576 : vector<16x1xi32> to vector<16xi32>
    %gather3A_578 = tpu.dynamic_gather %or3A[%gather3A_577] in [0] : vector<16xi32>, vector<16xi32> -> vector<16xi32>
    %shift_right_logical3A_579 = arith.shrui %gather3A_578, %iota3A : vector<16xi32>
    %and3A_580 = arith.constant 1 : i32
    %and3A_581 = vector.broadcast %and3A_580 : i32 to vector<16xi32>
    %and3A_582 = arith.andi %shift_right_logical3A_579, %and3A_581 : vector<16xi32>
    %eq3A_583 = arith.constant 1 : i32
    %eq3A_584 = vector.broadcast %eq3A_583 : i32 to vector<16xi32>
    %eq3A_585 = arith.cmpi eq, %and3A_582, %eq3A_584 : vector<16xi32>
    %jit3A_586 = arith.constant -1.000000e+00 : f32
    %jit3A_587 = arith.constant 1.000000e+00 : f32
    %broadcast_in_dim3A_588 = vector.broadcast %jit3A_586 : f32 to vector<16xf32>
    %broadcast_in_dim3A_589 = vector.broadcast %jit3A_587 : f32 to vector<16xf32>
    %select_n3A_590 = arith.select %eq3A_585, %broadcast_in_dim3A_588, %broadcast_in_dim3A_589 : vector<16xi1>, vector<16xf32>
    %swap3A_591 = arith.constant 416 : index
    %swap3A_592 = tpu.vector_load %arg13[%swap3A_591] {strides = array<i32>} : memref<1024xf32, #tpu.memory_space<vmem>>, vector<16xf32>,
    tpu.vector_store %arg13[%swap3A_591], %select_n3A_590 {strides = array<i32>} : memref<1024xf32, #tpu.memory_space<vmem>>, vector<16xf32>,
    %add3A_593 = arith.constant 16 : i32
    %add3A_594 = vector.broadcast %add3A_593 : i32 to vector<16xi32>
    %add3A_595 = arith.addi %iota3A, %add3A_594 : vector<16xi32>
    %shift_right_logical3A_596 = arith.shrui %gather3A_578, %add3A_595 : vector<16xi32>
    %and3A_597 = arith.constant 1 : i32
    %and3A_598 = vector.broadcast %and3A_597 : i32 to vector<16xi32>
    %and3A_599 = arith.andi %shift_right_logical3A_596, %and3A_598 : vector<16xi32>
    %eq3A_600 = arith.constant 1 : i32
    %eq3A_601 = vector.broadcast %eq3A_600 : i32 to vector<16xi32>
    %eq3A_602 = arith.cmpi eq, %and3A_599, %eq3A_601 : vector<16xi32>
    %jit3A_603 = arith.constant -1.000000e+00 : f32
    %jit3A_604 = arith.constant 1.000000e+00 : f32
    %broadcast_in_dim3A_605 = vector.broadcast %jit3A_603 : f32 to vector<16xf32>
    %broadcast_in_dim3A_606 = vector.broadcast %jit3A_604 : f32 to vector<16xf32>
    %select_n3A_607 = arith.select %eq3A_602, %broadcast_in_dim3A_605, %broadcast_in_dim3A_606 : vector<16xi1>, vector<16xf32>
    %swap3A_608 = arith.constant 432 : index
    %swap3A_609 = tpu.vector_load %arg13[%swap3A_608] {strides = array<i32>} : memref<1024xf32, #tpu.memory_space<vmem>>, vector<16xf32>,
    tpu.vector_store %arg13[%swap3A_608], %select_n3A_607 {strides = array<i32>} : memref<1024xf32, #tpu.memory_space<vmem>>, vector<16xf32>,
    %broadcast_in_dim3A_610 = arith.constant 14 : i32
    %broadcast_in_dim3A_611 = vector.broadcast %broadcast_in_dim3A_610 : i32 to vector<16xi32>
    %lt3A_612 = arith.constant 0 : i32
    %lt3A_613 = vector.broadcast %lt3A_612 : i32 to vector<16xi32>
    %lt3A_614 = arith.cmpi slt, %broadcast_in_dim3A_611, %lt3A_613 : vector<16xi32>
    %add3A_615 = arith.constant 16 : i32
    %add3A_616 = vector.broadcast %add3A_615 : i32 to vector<16xi32>
    %add3A_617 = arith.addi %broadcast_in_dim3A_611, %add3A_616 : vector<16xi32>
    %select_n3A_618 = arith.select %lt3A_614, %add3A_617, %broadcast_in_dim3A_611 : vector<16xi1>, vector<16xi32>
    %broadcast_in_dim3A_619 = vector.shape_cast %select_n3A_618 : vector<16xi32> to vector<16x1xi32>
    %gather3A_620 = vector.shape_cast %broadcast_in_dim3A_619 : vector<16x1xi32> to vector<16xi32>
    %gather3A_621 = tpu.dynamic_gather %or3A[%gather3A_620] in [0] : vector<16xi32>, vector<16xi32> -> vector<16xi32>
    %shift_right_logical3A_622 = arith.shrui %gather3A_621, %iota3A : vector<16xi32>
    %and3A_623 = arith.constant 1 : i32
    %and3A_624 = vector.broadcast %and3A_623 : i32 to vector<16xi32>
    %and3A_625 = arith.andi %shift_right_logical3A_622, %and3A_624 : vector<16xi32>
    %eq3A_626 = arith.constant 1 : i32
    %eq3A_627 = vector.broadcast %eq3A_626 : i32 to vector<16xi32>
    %eq3A_628 = arith.cmpi eq, %and3A_625, %eq3A_627 : vector<16xi32>
    %jit3A_629 = arith.constant -1.000000e+00 : f32
    %jit3A_630 = arith.constant 1.000000e+00 : f32
    %broadcast_in_dim3A_631 = vector.broadcast %jit3A_629 : f32 to vector<16xf32>
    %broadcast_in_dim3A_632 = vector.broadcast %jit3A_630 : f32 to vector<16xf32>
    %select_n3A_633 = arith.select %eq3A_628, %broadcast_in_dim3A_631, %broadcast_in_dim3A_632 : vector<16xi1>, vector<16xf32>
    %swap3A_634 = arith.constant 448 : index
    %swap3A_635 = tpu.vector_load %arg13[%swap3A_634] {strides = array<i32>} : memref<1024xf32, #tpu.memory_space<vmem>>, vector<16xf32>,
    tpu.vector_store %arg13[%swap3A_634], %select_n3A_633 {strides = array<i32>} : memref<1024xf32, #tpu.memory_space<vmem>>, vector<16xf32>,
    %add3A_636 = arith.constant 16 : i32
    %add3A_637 = vector.broadcast %add3A_636 : i32 to vector<16xi32>
    %add3A_638 = arith.addi %iota3A, %add3A_637 : vector<16xi32>
    %shift_right_logical3A_639 = arith.shrui %gather3A_621, %add3A_638 : vector<16xi32>
    %and3A_640 = arith.constant 1 : i32
    %and3A_641 = vector.broadcast %and3A_640 : i32 to vector<16xi32>
    %and3A_642 = arith.andi %shift_right_logical3A_639, %and3A_641 : vector<16xi32>
    %eq3A_643 = arith.constant 1 : i32
    %eq3A_644 = vector.broadcast %eq3A_643 : i32 to vector<16xi32>
    %eq3A_645 = arith.cmpi eq, %and3A_642, %eq3A_644 : vector<16xi32>
    %jit3A_646 = arith.constant -1.000000e+00 : f32
    %jit3A_647 = arith.constant 1.000000e+00 : f32
    %broadcast_in_dim3A_648 = vector.broadcast %jit3A_646 : f32 to vector<16xf32>
    %broadcast_in_dim3A_649 = vector.broadcast %jit3A_647 : f32 to vector<16xf32>
    %select_n3A_650 = arith.select %eq3A_645, %broadcast_in_dim3A_648, %broadcast_in_dim3A_649 : vector<16xi1>, vector<16xf32>
    %swap3A_651 = arith.constant 464 : index
    %swap3A_652 = tpu.vector_load %arg13[%swap3A_651] {strides = array<i32>} : memref<1024xf32, #tpu.memory_space<vmem>>, vector<16xf32>,
    tpu.vector_store %arg13[%swap3A_651], %select_n3A_650 {strides = array<i32>} : memref<1024xf32, #tpu.memory_space<vmem>>, vector<16xf32>,
    %broadcast_in_dim3A_653 = arith.constant 15 : i32
    %broadcast_in_dim3A_654 = vector.broadcast %broadcast_in_dim3A_653 : i32 to vector<16xi32>
    %lt3A_655 = arith.constant 0 : i32
    %lt3A_656 = vector.broadcast %lt3A_655 : i32 to vector<16xi32>
    %lt3A_657 = arith.cmpi slt, %broadcast_in_dim3A_654, %lt3A_656 : vector<16xi32>
    %add3A_658 = arith.constant 16 : i32
    %add3A_659 = vector.broadcast %add3A_658 : i32 to vector<16xi32>
    %add3A_660 = arith.addi %broadcast_in_dim3A_654, %add3A_659 : vector<16xi32>
    %select_n3A_661 = arith.select %lt3A_657, %add3A_660, %broadcast_in_dim3A_654 : vector<16xi1>, vector<16xi32>
    %broadcast_in_dim3A_662 = vector.shape_cast %select_n3A_661 : vector<16xi32> to vector<16x1xi32>
    %gather3A_663 = vector.shape_cast %broadcast_in_dim3A_662 : vector<16x1xi32> to vector<16xi32>
    %gather3A_664 = tpu.dynamic_gather %or3A[%gather3A_663] in [0] : vector<16xi32>, vector<16xi32> -> vector<16xi32>
    %shift_right_logical3A_665 = arith.shrui %gather3A_664, %iota3A : vector<16xi32>
    %and3A_666 = arith.constant 1 : i32
    %and3A_667 = vector.broadcast %and3A_666 : i32 to vector<16xi32>
    %and3A_668 = arith.andi %shift_right_logical3A_665, %and3A_667 : vector<16xi32>
    %eq3A_669 = arith.constant 1 : i32
    %eq3A_670 = vector.broadcast %eq3A_669 : i32 to vector<16xi32>
    %eq3A_671 = arith.cmpi eq, %and3A_668, %eq3A_670 : vector<16xi32>
    %jit3A_672 = arith.constant -1.000000e+00 : f32
    %jit3A_673 = arith.constant 1.000000e+00 : f32
    %broadcast_in_dim3A_674 = vector.broadcast %jit3A_672 : f32 to vector<16xf32>
    %broadcast_in_dim3A_675 = vector.broadcast %jit3A_673 : f32 to vector<16xf32>
    %select_n3A_676 = arith.select %eq3A_671, %broadcast_in_dim3A_674, %broadcast_in_dim3A_675 : vector<16xi1>, vector<16xf32>
    %swap3A_677 = arith.constant 480 : index
    %swap3A_678 = tpu.vector_load %arg13[%swap3A_677] {strides = array<i32>} : memref<1024xf32, #tpu.memory_space<vmem>>, vector<16xf32>,
    tpu.vector_store %arg13[%swap3A_677], %select_n3A_676 {strides = array<i32>} : memref<1024xf32, #tpu.memory_space<vmem>>, vector<16xf32>,
    %add3A_679 = arith.constant 16 : i32
    %add3A_680 = vector.broadcast %add3A_679 : i32 to vector<16xi32>
    %add3A_681 = arith.addi %iota3A, %add3A_680 : vector<16xi32>
    %shift_right_logical3A_682 = arith.shrui %gather3A_664, %add3A_681 : vector<16xi32>
    %and3A_683 = arith.constant 1 : i32
    %and3A_684 = vector.broadcast %and3A_683 : i32 to vector<16xi32>
    %and3A_685 = arith.andi %shift_right_logical3A_682, %and3A_684 : vector<16xi32>
    %eq3A_686 = arith.constant 1 : i32
    %eq3A_687 = vector.broadcast %eq3A_686 : i32 to vector<16xi32>
    %eq3A_688 = arith.cmpi eq, %and3A_685, %eq3A_687 : vector<16xi32>
    %jit3A_689 = arith.constant -1.000000e+00 : f32
    %jit3A_690 = arith.constant 1.000000e+00 : f32
    %broadcast_in_dim3A_691 = vector.broadcast %jit3A_689 : f32 to vector<16xf32>
    %broadcast_in_dim3A_692 = vector.broadcast %jit3A_690 : f32 to vector<16xf32>
    %select_n3A_693 = arith.select %eq3A_688, %broadcast_in_dim3A_691, %broadcast_in_dim3A_692 : vector<16xi1>, vector<16xf32>
    %swap3A_694 = arith.constant 496 : index
    %swap3A_695 = tpu.vector_load %arg13[%swap3A_694] {strides = array<i32>} : memref<1024xf32, #tpu.memory_space<vmem>>, vector<16xf32>,
    tpu.vector_store %arg13[%swap3A_694], %select_n3A_693 {strides = array<i32>} : memref<1024xf32, #tpu.memory_space<vmem>>, vector<16xf32>,
    %broadcast_in_dim3A_696 = arith.constant 0 : i32
    %broadcast_in_dim3A_697 = vector.broadcast %broadcast_in_dim3A_696 : i32 to vector<16xi32>
    %scan3A_698 = arith.constant 0 : i32
    %scan3A_699 = arith.constant 47 : i32
    %scan3A_700 = arith.addi %scan3A_698, %scan3A_699 : i32
    %scan3A_701 = arith.constant 1 : i32
    %scan3A_702:6 = scf.for %scan3A_2800 = %scan3A_698 to %scan3A_700 step %scan3A_701 iter_args(%scan3A_2801 = %broadcast_in_dim3A_697, %scan3A_2802 = %broadcast_in_dim3A_697, %scan3A_2803 = %broadcast_in_dim3A_697, %scan3A_2804 = %broadcast_in_dim3A_697, %scan3A_2805 = %broadcast_in_dim3A_697, %scan3A_2806 = %broadcast_in_dim3A_697) -> (vector<16xi32>, vector<16xi32>, vector<16xi32>, vector<16xi32>, vector<16xi32>, vector<16xi32>)  : i32 {
      %mul3A_2807 = arith.constant 32 : i32
      %mul3A_2808 = arith.muli %scan3A_2800, %mul3A_2807 : i32
      %add3A_2809 = arith.constant 16 : i32
      %add3A_2810 = arith.addi %mul3A_2808, %add3A_2809 : i32
      %get3A = arith.index_cast %add3A_2810 : i32 to index
      %get3A_2811 = tpu.vector_load %arg12[%get3A] {strides = array<i32>} : memref<1600xi32, #tpu.memory_space<vmem>>, vector<16xi32>,
      %add3A_2812 = arith.constant 1 : i32
      %add3A_2813 = arith.addi %scan3A_2800, %add3A_2812 : i32
      %mul3A_2814 = arith.constant 32 : i32
      %mul3A_2815 = arith.muli %add3A_2813, %mul3A_2814 : i32
      %add3A_2816 = arith.constant 16 : i32
      %add3A_2817 = arith.addi %mul3A_2815, %add3A_2816 : i32
      %get3A_2818 = arith.index_cast %add3A_2817 : i32 to index
      %get3A_2819 = tpu.vector_load %arg11[%get3A_2818] {strides = array<i32>} : memref<1600xi32, #tpu.memory_space<vmem>>, vector<16xi32>,
      %xor3A = arith.xori %get3A_2811, %get3A_2819 : vector<16xi32>
      %add3A_2820 = arith.constant 2 : i32
      %add3A_2821 = arith.addi %scan3A_2800, %add3A_2820 : i32
      %mul3A_2822 = arith.constant 32 : i32
      %mul3A_2823 = arith.muli %add3A_2821, %mul3A_2822 : i32
      %add3A_2824 = arith.constant 16 : i32
      %add3A_2825 = arith.addi %mul3A_2823, %add3A_2824 : i32
      %get3A_2826 = arith.index_cast %add3A_2825 : i32 to index
      %get3A_2827 = tpu.vector_load %arg10[%get3A_2826] {strides = array<i32>} : memref<1600xi32, #tpu.memory_space<vmem>>, vector<16xi32>,
      %xor3A_2828 = arith.xori %xor3A, %get3A_2827 : vector<16xi32>
      %add3A_2829 = arith.constant 3 : i32
      %add3A_2830 = arith.addi %scan3A_2800, %add3A_2829 : i32
      %mul3A_2831 = arith.constant 33 : i32
      %mul3A_2832 = arith.muli %add3A_2830, %mul3A_2831 : i32
      %add3A_2833 = arith.constant 1 : i32
      %add3A_2834 = arith.addi %mul3A_2832, %add3A_2833 : i32
      %add3A_2835 = arith.constant 16 : i32
      %add3A_2836 = arith.addi %add3A_2834, %add3A_2835 : i32
      %get3A_2837 = arith.index_cast %add3A_2836 : i32 to index
      %get3A_2838 = tpu.vector_load %arg9[%get3A_2837] {strides = array<i32>} : memref<1650xi32, #tpu.memory_space<vmem>>, vector<16xi32>,
      %xor3A_2839 = arith.xori %xor3A_2828, %get3A_2838 : vector<16xi32>
      %xor3A_2840 = arith.xori %scan3A_2801, %xor3A_2839 : vector<16xi32>
      %and3A_2841 = arith.andi %scan3A_2801, %xor3A_2839 : vector<16xi32>
      %xor3A_2842 = arith.xori %scan3A_2802, %and3A_2841 : vector<16xi32>
      %and3A_2843 = arith.andi %scan3A_2802, %and3A_2841 : vector<16xi32>
      %xor3A_2844 = arith.xori %scan3A_2803, %and3A_2843 : vector<16xi32>
      %and3A_2845 = arith.andi %scan3A_2803, %and3A_2843 : vector<16xi32>
      %xor3A_2846 = arith.xori %scan3A_2804, %and3A_2845 : vector<16xi32>
      %and3A_2847 = arith.andi %scan3A_2804, %and3A_2845 : vector<16xi32>
      %xor3A_2848 = arith.xori %scan3A_2805, %and3A_2847 : vector<16xi32>
      %and3A_2849 = arith.andi %scan3A_2805, %and3A_2847 : vector<16xi32>
      %xor3A_2850 = arith.xori %scan3A_2806, %and3A_2849 : vector<16xi32>
      %and3A_2851 = arith.andi %scan3A_2806, %and3A_2849 : vector<16xi32>
      scf.yield %xor3A_2840, %xor3A_2842, %xor3A_2844, %xor3A_2846, %xor3A_2848, %xor3A_2850 : vector<16xi32>, vector<16xi32>, vector<16xi32>, vector<16xi32>, vector<16xi32>, vector<16xi32>
    }
    %scan3A_703 = arith.constant 47 : i32
    %and3A_704 = arith.andi %scan3A_702#4, %scan3A_702#3 : vector<16xi32>
    %or3A_705 = arith.ori %scan3A_702#5, %and3A_704 : vector<16xi32>
    %broadcast_in_dim3A_706 = arith.constant 0 : i32
    %broadcast_in_dim3A_707 = vector.broadcast %broadcast_in_dim3A_706 : i32 to vector<16xi32>
    %lt3A_708 = arith.constant 0 : i32
    %lt3A_709 = vector.broadcast %lt3A_708 : i32 to vector<16xi32>
    %lt3A_710 = arith.cmpi slt, %broadcast_in_dim3A_707, %lt3A_709 : vector<16xi32>
    %add3A_711 = arith.constant 16 : i32
    %add3A_712 = vector.broadcast %add3A_711 : i32 to vector<16xi32>
    %add3A_713 = arith.addi %broadcast_in_dim3A_707, %add3A_712 : vector<16xi32>
    %select_n3A_714 = arith.select %lt3A_710, %add3A_713, %broadcast_in_dim3A_707 : vector<16xi1>, vector<16xi32>
    %broadcast_in_dim3A_715 = vector.shape_cast %select_n3A_714 : vector<16xi32> to vector<16x1xi32>
    %gather3A_716 = vector.shape_cast %broadcast_in_dim3A_715 : vector<16x1xi32> to vector<16xi32>
    %gather3A_717 = tpu.dynamic_gather %or3A_705[%gather3A_716] in [0] : vector<16xi32>, vector<16xi32> -> vector<16xi32>
    %shift_right_logical3A_718 = arith.shrui %gather3A_717, %iota3A : vector<16xi32>
    %and3A_719 = arith.constant 1 : i32
    %and3A_720 = vector.broadcast %and3A_719 : i32 to vector<16xi32>
    %and3A_721 = arith.andi %shift_right_logical3A_718, %and3A_720 : vector<16xi32>
    %eq3A_722 = arith.constant 1 : i32
    %eq3A_723 = vector.broadcast %eq3A_722 : i32 to vector<16xi32>
    %eq3A_724 = arith.cmpi eq, %and3A_721, %eq3A_723 : vector<16xi32>
    %jit3A_725 = arith.constant -1.000000e+00 : f32
    %jit3A_726 = arith.constant 1.000000e+00 : f32
    %broadcast_in_dim3A_727 = vector.broadcast %jit3A_725 : f32 to vector<16xf32>
    %broadcast_in_dim3A_728 = vector.broadcast %jit3A_726 : f32 to vector<16xf32>
    %select_n3A_729 = arith.select %eq3A_724, %broadcast_in_dim3A_727, %broadcast_in_dim3A_728 : vector<16xi1>, vector<16xf32>
    %swap3A_730 = arith.constant 512 : index
    %swap3A_731 = tpu.vector_load %arg13[%swap3A_730] {strides = array<i32>} : memref<1024xf32, #tpu.memory_space<vmem>>, vector<16xf32>,
    tpu.vector_store %arg13[%swap3A_730], %select_n3A_729 {strides = array<i32>} : memref<1024xf32, #tpu.memory_space<vmem>>, vector<16xf32>,
    %add3A_732 = arith.constant 16 : i32
    %add3A_733 = vector.broadcast %add3A_732 : i32 to vector<16xi32>
    %add3A_734 = arith.addi %iota3A, %add3A_733 : vector<16xi32>
    %shift_right_logical3A_735 = arith.shrui %gather3A_717, %add3A_734 : vector<16xi32>
    %and3A_736 = arith.constant 1 : i32
    %and3A_737 = vector.broadcast %and3A_736 : i32 to vector<16xi32>
    %and3A_738 = arith.andi %shift_right_logical3A_735, %and3A_737 : vector<16xi32>
    %eq3A_739 = arith.constant 1 : i32
    %eq3A_740 = vector.broadcast %eq3A_739 : i32 to vector<16xi32>
    %eq3A_741 = arith.cmpi eq, %and3A_738, %eq3A_740 : vector<16xi32>
    %jit3A_742 = arith.constant -1.000000e+00 : f32
    %jit3A_743 = arith.constant 1.000000e+00 : f32
    %broadcast_in_dim3A_744 = vector.broadcast %jit3A_742 : f32 to vector<16xf32>
    %broadcast_in_dim3A_745 = vector.broadcast %jit3A_743 : f32 to vector<16xf32>
    %select_n3A_746 = arith.select %eq3A_741, %broadcast_in_dim3A_744, %broadcast_in_dim3A_745 : vector<16xi1>, vector<16xf32>
    %swap3A_747 = arith.constant 528 : index
    %swap3A_748 = tpu.vector_load %arg13[%swap3A_747] {strides = array<i32>} : memref<1024xf32, #tpu.memory_space<vmem>>, vector<16xf32>,
    tpu.vector_store %arg13[%swap3A_747], %select_n3A_746 {strides = array<i32>} : memref<1024xf32, #tpu.memory_space<vmem>>, vector<16xf32>,
    %broadcast_in_dim3A_749 = arith.constant 1 : i32
    %broadcast_in_dim3A_750 = vector.broadcast %broadcast_in_dim3A_749 : i32 to vector<16xi32>
    %lt3A_751 = arith.constant 0 : i32
    %lt3A_752 = vector.broadcast %lt3A_751 : i32 to vector<16xi32>
    %lt3A_753 = arith.cmpi slt, %broadcast_in_dim3A_750, %lt3A_752 : vector<16xi32>
    %add3A_754 = arith.constant 16 : i32
    %add3A_755 = vector.broadcast %add3A_754 : i32 to vector<16xi32>
    %add3A_756 = arith.addi %broadcast_in_dim3A_750, %add3A_755 : vector<16xi32>
    %select_n3A_757 = arith.select %lt3A_753, %add3A_756, %broadcast_in_dim3A_750 : vector<16xi1>, vector<16xi32>
    %broadcast_in_dim3A_758 = vector.shape_cast %select_n3A_757 : vector<16xi32> to vector<16x1xi32>
    %gather3A_759 = vector.shape_cast %broadcast_in_dim3A_758 : vector<16x1xi32> to vector<16xi32>
    %gather3A_760 = tpu.dynamic_gather %or3A_705[%gather3A_759] in [0] : vector<16xi32>, vector<16xi32> -> vector<16xi32>
    %shift_right_logical3A_761 = arith.shrui %gather3A_760, %iota3A : vector<16xi32>
    %and3A_762 = arith.constant 1 : i32
    %and3A_763 = vector.broadcast %and3A_762 : i32 to vector<16xi32>
    %and3A_764 = arith.andi %shift_right_logical3A_761, %and3A_763 : vector<16xi32>
    %eq3A_765 = arith.constant 1 : i32
    %eq3A_766 = vector.broadcast %eq3A_765 : i32 to vector<16xi32>
    %eq3A_767 = arith.cmpi eq, %and3A_764, %eq3A_766 : vector<16xi32>
    %jit3A_768 = arith.constant -1.000000e+00 : f32
    %jit3A_769 = arith.constant 1.000000e+00 : f32
    %broadcast_in_dim3A_770 = vector.broadcast %jit3A_768 : f32 to vector<16xf32>
    %broadcast_in_dim3A_771 = vector.broadcast %jit3A_769 : f32 to vector<16xf32>
    %select_n3A_772 = arith.select %eq3A_767, %broadcast_in_dim3A_770, %broadcast_in_dim3A_771 : vector<16xi1>, vector<16xf32>
    %swap3A_773 = arith.constant 544 : index
    %swap3A_774 = tpu.vector_load %arg13[%swap3A_773] {strides = array<i32>} : memref<1024xf32, #tpu.memory_space<vmem>>, vector<16xf32>,
    tpu.vector_store %arg13[%swap3A_773], %select_n3A_772 {strides = array<i32>} : memref<1024xf32, #tpu.memory_space<vmem>>, vector<16xf32>,
    %add3A_775 = arith.constant 16 : i32
    %add3A_776 = vector.broadcast %add3A_775 : i32 to vector<16xi32>
    %add3A_777 = arith.addi %iota3A, %add3A_776 : vector<16xi32>
    %shift_right_logical3A_778 = arith.shrui %gather3A_760, %add3A_777 : vector<16xi32>
    %and3A_779 = arith.constant 1 : i32
    %and3A_780 = vector.broadcast %and3A_779 : i32 to vector<16xi32>
    %and3A_781 = arith.andi %shift_right_logical3A_778, %and3A_780 : vector<16xi32>
    %eq3A_782 = arith.constant 1 : i32
    %eq3A_783 = vector.broadcast %eq3A_782 : i32 to vector<16xi32>
    %eq3A_784 = arith.cmpi eq, %and3A_781, %eq3A_783 : vector<16xi32>
    %jit3A_785 = arith.constant -1.000000e+00 : f32
    %jit3A_786 = arith.constant 1.000000e+00 : f32
    %broadcast_in_dim3A_787 = vector.broadcast %jit3A_785 : f32 to vector<16xf32>
    %broadcast_in_dim3A_788 = vector.broadcast %jit3A_786 : f32 to vector<16xf32>
    %select_n3A_789 = arith.select %eq3A_784, %broadcast_in_dim3A_787, %broadcast_in_dim3A_788 : vector<16xi1>, vector<16xf32>
    %swap3A_790 = arith.constant 560 : index
    %swap3A_791 = tpu.vector_load %arg13[%swap3A_790] {strides = array<i32>} : memref<1024xf32, #tpu.memory_space<vmem>>, vector<16xf32>,
    tpu.vector_store %arg13[%swap3A_790], %select_n3A_789 {strides = array<i32>} : memref<1024xf32, #tpu.memory_space<vmem>>, vector<16xf32>,
    %broadcast_in_dim3A_792 = arith.constant 2 : i32
    %broadcast_in_dim3A_793 = vector.broadcast %broadcast_in_dim3A_792 : i32 to vector<16xi32>
    %lt3A_794 = arith.constant 0 : i32
    %lt3A_795 = vector.broadcast %lt3A_794 : i32 to vector<16xi32>
    %lt3A_796 = arith.cmpi slt, %broadcast_in_dim3A_793, %lt3A_795 : vector<16xi32>
    %add3A_797 = arith.constant 16 : i32
    %add3A_798 = vector.broadcast %add3A_797 : i32 to vector<16xi32>
    %add3A_799 = arith.addi %broadcast_in_dim3A_793, %add3A_798 : vector<16xi32>
    %select_n3A_800 = arith.select %lt3A_796, %add3A_799, %broadcast_in_dim3A_793 : vector<16xi1>, vector<16xi32>
    %broadcast_in_dim3A_801 = vector.shape_cast %select_n3A_800 : vector<16xi32> to vector<16x1xi32>
    %gather3A_802 = vector.shape_cast %broadcast_in_dim3A_801 : vector<16x1xi32> to vector<16xi32>
    %gather3A_803 = tpu.dynamic_gather %or3A_705[%gather3A_802] in [0] : vector<16xi32>, vector<16xi32> -> vector<16xi32>
    %shift_right_logical3A_804 = arith.shrui %gather3A_803, %iota3A : vector<16xi32>
    %and3A_805 = arith.constant 1 : i32
    %and3A_806 = vector.broadcast %and3A_805 : i32 to vector<16xi32>
    %and3A_807 = arith.andi %shift_right_logical3A_804, %and3A_806 : vector<16xi32>
    %eq3A_808 = arith.constant 1 : i32
    %eq3A_809 = vector.broadcast %eq3A_808 : i32 to vector<16xi32>
    %eq3A_810 = arith.cmpi eq, %and3A_807, %eq3A_809 : vector<16xi32>
    %jit3A_811 = arith.constant -1.000000e+00 : f32
    %jit3A_812 = arith.constant 1.000000e+00 : f32
    %broadcast_in_dim3A_813 = vector.broadcast %jit3A_811 : f32 to vector<16xf32>
    %broadcast_in_dim3A_814 = vector.broadcast %jit3A_812 : f32 to vector<16xf32>
    %select_n3A_815 = arith.select %eq3A_810, %broadcast_in_dim3A_813, %broadcast_in_dim3A_814 : vector<16xi1>, vector<16xf32>
    %swap3A_816 = arith.constant 576 : index
    %swap3A_817 = tpu.vector_load %arg13[%swap3A_816] {strides = array<i32>} : memref<1024xf32, #tpu.memory_space<vmem>>, vector<16xf32>,
    tpu.vector_store %arg13[%swap3A_816], %select_n3A_815 {strides = array<i32>} : memref<1024xf32, #tpu.memory_space<vmem>>, vector<16xf32>,
    %add3A_818 = arith.constant 16 : i32
    %add3A_819 = vector.broadcast %add3A_818 : i32 to vector<16xi32>
    %add3A_820 = arith.addi %iota3A, %add3A_819 : vector<16xi32>
    %shift_right_logical3A_821 = arith.shrui %gather3A_803, %add3A_820 : vector<16xi32>
    %and3A_822 = arith.constant 1 : i32
    %and3A_823 = vector.broadcast %and3A_822 : i32 to vector<16xi32>
    %and3A_824 = arith.andi %shift_right_logical3A_821, %and3A_823 : vector<16xi32>
    %eq3A_825 = arith.constant 1 : i32
    %eq3A_826 = vector.broadcast %eq3A_825 : i32 to vector<16xi32>
    %eq3A_827 = arith.cmpi eq, %and3A_824, %eq3A_826 : vector<16xi32>
    %jit3A_828 = arith.constant -1.000000e+00 : f32
    %jit3A_829 = arith.constant 1.000000e+00 : f32
    %broadcast_in_dim3A_830 = vector.broadcast %jit3A_828 : f32 to vector<16xf32>
    %broadcast_in_dim3A_831 = vector.broadcast %jit3A_829 : f32 to vector<16xf32>
    %select_n3A_832 = arith.select %eq3A_827, %broadcast_in_dim3A_830, %broadcast_in_dim3A_831 : vector<16xi1>, vector<16xf32>
    %swap3A_833 = arith.constant 592 : index
    %swap3A_834 = tpu.vector_load %arg13[%swap3A_833] {strides = array<i32>} : memref<1024xf32, #tpu.memory_space<vmem>>, vector<16xf32>,
    tpu.vector_store %arg13[%swap3A_833], %select_n3A_832 {strides = array<i32>} : memref<1024xf32, #tpu.memory_space<vmem>>, vector<16xf32>,
    %broadcast_in_dim3A_835 = arith.constant 3 : i32
    %broadcast_in_dim3A_836 = vector.broadcast %broadcast_in_dim3A_835 : i32 to vector<16xi32>
    %lt3A_837 = arith.constant 0 : i32
    %lt3A_838 = vector.broadcast %lt3A_837 : i32 to vector<16xi32>
    %lt3A_839 = arith.cmpi slt, %broadcast_in_dim3A_836, %lt3A_838 : vector<16xi32>
    %add3A_840 = arith.constant 16 : i32
    %add3A_841 = vector.broadcast %add3A_840 : i32 to vector<16xi32>
    %add3A_842 = arith.addi %broadcast_in_dim3A_836, %add3A_841 : vector<16xi32>
    %select_n3A_843 = arith.select %lt3A_839, %add3A_842, %broadcast_in_dim3A_836 : vector<16xi1>, vector<16xi32>
    %broadcast_in_dim3A_844 = vector.shape_cast %select_n3A_843 : vector<16xi32> to vector<16x1xi32>
    %gather3A_845 = vector.shape_cast %broadcast_in_dim3A_844 : vector<16x1xi32> to vector<16xi32>
    %gather3A_846 = tpu.dynamic_gather %or3A_705[%gather3A_845] in [0] : vector<16xi32>, vector<16xi32> -> vector<16xi32>
    %shift_right_logical3A_847 = arith.shrui %gather3A_846, %iota3A : vector<16xi32>
    %and3A_848 = arith.constant 1 : i32
    %and3A_849 = vector.broadcast %and3A_848 : i32 to vector<16xi32>
    %and3A_850 = arith.andi %shift_right_logical3A_847, %and3A_849 : vector<16xi32>
    %eq3A_851 = arith.constant 1 : i32
    %eq3A_852 = vector.broadcast %eq3A_851 : i32 to vector<16xi32>
    %eq3A_853 = arith.cmpi eq, %and3A_850, %eq3A_852 : vector<16xi32>
    %jit3A_854 = arith.constant -1.000000e+00 : f32
    %jit3A_855 = arith.constant 1.000000e+00 : f32
    %broadcast_in_dim3A_856 = vector.broadcast %jit3A_854 : f32 to vector<16xf32>
    %broadcast_in_dim3A_857 = vector.broadcast %jit3A_855 : f32 to vector<16xf32>
    %select_n3A_858 = arith.select %eq3A_853, %broadcast_in_dim3A_856, %broadcast_in_dim3A_857 : vector<16xi1>, vector<16xf32>
    %swap3A_859 = arith.constant 608 : index
    %swap3A_860 = tpu.vector_load %arg13[%swap3A_859] {strides = array<i32>} : memref<1024xf32, #tpu.memory_space<vmem>>, vector<16xf32>,
    tpu.vector_store %arg13[%swap3A_859], %select_n3A_858 {strides = array<i32>} : memref<1024xf32, #tpu.memory_space<vmem>>, vector<16xf32>,
    %add3A_861 = arith.constant 16 : i32
    %add3A_862 = vector.broadcast %add3A_861 : i32 to vector<16xi32>
    %add3A_863 = arith.addi %iota3A, %add3A_862 : vector<16xi32>
    %shift_right_logical3A_864 = arith.shrui %gather3A_846, %add3A_863 : vector<16xi32>
    %and3A_865 = arith.constant 1 : i32
    %and3A_866 = vector.broadcast %and3A_865 : i32 to vector<16xi32>
    %and3A_867 = arith.andi %shift_right_logical3A_864, %and3A_866 : vector<16xi32>
    %eq3A_868 = arith.constant 1 : i32
    %eq3A_869 = vector.broadcast %eq3A_868 : i32 to vector<16xi32>
    %eq3A_870 = arith.cmpi eq, %and3A_867, %eq3A_869 : vector<16xi32>
    %jit3A_871 = arith.constant -1.000000e+00 : f32
    %jit3A_872 = arith.constant 1.000000e+00 : f32
    %broadcast_in_dim3A_873 = vector.broadcast %jit3A_871 : f32 to vector<16xf32>
    %broadcast_in_dim3A_874 = vector.broadcast %jit3A_872 : f32 to vector<16xf32>
    %select_n3A_875 = arith.select %eq3A_870, %broadcast_in_dim3A_873, %broadcast_in_dim3A_874 : vector<16xi1>, vector<16xf32>
    %swap3A_876 = arith.constant 624 : index
    %swap3A_877 = tpu.vector_load %arg13[%swap3A_876] {strides = array<i32>} : memref<1024xf32, #tpu.memory_space<vmem>>, vector<16xf32>,
    tpu.vector_store %arg13[%swap3A_876], %select_n3A_875 {strides = array<i32>} : memref<1024xf32, #tpu.memory_space<vmem>>, vector<16xf32>,
    %broadcast_in_dim3A_878 = arith.constant 4 : i32
    %broadcast_in_dim3A_879 = vector.broadcast %broadcast_in_dim3A_878 : i32 to vector<16xi32>
    %lt3A_880 = arith.constant 0 : i32
    %lt3A_881 = vector.broadcast %lt3A_880 : i32 to vector<16xi32>
    %lt3A_882 = arith.cmpi slt, %broadcast_in_dim3A_879, %lt3A_881 : vector<16xi32>
    %add3A_883 = arith.constant 16 : i32
    %add3A_884 = vector.broadcast %add3A_883 : i32 to vector<16xi32>
    %add3A_885 = arith.addi %broadcast_in_dim3A_879, %add3A_884 : vector<16xi32>
    %select_n3A_886 = arith.select %lt3A_882, %add3A_885, %broadcast_in_dim3A_879 : vector<16xi1>, vector<16xi32>
    %broadcast_in_dim3A_887 = vector.shape_cast %select_n3A_886 : vector<16xi32> to vector<16x1xi32>
    %gather3A_888 = vector.shape_cast %broadcast_in_dim3A_887 : vector<16x1xi32> to vector<16xi32>
    %gather3A_889 = tpu.dynamic_gather %or3A_705[%gather3A_888] in [0] : vector<16xi32>, vector<16xi32> -> vector<16xi32>
    %shift_right_logical3A_890 = arith.shrui %gather3A_889, %iota3A : vector<16xi32>
    %and3A_891 = arith.constant 1 : i32
    %and3A_892 = vector.broadcast %and3A_891 : i32 to vector<16xi32>
    %and3A_893 = arith.andi %shift_right_logical3A_890, %and3A_892 : vector<16xi32>
    %eq3A_894 = arith.constant 1 : i32
    %eq3A_895 = vector.broadcast %eq3A_894 : i32 to vector<16xi32>
    %eq3A_896 = arith.cmpi eq, %and3A_893, %eq3A_895 : vector<16xi32>
    %jit3A_897 = arith.constant -1.000000e+00 : f32
    %jit3A_898 = arith.constant 1.000000e+00 : f32
    %broadcast_in_dim3A_899 = vector.broadcast %jit3A_897 : f32 to vector<16xf32>
    %broadcast_in_dim3A_900 = vector.broadcast %jit3A_898 : f32 to vector<16xf32>
    %select_n3A_901 = arith.select %eq3A_896, %broadcast_in_dim3A_899, %broadcast_in_dim3A_900 : vector<16xi1>, vector<16xf32>
    %swap3A_902 = arith.constant 640 : index
    %swap3A_903 = tpu.vector_load %arg13[%swap3A_902] {strides = array<i32>} : memref<1024xf32, #tpu.memory_space<vmem>>, vector<16xf32>,
    tpu.vector_store %arg13[%swap3A_902], %select_n3A_901 {strides = array<i32>} : memref<1024xf32, #tpu.memory_space<vmem>>, vector<16xf32>,
    %add3A_904 = arith.constant 16 : i32
    %add3A_905 = vector.broadcast %add3A_904 : i32 to vector<16xi32>
    %add3A_906 = arith.addi %iota3A, %add3A_905 : vector<16xi32>
    %shift_right_logical3A_907 = arith.shrui %gather3A_889, %add3A_906 : vector<16xi32>
    %and3A_908 = arith.constant 1 : i32
    %and3A_909 = vector.broadcast %and3A_908 : i32 to vector<16xi32>
    %and3A_910 = arith.andi %shift_right_logical3A_907, %and3A_909 : vector<16xi32>
    %eq3A_911 = arith.constant 1 : i32
    %eq3A_912 = vector.broadcast %eq3A_911 : i32 to vector<16xi32>
    %eq3A_913 = arith.cmpi eq, %and3A_910, %eq3A_912 : vector<16xi32>
    %jit3A_914 = arith.constant -1.000000e+00 : f32
    %jit3A_915 = arith.constant 1.000000e+00 : f32
    %broadcast_in_dim3A_916 = vector.broadcast %jit3A_914 : f32 to vector<16xf32>
    %broadcast_in_dim3A_917 = vector.broadcast %jit3A_915 : f32 to vector<16xf32>
    %select_n3A_918 = arith.select %eq3A_913, %broadcast_in_dim3A_916, %broadcast_in_dim3A_917 : vector<16xi1>, vector<16xf32>
    %swap3A_919 = arith.constant 656 : index
    %swap3A_920 = tpu.vector_load %arg13[%swap3A_919] {strides = array<i32>} : memref<1024xf32, #tpu.memory_space<vmem>>, vector<16xf32>,
    tpu.vector_store %arg13[%swap3A_919], %select_n3A_918 {strides = array<i32>} : memref<1024xf32, #tpu.memory_space<vmem>>, vector<16xf32>,
    %broadcast_in_dim3A_921 = arith.constant 5 : i32
    %broadcast_in_dim3A_922 = vector.broadcast %broadcast_in_dim3A_921 : i32 to vector<16xi32>
    %lt3A_923 = arith.constant 0 : i32
    %lt3A_924 = vector.broadcast %lt3A_923 : i32 to vector<16xi32>
    %lt3A_925 = arith.cmpi slt, %broadcast_in_dim3A_922, %lt3A_924 : vector<16xi32>
    %add3A_926 = arith.constant 16 : i32
    %add3A_927 = vector.broadcast %add3A_926 : i32 to vector<16xi32>
    %add3A_928 = arith.addi %broadcast_in_dim3A_922, %add3A_927 : vector<16xi32>
    %select_n3A_929 = arith.select %lt3A_925, %add3A_928, %broadcast_in_dim3A_922 : vector<16xi1>, vector<16xi32>
    %broadcast_in_dim3A_930 = vector.shape_cast %select_n3A_929 : vector<16xi32> to vector<16x1xi32>
    %gather3A_931 = vector.shape_cast %broadcast_in_dim3A_930 : vector<16x1xi32> to vector<16xi32>
    %gather3A_932 = tpu.dynamic_gather %or3A_705[%gather3A_931] in [0] : vector<16xi32>, vector<16xi32> -> vector<16xi32>
    %shift_right_logical3A_933 = arith.shrui %gather3A_932, %iota3A : vector<16xi32>
    %and3A_934 = arith.constant 1 : i32
    %and3A_935 = vector.broadcast %and3A_934 : i32 to vector<16xi32>
    %and3A_936 = arith.andi %shift_right_logical3A_933, %and3A_935 : vector<16xi32>
    %eq3A_937 = arith.constant 1 : i32
    %eq3A_938 = vector.broadcast %eq3A_937 : i32 to vector<16xi32>
    %eq3A_939 = arith.cmpi eq, %and3A_936, %eq3A_938 : vector<16xi32>
    %jit3A_940 = arith.constant -1.000000e+00 : f32
    %jit3A_941 = arith.constant 1.000000e+00 : f32
    %broadcast_in_dim3A_942 = vector.broadcast %jit3A_940 : f32 to vector<16xf32>
    %broadcast_in_dim3A_943 = vector.broadcast %jit3A_941 : f32 to vector<16xf32>
    %select_n3A_944 = arith.select %eq3A_939, %broadcast_in_dim3A_942, %broadcast_in_dim3A_943 : vector<16xi1>, vector<16xf32>
    %swap3A_945 = arith.constant 672 : index
    %swap3A_946 = tpu.vector_load %arg13[%swap3A_945] {strides = array<i32>} : memref<1024xf32, #tpu.memory_space<vmem>>, vector<16xf32>,
    tpu.vector_store %arg13[%swap3A_945], %select_n3A_944 {strides = array<i32>} : memref<1024xf32, #tpu.memory_space<vmem>>, vector<16xf32>,
    %add3A_947 = arith.constant 16 : i32
    %add3A_948 = vector.broadcast %add3A_947 : i32 to vector<16xi32>
    %add3A_949 = arith.addi %iota3A, %add3A_948 : vector<16xi32>
    %shift_right_logical3A_950 = arith.shrui %gather3A_932, %add3A_949 : vector<16xi32>
    %and3A_951 = arith.constant 1 : i32
    %and3A_952 = vector.broadcast %and3A_951 : i32 to vector<16xi32>
    %and3A_953 = arith.andi %shift_right_logical3A_950, %and3A_952 : vector<16xi32>
    %eq3A_954 = arith.constant 1 : i32
    %eq3A_955 = vector.broadcast %eq3A_954 : i32 to vector<16xi32>
    %eq3A_956 = arith.cmpi eq, %and3A_953, %eq3A_955 : vector<16xi32>
    %jit3A_957 = arith.constant -1.000000e+00 : f32
    %jit3A_958 = arith.constant 1.000000e+00 : f32
    %broadcast_in_dim3A_959 = vector.broadcast %jit3A_957 : f32 to vector<16xf32>
    %broadcast_in_dim3A_960 = vector.broadcast %jit3A_958 : f32 to vector<16xf32>
    %select_n3A_961 = arith.select %eq3A_956, %broadcast_in_dim3A_959, %broadcast_in_dim3A_960 : vector<16xi1>, vector<16xf32>
    %swap3A_962 = arith.constant 688 : index
    %swap3A_963 = tpu.vector_load %arg13[%swap3A_962] {strides = array<i32>} : memref<1024xf32, #tpu.memory_space<vmem>>, vector<16xf32>,
    tpu.vector_store %arg13[%swap3A_962], %select_n3A_961 {strides = array<i32>} : memref<1024xf32, #tpu.memory_space<vmem>>, vector<16xf32>,
    %broadcast_in_dim3A_964 = arith.constant 6 : i32
    %broadcast_in_dim3A_965 = vector.broadcast %broadcast_in_dim3A_964 : i32 to vector<16xi32>
    %lt3A_966 = arith.constant 0 : i32
    %lt3A_967 = vector.broadcast %lt3A_966 : i32 to vector<16xi32>
    %lt3A_968 = arith.cmpi slt, %broadcast_in_dim3A_965, %lt3A_967 : vector<16xi32>
    %add3A_969 = arith.constant 16 : i32
    %add3A_970 = vector.broadcast %add3A_969 : i32 to vector<16xi32>
    %add3A_971 = arith.addi %broadcast_in_dim3A_965, %add3A_970 : vector<16xi32>
    %select_n3A_972 = arith.select %lt3A_968, %add3A_971, %broadcast_in_dim3A_965 : vector<16xi1>, vector<16xi32>
    %broadcast_in_dim3A_973 = vector.shape_cast %select_n3A_972 : vector<16xi32> to vector<16x1xi32>
    %gather3A_974 = vector.shape_cast %broadcast_in_dim3A_973 : vector<16x1xi32> to vector<16xi32>
    %gather3A_975 = tpu.dynamic_gather %or3A_705[%gather3A_974] in [0] : vector<16xi32>, vector<16xi32> -> vector<16xi32>
    %shift_right_logical3A_976 = arith.shrui %gather3A_975, %iota3A : vector<16xi32>
    %and3A_977 = arith.constant 1 : i32
    %and3A_978 = vector.broadcast %and3A_977 : i32 to vector<16xi32>
    %and3A_979 = arith.andi %shift_right_logical3A_976, %and3A_978 : vector<16xi32>
    %eq3A_980 = arith.constant 1 : i32
    %eq3A_981 = vector.broadcast %eq3A_980 : i32 to vector<16xi32>
    %eq3A_982 = arith.cmpi eq, %and3A_979, %eq3A_981 : vector<16xi32>
    %jit3A_983 = arith.constant -1.000000e+00 : f32
    %jit3A_984 = arith.constant 1.000000e+00 : f32
    %broadcast_in_dim3A_985 = vector.broadcast %jit3A_983 : f32 to vector<16xf32>
    %broadcast_in_dim3A_986 = vector.broadcast %jit3A_984 : f32 to vector<16xf32>
    %select_n3A_987 = arith.select %eq3A_982, %broadcast_in_dim3A_985, %broadcast_in_dim3A_986 : vector<16xi1>, vector<16xf32>
    %swap3A_988 = arith.constant 704 : index
    %swap3A_989 = tpu.vector_load %arg13[%swap3A_988] {strides = array<i32>} : memref<1024xf32, #tpu.memory_space<vmem>>, vector<16xf32>,
    tpu.vector_store %arg13[%swap3A_988], %select_n3A_987 {strides = array<i32>} : memref<1024xf32, #tpu.memory_space<vmem>>, vector<16xf32>,
    %add3A_990 = arith.constant 16 : i32
    %add3A_991 = vector.broadcast %add3A_990 : i32 to vector<16xi32>
    %add3A_992 = arith.addi %iota3A, %add3A_991 : vector<16xi32>
    %shift_right_logical3A_993 = arith.shrui %gather3A_975, %add3A_992 : vector<16xi32>
    %and3A_994 = arith.constant 1 : i32
    %and3A_995 = vector.broadcast %and3A_994 : i32 to vector<16xi32>
    %and3A_996 = arith.andi %shift_right_logical3A_993, %and3A_995 : vector<16xi32>
    %eq3A_997 = arith.constant 1 : i32
    %eq3A_998 = vector.broadcast %eq3A_997 : i32 to vector<16xi32>
    %eq3A_999 = arith.cmpi eq, %and3A_996, %eq3A_998 : vector<16xi32>
    %jit3A_1000 = arith.constant -1.000000e+00 : f32
    %jit3A_1001 = arith.constant 1.000000e+00 : f32
    %broadcast_in_dim3A_1002 = vector.broadcast %jit3A_1000 : f32 to vector<16xf32>
    %broadcast_in_dim3A_1003 = vector.broadcast %jit3A_1001 : f32 to vector<16xf32>
    %select_n3A_1004 = arith.select %eq3A_999, %broadcast_in_dim3A_1002, %broadcast_in_dim3A_1003 : vector<16xi1>, vector<16xf32>
    %swap3A_1005 = arith.constant 720 : index
    %swap3A_1006 = tpu.vector_load %arg13[%swap3A_1005] {strides = array<i32>} : memref<1024xf32, #tpu.memory_space<vmem>>, vector<16xf32>,
    tpu.vector_store %arg13[%swap3A_1005], %select_n3A_1004 {strides = array<i32>} : memref<1024xf32, #tpu.memory_space<vmem>>, vector<16xf32>,
    %broadcast_in_dim3A_1007 = arith.constant 7 : i32
    %broadcast_in_dim3A_1008 = vector.broadcast %broadcast_in_dim3A_1007 : i32 to vector<16xi32>
    %lt3A_1009 = arith.constant 0 : i32
    %lt3A_1010 = vector.broadcast %lt3A_1009 : i32 to vector<16xi32>
    %lt3A_1011 = arith.cmpi slt, %broadcast_in_dim3A_1008, %lt3A_1010 : vector<16xi32>
    %add3A_1012 = arith.constant 16 : i32
    %add3A_1013 = vector.broadcast %add3A_1012 : i32 to vector<16xi32>
    %add3A_1014 = arith.addi %broadcast_in_dim3A_1008, %add3A_1013 : vector<16xi32>
    %select_n3A_1015 = arith.select %lt3A_1011, %add3A_1014, %broadcast_in_dim3A_1008 : vector<16xi1>, vector<16xi32>
    %broadcast_in_dim3A_1016 = vector.shape_cast %select_n3A_1015 : vector<16xi32> to vector<16x1xi32>
    %gather3A_1017 = vector.shape_cast %broadcast_in_dim3A_1016 : vector<16x1xi32> to vector<16xi32>
    %gather3A_1018 = tpu.dynamic_gather %or3A_705[%gather3A_1017] in [0] : vector<16xi32>, vector<16xi32> -> vector<16xi32>
    %shift_right_logical3A_1019 = arith.shrui %gather3A_1018, %iota3A : vector<16xi32>
    %and3A_1020 = arith.constant 1 : i32
    %and3A_1021 = vector.broadcast %and3A_1020 : i32 to vector<16xi32>
    %and3A_1022 = arith.andi %shift_right_logical3A_1019, %and3A_1021 : vector<16xi32>
    %eq3A_1023 = arith.constant 1 : i32
    %eq3A_1024 = vector.broadcast %eq3A_1023 : i32 to vector<16xi32>
    %eq3A_1025 = arith.cmpi eq, %and3A_1022, %eq3A_1024 : vector<16xi32>
    %jit3A_1026 = arith.constant -1.000000e+00 : f32
    %jit3A_1027 = arith.constant 1.000000e+00 : f32
    %broadcast_in_dim3A_1028 = vector.broadcast %jit3A_1026 : f32 to vector<16xf32>
    %broadcast_in_dim3A_1029 = vector.broadcast %jit3A_1027 : f32 to vector<16xf32>
    %select_n3A_1030 = arith.select %eq3A_1025, %broadcast_in_dim3A_1028, %broadcast_in_dim3A_1029 : vector<16xi1>, vector<16xf32>
    %swap3A_1031 = arith.constant 736 : index
    %swap3A_1032 = tpu.vector_load %arg13[%swap3A_1031] {strides = array<i32>} : memref<1024xf32, #tpu.memory_space<vmem>>, vector<16xf32>,
    tpu.vector_store %arg13[%swap3A_1031], %select_n3A_1030 {strides = array<i32>} : memref<1024xf32, #tpu.memory_space<vmem>>, vector<16xf32>,
    %add3A_1033 = arith.constant 16 : i32
    %add3A_1034 = vector.broadcast %add3A_1033 : i32 to vector<16xi32>
    %add3A_1035 = arith.addi %iota3A, %add3A_1034 : vector<16xi32>
    %shift_right_logical3A_1036 = arith.shrui %gather3A_1018, %add3A_1035 : vector<16xi32>
    %and3A_1037 = arith.constant 1 : i32
    %and3A_1038 = vector.broadcast %and3A_1037 : i32 to vector<16xi32>
    %and3A_1039 = arith.andi %shift_right_logical3A_1036, %and3A_1038 : vector<16xi32>
    %eq3A_1040 = arith.constant 1 : i32
    %eq3A_1041 = vector.broadcast %eq3A_1040 : i32 to vector<16xi32>
    %eq3A_1042 = arith.cmpi eq, %and3A_1039, %eq3A_1041 : vector<16xi32>
    %jit3A_1043 = arith.constant -1.000000e+00 : f32
    %jit3A_1044 = arith.constant 1.000000e+00 : f32
    %broadcast_in_dim3A_1045 = vector.broadcast %jit3A_1043 : f32 to vector<16xf32>
    %broadcast_in_dim3A_1046 = vector.broadcast %jit3A_1044 : f32 to vector<16xf32>
    %select_n3A_1047 = arith.select %eq3A_1042, %broadcast_in_dim3A_1045, %broadcast_in_dim3A_1046 : vector<16xi1>, vector<16xf32>
    %swap3A_1048 = arith.constant 752 : index
    %swap3A_1049 = tpu.vector_load %arg13[%swap3A_1048] {strides = array<i32>} : memref<1024xf32, #tpu.memory_space<vmem>>, vector<16xf32>,
    tpu.vector_store %arg13[%swap3A_1048], %select_n3A_1047 {strides = array<i32>} : memref<1024xf32, #tpu.memory_space<vmem>>, vector<16xf32>,
    %broadcast_in_dim3A_1050 = arith.constant 8 : i32
    %broadcast_in_dim3A_1051 = vector.broadcast %broadcast_in_dim3A_1050 : i32 to vector<16xi32>
    %lt3A_1052 = arith.constant 0 : i32
    %lt3A_1053 = vector.broadcast %lt3A_1052 : i32 to vector<16xi32>
    %lt3A_1054 = arith.cmpi slt, %broadcast_in_dim3A_1051, %lt3A_1053 : vector<16xi32>
    %add3A_1055 = arith.constant 16 : i32
    %add3A_1056 = vector.broadcast %add3A_1055 : i32 to vector<16xi32>
    %add3A_1057 = arith.addi %broadcast_in_dim3A_1051, %add3A_1056 : vector<16xi32>
    %select_n3A_1058 = arith.select %lt3A_1054, %add3A_1057, %broadcast_in_dim3A_1051 : vector<16xi1>, vector<16xi32>
    %broadcast_in_dim3A_1059 = vector.shape_cast %select_n3A_1058 : vector<16xi32> to vector<16x1xi32>
    %gather3A_1060 = vector.shape_cast %broadcast_in_dim3A_1059 : vector<16x1xi32> to vector<16xi32>
    %gather3A_1061 = tpu.dynamic_gather %or3A_705[%gather3A_1060] in [0] : vector<16xi32>, vector<16xi32> -> vector<16xi32>
    %shift_right_logical3A_1062 = arith.shrui %gather3A_1061, %iota3A : vector<16xi32>
    %and3A_1063 = arith.constant 1 : i32
    %and3A_1064 = vector.broadcast %and3A_1063 : i32 to vector<16xi32>
    %and3A_1065 = arith.andi %shift_right_logical3A_1062, %and3A_1064 : vector<16xi32>
    %eq3A_1066 = arith.constant 1 : i32
    %eq3A_1067 = vector.broadcast %eq3A_1066 : i32 to vector<16xi32>
    %eq3A_1068 = arith.cmpi eq, %and3A_1065, %eq3A_1067 : vector<16xi32>
    %jit3A_1069 = arith.constant -1.000000e+00 : f32
    %jit3A_1070 = arith.constant 1.000000e+00 : f32
    %broadcast_in_dim3A_1071 = vector.broadcast %jit3A_1069 : f32 to vector<16xf32>
    %broadcast_in_dim3A_1072 = vector.broadcast %jit3A_1070 : f32 to vector<16xf32>
    %select_n3A_1073 = arith.select %eq3A_1068, %broadcast_in_dim3A_1071, %broadcast_in_dim3A_1072 : vector<16xi1>, vector<16xf32>
    %swap3A_1074 = arith.constant 768 : index
    %swap3A_1075 = tpu.vector_load %arg13[%swap3A_1074] {strides = array<i32>} : memref<1024xf32, #tpu.memory_space<vmem>>, vector<16xf32>,
    tpu.vector_store %arg13[%swap3A_1074], %select_n3A_1073 {strides = array<i32>} : memref<1024xf32, #tpu.memory_space<vmem>>, vector<16xf32>,
    %add3A_1076 = arith.constant 16 : i32
    %add3A_1077 = vector.broadcast %add3A_1076 : i32 to vector<16xi32>
    %add3A_1078 = arith.addi %iota3A, %add3A_1077 : vector<16xi32>
    %shift_right_logical3A_1079 = arith.shrui %gather3A_1061, %add3A_1078 : vector<16xi32>
    %and3A_1080 = arith.constant 1 : i32
    %and3A_1081 = vector.broadcast %and3A_1080 : i32 to vector<16xi32>
    %and3A_1082 = arith.andi %shift_right_logical3A_1079, %and3A_1081 : vector<16xi32>
    %eq3A_1083 = arith.constant 1 : i32
    %eq3A_1084 = vector.broadcast %eq3A_1083 : i32 to vector<16xi32>
    %eq3A_1085 = arith.cmpi eq, %and3A_1082, %eq3A_1084 : vector<16xi32>
    %jit3A_1086 = arith.constant -1.000000e+00 : f32
    %jit3A_1087 = arith.constant 1.000000e+00 : f32
    %broadcast_in_dim3A_1088 = vector.broadcast %jit3A_1086 : f32 to vector<16xf32>
    %broadcast_in_dim3A_1089 = vector.broadcast %jit3A_1087 : f32 to vector<16xf32>
    %select_n3A_1090 = arith.select %eq3A_1085, %broadcast_in_dim3A_1088, %broadcast_in_dim3A_1089 : vector<16xi1>, vector<16xf32>
    %swap3A_1091 = arith.constant 784 : index
    %swap3A_1092 = tpu.vector_load %arg13[%swap3A_1091] {strides = array<i32>} : memref<1024xf32, #tpu.memory_space<vmem>>, vector<16xf32>,
    tpu.vector_store %arg13[%swap3A_1091], %select_n3A_1090 {strides = array<i32>} : memref<1024xf32, #tpu.memory_space<vmem>>, vector<16xf32>,
    %broadcast_in_dim3A_1093 = arith.constant 9 : i32
    %broadcast_in_dim3A_1094 = vector.broadcast %broadcast_in_dim3A_1093 : i32 to vector<16xi32>
    %lt3A_1095 = arith.constant 0 : i32
    %lt3A_1096 = vector.broadcast %lt3A_1095 : i32 to vector<16xi32>
    %lt3A_1097 = arith.cmpi slt, %broadcast_in_dim3A_1094, %lt3A_1096 : vector<16xi32>
    %add3A_1098 = arith.constant 16 : i32
    %add3A_1099 = vector.broadcast %add3A_1098 : i32 to vector<16xi32>
    %add3A_1100 = arith.addi %broadcast_in_dim3A_1094, %add3A_1099 : vector<16xi32>
    %select_n3A_1101 = arith.select %lt3A_1097, %add3A_1100, %broadcast_in_dim3A_1094 : vector<16xi1>, vector<16xi32>
    %broadcast_in_dim3A_1102 = vector.shape_cast %select_n3A_1101 : vector<16xi32> to vector<16x1xi32>
    %gather3A_1103 = vector.shape_cast %broadcast_in_dim3A_1102 : vector<16x1xi32> to vector<16xi32>
    %gather3A_1104 = tpu.dynamic_gather %or3A_705[%gather3A_1103] in [0] : vector<16xi32>, vector<16xi32> -> vector<16xi32>
    %shift_right_logical3A_1105 = arith.shrui %gather3A_1104, %iota3A : vector<16xi32>
    %and3A_1106 = arith.constant 1 : i32
    %and3A_1107 = vector.broadcast %and3A_1106 : i32 to vector<16xi32>
    %and3A_1108 = arith.andi %shift_right_logical3A_1105, %and3A_1107 : vector<16xi32>
    %eq3A_1109 = arith.constant 1 : i32
    %eq3A_1110 = vector.broadcast %eq3A_1109 : i32 to vector<16xi32>
    %eq3A_1111 = arith.cmpi eq, %and3A_1108, %eq3A_1110 : vector<16xi32>
    %jit3A_1112 = arith.constant -1.000000e+00 : f32
    %jit3A_1113 = arith.constant 1.000000e+00 : f32
    %broadcast_in_dim3A_1114 = vector.broadcast %jit3A_1112 : f32 to vector<16xf32>
    %broadcast_in_dim3A_1115 = vector.broadcast %jit3A_1113 : f32 to vector<16xf32>
    %select_n3A_1116 = arith.select %eq3A_1111, %broadcast_in_dim3A_1114, %broadcast_in_dim3A_1115 : vector<16xi1>, vector<16xf32>
    %swap3A_1117 = arith.constant 800 : index
    %swap3A_1118 = tpu.vector_load %arg13[%swap3A_1117] {strides = array<i32>} : memref<1024xf32, #tpu.memory_space<vmem>>, vector<16xf32>,
    tpu.vector_store %arg13[%swap3A_1117], %select_n3A_1116 {strides = array<i32>} : memref<1024xf32, #tpu.memory_space<vmem>>, vector<16xf32>,
    %add3A_1119 = arith.constant 16 : i32
    %add3A_1120 = vector.broadcast %add3A_1119 : i32 to vector<16xi32>
    %add3A_1121 = arith.addi %iota3A, %add3A_1120 : vector<16xi32>
    %shift_right_logical3A_1122 = arith.shrui %gather3A_1104, %add3A_1121 : vector<16xi32>
    %and3A_1123 = arith.constant 1 : i32
    %and3A_1124 = vector.broadcast %and3A_1123 : i32 to vector<16xi32>
    %and3A_1125 = arith.andi %shift_right_logical3A_1122, %and3A_1124 : vector<16xi32>
    %eq3A_1126 = arith.constant 1 : i32
    %eq3A_1127 = vector.broadcast %eq3A_1126 : i32 to vector<16xi32>
    %eq3A_1128 = arith.cmpi eq, %and3A_1125, %eq3A_1127 : vector<16xi32>
    %jit3A_1129 = arith.constant -1.000000e+00 : f32
    %jit3A_1130 = arith.constant 1.000000e+00 : f32
    %broadcast_in_dim3A_1131 = vector.broadcast %jit3A_1129 : f32 to vector<16xf32>
    %broadcast_in_dim3A_1132 = vector.broadcast %jit3A_1130 : f32 to vector<16xf32>
    %select_n3A_1133 = arith.select %eq3A_1128, %broadcast_in_dim3A_1131, %broadcast_in_dim3A_1132 : vector<16xi1>, vector<16xf32>
    %swap3A_1134 = arith.constant 816 : index
    %swap3A_1135 = tpu.vector_load %arg13[%swap3A_1134] {strides = array<i32>} : memref<1024xf32, #tpu.memory_space<vmem>>, vector<16xf32>,
    tpu.vector_store %arg13[%swap3A_1134], %select_n3A_1133 {strides = array<i32>} : memref<1024xf32, #tpu.memory_space<vmem>>, vector<16xf32>,
    %broadcast_in_dim3A_1136 = arith.constant 10 : i32
    %broadcast_in_dim3A_1137 = vector.broadcast %broadcast_in_dim3A_1136 : i32 to vector<16xi32>
    %lt3A_1138 = arith.constant 0 : i32
    %lt3A_1139 = vector.broadcast %lt3A_1138 : i32 to vector<16xi32>
    %lt3A_1140 = arith.cmpi slt, %broadcast_in_dim3A_1137, %lt3A_1139 : vector<16xi32>
    %add3A_1141 = arith.constant 16 : i32
    %add3A_1142 = vector.broadcast %add3A_1141 : i32 to vector<16xi32>
    %add3A_1143 = arith.addi %broadcast_in_dim3A_1137, %add3A_1142 : vector<16xi32>
    %select_n3A_1144 = arith.select %lt3A_1140, %add3A_1143, %broadcast_in_dim3A_1137 : vector<16xi1>, vector<16xi32>
    %broadcast_in_dim3A_1145 = vector.shape_cast %select_n3A_1144 : vector<16xi32> to vector<16x1xi32>
    %gather3A_1146 = vector.shape_cast %broadcast_in_dim3A_1145 : vector<16x1xi32> to vector<16xi32>
    %gather3A_1147 = tpu.dynamic_gather %or3A_705[%gather3A_1146] in [0] : vector<16xi32>, vector<16xi32> -> vector<16xi32>
    %shift_right_logical3A_1148 = arith.shrui %gather3A_1147, %iota3A : vector<16xi32>
    %and3A_1149 = arith.constant 1 : i32
    %and3A_1150 = vector.broadcast %and3A_1149 : i32 to vector<16xi32>
    %and3A_1151 = arith.andi %shift_right_logical3A_1148, %and3A_1150 : vector<16xi32>
    %eq3A_1152 = arith.constant 1 : i32
    %eq3A_1153 = vector.broadcast %eq3A_1152 : i32 to vector<16xi32>
    %eq3A_1154 = arith.cmpi eq, %and3A_1151, %eq3A_1153 : vector<16xi32>
    %jit3A_1155 = arith.constant -1.000000e+00 : f32
    %jit3A_1156 = arith.constant 1.000000e+00 : f32
    %broadcast_in_dim3A_1157 = vector.broadcast %jit3A_1155 : f32 to vector<16xf32>
    %broadcast_in_dim3A_1158 = vector.broadcast %jit3A_1156 : f32 to vector<16xf32>
    %select_n3A_1159 = arith.select %eq3A_1154, %broadcast_in_dim3A_1157, %broadcast_in_dim3A_1158 : vector<16xi1>, vector<16xf32>
    %swap3A_1160 = arith.constant 832 : index
    %swap3A_1161 = tpu.vector_load %arg13[%swap3A_1160] {strides = array<i32>} : memref<1024xf32, #tpu.memory_space<vmem>>, vector<16xf32>,
    tpu.vector_store %arg13[%swap3A_1160], %select_n3A_1159 {strides = array<i32>} : memref<1024xf32, #tpu.memory_space<vmem>>, vector<16xf32>,
    %add3A_1162 = arith.constant 16 : i32
    %add3A_1163 = vector.broadcast %add3A_1162 : i32 to vector<16xi32>
    %add3A_1164 = arith.addi %iota3A, %add3A_1163 : vector<16xi32>
    %shift_right_logical3A_1165 = arith.shrui %gather3A_1147, %add3A_1164 : vector<16xi32>
    %and3A_1166 = arith.constant 1 : i32
    %and3A_1167 = vector.broadcast %and3A_1166 : i32 to vector<16xi32>
    %and3A_1168 = arith.andi %shift_right_logical3A_1165, %and3A_1167 : vector<16xi32>
    %eq3A_1169 = arith.constant 1 : i32
    %eq3A_1170 = vector.broadcast %eq3A_1169 : i32 to vector<16xi32>
    %eq3A_1171 = arith.cmpi eq, %and3A_1168, %eq3A_1170 : vector<16xi32>
    %jit3A_1172 = arith.constant -1.000000e+00 : f32
    %jit3A_1173 = arith.constant 1.000000e+00 : f32
    %broadcast_in_dim3A_1174 = vector.broadcast %jit3A_1172 : f32 to vector<16xf32>
    %broadcast_in_dim3A_1175 = vector.broadcast %jit3A_1173 : f32 to vector<16xf32>
    %select_n3A_1176 = arith.select %eq3A_1171, %broadcast_in_dim3A_1174, %broadcast_in_dim3A_1175 : vector<16xi1>, vector<16xf32>
    %swap3A_1177 = arith.constant 848 : index
    %swap3A_1178 = tpu.vector_load %arg13[%swap3A_1177] {strides = array<i32>} : memref<1024xf32, #tpu.memory_space<vmem>>, vector<16xf32>,
    tpu.vector_store %arg13[%swap3A_1177], %select_n3A_1176 {strides = array<i32>} : memref<1024xf32, #tpu.memory_space<vmem>>, vector<16xf32>,
    %broadcast_in_dim3A_1179 = arith.constant 11 : i32
    %broadcast_in_dim3A_1180 = vector.broadcast %broadcast_in_dim3A_1179 : i32 to vector<16xi32>
    %lt3A_1181 = arith.constant 0 : i32
    %lt3A_1182 = vector.broadcast %lt3A_1181 : i32 to vector<16xi32>
    %lt3A_1183 = arith.cmpi slt, %broadcast_in_dim3A_1180, %lt3A_1182 : vector<16xi32>
    %add3A_1184 = arith.constant 16 : i32
    %add3A_1185 = vector.broadcast %add3A_1184 : i32 to vector<16xi32>
    %add3A_1186 = arith.addi %broadcast_in_dim3A_1180, %add3A_1185 : vector<16xi32>
    %select_n3A_1187 = arith.select %lt3A_1183, %add3A_1186, %broadcast_in_dim3A_1180 : vector<16xi1>, vector<16xi32>
    %broadcast_in_dim3A_1188 = vector.shape_cast %select_n3A_1187 : vector<16xi32> to vector<16x1xi32>
    %gather3A_1189 = vector.shape_cast %broadcast_in_dim3A_1188 : vector<16x1xi32> to vector<16xi32>
    %gather3A_1190 = tpu.dynamic_gather %or3A_705[%gather3A_1189] in [0] : vector<16xi32>, vector<16xi32> -> vector<16xi32>
    %shift_right_logical3A_1191 = arith.shrui %gather3A_1190, %iota3A : vector<16xi32>
    %and3A_1192 = arith.constant 1 : i32
    %and3A_1193 = vector.broadcast %and3A_1192 : i32 to vector<16xi32>
    %and3A_1194 = arith.andi %shift_right_logical3A_1191, %and3A_1193 : vector<16xi32>
    %eq3A_1195 = arith.constant 1 : i32
    %eq3A_1196 = vector.broadcast %eq3A_1195 : i32 to vector<16xi32>
    %eq3A_1197 = arith.cmpi eq, %and3A_1194, %eq3A_1196 : vector<16xi32>
    %jit3A_1198 = arith.constant -1.000000e+00 : f32
    %jit3A_1199 = arith.constant 1.000000e+00 : f32
    %broadcast_in_dim3A_1200 = vector.broadcast %jit3A_1198 : f32 to vector<16xf32>
    %broadcast_in_dim3A_1201 = vector.broadcast %jit3A_1199 : f32 to vector<16xf32>
    %select_n3A_1202 = arith.select %eq3A_1197, %broadcast_in_dim3A_1200, %broadcast_in_dim3A_1201 : vector<16xi1>, vector<16xf32>
    %swap3A_1203 = arith.constant 864 : index
    %swap3A_1204 = tpu.vector_load %arg13[%swap3A_1203] {strides = array<i32>} : memref<1024xf32, #tpu.memory_space<vmem>>, vector<16xf32>,
    tpu.vector_store %arg13[%swap3A_1203], %select_n3A_1202 {strides = array<i32>} : memref<1024xf32, #tpu.memory_space<vmem>>, vector<16xf32>,
    %add3A_1205 = arith.constant 16 : i32
    %add3A_1206 = vector.broadcast %add3A_1205 : i32 to vector<16xi32>
    %add3A_1207 = arith.addi %iota3A, %add3A_1206 : vector<16xi32>
    %shift_right_logical3A_1208 = arith.shrui %gather3A_1190, %add3A_1207 : vector<16xi32>
    %and3A_1209 = arith.constant 1 : i32
    %and3A_1210 = vector.broadcast %and3A_1209 : i32 to vector<16xi32>
    %and3A_1211 = arith.andi %shift_right_logical3A_1208, %and3A_1210 : vector<16xi32>
    %eq3A_1212 = arith.constant 1 : i32
    %eq3A_1213 = vector.broadcast %eq3A_1212 : i32 to vector<16xi32>
    %eq3A_1214 = arith.cmpi eq, %and3A_1211, %eq3A_1213 : vector<16xi32>
    %jit3A_1215 = arith.constant -1.000000e+00 : f32
    %jit3A_1216 = arith.constant 1.000000e+00 : f32
    %broadcast_in_dim3A_1217 = vector.broadcast %jit3A_1215 : f32 to vector<16xf32>
    %broadcast_in_dim3A_1218 = vector.broadcast %jit3A_1216 : f32 to vector<16xf32>
    %select_n3A_1219 = arith.select %eq3A_1214, %broadcast_in_dim3A_1217, %broadcast_in_dim3A_1218 : vector<16xi1>, vector<16xf32>
    %swap3A_1220 = arith.constant 880 : index
    %swap3A_1221 = tpu.vector_load %arg13[%swap3A_1220] {strides = array<i32>} : memref<1024xf32, #tpu.memory_space<vmem>>, vector<16xf32>,
    tpu.vector_store %arg13[%swap3A_1220], %select_n3A_1219 {strides = array<i32>} : memref<1024xf32, #tpu.memory_space<vmem>>, vector<16xf32>,
    %broadcast_in_dim3A_1222 = arith.constant 12 : i32
    %broadcast_in_dim3A_1223 = vector.broadcast %broadcast_in_dim3A_1222 : i32 to vector<16xi32>
    %lt3A_1224 = arith.constant 0 : i32
    %lt3A_1225 = vector.broadcast %lt3A_1224 : i32 to vector<16xi32>
    %lt3A_1226 = arith.cmpi slt, %broadcast_in_dim3A_1223, %lt3A_1225 : vector<16xi32>
    %add3A_1227 = arith.constant 16 : i32
    %add3A_1228 = vector.broadcast %add3A_1227 : i32 to vector<16xi32>
    %add3A_1229 = arith.addi %broadcast_in_dim3A_1223, %add3A_1228 : vector<16xi32>
    %select_n3A_1230 = arith.select %lt3A_1226, %add3A_1229, %broadcast_in_dim3A_1223 : vector<16xi1>, vector<16xi32>
    %broadcast_in_dim3A_1231 = vector.shape_cast %select_n3A_1230 : vector<16xi32> to vector<16x1xi32>
    %gather3A_1232 = vector.shape_cast %broadcast_in_dim3A_1231 : vector<16x1xi32> to vector<16xi32>
    %gather3A_1233 = tpu.dynamic_gather %or3A_705[%gather3A_1232] in [0] : vector<16xi32>, vector<16xi32> -> vector<16xi32>
    %shift_right_logical3A_1234 = arith.shrui %gather3A_1233, %iota3A : vector<16xi32>
    %and3A_1235 = arith.constant 1 : i32
    %and3A_1236 = vector.broadcast %and3A_1235 : i32 to vector<16xi32>
    %and3A_1237 = arith.andi %shift_right_logical3A_1234, %and3A_1236 : vector<16xi32>
    %eq3A_1238 = arith.constant 1 : i32
    %eq3A_1239 = vector.broadcast %eq3A_1238 : i32 to vector<16xi32>
    %eq3A_1240 = arith.cmpi eq, %and3A_1237, %eq3A_1239 : vector<16xi32>
    %jit3A_1241 = arith.constant -1.000000e+00 : f32
    %jit3A_1242 = arith.constant 1.000000e+00 : f32
    %broadcast_in_dim3A_1243 = vector.broadcast %jit3A_1241 : f32 to vector<16xf32>
    %broadcast_in_dim3A_1244 = vector.broadcast %jit3A_1242 : f32 to vector<16xf32>
    %select_n3A_1245 = arith.select %eq3A_1240, %broadcast_in_dim3A_1243, %broadcast_in_dim3A_1244 : vector<16xi1>, vector<16xf32>
    %swap3A_1246 = arith.constant 896 : index
    %swap3A_1247 = tpu.vector_load %arg13[%swap3A_1246] {strides = array<i32>} : memref<1024xf32, #tpu.memory_space<vmem>>, vector<16xf32>,
    tpu.vector_store %arg13[%swap3A_1246], %select_n3A_1245 {strides = array<i32>} : memref<1024xf32, #tpu.memory_space<vmem>>, vector<16xf32>,
    %add3A_1248 = arith.constant 16 : i32
    %add3A_1249 = vector.broadcast %add3A_1248 : i32 to vector<16xi32>
    %add3A_1250 = arith.addi %iota3A, %add3A_1249 : vector<16xi32>
    %shift_right_logical3A_1251 = arith.shrui %gather3A_1233, %add3A_1250 : vector<16xi32>
    %and3A_1252 = arith.constant 1 : i32
    %and3A_1253 = vector.broadcast %and3A_1252 : i32 to vector<16xi32>
    %and3A_1254 = arith.andi %shift_right_logical3A_1251, %and3A_1253 : vector<16xi32>
    %eq3A_1255 = arith.constant 1 : i32
    %eq3A_1256 = vector.broadcast %eq3A_1255 : i32 to vector<16xi32>
    %eq3A_1257 = arith.cmpi eq, %and3A_1254, %eq3A_1256 : vector<16xi32>
    %jit3A_1258 = arith.constant -1.000000e+00 : f32
    %jit3A_1259 = arith.constant 1.000000e+00 : f32
    %broadcast_in_dim3A_1260 = vector.broadcast %jit3A_1258 : f32 to vector<16xf32>
    %broadcast_in_dim3A_1261 = vector.broadcast %jit3A_1259 : f32 to vector<16xf32>
    %select_n3A_1262 = arith.select %eq3A_1257, %broadcast_in_dim3A_1260, %broadcast_in_dim3A_1261 : vector<16xi1>, vector<16xf32>
    %swap3A_1263 = arith.constant 912 : index
    %swap3A_1264 = tpu.vector_load %arg13[%swap3A_1263] {strides = array<i32>} : memref<1024xf32, #tpu.memory_space<vmem>>, vector<16xf32>,
    tpu.vector_store %arg13[%swap3A_1263], %select_n3A_1262 {strides = array<i32>} : memref<1024xf32, #tpu.memory_space<vmem>>, vector<16xf32>,
    %broadcast_in_dim3A_1265 = arith.constant 13 : i32
    %broadcast_in_dim3A_1266 = vector.broadcast %broadcast_in_dim3A_1265 : i32 to vector<16xi32>
    %lt3A_1267 = arith.constant 0 : i32
    %lt3A_1268 = vector.broadcast %lt3A_1267 : i32 to vector<16xi32>
    %lt3A_1269 = arith.cmpi slt, %broadcast_in_dim3A_1266, %lt3A_1268 : vector<16xi32>
    %add3A_1270 = arith.constant 16 : i32
    %add3A_1271 = vector.broadcast %add3A_1270 : i32 to vector<16xi32>
    %add3A_1272 = arith.addi %broadcast_in_dim3A_1266, %add3A_1271 : vector<16xi32>
    %select_n3A_1273 = arith.select %lt3A_1269, %add3A_1272, %broadcast_in_dim3A_1266 : vector<16xi1>, vector<16xi32>
    %broadcast_in_dim3A_1274 = vector.shape_cast %select_n3A_1273 : vector<16xi32> to vector<16x1xi32>
    %gather3A_1275 = vector.shape_cast %broadcast_in_dim3A_1274 : vector<16x1xi32> to vector<16xi32>
    %gather3A_1276 = tpu.dynamic_gather %or3A_705[%gather3A_1275] in [0] : vector<16xi32>, vector<16xi32> -> vector<16xi32>
    %shift_right_logical3A_1277 = arith.shrui %gather3A_1276, %iota3A : vector<16xi32>
    %and3A_1278 = arith.constant 1 : i32
    %and3A_1279 = vector.broadcast %and3A_1278 : i32 to vector<16xi32>
    %and3A_1280 = arith.andi %shift_right_logical3A_1277, %and3A_1279 : vector<16xi32>
    %eq3A_1281 = arith.constant 1 : i32
    %eq3A_1282 = vector.broadcast %eq3A_1281 : i32 to vector<16xi32>
    %eq3A_1283 = arith.cmpi eq, %and3A_1280, %eq3A_1282 : vector<16xi32>
    %jit3A_1284 = arith.constant -1.000000e+00 : f32
    %jit3A_1285 = arith.constant 1.000000e+00 : f32
    %broadcast_in_dim3A_1286 = vector.broadcast %jit3A_1284 : f32 to vector<16xf32>
    %broadcast_in_dim3A_1287 = vector.broadcast %jit3A_1285 : f32 to vector<16xf32>
    %select_n3A_1288 = arith.select %eq3A_1283, %broadcast_in_dim3A_1286, %broadcast_in_dim3A_1287 : vector<16xi1>, vector<16xf32>
    %swap3A_1289 = arith.constant 928 : index
    %swap3A_1290 = tpu.vector_load %arg13[%swap3A_1289] {strides = array<i32>} : memref<1024xf32, #tpu.memory_space<vmem>>, vector<16xf32>,
    tpu.vector_store %arg13[%swap3A_1289], %select_n3A_1288 {strides = array<i32>} : memref<1024xf32, #tpu.memory_space<vmem>>, vector<16xf32>,
    %add3A_1291 = arith.constant 16 : i32
    %add3A_1292 = vector.broadcast %add3A_1291 : i32 to vector<16xi32>
    %add3A_1293 = arith.addi %iota3A, %add3A_1292 : vector<16xi32>
    %shift_right_logical3A_1294 = arith.shrui %gather3A_1276, %add3A_1293 : vector<16xi32>
    %and3A_1295 = arith.constant 1 : i32
    %and3A_1296 = vector.broadcast %and3A_1295 : i32 to vector<16xi32>
    %and3A_1297 = arith.andi %shift_right_logical3A_1294, %and3A_1296 : vector<16xi32>
    %eq3A_1298 = arith.constant 1 : i32
    %eq3A_1299 = vector.broadcast %eq3A_1298 : i32 to vector<16xi32>
    %eq3A_1300 = arith.cmpi eq, %and3A_1297, %eq3A_1299 : vector<16xi32>
    %jit3A_1301 = arith.constant -1.000000e+00 : f32
    %jit3A_1302 = arith.constant 1.000000e+00 : f32
    %broadcast_in_dim3A_1303 = vector.broadcast %jit3A_1301 : f32 to vector<16xf32>
    %broadcast_in_dim3A_1304 = vector.broadcast %jit3A_1302 : f32 to vector<16xf32>
    %select_n3A_1305 = arith.select %eq3A_1300, %broadcast_in_dim3A_1303, %broadcast_in_dim3A_1304 : vector<16xi1>, vector<16xf32>
    %swap3A_1306 = arith.constant 944 : index
    %swap3A_1307 = tpu.vector_load %arg13[%swap3A_1306] {strides = array<i32>} : memref<1024xf32, #tpu.memory_space<vmem>>, vector<16xf32>,
    tpu.vector_store %arg13[%swap3A_1306], %select_n3A_1305 {strides = array<i32>} : memref<1024xf32, #tpu.memory_space<vmem>>, vector<16xf32>,
    %broadcast_in_dim3A_1308 = arith.constant 14 : i32
    %broadcast_in_dim3A_1309 = vector.broadcast %broadcast_in_dim3A_1308 : i32 to vector<16xi32>
    %lt3A_1310 = arith.constant 0 : i32
    %lt3A_1311 = vector.broadcast %lt3A_1310 : i32 to vector<16xi32>
    %lt3A_1312 = arith.cmpi slt, %broadcast_in_dim3A_1309, %lt3A_1311 : vector<16xi32>
    %add3A_1313 = arith.constant 16 : i32
    %add3A_1314 = vector.broadcast %add3A_1313 : i32 to vector<16xi32>
    %add3A_1315 = arith.addi %broadcast_in_dim3A_1309, %add3A_1314 : vector<16xi32>
    %select_n3A_1316 = arith.select %lt3A_1312, %add3A_1315, %broadcast_in_dim3A_1309 : vector<16xi1>, vector<16xi32>
    %broadcast_in_dim3A_1317 = vector.shape_cast %select_n3A_1316 : vector<16xi32> to vector<16x1xi32>
    %gather3A_1318 = vector.shape_cast %broadcast_in_dim3A_1317 : vector<16x1xi32> to vector<16xi32>
    %gather3A_1319 = tpu.dynamic_gather %or3A_705[%gather3A_1318] in [0] : vector<16xi32>, vector<16xi32> -> vector<16xi32>
    %shift_right_logical3A_1320 = arith.shrui %gather3A_1319, %iota3A : vector<16xi32>
    %and3A_1321 = arith.constant 1 : i32
    %and3A_1322 = vector.broadcast %and3A_1321 : i32 to vector<16xi32>
    %and3A_1323 = arith.andi %shift_right_logical3A_1320, %and3A_1322 : vector<16xi32>
    %eq3A_1324 = arith.constant 1 : i32
    %eq3A_1325 = vector.broadcast %eq3A_1324 : i32 to vector<16xi32>
    %eq3A_1326 = arith.cmpi eq, %and3A_1323, %eq3A_1325 : vector<16xi32>
    %jit3A_1327 = arith.constant -1.000000e+00 : f32
    %jit3A_1328 = arith.constant 1.000000e+00 : f32
    %broadcast_in_dim3A_1329 = vector.broadcast %jit3A_1327 : f32 to vector<16xf32>
    %broadcast_in_dim3A_1330 = vector.broadcast %jit3A_1328 : f32 to vector<16xf32>
    %select_n3A_1331 = arith.select %eq3A_1326, %broadcast_in_dim3A_1329, %broadcast_in_dim3A_1330 : vector<16xi1>, vector<16xf32>
    %swap3A_1332 = arith.constant 960 : index
    %swap3A_1333 = tpu.vector_load %arg13[%swap3A_1332] {strides = array<i32>} : memref<1024xf32, #tpu.memory_space<vmem>>, vector<16xf32>,
    tpu.vector_store %arg13[%swap3A_1332], %select_n3A_1331 {strides = array<i32>} : memref<1024xf32, #tpu.memory_space<vmem>>, vector<16xf32>,
    %add3A_1334 = arith.constant 16 : i32
    %add3A_1335 = vector.broadcast %add3A_1334 : i32 to vector<16xi32>
    %add3A_1336 = arith.addi %iota3A, %add3A_1335 : vector<16xi32>
    %shift_right_logical3A_1337 = arith.shrui %gather3A_1319, %add3A_1336 : vector<16xi32>
    %and3A_1338 = arith.constant 1 : i32
    %and3A_1339 = vector.broadcast %and3A_1338 : i32 to vector<16xi32>
    %and3A_1340 = arith.andi %shift_right_logical3A_1337, %and3A_1339 : vector<16xi32>
    %eq3A_1341 = arith.constant 1 : i32
    %eq3A_1342 = vector.broadcast %eq3A_1341 : i32 to vector<16xi32>
    %eq3A_1343 = arith.cmpi eq, %and3A_1340, %eq3A_1342 : vector<16xi32>
    %jit3A_1344 = arith.constant -1.000000e+00 : f32
    %jit3A_1345 = arith.constant 1.000000e+00 : f32
    %broadcast_in_dim3A_1346 = vector.broadcast %jit3A_1344 : f32 to vector<16xf32>
    %broadcast_in_dim3A_1347 = vector.broadcast %jit3A_1345 : f32 to vector<16xf32>
    %select_n3A_1348 = arith.select %eq3A_1343, %broadcast_in_dim3A_1346, %broadcast_in_dim3A_1347 : vector<16xi1>, vector<16xf32>
    %swap3A_1349 = arith.constant 976 : index
    %swap3A_1350 = tpu.vector_load %arg13[%swap3A_1349] {strides = array<i32>} : memref<1024xf32, #tpu.memory_space<vmem>>, vector<16xf32>,
    tpu.vector_store %arg13[%swap3A_1349], %select_n3A_1348 {strides = array<i32>} : memref<1024xf32, #tpu.memory_space<vmem>>, vector<16xf32>,
    %broadcast_in_dim3A_1351 = arith.constant 15 : i32
    %broadcast_in_dim3A_1352 = vector.broadcast %broadcast_in_dim3A_1351 : i32 to vector<16xi32>
    %lt3A_1353 = arith.constant 0 : i32
    %lt3A_1354 = vector.broadcast %lt3A_1353 : i32 to vector<16xi32>
    %lt3A_1355 = arith.cmpi slt, %broadcast_in_dim3A_1352, %lt3A_1354 : vector<16xi32>
    %add3A_1356 = arith.constant 16 : i32
    %add3A_1357 = vector.broadcast %add3A_1356 : i32 to vector<16xi32>
    %add3A_1358 = arith.addi %broadcast_in_dim3A_1352, %add3A_1357 : vector<16xi32>
    %select_n3A_1359 = arith.select %lt3A_1355, %add3A_1358, %broadcast_in_dim3A_1352 : vector<16xi1>, vector<16xi32>
    %broadcast_in_dim3A_1360 = vector.shape_cast %select_n3A_1359 : vector<16xi32> to vector<16x1xi32>
    %gather3A_1361 = vector.shape_cast %broadcast_in_dim3A_1360 : vector<16x1xi32> to vector<16xi32>
    %gather3A_1362 = tpu.dynamic_gather %or3A_705[%gather3A_1361] in [0] : vector<16xi32>, vector<16xi32> -> vector<16xi32>
    %shift_right_logical3A_1363 = arith.shrui %gather3A_1362, %iota3A : vector<16xi32>
    %and3A_1364 = arith.constant 1 : i32
    %and3A_1365 = vector.broadcast %and3A_1364 : i32 to vector<16xi32>
    %and3A_1366 = arith.andi %shift_right_logical3A_1363, %and3A_1365 : vector<16xi32>
    %eq3A_1367 = arith.constant 1 : i32
    %eq3A_1368 = vector.broadcast %eq3A_1367 : i32 to vector<16xi32>
    %eq3A_1369 = arith.cmpi eq, %and3A_1366, %eq3A_1368 : vector<16xi32>
    %jit3A_1370 = arith.constant -1.000000e+00 : f32
    %jit3A_1371 = arith.constant 1.000000e+00 : f32
    %broadcast_in_dim3A_1372 = vector.broadcast %jit3A_1370 : f32 to vector<16xf32>
    %broadcast_in_dim3A_1373 = vector.broadcast %jit3A_1371 : f32 to vector<16xf32>
    %select_n3A_1374 = arith.select %eq3A_1369, %broadcast_in_dim3A_1372, %broadcast_in_dim3A_1373 : vector<16xi1>, vector<16xf32>
    %swap3A_1375 = arith.constant 992 : index
    %swap3A_1376 = tpu.vector_load %arg13[%swap3A_1375] {strides = array<i32>} : memref<1024xf32, #tpu.memory_space<vmem>>, vector<16xf32>,
    tpu.vector_store %arg13[%swap3A_1375], %select_n3A_1374 {strides = array<i32>} : memref<1024xf32, #tpu.memory_space<vmem>>, vector<16xf32>,
    %add3A_1377 = arith.constant 16 : i32
    %add3A_1378 = vector.broadcast %add3A_1377 : i32 to vector<16xi32>
    %add3A_1379 = arith.addi %iota3A, %add3A_1378 : vector<16xi32>
    %shift_right_logical3A_1380 = arith.shrui %gather3A_1362, %add3A_1379 : vector<16xi32>
    %and3A_1381 = arith.constant 1 : i32
    %and3A_1382 = vector.broadcast %and3A_1381 : i32 to vector<16xi32>
    %and3A_1383 = arith.andi %shift_right_logical3A_1380, %and3A_1382 : vector<16xi32>
    %eq3A_1384 = arith.constant 1 : i32
    %eq3A_1385 = vector.broadcast %eq3A_1384 : i32 to vector<16xi32>
    %eq3A_1386 = arith.cmpi eq, %and3A_1383, %eq3A_1385 : vector<16xi32>
    %jit3A_1387 = arith.constant -1.000000e+00 : f32
    %jit3A_1388 = arith.constant 1.000000e+00 : f32
    %broadcast_in_dim3A_1389 = vector.broadcast %jit3A_1387 : f32 to vector<16xf32>
    %broadcast_in_dim3A_1390 = vector.broadcast %jit3A_1388 : f32 to vector<16xf32>
    %select_n3A_1391 = arith.select %eq3A_1386, %broadcast_in_dim3A_1389, %broadcast_in_dim3A_1390 : vector<16xi1>, vector<16xf32>
    %swap3A_1392 = arith.constant 1008 : index
    %swap3A_1393 = tpu.vector_load %arg13[%swap3A_1392] {strides = array<i32>} : memref<1024xf32, #tpu.memory_space<vmem>>, vector<16xf32>,
    tpu.vector_store %arg13[%swap3A_1392], %select_n3A_1391 {strides = array<i32>} : memref<1024xf32, #tpu.memory_space<vmem>>, vector<16xf32>,
    "tpu.region"() ({
      %run_scoped3A = tpu.sem_alloc : memref<!tpu.dma_semaphore, #tpu.memory_space<semaphore_mem>>
      %dma_start3A = arith.constant 0 : i32
      %dma_start3A_2800 = tpu.memref_slice %arg4[%add3A, %dma_start3A] : memref<64x1024xf32, #tpu.memory_space<hbm>> -> memref<1x1024xf32, #tpu.memory_space<hbm>>
      %dma_start3A_2801 = tpu.memref_squeeze %dma_start3A_2800 : memref<1x1024xf32, #tpu.memory_space<hbm>> -> memref<1024xf32, #tpu.memory_space<hbm>>
      %dma_start3A_2802 = arith.constant 0 : i32
      %dma_start3A_2803 = tpu.memref_slice %arg4[%add3A, %dma_start3A_2802] : memref<64x1024xf32, #tpu.memory_space<hbm>> -> memref<1x1024xf32, #tpu.memory_space<hbm>>
      %dma_start3A_2804 = tpu.memref_squeeze %dma_start3A_2803 : memref<1x1024xf32, #tpu.memory_space<hbm>> -> memref<1024xf32, #tpu.memory_space<hbm>>
      tpu.enqueue_dma source(%arg13 : memref<1024xf32, #tpu.memory_space<vmem>>) target(%dma_start3A_2804 : memref<1024xf32, #tpu.memory_space<hbm>>) target_semaphore(%run_scoped3A : memref<!tpu.dma_semaphore, #tpu.memory_space<semaphore_mem>>)
      %dma_wait3A = arith.constant 0 : i32
      %dma_wait3A_2805 = tpu.memref_slice %arg4[%add3A, %dma_wait3A] : memref<64x1024xf32, #tpu.memory_space<hbm>> -> memref<1x1024xf32, #tpu.memory_space<hbm>>
      %dma_wait3A_2806 = tpu.memref_squeeze %dma_wait3A_2805 : memref<1x1024xf32, #tpu.memory_space<hbm>> -> memref<1024xf32, #tpu.memory_space<hbm>>
      %dma_wait3A_2807 = arith.constant 0 : i32
      %dma_wait3A_2808 = tpu.memref_slice %arg4[%add3A, %dma_wait3A_2807] : memref<64x1024xf32, #tpu.memory_space<hbm>> -> memref<1x1024xf32, #tpu.memory_space<hbm>>
      %dma_wait3A_2809 = tpu.memref_squeeze %dma_wait3A_2808 : memref<1x1024xf32, #tpu.memory_space<hbm>> -> memref<1024xf32, #tpu.memory_space<hbm>>
      tpu.wait_dma2 semaphore(%run_scoped3A : memref<!tpu.dma_semaphore, #tpu.memory_space<semaphore_mem>>) src(%arg13 : memref<1024xf32, #tpu.memory_space<vmem>>) dst(%dma_wait3A_2809 : memref<1024xf32, #tpu.memory_space<hbm>>)
      tpu.yield
    }) : () -> ()
    %add3A_1394 = arith.constant 32 : i32
    %add3A_1395 = arith.addi %add3A, %add3A_1394 : i32
    %mul3A_1396 = arith.constant 800 : i32
    %mul3A_1397 = arith.muli %add3A_1395, %mul3A_1396 : i32
    "tpu.region"() ({
      %run_scoped3A = tpu.sem_alloc : memref<!tpu.dma_semaphore, #tpu.memory_space<semaphore_mem>>
      %dma_start3A = tpu.memref_slice %arg2[%mul3A_1397] : memref<51200xi32, #tpu.memory_space<hbm>> -> memref<800xi32, #tpu.memory_space<hbm>>
      %dma_start3A_2800 = tpu.memref_slice %arg2[%mul3A_1397] : memref<51200xi32, #tpu.memory_space<hbm>> -> memref<800xi32, #tpu.memory_space<hbm>>
      tpu.enqueue_dma source(%dma_start3A_2800 : memref<800xi32, #tpu.memory_space<hbm>>) target(%arg5 : memref<800xi32, #tpu.memory_space<vmem>>) target_semaphore(%run_scoped3A : memref<!tpu.dma_semaphore, #tpu.memory_space<semaphore_mem>>)
      %dma_wait3A = tpu.memref_slice %arg2[%mul3A_1397] : memref<51200xi32, #tpu.memory_space<hbm>> -> memref<800xi32, #tpu.memory_space<hbm>>
      %dma_wait3A_2801 = tpu.memref_slice %arg2[%mul3A_1397] : memref<51200xi32, #tpu.memory_space<hbm>> -> memref<800xi32, #tpu.memory_space<hbm>>
      tpu.wait_dma2 semaphore(%run_scoped3A : memref<!tpu.dma_semaphore, #tpu.memory_space<semaphore_mem>>) src(%dma_wait3A_2801 : memref<800xi32, #tpu.memory_space<hbm>>) dst(%arg5 : memref<800xi32, #tpu.memory_space<vmem>>)
      tpu.yield
    }) : () -> ()
    %scan3A_1398 = arith.constant 0 : i32
    %scan3A_1399 = arith.constant 0 : i32
    %scan3A_1400 = arith.constant 50 : i32
    %scan3A_1401 = arith.addi %scan3A_1399, %scan3A_1400 : i32
    %scan3A_1402 = arith.constant 1 : i32
    scf.for %scan3A_2800 = %scan3A_1399 to %scan3A_1401 step %scan3A_1402  : i32 {
      %mul3A_2801 = arith.constant 16 : i32
      %mul3A_2802 = arith.muli %scan3A_2800, %mul3A_2801 : i32
      %get3A = arith.index_cast %mul3A_2802 : i32 to index
      %get3A_2803 = tpu.vector_load %arg5[%get3A] {strides = array<i32>} : memref<800xi32, #tpu.memory_space<vmem>>, vector<16xi32>,
      %mul3A_2804 = arith.constant 32 : i32
      %mul3A_2805 = vector.broadcast %mul3A_2804 : i32 to vector<16xi32>
      %mul3A_2806 = arith.muli %get3A_2803, %mul3A_2805 : vector<16xi32>
      %broadcast_in_dim3A_2807 = arith.constant 0 : i32
      %broadcast_in_dim3A_2808 = vector.broadcast %broadcast_in_dim3A_2807 : i32 to vector<16xi32>
      %lt3A_2809 = arith.constant 0 : i32
      %lt3A_2810 = vector.broadcast %lt3A_2809 : i32 to vector<16xi32>
      %lt3A_2811 = arith.cmpi slt, %broadcast_in_dim3A_2808, %lt3A_2810 : vector<16xi32>
      %add3A_2812 = arith.constant 16 : i32
      %add3A_2813 = vector.broadcast %add3A_2812 : i32 to vector<16xi32>
      %add3A_2814 = arith.addi %broadcast_in_dim3A_2808, %add3A_2813 : vector<16xi32>
      %select_n3A_2815 = arith.select %lt3A_2811, %add3A_2814, %broadcast_in_dim3A_2808 : vector<16xi1>, vector<16xi32>
      %broadcast_in_dim3A_2816 = vector.shape_cast %select_n3A_2815 : vector<16xi32> to vector<16x1xi32>
      %gather3A_2817 = vector.shape_cast %broadcast_in_dim3A_2816 : vector<16x1xi32> to vector<16xi32>
      %gather3A_2818 = tpu.dynamic_gather %mul3A_2806[%gather3A_2817] in [0] : vector<16xi32>, vector<16xi32> -> vector<16xi32>
      %add3A_2819 = arith.constant 0 : i32
      %add3A_2820 = vector.broadcast %add3A_2819 : i32 to vector<16xi32>
      %add3A_2821 = arith.addi %iota3A, %add3A_2820 : vector<16xi32>
      %add3A_2822 = arith.addi %gather3A_2818, %add3A_2821 : vector<16xi32>
      %gather3A_2823 = tpu.vector_load_idx %arg6[%add3A_2822] : memref<32000xi32, #tpu.memory_space<vmem>>[vector<16xi32>], vector<16xi32>,
      %get3A_2824 = arith.constant 0 : index
      %get3A_2825 = tpu.vector_load %arg7[%get3A_2824] {strides = array<i32>} : memref<512xi32, #tpu.memory_space<vmem>>, vector<16xi32>,
      %xor3A = arith.xori %gather3A_2823, %get3A_2825 : vector<16xi32>
      %broadcast_in_dim3A_2826 = arith.constant 1 : i32
      %broadcast_in_dim3A_2827 = vector.broadcast %broadcast_in_dim3A_2826 : i32 to vector<16xi32>
      %lt3A_2828 = arith.constant 0 : i32
      %lt3A_2829 = vector.broadcast %lt3A_2828 : i32 to vector<16xi32>
      %lt3A_2830 = arith.cmpi slt, %broadcast_in_dim3A_2827, %lt3A_2829 : vector<16xi32>
      %add3A_2831 = arith.constant 16 : i32
      %add3A_2832 = vector.broadcast %add3A_2831 : i32 to vector<16xi32>
      %add3A_2833 = arith.addi %broadcast_in_dim3A_2827, %add3A_2832 : vector<16xi32>
      %select_n3A_2834 = arith.select %lt3A_2830, %add3A_2833, %broadcast_in_dim3A_2827 : vector<16xi1>, vector<16xi32>
      %broadcast_in_dim3A_2835 = vector.shape_cast %select_n3A_2834 : vector<16xi32> to vector<16x1xi32>
      %gather3A_2836 = vector.shape_cast %broadcast_in_dim3A_2835 : vector<16x1xi32> to vector<16xi32>
      %gather3A_2837 = tpu.dynamic_gather %mul3A_2806[%gather3A_2836] in [0] : vector<16xi32>, vector<16xi32> -> vector<16xi32>
      %add3A_2838 = arith.constant 0 : i32
      %add3A_2839 = vector.broadcast %add3A_2838 : i32 to vector<16xi32>
      %add3A_2840 = arith.addi %iota3A, %add3A_2839 : vector<16xi32>
      %add3A_2841 = arith.addi %gather3A_2837, %add3A_2840 : vector<16xi32>
      %gather3A_2842 = tpu.vector_load_idx %arg6[%add3A_2841] : memref<32000xi32, #tpu.memory_space<vmem>>[vector<16xi32>], vector<16xi32>,
      %get3A_2843 = arith.constant 32 : index
      %get3A_2844 = tpu.vector_load %arg7[%get3A_2843] {strides = array<i32>} : memref<512xi32, #tpu.memory_space<vmem>>, vector<16xi32>,
      %xor3A_2845 = arith.xori %gather3A_2842, %get3A_2844 : vector<16xi32>
      %broadcast_in_dim3A_2846 = arith.constant 2 : i32
      %broadcast_in_dim3A_2847 = vector.broadcast %broadcast_in_dim3A_2846 : i32 to vector<16xi32>
      %lt3A_2848 = arith.constant 0 : i32
      %lt3A_2849 = vector.broadcast %lt3A_2848 : i32 to vector<16xi32>
      %lt3A_2850 = arith.cmpi slt, %broadcast_in_dim3A_2847, %lt3A_2849 : vector<16xi32>
      %add3A_2851 = arith.constant 16 : i32
      %add3A_2852 = vector.broadcast %add3A_2851 : i32 to vector<16xi32>
      %add3A_2853 = arith.addi %broadcast_in_dim3A_2847, %add3A_2852 : vector<16xi32>
      %select_n3A_2854 = arith.select %lt3A_2850, %add3A_2853, %broadcast_in_dim3A_2847 : vector<16xi1>, vector<16xi32>
      %broadcast_in_dim3A_2855 = vector.shape_cast %select_n3A_2854 : vector<16xi32> to vector<16x1xi32>
      %gather3A_2856 = vector.shape_cast %broadcast_in_dim3A_2855 : vector<16x1xi32> to vector<16xi32>
      %gather3A_2857 = tpu.dynamic_gather %mul3A_2806[%gather3A_2856] in [0] : vector<16xi32>, vector<16xi32> -> vector<16xi32>
      %add3A_2858 = arith.constant 0 : i32
      %add3A_2859 = vector.broadcast %add3A_2858 : i32 to vector<16xi32>
      %add3A_2860 = arith.addi %iota3A, %add3A_2859 : vector<16xi32>
      %add3A_2861 = arith.addi %gather3A_2857, %add3A_2860 : vector<16xi32>
      %gather3A_2862 = tpu.vector_load_idx %arg6[%add3A_2861] : memref<32000xi32, #tpu.memory_space<vmem>>[vector<16xi32>], vector<16xi32>,
      %get3A_2863 = arith.constant 64 : index
      %get3A_2864 = tpu.vector_load %arg7[%get3A_2863] {strides = array<i32>} : memref<512xi32, #tpu.memory_space<vmem>>, vector<16xi32>,
      %xor3A_2865 = arith.xori %gather3A_2862, %get3A_2864 : vector<16xi32>
      %broadcast_in_dim3A_2866 = arith.constant 3 : i32
      %broadcast_in_dim3A_2867 = vector.broadcast %broadcast_in_dim3A_2866 : i32 to vector<16xi32>
      %lt3A_2868 = arith.constant 0 : i32
      %lt3A_2869 = vector.broadcast %lt3A_2868 : i32 to vector<16xi32>
      %lt3A_2870 = arith.cmpi slt, %broadcast_in_dim3A_2867, %lt3A_2869 : vector<16xi32>
      %add3A_2871 = arith.constant 16 : i32
      %add3A_2872 = vector.broadcast %add3A_2871 : i32 to vector<16xi32>
      %add3A_2873 = arith.addi %broadcast_in_dim3A_2867, %add3A_2872 : vector<16xi32>
      %select_n3A_2874 = arith.select %lt3A_2870, %add3A_2873, %broadcast_in_dim3A_2867 : vector<16xi1>, vector<16xi32>
      %broadcast_in_dim3A_2875 = vector.shape_cast %select_n3A_2874 : vector<16xi32> to vector<16x1xi32>
      %gather3A_2876 = vector.shape_cast %broadcast_in_dim3A_2875 : vector<16x1xi32> to vector<16xi32>
      %gather3A_2877 = tpu.dynamic_gather %mul3A_2806[%gather3A_2876] in [0] : vector<16xi32>, vector<16xi32> -> vector<16xi32>
      %add3A_2878 = arith.constant 0 : i32
      %add3A_2879 = vector.broadcast %add3A_2878 : i32 to vector<16xi32>
      %add3A_2880 = arith.addi %iota3A, %add3A_2879 : vector<16xi32>
      %add3A_2881 = arith.addi %gather3A_2877, %add3A_2880 : vector<16xi32>
      %gather3A_2882 = tpu.vector_load_idx %arg6[%add3A_2881] : memref<32000xi32, #tpu.memory_space<vmem>>[vector<16xi32>], vector<16xi32>,
      %get3A_2883 = arith.constant 96 : index
      %get3A_2884 = tpu.vector_load %arg7[%get3A_2883] {strides = array<i32>} : memref<512xi32, #tpu.memory_space<vmem>>, vector<16xi32>,
      %xor3A_2885 = arith.xori %gather3A_2882, %get3A_2884 : vector<16xi32>
      %broadcast_in_dim3A_2886 = arith.constant 4 : i32
      %broadcast_in_dim3A_2887 = vector.broadcast %broadcast_in_dim3A_2886 : i32 to vector<16xi32>
      %lt3A_2888 = arith.constant 0 : i32
      %lt3A_2889 = vector.broadcast %lt3A_2888 : i32 to vector<16xi32>
      %lt3A_2890 = arith.cmpi slt, %broadcast_in_dim3A_2887, %lt3A_2889 : vector<16xi32>
      %add3A_2891 = arith.constant 16 : i32
      %add3A_2892 = vector.broadcast %add3A_2891 : i32 to vector<16xi32>
      %add3A_2893 = arith.addi %broadcast_in_dim3A_2887, %add3A_2892 : vector<16xi32>
      %select_n3A_2894 = arith.select %lt3A_2890, %add3A_2893, %broadcast_in_dim3A_2887 : vector<16xi1>, vector<16xi32>
      %broadcast_in_dim3A_2895 = vector.shape_cast %select_n3A_2894 : vector<16xi32> to vector<16x1xi32>
      %gather3A_2896 = vector.shape_cast %broadcast_in_dim3A_2895 : vector<16x1xi32> to vector<16xi32>
      %gather3A_2897 = tpu.dynamic_gather %mul3A_2806[%gather3A_2896] in [0] : vector<16xi32>, vector<16xi32> -> vector<16xi32>
      %add3A_2898 = arith.constant 0 : i32
      %add3A_2899 = vector.broadcast %add3A_2898 : i32 to vector<16xi32>
      %add3A_2900 = arith.addi %iota3A, %add3A_2899 : vector<16xi32>
      %add3A_2901 = arith.addi %gather3A_2897, %add3A_2900 : vector<16xi32>
      %gather3A_2902 = tpu.vector_load_idx %arg6[%add3A_2901] : memref<32000xi32, #tpu.memory_space<vmem>>[vector<16xi32>], vector<16xi32>,
      %get3A_2903 = arith.constant 128 : index
      %get3A_2904 = tpu.vector_load %arg7[%get3A_2903] {strides = array<i32>} : memref<512xi32, #tpu.memory_space<vmem>>, vector<16xi32>,
      %xor3A_2905 = arith.xori %gather3A_2902, %get3A_2904 : vector<16xi32>
      %broadcast_in_dim3A_2906 = arith.constant 5 : i32
      %broadcast_in_dim3A_2907 = vector.broadcast %broadcast_in_dim3A_2906 : i32 to vector<16xi32>
      %lt3A_2908 = arith.constant 0 : i32
      %lt3A_2909 = vector.broadcast %lt3A_2908 : i32 to vector<16xi32>
      %lt3A_2910 = arith.cmpi slt, %broadcast_in_dim3A_2907, %lt3A_2909 : vector<16xi32>
      %add3A_2911 = arith.constant 16 : i32
      %add3A_2912 = vector.broadcast %add3A_2911 : i32 to vector<16xi32>
      %add3A_2913 = arith.addi %broadcast_in_dim3A_2907, %add3A_2912 : vector<16xi32>
      %select_n3A_2914 = arith.select %lt3A_2910, %add3A_2913, %broadcast_in_dim3A_2907 : vector<16xi1>, vector<16xi32>
      %broadcast_in_dim3A_2915 = vector.shape_cast %select_n3A_2914 : vector<16xi32> to vector<16x1xi32>
      %gather3A_2916 = vector.shape_cast %broadcast_in_dim3A_2915 : vector<16x1xi32> to vector<16xi32>
      %gather3A_2917 = tpu.dynamic_gather %mul3A_2806[%gather3A_2916] in [0] : vector<16xi32>, vector<16xi32> -> vector<16xi32>
      %add3A_2918 = arith.constant 0 : i32
      %add3A_2919 = vector.broadcast %add3A_2918 : i32 to vector<16xi32>
      %add3A_2920 = arith.addi %iota3A, %add3A_2919 : vector<16xi32>
      %add3A_2921 = arith.addi %gather3A_2917, %add3A_2920 : vector<16xi32>
      %gather3A_2922 = tpu.vector_load_idx %arg6[%add3A_2921] : memref<32000xi32, #tpu.memory_space<vmem>>[vector<16xi32>], vector<16xi32>,
      %get3A_2923 = arith.constant 160 : index
      %get3A_2924 = tpu.vector_load %arg7[%get3A_2923] {strides = array<i32>} : memref<512xi32, #tpu.memory_space<vmem>>, vector<16xi32>,
      %xor3A_2925 = arith.xori %gather3A_2922, %get3A_2924 : vector<16xi32>
      %broadcast_in_dim3A_2926 = arith.constant 6 : i32
      %broadcast_in_dim3A_2927 = vector.broadcast %broadcast_in_dim3A_2926 : i32 to vector<16xi32>
      %lt3A_2928 = arith.constant 0 : i32
      %lt3A_2929 = vector.broadcast %lt3A_2928 : i32 to vector<16xi32>
      %lt3A_2930 = arith.cmpi slt, %broadcast_in_dim3A_2927, %lt3A_2929 : vector<16xi32>
      %add3A_2931 = arith.constant 16 : i32
      %add3A_2932 = vector.broadcast %add3A_2931 : i32 to vector<16xi32>
      %add3A_2933 = arith.addi %broadcast_in_dim3A_2927, %add3A_2932 : vector<16xi32>
      %select_n3A_2934 = arith.select %lt3A_2930, %add3A_2933, %broadcast_in_dim3A_2927 : vector<16xi1>, vector<16xi32>
      %broadcast_in_dim3A_2935 = vector.shape_cast %select_n3A_2934 : vector<16xi32> to vector<16x1xi32>
      %gather3A_2936 = vector.shape_cast %broadcast_in_dim3A_2935 : vector<16x1xi32> to vector<16xi32>
      %gather3A_2937 = tpu.dynamic_gather %mul3A_2806[%gather3A_2936] in [0] : vector<16xi32>, vector<16xi32> -> vector<16xi32>
      %add3A_2938 = arith.constant 0 : i32
      %add3A_2939 = vector.broadcast %add3A_2938 : i32 to vector<16xi32>
      %add3A_2940 = arith.addi %iota3A, %add3A_2939 : vector<16xi32>
      %add3A_2941 = arith.addi %gather3A_2937, %add3A_2940 : vector<16xi32>
      %gather3A_2942 = tpu.vector_load_idx %arg6[%add3A_2941] : memref<32000xi32, #tpu.memory_space<vmem>>[vector<16xi32>], vector<16xi32>,
      %get3A_2943 = arith.constant 192 : index
      %get3A_2944 = tpu.vector_load %arg7[%get3A_2943] {strides = array<i32>} : memref<512xi32, #tpu.memory_space<vmem>>, vector<16xi32>,
      %xor3A_2945 = arith.xori %gather3A_2942, %get3A_2944 : vector<16xi32>
      %broadcast_in_dim3A_2946 = arith.constant 7 : i32
      %broadcast_in_dim3A_2947 = vector.broadcast %broadcast_in_dim3A_2946 : i32 to vector<16xi32>
      %lt3A_2948 = arith.constant 0 : i32
      %lt3A_2949 = vector.broadcast %lt3A_2948 : i32 to vector<16xi32>
      %lt3A_2950 = arith.cmpi slt, %broadcast_in_dim3A_2947, %lt3A_2949 : vector<16xi32>
      %add3A_2951 = arith.constant 16 : i32
      %add3A_2952 = vector.broadcast %add3A_2951 : i32 to vector<16xi32>
      %add3A_2953 = arith.addi %broadcast_in_dim3A_2947, %add3A_2952 : vector<16xi32>
      %select_n3A_2954 = arith.select %lt3A_2950, %add3A_2953, %broadcast_in_dim3A_2947 : vector<16xi1>, vector<16xi32>
      %broadcast_in_dim3A_2955 = vector.shape_cast %select_n3A_2954 : vector<16xi32> to vector<16x1xi32>
      %gather3A_2956 = vector.shape_cast %broadcast_in_dim3A_2955 : vector<16x1xi32> to vector<16xi32>
      %gather3A_2957 = tpu.dynamic_gather %mul3A_2806[%gather3A_2956] in [0] : vector<16xi32>, vector<16xi32> -> vector<16xi32>
      %add3A_2958 = arith.constant 0 : i32
      %add3A_2959 = vector.broadcast %add3A_2958 : i32 to vector<16xi32>
      %add3A_2960 = arith.addi %iota3A, %add3A_2959 : vector<16xi32>
      %add3A_2961 = arith.addi %gather3A_2957, %add3A_2960 : vector<16xi32>
      %gather3A_2962 = tpu.vector_load_idx %arg6[%add3A_2961] : memref<32000xi32, #tpu.memory_space<vmem>>[vector<16xi32>], vector<16xi32>,
      %get3A_2963 = arith.constant 224 : index
      %get3A_2964 = tpu.vector_load %arg7[%get3A_2963] {strides = array<i32>} : memref<512xi32, #tpu.memory_space<vmem>>, vector<16xi32>,
      %xor3A_2965 = arith.xori %gather3A_2962, %get3A_2964 : vector<16xi32>
      %broadcast_in_dim3A_2966 = arith.constant 8 : i32
      %broadcast_in_dim3A_2967 = vector.broadcast %broadcast_in_dim3A_2966 : i32 to vector<16xi32>
      %lt3A_2968 = arith.constant 0 : i32
      %lt3A_2969 = vector.broadcast %lt3A_2968 : i32 to vector<16xi32>
      %lt3A_2970 = arith.cmpi slt, %broadcast_in_dim3A_2967, %lt3A_2969 : vector<16xi32>
      %add3A_2971 = arith.constant 16 : i32
      %add3A_2972 = vector.broadcast %add3A_2971 : i32 to vector<16xi32>
      %add3A_2973 = arith.addi %broadcast_in_dim3A_2967, %add3A_2972 : vector<16xi32>
      %select_n3A_2974 = arith.select %lt3A_2970, %add3A_2973, %broadcast_in_dim3A_2967 : vector<16xi1>, vector<16xi32>
      %broadcast_in_dim3A_2975 = vector.shape_cast %select_n3A_2974 : vector<16xi32> to vector<16x1xi32>
      %gather3A_2976 = vector.shape_cast %broadcast_in_dim3A_2975 : vector<16x1xi32> to vector<16xi32>
      %gather3A_2977 = tpu.dynamic_gather %mul3A_2806[%gather3A_2976] in [0] : vector<16xi32>, vector<16xi32> -> vector<16xi32>
      %add3A_2978 = arith.constant 0 : i32
      %add3A_2979 = vector.broadcast %add3A_2978 : i32 to vector<16xi32>
      %add3A_2980 = arith.addi %iota3A, %add3A_2979 : vector<16xi32>
      %add3A_2981 = arith.addi %gather3A_2977, %add3A_2980 : vector<16xi32>
      %gather3A_2982 = tpu.vector_load_idx %arg6[%add3A_2981] : memref<32000xi32, #tpu.memory_space<vmem>>[vector<16xi32>], vector<16xi32>,
      %get3A_2983 = arith.constant 256 : index
      %get3A_2984 = tpu.vector_load %arg7[%get3A_2983] {strides = array<i32>} : memref<512xi32, #tpu.memory_space<vmem>>, vector<16xi32>,
      %xor3A_2985 = arith.xori %gather3A_2982, %get3A_2984 : vector<16xi32>
      %broadcast_in_dim3A_2986 = arith.constant 9 : i32
      %broadcast_in_dim3A_2987 = vector.broadcast %broadcast_in_dim3A_2986 : i32 to vector<16xi32>
      %lt3A_2988 = arith.constant 0 : i32
      %lt3A_2989 = vector.broadcast %lt3A_2988 : i32 to vector<16xi32>
      %lt3A_2990 = arith.cmpi slt, %broadcast_in_dim3A_2987, %lt3A_2989 : vector<16xi32>
      %add3A_2991 = arith.constant 16 : i32
      %add3A_2992 = vector.broadcast %add3A_2991 : i32 to vector<16xi32>
      %add3A_2993 = arith.addi %broadcast_in_dim3A_2987, %add3A_2992 : vector<16xi32>
      %select_n3A_2994 = arith.select %lt3A_2990, %add3A_2993, %broadcast_in_dim3A_2987 : vector<16xi1>, vector<16xi32>
      %broadcast_in_dim3A_2995 = vector.shape_cast %select_n3A_2994 : vector<16xi32> to vector<16x1xi32>
      %gather3A_2996 = vector.shape_cast %broadcast_in_dim3A_2995 : vector<16x1xi32> to vector<16xi32>
      %gather3A_2997 = tpu.dynamic_gather %mul3A_2806[%gather3A_2996] in [0] : vector<16xi32>, vector<16xi32> -> vector<16xi32>
      %add3A_2998 = arith.constant 0 : i32
      %add3A_2999 = vector.broadcast %add3A_2998 : i32 to vector<16xi32>
      %add3A_3000 = arith.addi %iota3A, %add3A_2999 : vector<16xi32>
      %add3A_3001 = arith.addi %gather3A_2997, %add3A_3000 : vector<16xi32>
      %gather3A_3002 = tpu.vector_load_idx %arg6[%add3A_3001] : memref<32000xi32, #tpu.memory_space<vmem>>[vector<16xi32>], vector<16xi32>,
      %get3A_3003 = arith.constant 288 : index
      %get3A_3004 = tpu.vector_load %arg7[%get3A_3003] {strides = array<i32>} : memref<512xi32, #tpu.memory_space<vmem>>, vector<16xi32>,
      %xor3A_3005 = arith.xori %gather3A_3002, %get3A_3004 : vector<16xi32>
      %broadcast_in_dim3A_3006 = arith.constant 10 : i32
      %broadcast_in_dim3A_3007 = vector.broadcast %broadcast_in_dim3A_3006 : i32 to vector<16xi32>
      %lt3A_3008 = arith.constant 0 : i32
      %lt3A_3009 = vector.broadcast %lt3A_3008 : i32 to vector<16xi32>
      %lt3A_3010 = arith.cmpi slt, %broadcast_in_dim3A_3007, %lt3A_3009 : vector<16xi32>
      %add3A_3011 = arith.constant 16 : i32
      %add3A_3012 = vector.broadcast %add3A_3011 : i32 to vector<16xi32>
      %add3A_3013 = arith.addi %broadcast_in_dim3A_3007, %add3A_3012 : vector<16xi32>
      %select_n3A_3014 = arith.select %lt3A_3010, %add3A_3013, %broadcast_in_dim3A_3007 : vector<16xi1>, vector<16xi32>
      %broadcast_in_dim3A_3015 = vector.shape_cast %select_n3A_3014 : vector<16xi32> to vector<16x1xi32>
      %gather3A_3016 = vector.shape_cast %broadcast_in_dim3A_3015 : vector<16x1xi32> to vector<16xi32>
      %gather3A_3017 = tpu.dynamic_gather %mul3A_2806[%gather3A_3016] in [0] : vector<16xi32>, vector<16xi32> -> vector<16xi32>
      %add3A_3018 = arith.constant 0 : i32
      %add3A_3019 = vector.broadcast %add3A_3018 : i32 to vector<16xi32>
      %add3A_3020 = arith.addi %iota3A, %add3A_3019 : vector<16xi32>
      %add3A_3021 = arith.addi %gather3A_3017, %add3A_3020 : vector<16xi32>
      %gather3A_3022 = tpu.vector_load_idx %arg6[%add3A_3021] : memref<32000xi32, #tpu.memory_space<vmem>>[vector<16xi32>], vector<16xi32>,
      %get3A_3023 = arith.constant 320 : index
      %get3A_3024 = tpu.vector_load %arg7[%get3A_3023] {strides = array<i32>} : memref<512xi32, #tpu.memory_space<vmem>>, vector<16xi32>,
      %xor3A_3025 = arith.xori %gather3A_3022, %get3A_3024 : vector<16xi32>
      %broadcast_in_dim3A_3026 = arith.constant 11 : i32
      %broadcast_in_dim3A_3027 = vector.broadcast %broadcast_in_dim3A_3026 : i32 to vector<16xi32>
      %lt3A_3028 = arith.constant 0 : i32
      %lt3A_3029 = vector.broadcast %lt3A_3028 : i32 to vector<16xi32>
      %lt3A_3030 = arith.cmpi slt, %broadcast_in_dim3A_3027, %lt3A_3029 : vector<16xi32>
      %add3A_3031 = arith.constant 16 : i32
      %add3A_3032 = vector.broadcast %add3A_3031 : i32 to vector<16xi32>
      %add3A_3033 = arith.addi %broadcast_in_dim3A_3027, %add3A_3032 : vector<16xi32>
      %select_n3A_3034 = arith.select %lt3A_3030, %add3A_3033, %broadcast_in_dim3A_3027 : vector<16xi1>, vector<16xi32>
      %broadcast_in_dim3A_3035 = vector.shape_cast %select_n3A_3034 : vector<16xi32> to vector<16x1xi32>
      %gather3A_3036 = vector.shape_cast %broadcast_in_dim3A_3035 : vector<16x1xi32> to vector<16xi32>
      %gather3A_3037 = tpu.dynamic_gather %mul3A_2806[%gather3A_3036] in [0] : vector<16xi32>, vector<16xi32> -> vector<16xi32>
      %add3A_3038 = arith.constant 0 : i32
      %add3A_3039 = vector.broadcast %add3A_3038 : i32 to vector<16xi32>
      %add3A_3040 = arith.addi %iota3A, %add3A_3039 : vector<16xi32>
      %add3A_3041 = arith.addi %gather3A_3037, %add3A_3040 : vector<16xi32>
      %gather3A_3042 = tpu.vector_load_idx %arg6[%add3A_3041] : memref<32000xi32, #tpu.memory_space<vmem>>[vector<16xi32>], vector<16xi32>,
      %get3A_3043 = arith.constant 352 : index
      %get3A_3044 = tpu.vector_load %arg7[%get3A_3043] {strides = array<i32>} : memref<512xi32, #tpu.memory_space<vmem>>, vector<16xi32>,
      %xor3A_3045 = arith.xori %gather3A_3042, %get3A_3044 : vector<16xi32>
      %broadcast_in_dim3A_3046 = arith.constant 12 : i32
      %broadcast_in_dim3A_3047 = vector.broadcast %broadcast_in_dim3A_3046 : i32 to vector<16xi32>
      %lt3A_3048 = arith.constant 0 : i32
      %lt3A_3049 = vector.broadcast %lt3A_3048 : i32 to vector<16xi32>
      %lt3A_3050 = arith.cmpi slt, %broadcast_in_dim3A_3047, %lt3A_3049 : vector<16xi32>
      %add3A_3051 = arith.constant 16 : i32
      %add3A_3052 = vector.broadcast %add3A_3051 : i32 to vector<16xi32>
      %add3A_3053 = arith.addi %broadcast_in_dim3A_3047, %add3A_3052 : vector<16xi32>
      %select_n3A_3054 = arith.select %lt3A_3050, %add3A_3053, %broadcast_in_dim3A_3047 : vector<16xi1>, vector<16xi32>
      %broadcast_in_dim3A_3055 = vector.shape_cast %select_n3A_3054 : vector<16xi32> to vector<16x1xi32>
      %gather3A_3056 = vector.shape_cast %broadcast_in_dim3A_3055 : vector<16x1xi32> to vector<16xi32>
      %gather3A_3057 = tpu.dynamic_gather %mul3A_2806[%gather3A_3056] in [0] : vector<16xi32>, vector<16xi32> -> vector<16xi32>
      %add3A_3058 = arith.constant 0 : i32
      %add3A_3059 = vector.broadcast %add3A_3058 : i32 to vector<16xi32>
      %add3A_3060 = arith.addi %iota3A, %add3A_3059 : vector<16xi32>
      %add3A_3061 = arith.addi %gather3A_3057, %add3A_3060 : vector<16xi32>
      %gather3A_3062 = tpu.vector_load_idx %arg6[%add3A_3061] : memref<32000xi32, #tpu.memory_space<vmem>>[vector<16xi32>], vector<16xi32>,
      %get3A_3063 = arith.constant 384 : index
      %get3A_3064 = tpu.vector_load %arg7[%get3A_3063] {strides = array<i32>} : memref<512xi32, #tpu.memory_space<vmem>>, vector<16xi32>,
      %xor3A_3065 = arith.xori %gather3A_3062, %get3A_3064 : vector<16xi32>
      %broadcast_in_dim3A_3066 = arith.constant 13 : i32
      %broadcast_in_dim3A_3067 = vector.broadcast %broadcast_in_dim3A_3066 : i32 to vector<16xi32>
      %lt3A_3068 = arith.constant 0 : i32
      %lt3A_3069 = vector.broadcast %lt3A_3068 : i32 to vector<16xi32>
      %lt3A_3070 = arith.cmpi slt, %broadcast_in_dim3A_3067, %lt3A_3069 : vector<16xi32>
      %add3A_3071 = arith.constant 16 : i32
      %add3A_3072 = vector.broadcast %add3A_3071 : i32 to vector<16xi32>
      %add3A_3073 = arith.addi %broadcast_in_dim3A_3067, %add3A_3072 : vector<16xi32>
      %select_n3A_3074 = arith.select %lt3A_3070, %add3A_3073, %broadcast_in_dim3A_3067 : vector<16xi1>, vector<16xi32>
      %broadcast_in_dim3A_3075 = vector.shape_cast %select_n3A_3074 : vector<16xi32> to vector<16x1xi32>
      %gather3A_3076 = vector.shape_cast %broadcast_in_dim3A_3075 : vector<16x1xi32> to vector<16xi32>
      %gather3A_3077 = tpu.dynamic_gather %mul3A_2806[%gather3A_3076] in [0] : vector<16xi32>, vector<16xi32> -> vector<16xi32>
      %add3A_3078 = arith.constant 0 : i32
      %add3A_3079 = vector.broadcast %add3A_3078 : i32 to vector<16xi32>
      %add3A_3080 = arith.addi %iota3A, %add3A_3079 : vector<16xi32>
      %add3A_3081 = arith.addi %gather3A_3077, %add3A_3080 : vector<16xi32>
      %gather3A_3082 = tpu.vector_load_idx %arg6[%add3A_3081] : memref<32000xi32, #tpu.memory_space<vmem>>[vector<16xi32>], vector<16xi32>,
      %get3A_3083 = arith.constant 416 : index
      %get3A_3084 = tpu.vector_load %arg7[%get3A_3083] {strides = array<i32>} : memref<512xi32, #tpu.memory_space<vmem>>, vector<16xi32>,
      %xor3A_3085 = arith.xori %gather3A_3082, %get3A_3084 : vector<16xi32>
      %broadcast_in_dim3A_3086 = arith.constant 14 : i32
      %broadcast_in_dim3A_3087 = vector.broadcast %broadcast_in_dim3A_3086 : i32 to vector<16xi32>
      %lt3A_3088 = arith.constant 0 : i32
      %lt3A_3089 = vector.broadcast %lt3A_3088 : i32 to vector<16xi32>
      %lt3A_3090 = arith.cmpi slt, %broadcast_in_dim3A_3087, %lt3A_3089 : vector<16xi32>
      %add3A_3091 = arith.constant 16 : i32
      %add3A_3092 = vector.broadcast %add3A_3091 : i32 to vector<16xi32>
      %add3A_3093 = arith.addi %broadcast_in_dim3A_3087, %add3A_3092 : vector<16xi32>
      %select_n3A_3094 = arith.select %lt3A_3090, %add3A_3093, %broadcast_in_dim3A_3087 : vector<16xi1>, vector<16xi32>
      %broadcast_in_dim3A_3095 = vector.shape_cast %select_n3A_3094 : vector<16xi32> to vector<16x1xi32>
      %gather3A_3096 = vector.shape_cast %broadcast_in_dim3A_3095 : vector<16x1xi32> to vector<16xi32>
      %gather3A_3097 = tpu.dynamic_gather %mul3A_2806[%gather3A_3096] in [0] : vector<16xi32>, vector<16xi32> -> vector<16xi32>
      %add3A_3098 = arith.constant 0 : i32
      %add3A_3099 = vector.broadcast %add3A_3098 : i32 to vector<16xi32>
      %add3A_3100 = arith.addi %iota3A, %add3A_3099 : vector<16xi32>
      %add3A_3101 = arith.addi %gather3A_3097, %add3A_3100 : vector<16xi32>
      %gather3A_3102 = tpu.vector_load_idx %arg6[%add3A_3101] : memref<32000xi32, #tpu.memory_space<vmem>>[vector<16xi32>], vector<16xi32>,
      %get3A_3103 = arith.constant 448 : index
      %get3A_3104 = tpu.vector_load %arg7[%get3A_3103] {strides = array<i32>} : memref<512xi32, #tpu.memory_space<vmem>>, vector<16xi32>,
      %xor3A_3105 = arith.xori %gather3A_3102, %get3A_3104 : vector<16xi32>
      %broadcast_in_dim3A_3106 = arith.constant 15 : i32
      %broadcast_in_dim3A_3107 = vector.broadcast %broadcast_in_dim3A_3106 : i32 to vector<16xi32>
      %lt3A_3108 = arith.constant 0 : i32
      %lt3A_3109 = vector.broadcast %lt3A_3108 : i32 to vector<16xi32>
      %lt3A_3110 = arith.cmpi slt, %broadcast_in_dim3A_3107, %lt3A_3109 : vector<16xi32>
      %add3A_3111 = arith.constant 16 : i32
      %add3A_3112 = vector.broadcast %add3A_3111 : i32 to vector<16xi32>
      %add3A_3113 = arith.addi %broadcast_in_dim3A_3107, %add3A_3112 : vector<16xi32>
      %select_n3A_3114 = arith.select %lt3A_3110, %add3A_3113, %broadcast_in_dim3A_3107 : vector<16xi1>, vector<16xi32>
      %broadcast_in_dim3A_3115 = vector.shape_cast %select_n3A_3114 : vector<16xi32> to vector<16x1xi32>
      %gather3A_3116 = vector.shape_cast %broadcast_in_dim3A_3115 : vector<16x1xi32> to vector<16xi32>
      %gather3A_3117 = tpu.dynamic_gather %mul3A_2806[%gather3A_3116] in [0] : vector<16xi32>, vector<16xi32> -> vector<16xi32>
      %add3A_3118 = arith.constant 0 : i32
      %add3A_3119 = vector.broadcast %add3A_3118 : i32 to vector<16xi32>
      %add3A_3120 = arith.addi %iota3A, %add3A_3119 : vector<16xi32>
      %add3A_3121 = arith.addi %gather3A_3117, %add3A_3120 : vector<16xi32>
      %gather3A_3122 = tpu.vector_load_idx %arg6[%add3A_3121] : memref<32000xi32, #tpu.memory_space<vmem>>[vector<16xi32>], vector<16xi32>,
      %get3A_3123 = arith.constant 480 : index
      %get3A_3124 = tpu.vector_load %arg7[%get3A_3123] {strides = array<i32>} : memref<512xi32, #tpu.memory_space<vmem>>, vector<16xi32>,
      %xor3A_3125 = arith.xori %gather3A_3122, %get3A_3124 : vector<16xi32>
      %xor3A_3126 = arith.xori %xor3A, %xor3A_2845 : vector<16xi32>
      %and3A_3127 = arith.andi %xor3A, %xor3A_2845 : vector<16xi32>
      %xor3A_3128 = arith.xori %xor3A_2865, %xor3A_2885 : vector<16xi32>
      %and3A_3129 = arith.andi %xor3A_2865, %xor3A_2885 : vector<16xi32>
      %xor3A_3130 = arith.xori %xor3A_2905, %xor3A_2925 : vector<16xi32>
      %and3A_3131 = arith.andi %xor3A_2905, %xor3A_2925 : vector<16xi32>
      %xor3A_3132 = arith.xori %xor3A_2945, %xor3A_2965 : vector<16xi32>
      %and3A_3133 = arith.andi %xor3A_2945, %xor3A_2965 : vector<16xi32>
      %xor3A_3134 = arith.xori %xor3A_3126, %xor3A_3128 : vector<16xi32>
      %and3A_3135 = arith.andi %xor3A_3126, %xor3A_3128 : vector<16xi32>
      %xor3A_3136 = arith.xori %and3A_3127, %and3A_3129 : vector<16xi32>
      %and3A_3137 = arith.andi %and3A_3127, %and3A_3129 : vector<16xi32>
      %and3A_3138 = arith.andi %and3A_3135, %xor3A_3136 : vector<16xi32>
      %or3A_3139 = arith.ori %and3A_3137, %and3A_3138 : vector<16xi32>
      %xor3A_3140 = arith.xori %xor3A_3136, %and3A_3135 : vector<16xi32>
      %xor3A_3141 = arith.xori %xor3A_3130, %xor3A_3132 : vector<16xi32>
      %and3A_3142 = arith.andi %xor3A_3130, %xor3A_3132 : vector<16xi32>
      %xor3A_3143 = arith.xori %and3A_3131, %and3A_3133 : vector<16xi32>
      %and3A_3144 = arith.andi %and3A_3131, %and3A_3133 : vector<16xi32>
      %and3A_3145 = arith.andi %and3A_3142, %xor3A_3143 : vector<16xi32>
      %or3A_3146 = arith.ori %and3A_3144, %and3A_3145 : vector<16xi32>
      %xor3A_3147 = arith.xori %xor3A_3143, %and3A_3142 : vector<16xi32>
      %xor3A_3148 = arith.xori %xor3A_3134, %xor3A_3141 : vector<16xi32>
      %and3A_3149 = arith.andi %xor3A_3134, %xor3A_3141 : vector<16xi32>
      %xor3A_3150 = arith.xori %xor3A_3140, %xor3A_3147 : vector<16xi32>
      %and3A_3151 = arith.andi %xor3A_3140, %xor3A_3147 : vector<16xi32>
      %and3A_3152 = arith.andi %and3A_3149, %xor3A_3150 : vector<16xi32>
      %or3A_3153 = arith.ori %and3A_3151, %and3A_3152 : vector<16xi32>
      %xor3A_3154 = arith.xori %xor3A_3150, %and3A_3149 : vector<16xi32>
      %xor3A_3155 = arith.xori %or3A_3139, %or3A_3146 : vector<16xi32>
      %and3A_3156 = arith.andi %or3A_3139, %or3A_3146 : vector<16xi32>
      %and3A_3157 = arith.andi %or3A_3153, %xor3A_3155 : vector<16xi32>
      %or3A_3158 = arith.ori %and3A_3156, %and3A_3157 : vector<16xi32>
      %xor3A_3159 = arith.xori %xor3A_3155, %or3A_3153 : vector<16xi32>
      %xor3A_3160 = arith.xori %xor3A_2985, %xor3A_3005 : vector<16xi32>
      %and3A_3161 = arith.andi %xor3A_2985, %xor3A_3005 : vector<16xi32>
      %xor3A_3162 = arith.xori %xor3A_3025, %xor3A_3045 : vector<16xi32>
      %and3A_3163 = arith.andi %xor3A_3025, %xor3A_3045 : vector<16xi32>
      %xor3A_3164 = arith.xori %xor3A_3065, %xor3A_3085 : vector<16xi32>
      %and3A_3165 = arith.andi %xor3A_3065, %xor3A_3085 : vector<16xi32>
      %xor3A_3166 = arith.xori %xor3A_3105, %xor3A_3125 : vector<16xi32>
      %and3A_3167 = arith.andi %xor3A_3105, %xor3A_3125 : vector<16xi32>
      %xor3A_3168 = arith.xori %xor3A_3160, %xor3A_3162 : vector<16xi32>
      %and3A_3169 = arith.andi %xor3A_3160, %xor3A_3162 : vector<16xi32>
      %xor3A_3170 = arith.xori %and3A_3161, %and3A_3163 : vector<16xi32>
      %and3A_3171 = arith.andi %and3A_3161, %and3A_3163 : vector<16xi32>
      %and3A_3172 = arith.andi %and3A_3169, %xor3A_3170 : vector<16xi32>
      %or3A_3173 = arith.ori %and3A_3171, %and3A_3172 : vector<16xi32>
      %xor3A_3174 = arith.xori %xor3A_3170, %and3A_3169 : vector<16xi32>
      %xor3A_3175 = arith.xori %xor3A_3164, %xor3A_3166 : vector<16xi32>
      %and3A_3176 = arith.andi %xor3A_3164, %xor3A_3166 : vector<16xi32>
      %xor3A_3177 = arith.xori %and3A_3165, %and3A_3167 : vector<16xi32>
      %and3A_3178 = arith.andi %and3A_3165, %and3A_3167 : vector<16xi32>
      %and3A_3179 = arith.andi %and3A_3176, %xor3A_3177 : vector<16xi32>
      %or3A_3180 = arith.ori %and3A_3178, %and3A_3179 : vector<16xi32>
      %xor3A_3181 = arith.xori %xor3A_3177, %and3A_3176 : vector<16xi32>
      %xor3A_3182 = arith.xori %xor3A_3168, %xor3A_3175 : vector<16xi32>
      %and3A_3183 = arith.andi %xor3A_3168, %xor3A_3175 : vector<16xi32>
      %xor3A_3184 = arith.xori %xor3A_3174, %xor3A_3181 : vector<16xi32>
      %and3A_3185 = arith.andi %xor3A_3174, %xor3A_3181 : vector<16xi32>
      %and3A_3186 = arith.andi %and3A_3183, %xor3A_3184 : vector<16xi32>
      %or3A_3187 = arith.ori %and3A_3185, %and3A_3186 : vector<16xi32>
      %xor3A_3188 = arith.xori %xor3A_3184, %and3A_3183 : vector<16xi32>
      %xor3A_3189 = arith.xori %or3A_3173, %or3A_3180 : vector<16xi32>
      %and3A_3190 = arith.andi %or3A_3173, %or3A_3180 : vector<16xi32>
      %and3A_3191 = arith.andi %or3A_3187, %xor3A_3189 : vector<16xi32>
      %or3A_3192 = arith.ori %and3A_3190, %and3A_3191 : vector<16xi32>
      %xor3A_3193 = arith.xori %xor3A_3189, %or3A_3187 : vector<16xi32>
      %and3A_3194 = arith.andi %xor3A_3148, %xor3A_3182 : vector<16xi32>
      %and3A_3195 = arith.andi %xor3A_3154, %xor3A_3188 : vector<16xi32>
      %xor3A_3196 = arith.xori %xor3A_3154, %xor3A_3188 : vector<16xi32>
      %and3A_3197 = arith.andi %and3A_3194, %xor3A_3196 : vector<16xi32>
      %or3A_3198 = arith.ori %and3A_3195, %and3A_3197 : vector<16xi32>
      %and3A_3199 = arith.andi %xor3A_3159, %xor3A_3193 : vector<16xi32>
      %xor3A_3200 = arith.xori %xor3A_3159, %xor3A_3193 : vector<16xi32>
      %and3A_3201 = arith.andi %or3A_3198, %xor3A_3200 : vector<16xi32>
      %or3A_3202 = arith.ori %and3A_3199, %and3A_3201 : vector<16xi32>
      %or3A_3203 = arith.ori %or3A_3158, %or3A_3192 : vector<16xi32>
      %or3A_3204 = arith.ori %or3A_3203, %or3A_3202 : vector<16xi32>
      %mul3A_3205 = arith.constant 32 : i32
      %mul3A_3206 = arith.muli %scan3A_2800, %mul3A_3205 : i32
      %add3A_3207 = arith.constant 0 : i32
      %add3A_3208 = arith.addi %mul3A_3206, %add3A_3207 : i32
      %get3A_3209 = arith.index_cast %add3A_3208 : i32 to index
      %get3A_3210 = tpu.vector_load %arg8[%get3A_3209] {strides = array<i32>} : memref<1600xi32, #tpu.memory_space<vmem>>, vector<16xi32>,
      %xor3A_3211 = arith.xori %or3A_3204, %get3A_3210 : vector<16xi32>
      %mul3A_3212 = arith.constant 33 : i32
      %mul3A_3213 = arith.muli %scan3A_2800, %mul3A_3212 : i32
      %add3A_3214 = arith.constant 1 : i32
      %add3A_3215 = arith.addi %mul3A_3213, %add3A_3214 : i32
      %add3A_3216 = arith.constant 0 : i32
      %add3A_3217 = arith.addi %add3A_3215, %add3A_3216 : i32
      %swap3A_3218 = arith.index_cast %add3A_3217 : i32 to index
      %swap3A_3219 = tpu.vector_load %arg9[%swap3A_3218] {strides = array<i32>} : memref<1650xi32, #tpu.memory_space<vmem>>, vector<16xi32>,
      tpu.vector_store %arg9[%swap3A_3218], %xor3A_3211 {strides = array<i32>} : memref<1650xi32, #tpu.memory_space<vmem>>, vector<16xi32>,
      %broadcast_in_dim3A_3220 = arith.constant 0 : i32
      %broadcast_in_dim3A_3221 = vector.broadcast %broadcast_in_dim3A_3220 : i32 to vector<16xi32>
      %lt3A_3222 = arith.constant 0 : i32
      %lt3A_3223 = vector.broadcast %lt3A_3222 : i32 to vector<16xi32>
      %lt3A_3224 = arith.cmpi slt, %broadcast_in_dim3A_3221, %lt3A_3223 : vector<16xi32>
      %add3A_3225 = arith.constant 16 : i32
      %add3A_3226 = vector.broadcast %add3A_3225 : i32 to vector<16xi32>
      %add3A_3227 = arith.addi %broadcast_in_dim3A_3221, %add3A_3226 : vector<16xi32>
      %select_n3A_3228 = arith.select %lt3A_3224, %add3A_3227, %broadcast_in_dim3A_3221 : vector<16xi1>, vector<16xi32>
      %broadcast_in_dim3A_3229 = vector.shape_cast %select_n3A_3228 : vector<16xi32> to vector<16x1xi32>
      %gather3A_3230 = vector.shape_cast %broadcast_in_dim3A_3229 : vector<16x1xi32> to vector<16xi32>
      %gather3A_3231 = tpu.dynamic_gather %mul3A_2806[%gather3A_3230] in [0] : vector<16xi32>, vector<16xi32> -> vector<16xi32>
      %add3A_3232 = arith.constant 16 : i32
      %add3A_3233 = vector.broadcast %add3A_3232 : i32 to vector<16xi32>
      %add3A_3234 = arith.addi %iota3A, %add3A_3233 : vector<16xi32>
      %add3A_3235 = arith.addi %gather3A_3231, %add3A_3234 : vector<16xi32>
      %gather3A_3236 = tpu.vector_load_idx %arg6[%add3A_3235] : memref<32000xi32, #tpu.memory_space<vmem>>[vector<16xi32>], vector<16xi32>,
      %get3A_3237 = arith.constant 16 : index
      %get3A_3238 = tpu.vector_load %arg7[%get3A_3237] {strides = array<i32>} : memref<512xi32, #tpu.memory_space<vmem>>, vector<16xi32>,
      %xor3A_3239 = arith.xori %gather3A_3236, %get3A_3238 : vector<16xi32>
      %broadcast_in_dim3A_3240 = arith.constant 1 : i32
      %broadcast_in_dim3A_3241 = vector.broadcast %broadcast_in_dim3A_3240 : i32 to vector<16xi32>
      %lt3A_3242 = arith.constant 0 : i32
      %lt3A_3243 = vector.broadcast %lt3A_3242 : i32 to vector<16xi32>
      %lt3A_3244 = arith.cmpi slt, %broadcast_in_dim3A_3241, %lt3A_3243 : vector<16xi32>
      %add3A_3245 = arith.constant 16 : i32
      %add3A_3246 = vector.broadcast %add3A_3245 : i32 to vector<16xi32>
      %add3A_3247 = arith.addi %broadcast_in_dim3A_3241, %add3A_3246 : vector<16xi32>
      %select_n3A_3248 = arith.select %lt3A_3244, %add3A_3247, %broadcast_in_dim3A_3241 : vector<16xi1>, vector<16xi32>
      %broadcast_in_dim3A_3249 = vector.shape_cast %select_n3A_3248 : vector<16xi32> to vector<16x1xi32>
      %gather3A_3250 = vector.shape_cast %broadcast_in_dim3A_3249 : vector<16x1xi32> to vector<16xi32>
      %gather3A_3251 = tpu.dynamic_gather %mul3A_2806[%gather3A_3250] in [0] : vector<16xi32>, vector<16xi32> -> vector<16xi32>
      %add3A_3252 = arith.constant 16 : i32
      %add3A_3253 = vector.broadcast %add3A_3252 : i32 to vector<16xi32>
      %add3A_3254 = arith.addi %iota3A, %add3A_3253 : vector<16xi32>
      %add3A_3255 = arith.addi %gather3A_3251, %add3A_3254 : vector<16xi32>
      %gather3A_3256 = tpu.vector_load_idx %arg6[%add3A_3255] : memref<32000xi32, #tpu.memory_space<vmem>>[vector<16xi32>], vector<16xi32>,
      %get3A_3257 = arith.constant 48 : index
      %get3A_3258 = tpu.vector_load %arg7[%get3A_3257] {strides = array<i32>} : memref<512xi32, #tpu.memory_space<vmem>>, vector<16xi32>,
      %xor3A_3259 = arith.xori %gather3A_3256, %get3A_3258 : vector<16xi32>
      %broadcast_in_dim3A_3260 = arith.constant 2 : i32
      %broadcast_in_dim3A_3261 = vector.broadcast %broadcast_in_dim3A_3260 : i32 to vector<16xi32>
      %lt3A_3262 = arith.constant 0 : i32
      %lt3A_3263 = vector.broadcast %lt3A_3262 : i32 to vector<16xi32>
      %lt3A_3264 = arith.cmpi slt, %broadcast_in_dim3A_3261, %lt3A_3263 : vector<16xi32>
      %add3A_3265 = arith.constant 16 : i32
      %add3A_3266 = vector.broadcast %add3A_3265 : i32 to vector<16xi32>
      %add3A_3267 = arith.addi %broadcast_in_dim3A_3261, %add3A_3266 : vector<16xi32>
      %select_n3A_3268 = arith.select %lt3A_3264, %add3A_3267, %broadcast_in_dim3A_3261 : vector<16xi1>, vector<16xi32>
      %broadcast_in_dim3A_3269 = vector.shape_cast %select_n3A_3268 : vector<16xi32> to vector<16x1xi32>
      %gather3A_3270 = vector.shape_cast %broadcast_in_dim3A_3269 : vector<16x1xi32> to vector<16xi32>
      %gather3A_3271 = tpu.dynamic_gather %mul3A_2806[%gather3A_3270] in [0] : vector<16xi32>, vector<16xi32> -> vector<16xi32>
      %add3A_3272 = arith.constant 16 : i32
      %add3A_3273 = vector.broadcast %add3A_3272 : i32 to vector<16xi32>
      %add3A_3274 = arith.addi %iota3A, %add3A_3273 : vector<16xi32>
      %add3A_3275 = arith.addi %gather3A_3271, %add3A_3274 : vector<16xi32>
      %gather3A_3276 = tpu.vector_load_idx %arg6[%add3A_3275] : memref<32000xi32, #tpu.memory_space<vmem>>[vector<16xi32>], vector<16xi32>,
      %get3A_3277 = arith.constant 80 : index
      %get3A_3278 = tpu.vector_load %arg7[%get3A_3277] {strides = array<i32>} : memref<512xi32, #tpu.memory_space<vmem>>, vector<16xi32>,
      %xor3A_3279 = arith.xori %gather3A_3276, %get3A_3278 : vector<16xi32>
      %broadcast_in_dim3A_3280 = arith.constant 3 : i32
      %broadcast_in_dim3A_3281 = vector.broadcast %broadcast_in_dim3A_3280 : i32 to vector<16xi32>
      %lt3A_3282 = arith.constant 0 : i32
      %lt3A_3283 = vector.broadcast %lt3A_3282 : i32 to vector<16xi32>
      %lt3A_3284 = arith.cmpi slt, %broadcast_in_dim3A_3281, %lt3A_3283 : vector<16xi32>
      %add3A_3285 = arith.constant 16 : i32
      %add3A_3286 = vector.broadcast %add3A_3285 : i32 to vector<16xi32>
      %add3A_3287 = arith.addi %broadcast_in_dim3A_3281, %add3A_3286 : vector<16xi32>
      %select_n3A_3288 = arith.select %lt3A_3284, %add3A_3287, %broadcast_in_dim3A_3281 : vector<16xi1>, vector<16xi32>
      %broadcast_in_dim3A_3289 = vector.shape_cast %select_n3A_3288 : vector<16xi32> to vector<16x1xi32>
      %gather3A_3290 = vector.shape_cast %broadcast_in_dim3A_3289 : vector<16x1xi32> to vector<16xi32>
      %gather3A_3291 = tpu.dynamic_gather %mul3A_2806[%gather3A_3290] in [0] : vector<16xi32>, vector<16xi32> -> vector<16xi32>
      %add3A_3292 = arith.constant 16 : i32
      %add3A_3293 = vector.broadcast %add3A_3292 : i32 to vector<16xi32>
      %add3A_3294 = arith.addi %iota3A, %add3A_3293 : vector<16xi32>
      %add3A_3295 = arith.addi %gather3A_3291, %add3A_3294 : vector<16xi32>
      %gather3A_3296 = tpu.vector_load_idx %arg6[%add3A_3295] : memref<32000xi32, #tpu.memory_space<vmem>>[vector<16xi32>], vector<16xi32>,
      %get3A_3297 = arith.constant 112 : index
      %get3A_3298 = tpu.vector_load %arg7[%get3A_3297] {strides = array<i32>} : memref<512xi32, #tpu.memory_space<vmem>>, vector<16xi32>,
      %xor3A_3299 = arith.xori %gather3A_3296, %get3A_3298 : vector<16xi32>
      %broadcast_in_dim3A_3300 = arith.constant 4 : i32
      %broadcast_in_dim3A_3301 = vector.broadcast %broadcast_in_dim3A_3300 : i32 to vector<16xi32>
      %lt3A_3302 = arith.constant 0 : i32
      %lt3A_3303 = vector.broadcast %lt3A_3302 : i32 to vector<16xi32>
      %lt3A_3304 = arith.cmpi slt, %broadcast_in_dim3A_3301, %lt3A_3303 : vector<16xi32>
      %add3A_3305 = arith.constant 16 : i32
      %add3A_3306 = vector.broadcast %add3A_3305 : i32 to vector<16xi32>
      %add3A_3307 = arith.addi %broadcast_in_dim3A_3301, %add3A_3306 : vector<16xi32>
      %select_n3A_3308 = arith.select %lt3A_3304, %add3A_3307, %broadcast_in_dim3A_3301 : vector<16xi1>, vector<16xi32>
      %broadcast_in_dim3A_3309 = vector.shape_cast %select_n3A_3308 : vector<16xi32> to vector<16x1xi32>
      %gather3A_3310 = vector.shape_cast %broadcast_in_dim3A_3309 : vector<16x1xi32> to vector<16xi32>
      %gather3A_3311 = tpu.dynamic_gather %mul3A_2806[%gather3A_3310] in [0] : vector<16xi32>, vector<16xi32> -> vector<16xi32>
      %add3A_3312 = arith.constant 16 : i32
      %add3A_3313 = vector.broadcast %add3A_3312 : i32 to vector<16xi32>
      %add3A_3314 = arith.addi %iota3A, %add3A_3313 : vector<16xi32>
      %add3A_3315 = arith.addi %gather3A_3311, %add3A_3314 : vector<16xi32>
      %gather3A_3316 = tpu.vector_load_idx %arg6[%add3A_3315] : memref<32000xi32, #tpu.memory_space<vmem>>[vector<16xi32>], vector<16xi32>,
      %get3A_3317 = arith.constant 144 : index
      %get3A_3318 = tpu.vector_load %arg7[%get3A_3317] {strides = array<i32>} : memref<512xi32, #tpu.memory_space<vmem>>, vector<16xi32>,
      %xor3A_3319 = arith.xori %gather3A_3316, %get3A_3318 : vector<16xi32>
      %broadcast_in_dim3A_3320 = arith.constant 5 : i32
      %broadcast_in_dim3A_3321 = vector.broadcast %broadcast_in_dim3A_3320 : i32 to vector<16xi32>
      %lt3A_3322 = arith.constant 0 : i32
      %lt3A_3323 = vector.broadcast %lt3A_3322 : i32 to vector<16xi32>
      %lt3A_3324 = arith.cmpi slt, %broadcast_in_dim3A_3321, %lt3A_3323 : vector<16xi32>
      %add3A_3325 = arith.constant 16 : i32
      %add3A_3326 = vector.broadcast %add3A_3325 : i32 to vector<16xi32>
      %add3A_3327 = arith.addi %broadcast_in_dim3A_3321, %add3A_3326 : vector<16xi32>
      %select_n3A_3328 = arith.select %lt3A_3324, %add3A_3327, %broadcast_in_dim3A_3321 : vector<16xi1>, vector<16xi32>
      %broadcast_in_dim3A_3329 = vector.shape_cast %select_n3A_3328 : vector<16xi32> to vector<16x1xi32>
      %gather3A_3330 = vector.shape_cast %broadcast_in_dim3A_3329 : vector<16x1xi32> to vector<16xi32>
      %gather3A_3331 = tpu.dynamic_gather %mul3A_2806[%gather3A_3330] in [0] : vector<16xi32>, vector<16xi32> -> vector<16xi32>
      %add3A_3332 = arith.constant 16 : i32
      %add3A_3333 = vector.broadcast %add3A_3332 : i32 to vector<16xi32>
      %add3A_3334 = arith.addi %iota3A, %add3A_3333 : vector<16xi32>
      %add3A_3335 = arith.addi %gather3A_3331, %add3A_3334 : vector<16xi32>
      %gather3A_3336 = tpu.vector_load_idx %arg6[%add3A_3335] : memref<32000xi32, #tpu.memory_space<vmem>>[vector<16xi32>], vector<16xi32>,
      %get3A_3337 = arith.constant 176 : index
      %get3A_3338 = tpu.vector_load %arg7[%get3A_3337] {strides = array<i32>} : memref<512xi32, #tpu.memory_space<vmem>>, vector<16xi32>,
      %xor3A_3339 = arith.xori %gather3A_3336, %get3A_3338 : vector<16xi32>
      %broadcast_in_dim3A_3340 = arith.constant 6 : i32
      %broadcast_in_dim3A_3341 = vector.broadcast %broadcast_in_dim3A_3340 : i32 to vector<16xi32>
      %lt3A_3342 = arith.constant 0 : i32
      %lt3A_3343 = vector.broadcast %lt3A_3342 : i32 to vector<16xi32>
      %lt3A_3344 = arith.cmpi slt, %broadcast_in_dim3A_3341, %lt3A_3343 : vector<16xi32>
      %add3A_3345 = arith.constant 16 : i32
      %add3A_3346 = vector.broadcast %add3A_3345 : i32 to vector<16xi32>
      %add3A_3347 = arith.addi %broadcast_in_dim3A_3341, %add3A_3346 : vector<16xi32>
      %select_n3A_3348 = arith.select %lt3A_3344, %add3A_3347, %broadcast_in_dim3A_3341 : vector<16xi1>, vector<16xi32>
      %broadcast_in_dim3A_3349 = vector.shape_cast %select_n3A_3348 : vector<16xi32> to vector<16x1xi32>
      %gather3A_3350 = vector.shape_cast %broadcast_in_dim3A_3349 : vector<16x1xi32> to vector<16xi32>
      %gather3A_3351 = tpu.dynamic_gather %mul3A_2806[%gather3A_3350] in [0] : vector<16xi32>, vector<16xi32> -> vector<16xi32>
      %add3A_3352 = arith.constant 16 : i32
      %add3A_3353 = vector.broadcast %add3A_3352 : i32 to vector<16xi32>
      %add3A_3354 = arith.addi %iota3A, %add3A_3353 : vector<16xi32>
      %add3A_3355 = arith.addi %gather3A_3351, %add3A_3354 : vector<16xi32>
      %gather3A_3356 = tpu.vector_load_idx %arg6[%add3A_3355] : memref<32000xi32, #tpu.memory_space<vmem>>[vector<16xi32>], vector<16xi32>,
      %get3A_3357 = arith.constant 208 : index
      %get3A_3358 = tpu.vector_load %arg7[%get3A_3357] {strides = array<i32>} : memref<512xi32, #tpu.memory_space<vmem>>, vector<16xi32>,
      %xor3A_3359 = arith.xori %gather3A_3356, %get3A_3358 : vector<16xi32>
      %broadcast_in_dim3A_3360 = arith.constant 7 : i32
      %broadcast_in_dim3A_3361 = vector.broadcast %broadcast_in_dim3A_3360 : i32 to vector<16xi32>
      %lt3A_3362 = arith.constant 0 : i32
      %lt3A_3363 = vector.broadcast %lt3A_3362 : i32 to vector<16xi32>
      %lt3A_3364 = arith.cmpi slt, %broadcast_in_dim3A_3361, %lt3A_3363 : vector<16xi32>
      %add3A_3365 = arith.constant 16 : i32
      %add3A_3366 = vector.broadcast %add3A_3365 : i32 to vector<16xi32>
      %add3A_3367 = arith.addi %broadcast_in_dim3A_3361, %add3A_3366 : vector<16xi32>
      %select_n3A_3368 = arith.select %lt3A_3364, %add3A_3367, %broadcast_in_dim3A_3361 : vector<16xi1>, vector<16xi32>
      %broadcast_in_dim3A_3369 = vector.shape_cast %select_n3A_3368 : vector<16xi32> to vector<16x1xi32>
      %gather3A_3370 = vector.shape_cast %broadcast_in_dim3A_3369 : vector<16x1xi32> to vector<16xi32>
      %gather3A_3371 = tpu.dynamic_gather %mul3A_2806[%gather3A_3370] in [0] : vector<16xi32>, vector<16xi32> -> vector<16xi32>
      %add3A_3372 = arith.constant 16 : i32
      %add3A_3373 = vector.broadcast %add3A_3372 : i32 to vector<16xi32>
      %add3A_3374 = arith.addi %iota3A, %add3A_3373 : vector<16xi32>
      %add3A_3375 = arith.addi %gather3A_3371, %add3A_3374 : vector<16xi32>
      %gather3A_3376 = tpu.vector_load_idx %arg6[%add3A_3375] : memref<32000xi32, #tpu.memory_space<vmem>>[vector<16xi32>], vector<16xi32>,
      %get3A_3377 = arith.constant 240 : index
      %get3A_3378 = tpu.vector_load %arg7[%get3A_3377] {strides = array<i32>} : memref<512xi32, #tpu.memory_space<vmem>>, vector<16xi32>,
      %xor3A_3379 = arith.xori %gather3A_3376, %get3A_3378 : vector<16xi32>
      %broadcast_in_dim3A_3380 = arith.constant 8 : i32
      %broadcast_in_dim3A_3381 = vector.broadcast %broadcast_in_dim3A_3380 : i32 to vector<16xi32>
      %lt3A_3382 = arith.constant 0 : i32
      %lt3A_3383 = vector.broadcast %lt3A_3382 : i32 to vector<16xi32>
      %lt3A_3384 = arith.cmpi slt, %broadcast_in_dim3A_3381, %lt3A_3383 : vector<16xi32>
      %add3A_3385 = arith.constant 16 : i32
      %add3A_3386 = vector.broadcast %add3A_3385 : i32 to vector<16xi32>
      %add3A_3387 = arith.addi %broadcast_in_dim3A_3381, %add3A_3386 : vector<16xi32>
      %select_n3A_3388 = arith.select %lt3A_3384, %add3A_3387, %broadcast_in_dim3A_3381 : vector<16xi1>, vector<16xi32>
      %broadcast_in_dim3A_3389 = vector.shape_cast %select_n3A_3388 : vector<16xi32> to vector<16x1xi32>
      %gather3A_3390 = vector.shape_cast %broadcast_in_dim3A_3389 : vector<16x1xi32> to vector<16xi32>
      %gather3A_3391 = tpu.dynamic_gather %mul3A_2806[%gather3A_3390] in [0] : vector<16xi32>, vector<16xi32> -> vector<16xi32>
      %add3A_3392 = arith.constant 16 : i32
      %add3A_3393 = vector.broadcast %add3A_3392 : i32 to vector<16xi32>
      %add3A_3394 = arith.addi %iota3A, %add3A_3393 : vector<16xi32>
      %add3A_3395 = arith.addi %gather3A_3391, %add3A_3394 : vector<16xi32>
      %gather3A_3396 = tpu.vector_load_idx %arg6[%add3A_3395] : memref<32000xi32, #tpu.memory_space<vmem>>[vector<16xi32>], vector<16xi32>,
      %get3A_3397 = arith.constant 272 : index
      %get3A_3398 = tpu.vector_load %arg7[%get3A_3397] {strides = array<i32>} : memref<512xi32, #tpu.memory_space<vmem>>, vector<16xi32>,
      %xor3A_3399 = arith.xori %gather3A_3396, %get3A_3398 : vector<16xi32>
      %broadcast_in_dim3A_3400 = arith.constant 9 : i32
      %broadcast_in_dim3A_3401 = vector.broadcast %broadcast_in_dim3A_3400 : i32 to vector<16xi32>
      %lt3A_3402 = arith.constant 0 : i32
      %lt3A_3403 = vector.broadcast %lt3A_3402 : i32 to vector<16xi32>
      %lt3A_3404 = arith.cmpi slt, %broadcast_in_dim3A_3401, %lt3A_3403 : vector<16xi32>
      %add3A_3405 = arith.constant 16 : i32
      %add3A_3406 = vector.broadcast %add3A_3405 : i32 to vector<16xi32>
      %add3A_3407 = arith.addi %broadcast_in_dim3A_3401, %add3A_3406 : vector<16xi32>
      %select_n3A_3408 = arith.select %lt3A_3404, %add3A_3407, %broadcast_in_dim3A_3401 : vector<16xi1>, vector<16xi32>
      %broadcast_in_dim3A_3409 = vector.shape_cast %select_n3A_3408 : vector<16xi32> to vector<16x1xi32>
      %gather3A_3410 = vector.shape_cast %broadcast_in_dim3A_3409 : vector<16x1xi32> to vector<16xi32>
      %gather3A_3411 = tpu.dynamic_gather %mul3A_2806[%gather3A_3410] in [0] : vector<16xi32>, vector<16xi32> -> vector<16xi32>
      %add3A_3412 = arith.constant 16 : i32
      %add3A_3413 = vector.broadcast %add3A_3412 : i32 to vector<16xi32>
      %add3A_3414 = arith.addi %iota3A, %add3A_3413 : vector<16xi32>
      %add3A_3415 = arith.addi %gather3A_3411, %add3A_3414 : vector<16xi32>
      %gather3A_3416 = tpu.vector_load_idx %arg6[%add3A_3415] : memref<32000xi32, #tpu.memory_space<vmem>>[vector<16xi32>], vector<16xi32>,
      %get3A_3417 = arith.constant 304 : index
      %get3A_3418 = tpu.vector_load %arg7[%get3A_3417] {strides = array<i32>} : memref<512xi32, #tpu.memory_space<vmem>>, vector<16xi32>,
      %xor3A_3419 = arith.xori %gather3A_3416, %get3A_3418 : vector<16xi32>
      %broadcast_in_dim3A_3420 = arith.constant 10 : i32
      %broadcast_in_dim3A_3421 = vector.broadcast %broadcast_in_dim3A_3420 : i32 to vector<16xi32>
      %lt3A_3422 = arith.constant 0 : i32
      %lt3A_3423 = vector.broadcast %lt3A_3422 : i32 to vector<16xi32>
      %lt3A_3424 = arith.cmpi slt, %broadcast_in_dim3A_3421, %lt3A_3423 : vector<16xi32>
      %add3A_3425 = arith.constant 16 : i32
      %add3A_3426 = vector.broadcast %add3A_3425 : i32 to vector<16xi32>
      %add3A_3427 = arith.addi %broadcast_in_dim3A_3421, %add3A_3426 : vector<16xi32>
      %select_n3A_3428 = arith.select %lt3A_3424, %add3A_3427, %broadcast_in_dim3A_3421 : vector<16xi1>, vector<16xi32>
      %broadcast_in_dim3A_3429 = vector.shape_cast %select_n3A_3428 : vector<16xi32> to vector<16x1xi32>
      %gather3A_3430 = vector.shape_cast %broadcast_in_dim3A_3429 : vector<16x1xi32> to vector<16xi32>
      %gather3A_3431 = tpu.dynamic_gather %mul3A_2806[%gather3A_3430] in [0] : vector<16xi32>, vector<16xi32> -> vector<16xi32>
      %add3A_3432 = arith.constant 16 : i32
      %add3A_3433 = vector.broadcast %add3A_3432 : i32 to vector<16xi32>
      %add3A_3434 = arith.addi %iota3A, %add3A_3433 : vector<16xi32>
      %add3A_3435 = arith.addi %gather3A_3431, %add3A_3434 : vector<16xi32>
      %gather3A_3436 = tpu.vector_load_idx %arg6[%add3A_3435] : memref<32000xi32, #tpu.memory_space<vmem>>[vector<16xi32>], vector<16xi32>,
      %get3A_3437 = arith.constant 336 : index
      %get3A_3438 = tpu.vector_load %arg7[%get3A_3437] {strides = array<i32>} : memref<512xi32, #tpu.memory_space<vmem>>, vector<16xi32>,
      %xor3A_3439 = arith.xori %gather3A_3436, %get3A_3438 : vector<16xi32>
      %broadcast_in_dim3A_3440 = arith.constant 11 : i32
      %broadcast_in_dim3A_3441 = vector.broadcast %broadcast_in_dim3A_3440 : i32 to vector<16xi32>
      %lt3A_3442 = arith.constant 0 : i32
      %lt3A_3443 = vector.broadcast %lt3A_3442 : i32 to vector<16xi32>
      %lt3A_3444 = arith.cmpi slt, %broadcast_in_dim3A_3441, %lt3A_3443 : vector<16xi32>
      %add3A_3445 = arith.constant 16 : i32
      %add3A_3446 = vector.broadcast %add3A_3445 : i32 to vector<16xi32>
      %add3A_3447 = arith.addi %broadcast_in_dim3A_3441, %add3A_3446 : vector<16xi32>
      %select_n3A_3448 = arith.select %lt3A_3444, %add3A_3447, %broadcast_in_dim3A_3441 : vector<16xi1>, vector<16xi32>
      %broadcast_in_dim3A_3449 = vector.shape_cast %select_n3A_3448 : vector<16xi32> to vector<16x1xi32>
      %gather3A_3450 = vector.shape_cast %broadcast_in_dim3A_3449 : vector<16x1xi32> to vector<16xi32>
      %gather3A_3451 = tpu.dynamic_gather %mul3A_2806[%gather3A_3450] in [0] : vector<16xi32>, vector<16xi32> -> vector<16xi32>
      %add3A_3452 = arith.constant 16 : i32
      %add3A_3453 = vector.broadcast %add3A_3452 : i32 to vector<16xi32>
      %add3A_3454 = arith.addi %iota3A, %add3A_3453 : vector<16xi32>
      %add3A_3455 = arith.addi %gather3A_3451, %add3A_3454 : vector<16xi32>
      %gather3A_3456 = tpu.vector_load_idx %arg6[%add3A_3455] : memref<32000xi32, #tpu.memory_space<vmem>>[vector<16xi32>], vector<16xi32>,
      %get3A_3457 = arith.constant 368 : index
      %get3A_3458 = tpu.vector_load %arg7[%get3A_3457] {strides = array<i32>} : memref<512xi32, #tpu.memory_space<vmem>>, vector<16xi32>,
      %xor3A_3459 = arith.xori %gather3A_3456, %get3A_3458 : vector<16xi32>
      %broadcast_in_dim3A_3460 = arith.constant 12 : i32
      %broadcast_in_dim3A_3461 = vector.broadcast %broadcast_in_dim3A_3460 : i32 to vector<16xi32>
      %lt3A_3462 = arith.constant 0 : i32
      %lt3A_3463 = vector.broadcast %lt3A_3462 : i32 to vector<16xi32>
      %lt3A_3464 = arith.cmpi slt, %broadcast_in_dim3A_3461, %lt3A_3463 : vector<16xi32>
      %add3A_3465 = arith.constant 16 : i32
      %add3A_3466 = vector.broadcast %add3A_3465 : i32 to vector<16xi32>
      %add3A_3467 = arith.addi %broadcast_in_dim3A_3461, %add3A_3466 : vector<16xi32>
      %select_n3A_3468 = arith.select %lt3A_3464, %add3A_3467, %broadcast_in_dim3A_3461 : vector<16xi1>, vector<16xi32>
      %broadcast_in_dim3A_3469 = vector.shape_cast %select_n3A_3468 : vector<16xi32> to vector<16x1xi32>
      %gather3A_3470 = vector.shape_cast %broadcast_in_dim3A_3469 : vector<16x1xi32> to vector<16xi32>
      %gather3A_3471 = tpu.dynamic_gather %mul3A_2806[%gather3A_3470] in [0] : vector<16xi32>, vector<16xi32> -> vector<16xi32>
      %add3A_3472 = arith.constant 16 : i32
      %add3A_3473 = vector.broadcast %add3A_3472 : i32 to vector<16xi32>
      %add3A_3474 = arith.addi %iota3A, %add3A_3473 : vector<16xi32>
      %add3A_3475 = arith.addi %gather3A_3471, %add3A_3474 : vector<16xi32>
      %gather3A_3476 = tpu.vector_load_idx %arg6[%add3A_3475] : memref<32000xi32, #tpu.memory_space<vmem>>[vector<16xi32>], vector<16xi32>,
      %get3A_3477 = arith.constant 400 : index
      %get3A_3478 = tpu.vector_load %arg7[%get3A_3477] {strides = array<i32>} : memref<512xi32, #tpu.memory_space<vmem>>, vector<16xi32>,
      %xor3A_3479 = arith.xori %gather3A_3476, %get3A_3478 : vector<16xi32>
      %broadcast_in_dim3A_3480 = arith.constant 13 : i32
      %broadcast_in_dim3A_3481 = vector.broadcast %broadcast_in_dim3A_3480 : i32 to vector<16xi32>
      %lt3A_3482 = arith.constant 0 : i32
      %lt3A_3483 = vector.broadcast %lt3A_3482 : i32 to vector<16xi32>
      %lt3A_3484 = arith.cmpi slt, %broadcast_in_dim3A_3481, %lt3A_3483 : vector<16xi32>
      %add3A_3485 = arith.constant 16 : i32
      %add3A_3486 = vector.broadcast %add3A_3485 : i32 to vector<16xi32>
      %add3A_3487 = arith.addi %broadcast_in_dim3A_3481, %add3A_3486 : vector<16xi32>
      %select_n3A_3488 = arith.select %lt3A_3484, %add3A_3487, %broadcast_in_dim3A_3481 : vector<16xi1>, vector<16xi32>
      %broadcast_in_dim3A_3489 = vector.shape_cast %select_n3A_3488 : vector<16xi32> to vector<16x1xi32>
      %gather3A_3490 = vector.shape_cast %broadcast_in_dim3A_3489 : vector<16x1xi32> to vector<16xi32>
      %gather3A_3491 = tpu.dynamic_gather %mul3A_2806[%gather3A_3490] in [0] : vector<16xi32>, vector<16xi32> -> vector<16xi32>
      %add3A_3492 = arith.constant 16 : i32
      %add3A_3493 = vector.broadcast %add3A_3492 : i32 to vector<16xi32>
      %add3A_3494 = arith.addi %iota3A, %add3A_3493 : vector<16xi32>
      %add3A_3495 = arith.addi %gather3A_3491, %add3A_3494 : vector<16xi32>
      %gather3A_3496 = tpu.vector_load_idx %arg6[%add3A_3495] : memref<32000xi32, #tpu.memory_space<vmem>>[vector<16xi32>], vector<16xi32>,
      %get3A_3497 = arith.constant 432 : index
      %get3A_3498 = tpu.vector_load %arg7[%get3A_3497] {strides = array<i32>} : memref<512xi32, #tpu.memory_space<vmem>>, vector<16xi32>,
      %xor3A_3499 = arith.xori %gather3A_3496, %get3A_3498 : vector<16xi32>
      %broadcast_in_dim3A_3500 = arith.constant 14 : i32
      %broadcast_in_dim3A_3501 = vector.broadcast %broadcast_in_dim3A_3500 : i32 to vector<16xi32>
      %lt3A_3502 = arith.constant 0 : i32
      %lt3A_3503 = vector.broadcast %lt3A_3502 : i32 to vector<16xi32>
      %lt3A_3504 = arith.cmpi slt, %broadcast_in_dim3A_3501, %lt3A_3503 : vector<16xi32>
      %add3A_3505 = arith.constant 16 : i32
      %add3A_3506 = vector.broadcast %add3A_3505 : i32 to vector<16xi32>
      %add3A_3507 = arith.addi %broadcast_in_dim3A_3501, %add3A_3506 : vector<16xi32>
      %select_n3A_3508 = arith.select %lt3A_3504, %add3A_3507, %broadcast_in_dim3A_3501 : vector<16xi1>, vector<16xi32>
      %broadcast_in_dim3A_3509 = vector.shape_cast %select_n3A_3508 : vector<16xi32> to vector<16x1xi32>
      %gather3A_3510 = vector.shape_cast %broadcast_in_dim3A_3509 : vector<16x1xi32> to vector<16xi32>
      %gather3A_3511 = tpu.dynamic_gather %mul3A_2806[%gather3A_3510] in [0] : vector<16xi32>, vector<16xi32> -> vector<16xi32>
      %add3A_3512 = arith.constant 16 : i32
      %add3A_3513 = vector.broadcast %add3A_3512 : i32 to vector<16xi32>
      %add3A_3514 = arith.addi %iota3A, %add3A_3513 : vector<16xi32>
      %add3A_3515 = arith.addi %gather3A_3511, %add3A_3514 : vector<16xi32>
      %gather3A_3516 = tpu.vector_load_idx %arg6[%add3A_3515] : memref<32000xi32, #tpu.memory_space<vmem>>[vector<16xi32>], vector<16xi32>,
      %get3A_3517 = arith.constant 464 : index
      %get3A_3518 = tpu.vector_load %arg7[%get3A_3517] {strides = array<i32>} : memref<512xi32, #tpu.memory_space<vmem>>, vector<16xi32>,
      %xor3A_3519 = arith.xori %gather3A_3516, %get3A_3518 : vector<16xi32>
      %broadcast_in_dim3A_3520 = arith.constant 15 : i32
      %broadcast_in_dim3A_3521 = vector.broadcast %broadcast_in_dim3A_3520 : i32 to vector<16xi32>
      %lt3A_3522 = arith.constant 0 : i32
      %lt3A_3523 = vector.broadcast %lt3A_3522 : i32 to vector<16xi32>
      %lt3A_3524 = arith.cmpi slt, %broadcast_in_dim3A_3521, %lt3A_3523 : vector<16xi32>
      %add3A_3525 = arith.constant 16 : i32
      %add3A_3526 = vector.broadcast %add3A_3525 : i32 to vector<16xi32>
      %add3A_3527 = arith.addi %broadcast_in_dim3A_3521, %add3A_3526 : vector<16xi32>
      %select_n3A_3528 = arith.select %lt3A_3524, %add3A_3527, %broadcast_in_dim3A_3521 : vector<16xi1>, vector<16xi32>
      %broadcast_in_dim3A_3529 = vector.shape_cast %select_n3A_3528 : vector<16xi32> to vector<16x1xi32>
      %gather3A_3530 = vector.shape_cast %broadcast_in_dim3A_3529 : vector<16x1xi32> to vector<16xi32>
      %gather3A_3531 = tpu.dynamic_gather %mul3A_2806[%gather3A_3530] in [0] : vector<16xi32>, vector<16xi32> -> vector<16xi32>
      %add3A_3532 = arith.constant 16 : i32
      %add3A_3533 = vector.broadcast %add3A_3532 : i32 to vector<16xi32>
      %add3A_3534 = arith.addi %iota3A, %add3A_3533 : vector<16xi32>
      %add3A_3535 = arith.addi %gather3A_3531, %add3A_3534 : vector<16xi32>
      %gather3A_3536 = tpu.vector_load_idx %arg6[%add3A_3535] : memref<32000xi32, #tpu.memory_space<vmem>>[vector<16xi32>], vector<16xi32>,
      %get3A_3537 = arith.constant 496 : index
      %get3A_3538 = tpu.vector_load %arg7[%get3A_3537] {strides = array<i32>} : memref<512xi32, #tpu.memory_space<vmem>>, vector<16xi32>,
      %xor3A_3539 = arith.xori %gather3A_3536, %get3A_3538 : vector<16xi32>
      %xor3A_3540 = arith.xori %xor3A_3239, %xor3A_3259 : vector<16xi32>
      %and3A_3541 = arith.andi %xor3A_3239, %xor3A_3259 : vector<16xi32>
      %xor3A_3542 = arith.xori %xor3A_3279, %xor3A_3299 : vector<16xi32>
      %and3A_3543 = arith.andi %xor3A_3279, %xor3A_3299 : vector<16xi32>
      %xor3A_3544 = arith.xori %xor3A_3319, %xor3A_3339 : vector<16xi32>
      %and3A_3545 = arith.andi %xor3A_3319, %xor3A_3339 : vector<16xi32>
      %xor3A_3546 = arith.xori %xor3A_3359, %xor3A_3379 : vector<16xi32>
      %and3A_3547 = arith.andi %xor3A_3359, %xor3A_3379 : vector<16xi32>
      %xor3A_3548 = arith.xori %xor3A_3540, %xor3A_3542 : vector<16xi32>
      %and3A_3549 = arith.andi %xor3A_3540, %xor3A_3542 : vector<16xi32>
      %xor3A_3550 = arith.xori %and3A_3541, %and3A_3543 : vector<16xi32>
      %and3A_3551 = arith.andi %and3A_3541, %and3A_3543 : vector<16xi32>
      %and3A_3552 = arith.andi %and3A_3549, %xor3A_3550 : vector<16xi32>
      %or3A_3553 = arith.ori %and3A_3551, %and3A_3552 : vector<16xi32>
      %xor3A_3554 = arith.xori %xor3A_3550, %and3A_3549 : vector<16xi32>
      %xor3A_3555 = arith.xori %xor3A_3544, %xor3A_3546 : vector<16xi32>
      %and3A_3556 = arith.andi %xor3A_3544, %xor3A_3546 : vector<16xi32>
      %xor3A_3557 = arith.xori %and3A_3545, %and3A_3547 : vector<16xi32>
      %and3A_3558 = arith.andi %and3A_3545, %and3A_3547 : vector<16xi32>
      %and3A_3559 = arith.andi %and3A_3556, %xor3A_3557 : vector<16xi32>
      %or3A_3560 = arith.ori %and3A_3558, %and3A_3559 : vector<16xi32>
      %xor3A_3561 = arith.xori %xor3A_3557, %and3A_3556 : vector<16xi32>
      %xor3A_3562 = arith.xori %xor3A_3548, %xor3A_3555 : vector<16xi32>
      %and3A_3563 = arith.andi %xor3A_3548, %xor3A_3555 : vector<16xi32>
      %xor3A_3564 = arith.xori %xor3A_3554, %xor3A_3561 : vector<16xi32>
      %and3A_3565 = arith.andi %xor3A_3554, %xor3A_3561 : vector<16xi32>
      %and3A_3566 = arith.andi %and3A_3563, %xor3A_3564 : vector<16xi32>
      %or3A_3567 = arith.ori %and3A_3565, %and3A_3566 : vector<16xi32>
      %xor3A_3568 = arith.xori %xor3A_3564, %and3A_3563 : vector<16xi32>
      %xor3A_3569 = arith.xori %or3A_3553, %or3A_3560 : vector<16xi32>
      %and3A_3570 = arith.andi %or3A_3553, %or3A_3560 : vector<16xi32>
      %and3A_3571 = arith.andi %or3A_3567, %xor3A_3569 : vector<16xi32>
      %or3A_3572 = arith.ori %and3A_3570, %and3A_3571 : vector<16xi32>
      %xor3A_3573 = arith.xori %xor3A_3569, %or3A_3567 : vector<16xi32>
      %xor3A_3574 = arith.xori %xor3A_3399, %xor3A_3419 : vector<16xi32>
      %and3A_3575 = arith.andi %xor3A_3399, %xor3A_3419 : vector<16xi32>
      %xor3A_3576 = arith.xori %xor3A_3439, %xor3A_3459 : vector<16xi32>
      %and3A_3577 = arith.andi %xor3A_3439, %xor3A_3459 : vector<16xi32>
      %xor3A_3578 = arith.xori %xor3A_3479, %xor3A_3499 : vector<16xi32>
      %and3A_3579 = arith.andi %xor3A_3479, %xor3A_3499 : vector<16xi32>
      %xor3A_3580 = arith.xori %xor3A_3519, %xor3A_3539 : vector<16xi32>
      %and3A_3581 = arith.andi %xor3A_3519, %xor3A_3539 : vector<16xi32>
      %xor3A_3582 = arith.xori %xor3A_3574, %xor3A_3576 : vector<16xi32>
      %and3A_3583 = arith.andi %xor3A_3574, %xor3A_3576 : vector<16xi32>
      %xor3A_3584 = arith.xori %and3A_3575, %and3A_3577 : vector<16xi32>
      %and3A_3585 = arith.andi %and3A_3575, %and3A_3577 : vector<16xi32>
      %and3A_3586 = arith.andi %and3A_3583, %xor3A_3584 : vector<16xi32>
      %or3A_3587 = arith.ori %and3A_3585, %and3A_3586 : vector<16xi32>
      %xor3A_3588 = arith.xori %xor3A_3584, %and3A_3583 : vector<16xi32>
      %xor3A_3589 = arith.xori %xor3A_3578, %xor3A_3580 : vector<16xi32>
      %and3A_3590 = arith.andi %xor3A_3578, %xor3A_3580 : vector<16xi32>
      %xor3A_3591 = arith.xori %and3A_3579, %and3A_3581 : vector<16xi32>
      %and3A_3592 = arith.andi %and3A_3579, %and3A_3581 : vector<16xi32>
      %and3A_3593 = arith.andi %and3A_3590, %xor3A_3591 : vector<16xi32>
      %or3A_3594 = arith.ori %and3A_3592, %and3A_3593 : vector<16xi32>
      %xor3A_3595 = arith.xori %xor3A_3591, %and3A_3590 : vector<16xi32>
      %xor3A_3596 = arith.xori %xor3A_3582, %xor3A_3589 : vector<16xi32>
      %and3A_3597 = arith.andi %xor3A_3582, %xor3A_3589 : vector<16xi32>
      %xor3A_3598 = arith.xori %xor3A_3588, %xor3A_3595 : vector<16xi32>
      %and3A_3599 = arith.andi %xor3A_3588, %xor3A_3595 : vector<16xi32>
      %and3A_3600 = arith.andi %and3A_3597, %xor3A_3598 : vector<16xi32>
      %or3A_3601 = arith.ori %and3A_3599, %and3A_3600 : vector<16xi32>
      %xor3A_3602 = arith.xori %xor3A_3598, %and3A_3597 : vector<16xi32>
      %xor3A_3603 = arith.xori %or3A_3587, %or3A_3594 : vector<16xi32>
      %and3A_3604 = arith.andi %or3A_3587, %or3A_3594 : vector<16xi32>
      %and3A_3605 = arith.andi %or3A_3601, %xor3A_3603 : vector<16xi32>
      %or3A_3606 = arith.ori %and3A_3604, %and3A_3605 : vector<16xi32>
      %xor3A_3607 = arith.xori %xor3A_3603, %or3A_3601 : vector<16xi32>
      %and3A_3608 = arith.andi %xor3A_3562, %xor3A_3596 : vector<16xi32>
      %and3A_3609 = arith.andi %xor3A_3568, %xor3A_3602 : vector<16xi32>
      %xor3A_3610 = arith.xori %xor3A_3568, %xor3A_3602 : vector<16xi32>
      %and3A_3611 = arith.andi %and3A_3608, %xor3A_3610 : vector<16xi32>
      %or3A_3612 = arith.ori %and3A_3609, %and3A_3611 : vector<16xi32>
      %and3A_3613 = arith.andi %xor3A_3573, %xor3A_3607 : vector<16xi32>
      %xor3A_3614 = arith.xori %xor3A_3573, %xor3A_3607 : vector<16xi32>
      %and3A_3615 = arith.andi %or3A_3612, %xor3A_3614 : vector<16xi32>
      %or3A_3616 = arith.ori %and3A_3613, %and3A_3615 : vector<16xi32>
      %or3A_3617 = arith.ori %or3A_3572, %or3A_3606 : vector<16xi32>
      %or3A_3618 = arith.ori %or3A_3617, %or3A_3616 : vector<16xi32>
      %mul3A_3619 = arith.constant 32 : i32
      %mul3A_3620 = arith.muli %scan3A_2800, %mul3A_3619 : i32
      %add3A_3621 = arith.constant 16 : i32
      %add3A_3622 = arith.addi %mul3A_3620, %add3A_3621 : i32
      %get3A_3623 = arith.index_cast %add3A_3622 : i32 to index
      %get3A_3624 = tpu.vector_load %arg8[%get3A_3623] {strides = array<i32>} : memref<1600xi32, #tpu.memory_space<vmem>>, vector<16xi32>,
      %xor3A_3625 = arith.xori %or3A_3618, %get3A_3624 : vector<16xi32>
      %mul3A_3626 = arith.constant 33 : i32
      %mul3A_3627 = arith.muli %scan3A_2800, %mul3A_3626 : i32
      %add3A_3628 = arith.constant 1 : i32
      %add3A_3629 = arith.addi %mul3A_3627, %add3A_3628 : i32
      %add3A_3630 = arith.constant 16 : i32
      %add3A_3631 = arith.addi %add3A_3629, %add3A_3630 : i32
      %swap3A_3632 = arith.index_cast %add3A_3631 : i32 to index
      %swap3A_3633 = tpu.vector_load %arg9[%swap3A_3632] {strides = array<i32>} : memref<1650xi32, #tpu.memory_space<vmem>>, vector<16xi32>,
      tpu.vector_store %arg9[%swap3A_3632], %xor3A_3625 {strides = array<i32>} : memref<1650xi32, #tpu.memory_space<vmem>>, vector<16xi32>,
      %broadcast_in_dim3A_3634 = arith.constant 15 : i32
      %broadcast_in_dim3A_3635 = vector.broadcast %broadcast_in_dim3A_3634 : i32 to vector<16xi32>
      %lt3A_3636 = arith.constant 0 : i32
      %lt3A_3637 = vector.broadcast %lt3A_3636 : i32 to vector<16xi32>
      %lt3A_3638 = arith.cmpi slt, %broadcast_in_dim3A_3635, %lt3A_3637 : vector<16xi32>
      %add3A_3639 = arith.constant 16 : i32
      %add3A_3640 = vector.broadcast %add3A_3639 : i32 to vector<16xi32>
      %add3A_3641 = arith.addi %broadcast_in_dim3A_3635, %add3A_3640 : vector<16xi32>
      %select_n3A_3642 = arith.select %lt3A_3638, %add3A_3641, %broadcast_in_dim3A_3635 : vector<16xi1>, vector<16xi32>
      %broadcast_in_dim3A_3643 = vector.shape_cast %select_n3A_3642 : vector<16xi32> to vector<16x1xi32>
      %gather3A_3644 = vector.shape_cast %broadcast_in_dim3A_3643 : vector<16x1xi32> to vector<16xi32>
      %gather3A_3645 = tpu.dynamic_gather %xor3A_3625[%gather3A_3644] in [0] : vector<16xi32>, vector<16xi32> -> vector<16xi32>
      %broadcast_in_dim3A_3646 = arith.constant 0 : i32
      %broadcast_in_dim3A_3647 = vector.broadcast %broadcast_in_dim3A_3646 : i32 to vector<16xi32>
      %mul3A_3648 = arith.constant 33 : i32
      %mul3A_3649 = arith.muli %scan3A_2800, %mul3A_3648 : i32
      %add3A_3650 = vector.broadcast %mul3A_3649 : i32 to vector<16xi32>
      %add3A_3651 = arith.addi %broadcast_in_dim3A_3647, %add3A_3650 : vector<16xi32>
      %lt3A_3652 = arith.constant 1 : i32
      %lt3A_3653 = vector.broadcast %lt3A_3652 : i32 to vector<16xi32>
      %lt3A_3654 = arith.cmpi slt, %iota3A, %lt3A_3653 : vector<16xi32>
      tpu.vector_store_idx %arg9[%add3A_3651], %gather3A_3645 masked %lt3A_3654 : memref<1650xi32, #tpu.memory_space<vmem>>[vector<16xi32>], vector<16xi32>, vector<16xi1>
      %mul3A_3655 = arith.constant 33 : i32
      %mul3A_3656 = arith.muli %scan3A_2800, %mul3A_3655 : i32
      %add3A_3657 = arith.constant 1 : i32
      %add3A_3658 = arith.addi %mul3A_3656, %add3A_3657 : i32
      %add3A_3659 = arith.constant 0 : i32
      %add3A_3660 = arith.addi %add3A_3658, %add3A_3659 : i32
      %get3A_3661 = arith.index_cast %add3A_3660 : i32 to index
      %get3A_3662 = tpu.vector_load %arg9[%get3A_3661] {strides = array<i32>} : memref<1650xi32, #tpu.memory_space<vmem>>, vector<16xi32>,
      %mul3A_3663 = arith.constant 33 : i32
      %mul3A_3664 = arith.muli %scan3A_2800, %mul3A_3663 : i32
      %add3A_3665 = arith.constant 0 : i32
      %add3A_3666 = arith.addi %mul3A_3664, %add3A_3665 : i32
      %get3A_3667 = arith.index_cast %add3A_3666 : i32 to index
      %get3A_3668 = tpu.vector_load %arg9[%get3A_3667] {strides = array<i32>} : memref<1650xi32, #tpu.memory_space<vmem>>, vector<16xi32>,
      %broadcast_in_dim3A_3669 = arith.constant 1 : i32
      %broadcast_in_dim3A_3670 = vector.broadcast %broadcast_in_dim3A_3669 : i32 to vector<16xi32>
      %shift_left3A = arith.shli %get3A_3662, %broadcast_in_dim3A_3670 : vector<16xi32>
      %broadcast_in_dim3A_3671 = arith.constant 31 : i32
      %broadcast_in_dim3A_3672 = vector.broadcast %broadcast_in_dim3A_3671 : i32 to vector<16xi32>
      %shift_right_logical3A_3673 = arith.shrui %get3A_3668, %broadcast_in_dim3A_3672 : vector<16xi32>
      %or3A_3674 = arith.ori %shift_left3A, %shift_right_logical3A_3673 : vector<16xi32>
      %mul3A_3675 = arith.constant 32 : i32
      %mul3A_3676 = arith.muli %scan3A_2800, %mul3A_3675 : i32
      %add3A_3677 = arith.constant 0 : i32
      %add3A_3678 = arith.addi %mul3A_3676, %add3A_3677 : i32
      %swap3A_3679 = arith.index_cast %add3A_3678 : i32 to index
      %swap3A_3680 = tpu.vector_load %arg10[%swap3A_3679] {strides = array<i32>} : memref<1600xi32, #tpu.memory_space<vmem>>, vector<16xi32>,
      tpu.vector_store %arg10[%swap3A_3679], %or3A_3674 {strides = array<i32>} : memref<1600xi32, #tpu.memory_space<vmem>>, vector<16xi32>,
      %broadcast_in_dim3A_3681 = arith.constant 2 : i32
      %broadcast_in_dim3A_3682 = vector.broadcast %broadcast_in_dim3A_3681 : i32 to vector<16xi32>
      %shift_left3A_3683 = arith.shli %get3A_3662, %broadcast_in_dim3A_3682 : vector<16xi32>
      %broadcast_in_dim3A_3684 = arith.constant 30 : i32
      %broadcast_in_dim3A_3685 = vector.broadcast %broadcast_in_dim3A_3684 : i32 to vector<16xi32>
      %shift_right_logical3A_3686 = arith.shrui %get3A_3668, %broadcast_in_dim3A_3685 : vector<16xi32>
      %or3A_3687 = arith.ori %shift_left3A_3683, %shift_right_logical3A_3686 : vector<16xi32>
      %mul3A_3688 = arith.constant 32 : i32
      %mul3A_3689 = arith.muli %scan3A_2800, %mul3A_3688 : i32
      %add3A_3690 = arith.constant 0 : i32
      %add3A_3691 = arith.addi %mul3A_3689, %add3A_3690 : i32
      %swap3A_3692 = arith.index_cast %add3A_3691 : i32 to index
      %swap3A_3693 = tpu.vector_load %arg11[%swap3A_3692] {strides = array<i32>} : memref<1600xi32, #tpu.memory_space<vmem>>, vector<16xi32>,
      tpu.vector_store %arg11[%swap3A_3692], %or3A_3687 {strides = array<i32>} : memref<1600xi32, #tpu.memory_space<vmem>>, vector<16xi32>,
      %broadcast_in_dim3A_3694 = arith.constant 3 : i32
      %broadcast_in_dim3A_3695 = vector.broadcast %broadcast_in_dim3A_3694 : i32 to vector<16xi32>
      %shift_left3A_3696 = arith.shli %get3A_3662, %broadcast_in_dim3A_3695 : vector<16xi32>
      %broadcast_in_dim3A_3697 = arith.constant 29 : i32
      %broadcast_in_dim3A_3698 = vector.broadcast %broadcast_in_dim3A_3697 : i32 to vector<16xi32>
      %shift_right_logical3A_3699 = arith.shrui %get3A_3668, %broadcast_in_dim3A_3698 : vector<16xi32>
      %or3A_3700 = arith.ori %shift_left3A_3696, %shift_right_logical3A_3699 : vector<16xi32>
      %mul3A_3701 = arith.constant 32 : i32
      %mul3A_3702 = arith.muli %scan3A_2800, %mul3A_3701 : i32
      %add3A_3703 = arith.constant 0 : i32
      %add3A_3704 = arith.addi %mul3A_3702, %add3A_3703 : i32
      %swap3A_3705 = arith.index_cast %add3A_3704 : i32 to index
      %swap3A_3706 = tpu.vector_load %arg12[%swap3A_3705] {strides = array<i32>} : memref<1600xi32, #tpu.memory_space<vmem>>, vector<16xi32>,
      tpu.vector_store %arg12[%swap3A_3705], %or3A_3700 {strides = array<i32>} : memref<1600xi32, #tpu.memory_space<vmem>>, vector<16xi32>,
      %mul3A_3707 = arith.constant 33 : i32
      %mul3A_3708 = arith.muli %scan3A_2800, %mul3A_3707 : i32
      %add3A_3709 = arith.constant 1 : i32
      %add3A_3710 = arith.addi %mul3A_3708, %add3A_3709 : i32
      %add3A_3711 = arith.constant 16 : i32
      %add3A_3712 = arith.addi %add3A_3710, %add3A_3711 : i32
      %get3A_3713 = arith.index_cast %add3A_3712 : i32 to index
      %get3A_3714 = tpu.vector_load %arg9[%get3A_3713] {strides = array<i32>} : memref<1650xi32, #tpu.memory_space<vmem>>, vector<16xi32>,
      %mul3A_3715 = arith.constant 33 : i32
      %mul3A_3716 = arith.muli %scan3A_2800, %mul3A_3715 : i32
      %add3A_3717 = arith.constant 16 : i32
      %add3A_3718 = arith.addi %mul3A_3716, %add3A_3717 : i32
      %get3A_3719 = arith.index_cast %add3A_3718 : i32 to index
      %get3A_3720 = tpu.vector_load %arg9[%get3A_3719] {strides = array<i32>} : memref<1650xi32, #tpu.memory_space<vmem>>, vector<16xi32>,
      %broadcast_in_dim3A_3721 = arith.constant 1 : i32
      %broadcast_in_dim3A_3722 = vector.broadcast %broadcast_in_dim3A_3721 : i32 to vector<16xi32>
      %shift_left3A_3723 = arith.shli %get3A_3714, %broadcast_in_dim3A_3722 : vector<16xi32>
      %broadcast_in_dim3A_3724 = arith.constant 31 : i32
      %broadcast_in_dim3A_3725 = vector.broadcast %broadcast_in_dim3A_3724 : i32 to vector<16xi32>
      %shift_right_logical3A_3726 = arith.shrui %get3A_3720, %broadcast_in_dim3A_3725 : vector<16xi32>
      %or3A_3727 = arith.ori %shift_left3A_3723, %shift_right_logical3A_3726 : vector<16xi32>
      %mul3A_3728 = arith.constant 32 : i32
      %mul3A_3729 = arith.muli %scan3A_2800, %mul3A_3728 : i32
      %add3A_3730 = arith.constant 16 : i32
      %add3A_3731 = arith.addi %mul3A_3729, %add3A_3730 : i32
      %swap3A_3732 = arith.index_cast %add3A_3731 : i32 to index
      %swap3A_3733 = tpu.vector_load %arg10[%swap3A_3732] {strides = array<i32>} : memref<1600xi32, #tpu.memory_space<vmem>>, vector<16xi32>,
      tpu.vector_store %arg10[%swap3A_3732], %or3A_3727 {strides = array<i32>} : memref<1600xi32, #tpu.memory_space<vmem>>, vector<16xi32>,
      %broadcast_in_dim3A_3734 = arith.constant 2 : i32
      %broadcast_in_dim3A_3735 = vector.broadcast %broadcast_in_dim3A_3734 : i32 to vector<16xi32>
      %shift_left3A_3736 = arith.shli %get3A_3714, %broadcast_in_dim3A_3735 : vector<16xi32>
      %broadcast_in_dim3A_3737 = arith.constant 30 : i32
      %broadcast_in_dim3A_3738 = vector.broadcast %broadcast_in_dim3A_3737 : i32 to vector<16xi32>
      %shift_right_logical3A_3739 = arith.shrui %get3A_3720, %broadcast_in_dim3A_3738 : vector<16xi32>
      %or3A_3740 = arith.ori %shift_left3A_3736, %shift_right_logical3A_3739 : vector<16xi32>
      %mul3A_3741 = arith.constant 32 : i32
      %mul3A_3742 = arith.muli %scan3A_2800, %mul3A_3741 : i32
      %add3A_3743 = arith.constant 16 : i32
      %add3A_3744 = arith.addi %mul3A_3742, %add3A_3743 : i32
      %swap3A_3745 = arith.index_cast %add3A_3744 : i32 to index
      %swap3A_3746 = tpu.vector_load %arg11[%swap3A_3745] {strides = array<i32>} : memref<1600xi32, #tpu.memory_space<vmem>>, vector<16xi32>,
      tpu.vector_store %arg11[%swap3A_3745], %or3A_3740 {strides = array<i32>} : memref<1600xi32, #tpu.memory_space<vmem>>, vector<16xi32>,
      %broadcast_in_dim3A_3747 = arith.constant 3 : i32
      %broadcast_in_dim3A_3748 = vector.broadcast %broadcast_in_dim3A_3747 : i32 to vector<16xi32>
      %shift_left3A_3749 = arith.shli %get3A_3714, %broadcast_in_dim3A_3748 : vector<16xi32>
      %broadcast_in_dim3A_3750 = arith.constant 29 : i32
      %broadcast_in_dim3A_3751 = vector.broadcast %broadcast_in_dim3A_3750 : i32 to vector<16xi32>
      %shift_right_logical3A_3752 = arith.shrui %get3A_3720, %broadcast_in_dim3A_3751 : vector<16xi32>
      %or3A_3753 = arith.ori %shift_left3A_3749, %shift_right_logical3A_3752 : vector<16xi32>
      %mul3A_3754 = arith.constant 32 : i32
      %mul3A_3755 = arith.muli %scan3A_2800, %mul3A_3754 : i32
      %add3A_3756 = arith.constant 16 : i32
      %add3A_3757 = arith.addi %mul3A_3755, %add3A_3756 : i32
      %swap3A_3758 = arith.index_cast %add3A_3757 : i32 to index
      %swap3A_3759 = tpu.vector_load %arg12[%swap3A_3758] {strides = array<i32>} : memref<1600xi32, #tpu.memory_space<vmem>>, vector<16xi32>,
      tpu.vector_store %arg12[%swap3A_3758], %or3A_3753 {strides = array<i32>} : memref<1600xi32, #tpu.memory_space<vmem>>, vector<16xi32>,
    }
    %scan3A_1403 = arith.constant 50 : i32
    %broadcast_in_dim3A_1404 = arith.constant 0 : i32
    %broadcast_in_dim3A_1405 = vector.broadcast %broadcast_in_dim3A_1404 : i32 to vector<16xi32>
    %scan3A_1406 = arith.constant 0 : i32
    %scan3A_1407 = arith.constant 47 : i32
    %scan3A_1408 = arith.addi %scan3A_1406, %scan3A_1407 : i32
    %scan3A_1409 = arith.constant 1 : i32
    %scan3A_1410:6 = scf.for %scan3A_2800 = %scan3A_1406 to %scan3A_1408 step %scan3A_1409 iter_args(%scan3A_2801 = %broadcast_in_dim3A_1405, %scan3A_2802 = %broadcast_in_dim3A_1405, %scan3A_2803 = %broadcast_in_dim3A_1405, %scan3A_2804 = %broadcast_in_dim3A_1405, %scan3A_2805 = %broadcast_in_dim3A_1405, %scan3A_2806 = %broadcast_in_dim3A_1405) -> (vector<16xi32>, vector<16xi32>, vector<16xi32>, vector<16xi32>, vector<16xi32>, vector<16xi32>)  : i32 {
      %mul3A_2807 = arith.constant 32 : i32
      %mul3A_2808 = arith.muli %scan3A_2800, %mul3A_2807 : i32
      %add3A_2809 = arith.constant 0 : i32
      %add3A_2810 = arith.addi %mul3A_2808, %add3A_2809 : i32
      %get3A = arith.index_cast %add3A_2810 : i32 to index
      %get3A_2811 = tpu.vector_load %arg12[%get3A] {strides = array<i32>} : memref<1600xi32, #tpu.memory_space<vmem>>, vector<16xi32>,
      %add3A_2812 = arith.constant 1 : i32
      %add3A_2813 = arith.addi %scan3A_2800, %add3A_2812 : i32
      %mul3A_2814 = arith.constant 32 : i32
      %mul3A_2815 = arith.muli %add3A_2813, %mul3A_2814 : i32
      %add3A_2816 = arith.constant 0 : i32
      %add3A_2817 = arith.addi %mul3A_2815, %add3A_2816 : i32
      %get3A_2818 = arith.index_cast %add3A_2817 : i32 to index
      %get3A_2819 = tpu.vector_load %arg11[%get3A_2818] {strides = array<i32>} : memref<1600xi32, #tpu.memory_space<vmem>>, vector<16xi32>,
      %xor3A = arith.xori %get3A_2811, %get3A_2819 : vector<16xi32>
      %add3A_2820 = arith.constant 2 : i32
      %add3A_2821 = arith.addi %scan3A_2800, %add3A_2820 : i32
      %mul3A_2822 = arith.constant 32 : i32
      %mul3A_2823 = arith.muli %add3A_2821, %mul3A_2822 : i32
      %add3A_2824 = arith.constant 0 : i32
      %add3A_2825 = arith.addi %mul3A_2823, %add3A_2824 : i32
      %get3A_2826 = arith.index_cast %add3A_2825 : i32 to index
      %get3A_2827 = tpu.vector_load %arg10[%get3A_2826] {strides = array<i32>} : memref<1600xi32, #tpu.memory_space<vmem>>, vector<16xi32>,
      %xor3A_2828 = arith.xori %xor3A, %get3A_2827 : vector<16xi32>
      %add3A_2829 = arith.constant 3 : i32
      %add3A_2830 = arith.addi %scan3A_2800, %add3A_2829 : i32
      %mul3A_2831 = arith.constant 33 : i32
      %mul3A_2832 = arith.muli %add3A_2830, %mul3A_2831 : i32
      %add3A_2833 = arith.constant 1 : i32
      %add3A_2834 = arith.addi %mul3A_2832, %add3A_2833 : i32
      %add3A_2835 = arith.constant 0 : i32
      %add3A_2836 = arith.addi %add3A_2834, %add3A_2835 : i32
      %get3A_2837 = arith.index_cast %add3A_2836 : i32 to index
      %get3A_2838 = tpu.vector_load %arg9[%get3A_2837] {strides = array<i32>} : memref<1650xi32, #tpu.memory_space<vmem>>, vector<16xi32>,
      %xor3A_2839 = arith.xori %xor3A_2828, %get3A_2838 : vector<16xi32>
      %xor3A_2840 = arith.xori %scan3A_2801, %xor3A_2839 : vector<16xi32>
      %and3A_2841 = arith.andi %scan3A_2801, %xor3A_2839 : vector<16xi32>
      %xor3A_2842 = arith.xori %scan3A_2802, %and3A_2841 : vector<16xi32>
      %and3A_2843 = arith.andi %scan3A_2802, %and3A_2841 : vector<16xi32>
      %xor3A_2844 = arith.xori %scan3A_2803, %and3A_2843 : vector<16xi32>
      %and3A_2845 = arith.andi %scan3A_2803, %and3A_2843 : vector<16xi32>
      %xor3A_2846 = arith.xori %scan3A_2804, %and3A_2845 : vector<16xi32>
      %and3A_2847 = arith.andi %scan3A_2804, %and3A_2845 : vector<16xi32>
      %xor3A_2848 = arith.xori %scan3A_2805, %and3A_2847 : vector<16xi32>
      %and3A_2849 = arith.andi %scan3A_2805, %and3A_2847 : vector<16xi32>
      %xor3A_2850 = arith.xori %scan3A_2806, %and3A_2849 : vector<16xi32>
      %and3A_2851 = arith.andi %scan3A_2806, %and3A_2849 : vector<16xi32>
      scf.yield %xor3A_2840, %xor3A_2842, %xor3A_2844, %xor3A_2846, %xor3A_2848, %xor3A_2850 : vector<16xi32>, vector<16xi32>, vector<16xi32>, vector<16xi32>, vector<16xi32>, vector<16xi32>
    }
    %scan3A_1411 = arith.constant 47 : i32
    %and3A_1412 = arith.andi %scan3A_1410#4, %scan3A_1410#3 : vector<16xi32>
    %or3A_1413 = arith.ori %scan3A_1410#5, %and3A_1412 : vector<16xi32>
    %broadcast_in_dim3A_1414 = arith.constant 0 : i32
    %broadcast_in_dim3A_1415 = vector.broadcast %broadcast_in_dim3A_1414 : i32 to vector<16xi32>
    %lt3A_1416 = arith.constant 0 : i32
    %lt3A_1417 = vector.broadcast %lt3A_1416 : i32 to vector<16xi32>
    %lt3A_1418 = arith.cmpi slt, %broadcast_in_dim3A_1415, %lt3A_1417 : vector<16xi32>
    %add3A_1419 = arith.constant 16 : i32
    %add3A_1420 = vector.broadcast %add3A_1419 : i32 to vector<16xi32>
    %add3A_1421 = arith.addi %broadcast_in_dim3A_1415, %add3A_1420 : vector<16xi32>
    %select_n3A_1422 = arith.select %lt3A_1418, %add3A_1421, %broadcast_in_dim3A_1415 : vector<16xi1>, vector<16xi32>
    %broadcast_in_dim3A_1423 = vector.shape_cast %select_n3A_1422 : vector<16xi32> to vector<16x1xi32>
    %gather3A_1424 = vector.shape_cast %broadcast_in_dim3A_1423 : vector<16x1xi32> to vector<16xi32>
    %gather3A_1425 = tpu.dynamic_gather %or3A_1413[%gather3A_1424] in [0] : vector<16xi32>, vector<16xi32> -> vector<16xi32>
    %shift_right_logical3A_1426 = arith.shrui %gather3A_1425, %iota3A : vector<16xi32>
    %and3A_1427 = arith.constant 1 : i32
    %and3A_1428 = vector.broadcast %and3A_1427 : i32 to vector<16xi32>
    %and3A_1429 = arith.andi %shift_right_logical3A_1426, %and3A_1428 : vector<16xi32>
    %eq3A_1430 = arith.constant 1 : i32
    %eq3A_1431 = vector.broadcast %eq3A_1430 : i32 to vector<16xi32>
    %eq3A_1432 = arith.cmpi eq, %and3A_1429, %eq3A_1431 : vector<16xi32>
    %jit3A_1433 = arith.constant -1.000000e+00 : f32
    %jit3A_1434 = arith.constant 1.000000e+00 : f32
    %broadcast_in_dim3A_1435 = vector.broadcast %jit3A_1433 : f32 to vector<16xf32>
    %broadcast_in_dim3A_1436 = vector.broadcast %jit3A_1434 : f32 to vector<16xf32>
    %select_n3A_1437 = arith.select %eq3A_1432, %broadcast_in_dim3A_1435, %broadcast_in_dim3A_1436 : vector<16xi1>, vector<16xf32>
    %swap3A_1438 = arith.constant 0 : index
    %swap3A_1439 = tpu.vector_load %arg13[%swap3A_1438] {strides = array<i32>} : memref<1024xf32, #tpu.memory_space<vmem>>, vector<16xf32>,
    tpu.vector_store %arg13[%swap3A_1438], %select_n3A_1437 {strides = array<i32>} : memref<1024xf32, #tpu.memory_space<vmem>>, vector<16xf32>,
    %add3A_1440 = arith.constant 16 : i32
    %add3A_1441 = vector.broadcast %add3A_1440 : i32 to vector<16xi32>
    %add3A_1442 = arith.addi %iota3A, %add3A_1441 : vector<16xi32>
    %shift_right_logical3A_1443 = arith.shrui %gather3A_1425, %add3A_1442 : vector<16xi32>
    %and3A_1444 = arith.constant 1 : i32
    %and3A_1445 = vector.broadcast %and3A_1444 : i32 to vector<16xi32>
    %and3A_1446 = arith.andi %shift_right_logical3A_1443, %and3A_1445 : vector<16xi32>
    %eq3A_1447 = arith.constant 1 : i32
    %eq3A_1448 = vector.broadcast %eq3A_1447 : i32 to vector<16xi32>
    %eq3A_1449 = arith.cmpi eq, %and3A_1446, %eq3A_1448 : vector<16xi32>
    %jit3A_1450 = arith.constant -1.000000e+00 : f32
    %jit3A_1451 = arith.constant 1.000000e+00 : f32
    %broadcast_in_dim3A_1452 = vector.broadcast %jit3A_1450 : f32 to vector<16xf32>
    %broadcast_in_dim3A_1453 = vector.broadcast %jit3A_1451 : f32 to vector<16xf32>
    %select_n3A_1454 = arith.select %eq3A_1449, %broadcast_in_dim3A_1452, %broadcast_in_dim3A_1453 : vector<16xi1>, vector<16xf32>
    %swap3A_1455 = arith.constant 16 : index
    %swap3A_1456 = tpu.vector_load %arg13[%swap3A_1455] {strides = array<i32>} : memref<1024xf32, #tpu.memory_space<vmem>>, vector<16xf32>,
    tpu.vector_store %arg13[%swap3A_1455], %select_n3A_1454 {strides = array<i32>} : memref<1024xf32, #tpu.memory_space<vmem>>, vector<16xf32>,
    %broadcast_in_dim3A_1457 = arith.constant 1 : i32
    %broadcast_in_dim3A_1458 = vector.broadcast %broadcast_in_dim3A_1457 : i32 to vector<16xi32>
    %lt3A_1459 = arith.constant 0 : i32
    %lt3A_1460 = vector.broadcast %lt3A_1459 : i32 to vector<16xi32>
    %lt3A_1461 = arith.cmpi slt, %broadcast_in_dim3A_1458, %lt3A_1460 : vector<16xi32>
    %add3A_1462 = arith.constant 16 : i32
    %add3A_1463 = vector.broadcast %add3A_1462 : i32 to vector<16xi32>
    %add3A_1464 = arith.addi %broadcast_in_dim3A_1458, %add3A_1463 : vector<16xi32>
    %select_n3A_1465 = arith.select %lt3A_1461, %add3A_1464, %broadcast_in_dim3A_1458 : vector<16xi1>, vector<16xi32>
    %broadcast_in_dim3A_1466 = vector.shape_cast %select_n3A_1465 : vector<16xi32> to vector<16x1xi32>
    %gather3A_1467 = vector.shape_cast %broadcast_in_dim3A_1466 : vector<16x1xi32> to vector<16xi32>
    %gather3A_1468 = tpu.dynamic_gather %or3A_1413[%gather3A_1467] in [0] : vector<16xi32>, vector<16xi32> -> vector<16xi32>
    %shift_right_logical3A_1469 = arith.shrui %gather3A_1468, %iota3A : vector<16xi32>
    %and3A_1470 = arith.constant 1 : i32
    %and3A_1471 = vector.broadcast %and3A_1470 : i32 to vector<16xi32>
    %and3A_1472 = arith.andi %shift_right_logical3A_1469, %and3A_1471 : vector<16xi32>
    %eq3A_1473 = arith.constant 1 : i32
    %eq3A_1474 = vector.broadcast %eq3A_1473 : i32 to vector<16xi32>
    %eq3A_1475 = arith.cmpi eq, %and3A_1472, %eq3A_1474 : vector<16xi32>
    %jit3A_1476 = arith.constant -1.000000e+00 : f32
    %jit3A_1477 = arith.constant 1.000000e+00 : f32
    %broadcast_in_dim3A_1478 = vector.broadcast %jit3A_1476 : f32 to vector<16xf32>
    %broadcast_in_dim3A_1479 = vector.broadcast %jit3A_1477 : f32 to vector<16xf32>
    %select_n3A_1480 = arith.select %eq3A_1475, %broadcast_in_dim3A_1478, %broadcast_in_dim3A_1479 : vector<16xi1>, vector<16xf32>
    %swap3A_1481 = arith.constant 32 : index
    %swap3A_1482 = tpu.vector_load %arg13[%swap3A_1481] {strides = array<i32>} : memref<1024xf32, #tpu.memory_space<vmem>>, vector<16xf32>,
    tpu.vector_store %arg13[%swap3A_1481], %select_n3A_1480 {strides = array<i32>} : memref<1024xf32, #tpu.memory_space<vmem>>, vector<16xf32>,
    %add3A_1483 = arith.constant 16 : i32
    %add3A_1484 = vector.broadcast %add3A_1483 : i32 to vector<16xi32>
    %add3A_1485 = arith.addi %iota3A, %add3A_1484 : vector<16xi32>
    %shift_right_logical3A_1486 = arith.shrui %gather3A_1468, %add3A_1485 : vector<16xi32>
    %and3A_1487 = arith.constant 1 : i32
    %and3A_1488 = vector.broadcast %and3A_1487 : i32 to vector<16xi32>
    %and3A_1489 = arith.andi %shift_right_logical3A_1486, %and3A_1488 : vector<16xi32>
    %eq3A_1490 = arith.constant 1 : i32
    %eq3A_1491 = vector.broadcast %eq3A_1490 : i32 to vector<16xi32>
    %eq3A_1492 = arith.cmpi eq, %and3A_1489, %eq3A_1491 : vector<16xi32>
    %jit3A_1493 = arith.constant -1.000000e+00 : f32
    %jit3A_1494 = arith.constant 1.000000e+00 : f32
    %broadcast_in_dim3A_1495 = vector.broadcast %jit3A_1493 : f32 to vector<16xf32>
    %broadcast_in_dim3A_1496 = vector.broadcast %jit3A_1494 : f32 to vector<16xf32>
    %select_n3A_1497 = arith.select %eq3A_1492, %broadcast_in_dim3A_1495, %broadcast_in_dim3A_1496 : vector<16xi1>, vector<16xf32>
    %swap3A_1498 = arith.constant 48 : index
    %swap3A_1499 = tpu.vector_load %arg13[%swap3A_1498] {strides = array<i32>} : memref<1024xf32, #tpu.memory_space<vmem>>, vector<16xf32>,
    tpu.vector_store %arg13[%swap3A_1498], %select_n3A_1497 {strides = array<i32>} : memref<1024xf32, #tpu.memory_space<vmem>>, vector<16xf32>,
    %broadcast_in_dim3A_1500 = arith.constant 2 : i32
    %broadcast_in_dim3A_1501 = vector.broadcast %broadcast_in_dim3A_1500 : i32 to vector<16xi32>
    %lt3A_1502 = arith.constant 0 : i32
    %lt3A_1503 = vector.broadcast %lt3A_1502 : i32 to vector<16xi32>
    %lt3A_1504 = arith.cmpi slt, %broadcast_in_dim3A_1501, %lt3A_1503 : vector<16xi32>
    %add3A_1505 = arith.constant 16 : i32
    %add3A_1506 = vector.broadcast %add3A_1505 : i32 to vector<16xi32>
    %add3A_1507 = arith.addi %broadcast_in_dim3A_1501, %add3A_1506 : vector<16xi32>
    %select_n3A_1508 = arith.select %lt3A_1504, %add3A_1507, %broadcast_in_dim3A_1501 : vector<16xi1>, vector<16xi32>
    %broadcast_in_dim3A_1509 = vector.shape_cast %select_n3A_1508 : vector<16xi32> to vector<16x1xi32>
    %gather3A_1510 = vector.shape_cast %broadcast_in_dim3A_1509 : vector<16x1xi32> to vector<16xi32>
    %gather3A_1511 = tpu.dynamic_gather %or3A_1413[%gather3A_1510] in [0] : vector<16xi32>, vector<16xi32> -> vector<16xi32>
    %shift_right_logical3A_1512 = arith.shrui %gather3A_1511, %iota3A : vector<16xi32>
    %and3A_1513 = arith.constant 1 : i32
    %and3A_1514 = vector.broadcast %and3A_1513 : i32 to vector<16xi32>
    %and3A_1515 = arith.andi %shift_right_logical3A_1512, %and3A_1514 : vector<16xi32>
    %eq3A_1516 = arith.constant 1 : i32
    %eq3A_1517 = vector.broadcast %eq3A_1516 : i32 to vector<16xi32>
    %eq3A_1518 = arith.cmpi eq, %and3A_1515, %eq3A_1517 : vector<16xi32>
    %jit3A_1519 = arith.constant -1.000000e+00 : f32
    %jit3A_1520 = arith.constant 1.000000e+00 : f32
    %broadcast_in_dim3A_1521 = vector.broadcast %jit3A_1519 : f32 to vector<16xf32>
    %broadcast_in_dim3A_1522 = vector.broadcast %jit3A_1520 : f32 to vector<16xf32>
    %select_n3A_1523 = arith.select %eq3A_1518, %broadcast_in_dim3A_1521, %broadcast_in_dim3A_1522 : vector<16xi1>, vector<16xf32>
    %swap3A_1524 = arith.constant 64 : index
    %swap3A_1525 = tpu.vector_load %arg13[%swap3A_1524] {strides = array<i32>} : memref<1024xf32, #tpu.memory_space<vmem>>, vector<16xf32>,
    tpu.vector_store %arg13[%swap3A_1524], %select_n3A_1523 {strides = array<i32>} : memref<1024xf32, #tpu.memory_space<vmem>>, vector<16xf32>,
    %add3A_1526 = arith.constant 16 : i32
    %add3A_1527 = vector.broadcast %add3A_1526 : i32 to vector<16xi32>
    %add3A_1528 = arith.addi %iota3A, %add3A_1527 : vector<16xi32>
    %shift_right_logical3A_1529 = arith.shrui %gather3A_1511, %add3A_1528 : vector<16xi32>
    %and3A_1530 = arith.constant 1 : i32
    %and3A_1531 = vector.broadcast %and3A_1530 : i32 to vector<16xi32>
    %and3A_1532 = arith.andi %shift_right_logical3A_1529, %and3A_1531 : vector<16xi32>
    %eq3A_1533 = arith.constant 1 : i32
    %eq3A_1534 = vector.broadcast %eq3A_1533 : i32 to vector<16xi32>
    %eq3A_1535 = arith.cmpi eq, %and3A_1532, %eq3A_1534 : vector<16xi32>
    %jit3A_1536 = arith.constant -1.000000e+00 : f32
    %jit3A_1537 = arith.constant 1.000000e+00 : f32
    %broadcast_in_dim3A_1538 = vector.broadcast %jit3A_1536 : f32 to vector<16xf32>
    %broadcast_in_dim3A_1539 = vector.broadcast %jit3A_1537 : f32 to vector<16xf32>
    %select_n3A_1540 = arith.select %eq3A_1535, %broadcast_in_dim3A_1538, %broadcast_in_dim3A_1539 : vector<16xi1>, vector<16xf32>
    %swap3A_1541 = arith.constant 80 : index
    %swap3A_1542 = tpu.vector_load %arg13[%swap3A_1541] {strides = array<i32>} : memref<1024xf32, #tpu.memory_space<vmem>>, vector<16xf32>,
    tpu.vector_store %arg13[%swap3A_1541], %select_n3A_1540 {strides = array<i32>} : memref<1024xf32, #tpu.memory_space<vmem>>, vector<16xf32>,
    %broadcast_in_dim3A_1543 = arith.constant 3 : i32
    %broadcast_in_dim3A_1544 = vector.broadcast %broadcast_in_dim3A_1543 : i32 to vector<16xi32>
    %lt3A_1545 = arith.constant 0 : i32
    %lt3A_1546 = vector.broadcast %lt3A_1545 : i32 to vector<16xi32>
    %lt3A_1547 = arith.cmpi slt, %broadcast_in_dim3A_1544, %lt3A_1546 : vector<16xi32>
    %add3A_1548 = arith.constant 16 : i32
    %add3A_1549 = vector.broadcast %add3A_1548 : i32 to vector<16xi32>
    %add3A_1550 = arith.addi %broadcast_in_dim3A_1544, %add3A_1549 : vector<16xi32>
    %select_n3A_1551 = arith.select %lt3A_1547, %add3A_1550, %broadcast_in_dim3A_1544 : vector<16xi1>, vector<16xi32>
    %broadcast_in_dim3A_1552 = vector.shape_cast %select_n3A_1551 : vector<16xi32> to vector<16x1xi32>
    %gather3A_1553 = vector.shape_cast %broadcast_in_dim3A_1552 : vector<16x1xi32> to vector<16xi32>
    %gather3A_1554 = tpu.dynamic_gather %or3A_1413[%gather3A_1553] in [0] : vector<16xi32>, vector<16xi32> -> vector<16xi32>
    %shift_right_logical3A_1555 = arith.shrui %gather3A_1554, %iota3A : vector<16xi32>
    %and3A_1556 = arith.constant 1 : i32
    %and3A_1557 = vector.broadcast %and3A_1556 : i32 to vector<16xi32>
    %and3A_1558 = arith.andi %shift_right_logical3A_1555, %and3A_1557 : vector<16xi32>
    %eq3A_1559 = arith.constant 1 : i32
    %eq3A_1560 = vector.broadcast %eq3A_1559 : i32 to vector<16xi32>
    %eq3A_1561 = arith.cmpi eq, %and3A_1558, %eq3A_1560 : vector<16xi32>
    %jit3A_1562 = arith.constant -1.000000e+00 : f32
    %jit3A_1563 = arith.constant 1.000000e+00 : f32
    %broadcast_in_dim3A_1564 = vector.broadcast %jit3A_1562 : f32 to vector<16xf32>
    %broadcast_in_dim3A_1565 = vector.broadcast %jit3A_1563 : f32 to vector<16xf32>
    %select_n3A_1566 = arith.select %eq3A_1561, %broadcast_in_dim3A_1564, %broadcast_in_dim3A_1565 : vector<16xi1>, vector<16xf32>
    %swap3A_1567 = arith.constant 96 : index
    %swap3A_1568 = tpu.vector_load %arg13[%swap3A_1567] {strides = array<i32>} : memref<1024xf32, #tpu.memory_space<vmem>>, vector<16xf32>,
    tpu.vector_store %arg13[%swap3A_1567], %select_n3A_1566 {strides = array<i32>} : memref<1024xf32, #tpu.memory_space<vmem>>, vector<16xf32>,
    %add3A_1569 = arith.constant 16 : i32
    %add3A_1570 = vector.broadcast %add3A_1569 : i32 to vector<16xi32>
    %add3A_1571 = arith.addi %iota3A, %add3A_1570 : vector<16xi32>
    %shift_right_logical3A_1572 = arith.shrui %gather3A_1554, %add3A_1571 : vector<16xi32>
    %and3A_1573 = arith.constant 1 : i32
    %and3A_1574 = vector.broadcast %and3A_1573 : i32 to vector<16xi32>
    %and3A_1575 = arith.andi %shift_right_logical3A_1572, %and3A_1574 : vector<16xi32>
    %eq3A_1576 = arith.constant 1 : i32
    %eq3A_1577 = vector.broadcast %eq3A_1576 : i32 to vector<16xi32>
    %eq3A_1578 = arith.cmpi eq, %and3A_1575, %eq3A_1577 : vector<16xi32>
    %jit3A_1579 = arith.constant -1.000000e+00 : f32
    %jit3A_1580 = arith.constant 1.000000e+00 : f32
    %broadcast_in_dim3A_1581 = vector.broadcast %jit3A_1579 : f32 to vector<16xf32>
    %broadcast_in_dim3A_1582 = vector.broadcast %jit3A_1580 : f32 to vector<16xf32>
    %select_n3A_1583 = arith.select %eq3A_1578, %broadcast_in_dim3A_1581, %broadcast_in_dim3A_1582 : vector<16xi1>, vector<16xf32>
    %swap3A_1584 = arith.constant 112 : index
    %swap3A_1585 = tpu.vector_load %arg13[%swap3A_1584] {strides = array<i32>} : memref<1024xf32, #tpu.memory_space<vmem>>, vector<16xf32>,
    tpu.vector_store %arg13[%swap3A_1584], %select_n3A_1583 {strides = array<i32>} : memref<1024xf32, #tpu.memory_space<vmem>>, vector<16xf32>,
    %broadcast_in_dim3A_1586 = arith.constant 4 : i32
    %broadcast_in_dim3A_1587 = vector.broadcast %broadcast_in_dim3A_1586 : i32 to vector<16xi32>
    %lt3A_1588 = arith.constant 0 : i32
    %lt3A_1589 = vector.broadcast %lt3A_1588 : i32 to vector<16xi32>
    %lt3A_1590 = arith.cmpi slt, %broadcast_in_dim3A_1587, %lt3A_1589 : vector<16xi32>
    %add3A_1591 = arith.constant 16 : i32
    %add3A_1592 = vector.broadcast %add3A_1591 : i32 to vector<16xi32>
    %add3A_1593 = arith.addi %broadcast_in_dim3A_1587, %add3A_1592 : vector<16xi32>
    %select_n3A_1594 = arith.select %lt3A_1590, %add3A_1593, %broadcast_in_dim3A_1587 : vector<16xi1>, vector<16xi32>
    %broadcast_in_dim3A_1595 = vector.shape_cast %select_n3A_1594 : vector<16xi32> to vector<16x1xi32>
    %gather3A_1596 = vector.shape_cast %broadcast_in_dim3A_1595 : vector<16x1xi32> to vector<16xi32>
    %gather3A_1597 = tpu.dynamic_gather %or3A_1413[%gather3A_1596] in [0] : vector<16xi32>, vector<16xi32> -> vector<16xi32>
    %shift_right_logical3A_1598 = arith.shrui %gather3A_1597, %iota3A : vector<16xi32>
    %and3A_1599 = arith.constant 1 : i32
    %and3A_1600 = vector.broadcast %and3A_1599 : i32 to vector<16xi32>
    %and3A_1601 = arith.andi %shift_right_logical3A_1598, %and3A_1600 : vector<16xi32>
    %eq3A_1602 = arith.constant 1 : i32
    %eq3A_1603 = vector.broadcast %eq3A_1602 : i32 to vector<16xi32>
    %eq3A_1604 = arith.cmpi eq, %and3A_1601, %eq3A_1603 : vector<16xi32>
    %jit3A_1605 = arith.constant -1.000000e+00 : f32
    %jit3A_1606 = arith.constant 1.000000e+00 : f32
    %broadcast_in_dim3A_1607 = vector.broadcast %jit3A_1605 : f32 to vector<16xf32>
    %broadcast_in_dim3A_1608 = vector.broadcast %jit3A_1606 : f32 to vector<16xf32>
    %select_n3A_1609 = arith.select %eq3A_1604, %broadcast_in_dim3A_1607, %broadcast_in_dim3A_1608 : vector<16xi1>, vector<16xf32>
    %swap3A_1610 = arith.constant 128 : index
    %swap3A_1611 = tpu.vector_load %arg13[%swap3A_1610] {strides = array<i32>} : memref<1024xf32, #tpu.memory_space<vmem>>, vector<16xf32>,
    tpu.vector_store %arg13[%swap3A_1610], %select_n3A_1609 {strides = array<i32>} : memref<1024xf32, #tpu.memory_space<vmem>>, vector<16xf32>,
    %add3A_1612 = arith.constant 16 : i32
    %add3A_1613 = vector.broadcast %add3A_1612 : i32 to vector<16xi32>
    %add3A_1614 = arith.addi %iota3A, %add3A_1613 : vector<16xi32>
    %shift_right_logical3A_1615 = arith.shrui %gather3A_1597, %add3A_1614 : vector<16xi32>
    %and3A_1616 = arith.constant 1 : i32
    %and3A_1617 = vector.broadcast %and3A_1616 : i32 to vector<16xi32>
    %and3A_1618 = arith.andi %shift_right_logical3A_1615, %and3A_1617 : vector<16xi32>
    %eq3A_1619 = arith.constant 1 : i32
    %eq3A_1620 = vector.broadcast %eq3A_1619 : i32 to vector<16xi32>
    %eq3A_1621 = arith.cmpi eq, %and3A_1618, %eq3A_1620 : vector<16xi32>
    %jit3A_1622 = arith.constant -1.000000e+00 : f32
    %jit3A_1623 = arith.constant 1.000000e+00 : f32
    %broadcast_in_dim3A_1624 = vector.broadcast %jit3A_1622 : f32 to vector<16xf32>
    %broadcast_in_dim3A_1625 = vector.broadcast %jit3A_1623 : f32 to vector<16xf32>
    %select_n3A_1626 = arith.select %eq3A_1621, %broadcast_in_dim3A_1624, %broadcast_in_dim3A_1625 : vector<16xi1>, vector<16xf32>
    %swap3A_1627 = arith.constant 144 : index
    %swap3A_1628 = tpu.vector_load %arg13[%swap3A_1627] {strides = array<i32>} : memref<1024xf32, #tpu.memory_space<vmem>>, vector<16xf32>,
    tpu.vector_store %arg13[%swap3A_1627], %select_n3A_1626 {strides = array<i32>} : memref<1024xf32, #tpu.memory_space<vmem>>, vector<16xf32>,
    %broadcast_in_dim3A_1629 = arith.constant 5 : i32
    %broadcast_in_dim3A_1630 = vector.broadcast %broadcast_in_dim3A_1629 : i32 to vector<16xi32>
    %lt3A_1631 = arith.constant 0 : i32
    %lt3A_1632 = vector.broadcast %lt3A_1631 : i32 to vector<16xi32>
    %lt3A_1633 = arith.cmpi slt, %broadcast_in_dim3A_1630, %lt3A_1632 : vector<16xi32>
    %add3A_1634 = arith.constant 16 : i32
    %add3A_1635 = vector.broadcast %add3A_1634 : i32 to vector<16xi32>
    %add3A_1636 = arith.addi %broadcast_in_dim3A_1630, %add3A_1635 : vector<16xi32>
    %select_n3A_1637 = arith.select %lt3A_1633, %add3A_1636, %broadcast_in_dim3A_1630 : vector<16xi1>, vector<16xi32>
    %broadcast_in_dim3A_1638 = vector.shape_cast %select_n3A_1637 : vector<16xi32> to vector<16x1xi32>
    %gather3A_1639 = vector.shape_cast %broadcast_in_dim3A_1638 : vector<16x1xi32> to vector<16xi32>
    %gather3A_1640 = tpu.dynamic_gather %or3A_1413[%gather3A_1639] in [0] : vector<16xi32>, vector<16xi32> -> vector<16xi32>
    %shift_right_logical3A_1641 = arith.shrui %gather3A_1640, %iota3A : vector<16xi32>
    %and3A_1642 = arith.constant 1 : i32
    %and3A_1643 = vector.broadcast %and3A_1642 : i32 to vector<16xi32>
    %and3A_1644 = arith.andi %shift_right_logical3A_1641, %and3A_1643 : vector<16xi32>
    %eq3A_1645 = arith.constant 1 : i32
    %eq3A_1646 = vector.broadcast %eq3A_1645 : i32 to vector<16xi32>
    %eq3A_1647 = arith.cmpi eq, %and3A_1644, %eq3A_1646 : vector<16xi32>
    %jit3A_1648 = arith.constant -1.000000e+00 : f32
    %jit3A_1649 = arith.constant 1.000000e+00 : f32
    %broadcast_in_dim3A_1650 = vector.broadcast %jit3A_1648 : f32 to vector<16xf32>
    %broadcast_in_dim3A_1651 = vector.broadcast %jit3A_1649 : f32 to vector<16xf32>
    %select_n3A_1652 = arith.select %eq3A_1647, %broadcast_in_dim3A_1650, %broadcast_in_dim3A_1651 : vector<16xi1>, vector<16xf32>
    %swap3A_1653 = arith.constant 160 : index
    %swap3A_1654 = tpu.vector_load %arg13[%swap3A_1653] {strides = array<i32>} : memref<1024xf32, #tpu.memory_space<vmem>>, vector<16xf32>,
    tpu.vector_store %arg13[%swap3A_1653], %select_n3A_1652 {strides = array<i32>} : memref<1024xf32, #tpu.memory_space<vmem>>, vector<16xf32>,
    %add3A_1655 = arith.constant 16 : i32
    %add3A_1656 = vector.broadcast %add3A_1655 : i32 to vector<16xi32>
    %add3A_1657 = arith.addi %iota3A, %add3A_1656 : vector<16xi32>
    %shift_right_logical3A_1658 = arith.shrui %gather3A_1640, %add3A_1657 : vector<16xi32>
    %and3A_1659 = arith.constant 1 : i32
    %and3A_1660 = vector.broadcast %and3A_1659 : i32 to vector<16xi32>
    %and3A_1661 = arith.andi %shift_right_logical3A_1658, %and3A_1660 : vector<16xi32>
    %eq3A_1662 = arith.constant 1 : i32
    %eq3A_1663 = vector.broadcast %eq3A_1662 : i32 to vector<16xi32>
    %eq3A_1664 = arith.cmpi eq, %and3A_1661, %eq3A_1663 : vector<16xi32>
    %jit3A_1665 = arith.constant -1.000000e+00 : f32
    %jit3A_1666 = arith.constant 1.000000e+00 : f32
    %broadcast_in_dim3A_1667 = vector.broadcast %jit3A_1665 : f32 to vector<16xf32>
    %broadcast_in_dim3A_1668 = vector.broadcast %jit3A_1666 : f32 to vector<16xf32>
    %select_n3A_1669 = arith.select %eq3A_1664, %broadcast_in_dim3A_1667, %broadcast_in_dim3A_1668 : vector<16xi1>, vector<16xf32>
    %swap3A_1670 = arith.constant 176 : index
    %swap3A_1671 = tpu.vector_load %arg13[%swap3A_1670] {strides = array<i32>} : memref<1024xf32, #tpu.memory_space<vmem>>, vector<16xf32>,
    tpu.vector_store %arg13[%swap3A_1670], %select_n3A_1669 {strides = array<i32>} : memref<1024xf32, #tpu.memory_space<vmem>>, vector<16xf32>,
    %broadcast_in_dim3A_1672 = arith.constant 6 : i32
    %broadcast_in_dim3A_1673 = vector.broadcast %broadcast_in_dim3A_1672 : i32 to vector<16xi32>
    %lt3A_1674 = arith.constant 0 : i32
    %lt3A_1675 = vector.broadcast %lt3A_1674 : i32 to vector<16xi32>
    %lt3A_1676 = arith.cmpi slt, %broadcast_in_dim3A_1673, %lt3A_1675 : vector<16xi32>
    %add3A_1677 = arith.constant 16 : i32
    %add3A_1678 = vector.broadcast %add3A_1677 : i32 to vector<16xi32>
    %add3A_1679 = arith.addi %broadcast_in_dim3A_1673, %add3A_1678 : vector<16xi32>
    %select_n3A_1680 = arith.select %lt3A_1676, %add3A_1679, %broadcast_in_dim3A_1673 : vector<16xi1>, vector<16xi32>
    %broadcast_in_dim3A_1681 = vector.shape_cast %select_n3A_1680 : vector<16xi32> to vector<16x1xi32>
    %gather3A_1682 = vector.shape_cast %broadcast_in_dim3A_1681 : vector<16x1xi32> to vector<16xi32>
    %gather3A_1683 = tpu.dynamic_gather %or3A_1413[%gather3A_1682] in [0] : vector<16xi32>, vector<16xi32> -> vector<16xi32>
    %shift_right_logical3A_1684 = arith.shrui %gather3A_1683, %iota3A : vector<16xi32>
    %and3A_1685 = arith.constant 1 : i32
    %and3A_1686 = vector.broadcast %and3A_1685 : i32 to vector<16xi32>
    %and3A_1687 = arith.andi %shift_right_logical3A_1684, %and3A_1686 : vector<16xi32>
    %eq3A_1688 = arith.constant 1 : i32
    %eq3A_1689 = vector.broadcast %eq3A_1688 : i32 to vector<16xi32>
    %eq3A_1690 = arith.cmpi eq, %and3A_1687, %eq3A_1689 : vector<16xi32>
    %jit3A_1691 = arith.constant -1.000000e+00 : f32
    %jit3A_1692 = arith.constant 1.000000e+00 : f32
    %broadcast_in_dim3A_1693 = vector.broadcast %jit3A_1691 : f32 to vector<16xf32>
    %broadcast_in_dim3A_1694 = vector.broadcast %jit3A_1692 : f32 to vector<16xf32>
    %select_n3A_1695 = arith.select %eq3A_1690, %broadcast_in_dim3A_1693, %broadcast_in_dim3A_1694 : vector<16xi1>, vector<16xf32>
    %swap3A_1696 = arith.constant 192 : index
    %swap3A_1697 = tpu.vector_load %arg13[%swap3A_1696] {strides = array<i32>} : memref<1024xf32, #tpu.memory_space<vmem>>, vector<16xf32>,
    tpu.vector_store %arg13[%swap3A_1696], %select_n3A_1695 {strides = array<i32>} : memref<1024xf32, #tpu.memory_space<vmem>>, vector<16xf32>,
    %add3A_1698 = arith.constant 16 : i32
    %add3A_1699 = vector.broadcast %add3A_1698 : i32 to vector<16xi32>
    %add3A_1700 = arith.addi %iota3A, %add3A_1699 : vector<16xi32>
    %shift_right_logical3A_1701 = arith.shrui %gather3A_1683, %add3A_1700 : vector<16xi32>
    %and3A_1702 = arith.constant 1 : i32
    %and3A_1703 = vector.broadcast %and3A_1702 : i32 to vector<16xi32>
    %and3A_1704 = arith.andi %shift_right_logical3A_1701, %and3A_1703 : vector<16xi32>
    %eq3A_1705 = arith.constant 1 : i32
    %eq3A_1706 = vector.broadcast %eq3A_1705 : i32 to vector<16xi32>
    %eq3A_1707 = arith.cmpi eq, %and3A_1704, %eq3A_1706 : vector<16xi32>
    %jit3A_1708 = arith.constant -1.000000e+00 : f32
    %jit3A_1709 = arith.constant 1.000000e+00 : f32
    %broadcast_in_dim3A_1710 = vector.broadcast %jit3A_1708 : f32 to vector<16xf32>
    %broadcast_in_dim3A_1711 = vector.broadcast %jit3A_1709 : f32 to vector<16xf32>
    %select_n3A_1712 = arith.select %eq3A_1707, %broadcast_in_dim3A_1710, %broadcast_in_dim3A_1711 : vector<16xi1>, vector<16xf32>
    %swap3A_1713 = arith.constant 208 : index
    %swap3A_1714 = tpu.vector_load %arg13[%swap3A_1713] {strides = array<i32>} : memref<1024xf32, #tpu.memory_space<vmem>>, vector<16xf32>,
    tpu.vector_store %arg13[%swap3A_1713], %select_n3A_1712 {strides = array<i32>} : memref<1024xf32, #tpu.memory_space<vmem>>, vector<16xf32>,
    %broadcast_in_dim3A_1715 = arith.constant 7 : i32
    %broadcast_in_dim3A_1716 = vector.broadcast %broadcast_in_dim3A_1715 : i32 to vector<16xi32>
    %lt3A_1717 = arith.constant 0 : i32
    %lt3A_1718 = vector.broadcast %lt3A_1717 : i32 to vector<16xi32>
    %lt3A_1719 = arith.cmpi slt, %broadcast_in_dim3A_1716, %lt3A_1718 : vector<16xi32>
    %add3A_1720 = arith.constant 16 : i32
    %add3A_1721 = vector.broadcast %add3A_1720 : i32 to vector<16xi32>
    %add3A_1722 = arith.addi %broadcast_in_dim3A_1716, %add3A_1721 : vector<16xi32>
    %select_n3A_1723 = arith.select %lt3A_1719, %add3A_1722, %broadcast_in_dim3A_1716 : vector<16xi1>, vector<16xi32>
    %broadcast_in_dim3A_1724 = vector.shape_cast %select_n3A_1723 : vector<16xi32> to vector<16x1xi32>
    %gather3A_1725 = vector.shape_cast %broadcast_in_dim3A_1724 : vector<16x1xi32> to vector<16xi32>
    %gather3A_1726 = tpu.dynamic_gather %or3A_1413[%gather3A_1725] in [0] : vector<16xi32>, vector<16xi32> -> vector<16xi32>
    %shift_right_logical3A_1727 = arith.shrui %gather3A_1726, %iota3A : vector<16xi32>
    %and3A_1728 = arith.constant 1 : i32
    %and3A_1729 = vector.broadcast %and3A_1728 : i32 to vector<16xi32>
    %and3A_1730 = arith.andi %shift_right_logical3A_1727, %and3A_1729 : vector<16xi32>
    %eq3A_1731 = arith.constant 1 : i32
    %eq3A_1732 = vector.broadcast %eq3A_1731 : i32 to vector<16xi32>
    %eq3A_1733 = arith.cmpi eq, %and3A_1730, %eq3A_1732 : vector<16xi32>
    %jit3A_1734 = arith.constant -1.000000e+00 : f32
    %jit3A_1735 = arith.constant 1.000000e+00 : f32
    %broadcast_in_dim3A_1736 = vector.broadcast %jit3A_1734 : f32 to vector<16xf32>
    %broadcast_in_dim3A_1737 = vector.broadcast %jit3A_1735 : f32 to vector<16xf32>
    %select_n3A_1738 = arith.select %eq3A_1733, %broadcast_in_dim3A_1736, %broadcast_in_dim3A_1737 : vector<16xi1>, vector<16xf32>
    %swap3A_1739 = arith.constant 224 : index
    %swap3A_1740 = tpu.vector_load %arg13[%swap3A_1739] {strides = array<i32>} : memref<1024xf32, #tpu.memory_space<vmem>>, vector<16xf32>,
    tpu.vector_store %arg13[%swap3A_1739], %select_n3A_1738 {strides = array<i32>} : memref<1024xf32, #tpu.memory_space<vmem>>, vector<16xf32>,
    %add3A_1741 = arith.constant 16 : i32
    %add3A_1742 = vector.broadcast %add3A_1741 : i32 to vector<16xi32>
    %add3A_1743 = arith.addi %iota3A, %add3A_1742 : vector<16xi32>
    %shift_right_logical3A_1744 = arith.shrui %gather3A_1726, %add3A_1743 : vector<16xi32>
    %and3A_1745 = arith.constant 1 : i32
    %and3A_1746 = vector.broadcast %and3A_1745 : i32 to vector<16xi32>
    %and3A_1747 = arith.andi %shift_right_logical3A_1744, %and3A_1746 : vector<16xi32>
    %eq3A_1748 = arith.constant 1 : i32
    %eq3A_1749 = vector.broadcast %eq3A_1748 : i32 to vector<16xi32>
    %eq3A_1750 = arith.cmpi eq, %and3A_1747, %eq3A_1749 : vector<16xi32>
    %jit3A_1751 = arith.constant -1.000000e+00 : f32
    %jit3A_1752 = arith.constant 1.000000e+00 : f32
    %broadcast_in_dim3A_1753 = vector.broadcast %jit3A_1751 : f32 to vector<16xf32>
    %broadcast_in_dim3A_1754 = vector.broadcast %jit3A_1752 : f32 to vector<16xf32>
    %select_n3A_1755 = arith.select %eq3A_1750, %broadcast_in_dim3A_1753, %broadcast_in_dim3A_1754 : vector<16xi1>, vector<16xf32>
    %swap3A_1756 = arith.constant 240 : index
    %swap3A_1757 = tpu.vector_load %arg13[%swap3A_1756] {strides = array<i32>} : memref<1024xf32, #tpu.memory_space<vmem>>, vector<16xf32>,
    tpu.vector_store %arg13[%swap3A_1756], %select_n3A_1755 {strides = array<i32>} : memref<1024xf32, #tpu.memory_space<vmem>>, vector<16xf32>,
    %broadcast_in_dim3A_1758 = arith.constant 8 : i32
    %broadcast_in_dim3A_1759 = vector.broadcast %broadcast_in_dim3A_1758 : i32 to vector<16xi32>
    %lt3A_1760 = arith.constant 0 : i32
    %lt3A_1761 = vector.broadcast %lt3A_1760 : i32 to vector<16xi32>
    %lt3A_1762 = arith.cmpi slt, %broadcast_in_dim3A_1759, %lt3A_1761 : vector<16xi32>
    %add3A_1763 = arith.constant 16 : i32
    %add3A_1764 = vector.broadcast %add3A_1763 : i32 to vector<16xi32>
    %add3A_1765 = arith.addi %broadcast_in_dim3A_1759, %add3A_1764 : vector<16xi32>
    %select_n3A_1766 = arith.select %lt3A_1762, %add3A_1765, %broadcast_in_dim3A_1759 : vector<16xi1>, vector<16xi32>
    %broadcast_in_dim3A_1767 = vector.shape_cast %select_n3A_1766 : vector<16xi32> to vector<16x1xi32>
    %gather3A_1768 = vector.shape_cast %broadcast_in_dim3A_1767 : vector<16x1xi32> to vector<16xi32>
    %gather3A_1769 = tpu.dynamic_gather %or3A_1413[%gather3A_1768] in [0] : vector<16xi32>, vector<16xi32> -> vector<16xi32>
    %shift_right_logical3A_1770 = arith.shrui %gather3A_1769, %iota3A : vector<16xi32>
    %and3A_1771 = arith.constant 1 : i32
    %and3A_1772 = vector.broadcast %and3A_1771 : i32 to vector<16xi32>
    %and3A_1773 = arith.andi %shift_right_logical3A_1770, %and3A_1772 : vector<16xi32>
    %eq3A_1774 = arith.constant 1 : i32
    %eq3A_1775 = vector.broadcast %eq3A_1774 : i32 to vector<16xi32>
    %eq3A_1776 = arith.cmpi eq, %and3A_1773, %eq3A_1775 : vector<16xi32>
    %jit3A_1777 = arith.constant -1.000000e+00 : f32
    %jit3A_1778 = arith.constant 1.000000e+00 : f32
    %broadcast_in_dim3A_1779 = vector.broadcast %jit3A_1777 : f32 to vector<16xf32>
    %broadcast_in_dim3A_1780 = vector.broadcast %jit3A_1778 : f32 to vector<16xf32>
    %select_n3A_1781 = arith.select %eq3A_1776, %broadcast_in_dim3A_1779, %broadcast_in_dim3A_1780 : vector<16xi1>, vector<16xf32>
    %swap3A_1782 = arith.constant 256 : index
    %swap3A_1783 = tpu.vector_load %arg13[%swap3A_1782] {strides = array<i32>} : memref<1024xf32, #tpu.memory_space<vmem>>, vector<16xf32>,
    tpu.vector_store %arg13[%swap3A_1782], %select_n3A_1781 {strides = array<i32>} : memref<1024xf32, #tpu.memory_space<vmem>>, vector<16xf32>,
    %add3A_1784 = arith.constant 16 : i32
    %add3A_1785 = vector.broadcast %add3A_1784 : i32 to vector<16xi32>
    %add3A_1786 = arith.addi %iota3A, %add3A_1785 : vector<16xi32>
    %shift_right_logical3A_1787 = arith.shrui %gather3A_1769, %add3A_1786 : vector<16xi32>
    %and3A_1788 = arith.constant 1 : i32
    %and3A_1789 = vector.broadcast %and3A_1788 : i32 to vector<16xi32>
    %and3A_1790 = arith.andi %shift_right_logical3A_1787, %and3A_1789 : vector<16xi32>
    %eq3A_1791 = arith.constant 1 : i32
    %eq3A_1792 = vector.broadcast %eq3A_1791 : i32 to vector<16xi32>
    %eq3A_1793 = arith.cmpi eq, %and3A_1790, %eq3A_1792 : vector<16xi32>
    %jit3A_1794 = arith.constant -1.000000e+00 : f32
    %jit3A_1795 = arith.constant 1.000000e+00 : f32
    %broadcast_in_dim3A_1796 = vector.broadcast %jit3A_1794 : f32 to vector<16xf32>
    %broadcast_in_dim3A_1797 = vector.broadcast %jit3A_1795 : f32 to vector<16xf32>
    %select_n3A_1798 = arith.select %eq3A_1793, %broadcast_in_dim3A_1796, %broadcast_in_dim3A_1797 : vector<16xi1>, vector<16xf32>
    %swap3A_1799 = arith.constant 272 : index
    %swap3A_1800 = tpu.vector_load %arg13[%swap3A_1799] {strides = array<i32>} : memref<1024xf32, #tpu.memory_space<vmem>>, vector<16xf32>,
    tpu.vector_store %arg13[%swap3A_1799], %select_n3A_1798 {strides = array<i32>} : memref<1024xf32, #tpu.memory_space<vmem>>, vector<16xf32>,
    %broadcast_in_dim3A_1801 = arith.constant 9 : i32
    %broadcast_in_dim3A_1802 = vector.broadcast %broadcast_in_dim3A_1801 : i32 to vector<16xi32>
    %lt3A_1803 = arith.constant 0 : i32
    %lt3A_1804 = vector.broadcast %lt3A_1803 : i32 to vector<16xi32>
    %lt3A_1805 = arith.cmpi slt, %broadcast_in_dim3A_1802, %lt3A_1804 : vector<16xi32>
    %add3A_1806 = arith.constant 16 : i32
    %add3A_1807 = vector.broadcast %add3A_1806 : i32 to vector<16xi32>
    %add3A_1808 = arith.addi %broadcast_in_dim3A_1802, %add3A_1807 : vector<16xi32>
    %select_n3A_1809 = arith.select %lt3A_1805, %add3A_1808, %broadcast_in_dim3A_1802 : vector<16xi1>, vector<16xi32>
    %broadcast_in_dim3A_1810 = vector.shape_cast %select_n3A_1809 : vector<16xi32> to vector<16x1xi32>
    %gather3A_1811 = vector.shape_cast %broadcast_in_dim3A_1810 : vector<16x1xi32> to vector<16xi32>
    %gather3A_1812 = tpu.dynamic_gather %or3A_1413[%gather3A_1811] in [0] : vector<16xi32>, vector<16xi32> -> vector<16xi32>
    %shift_right_logical3A_1813 = arith.shrui %gather3A_1812, %iota3A : vector<16xi32>
    %and3A_1814 = arith.constant 1 : i32
    %and3A_1815 = vector.broadcast %and3A_1814 : i32 to vector<16xi32>
    %and3A_1816 = arith.andi %shift_right_logical3A_1813, %and3A_1815 : vector<16xi32>
    %eq3A_1817 = arith.constant 1 : i32
    %eq3A_1818 = vector.broadcast %eq3A_1817 : i32 to vector<16xi32>
    %eq3A_1819 = arith.cmpi eq, %and3A_1816, %eq3A_1818 : vector<16xi32>
    %jit3A_1820 = arith.constant -1.000000e+00 : f32
    %jit3A_1821 = arith.constant 1.000000e+00 : f32
    %broadcast_in_dim3A_1822 = vector.broadcast %jit3A_1820 : f32 to vector<16xf32>
    %broadcast_in_dim3A_1823 = vector.broadcast %jit3A_1821 : f32 to vector<16xf32>
    %select_n3A_1824 = arith.select %eq3A_1819, %broadcast_in_dim3A_1822, %broadcast_in_dim3A_1823 : vector<16xi1>, vector<16xf32>
    %swap3A_1825 = arith.constant 288 : index
    %swap3A_1826 = tpu.vector_load %arg13[%swap3A_1825] {strides = array<i32>} : memref<1024xf32, #tpu.memory_space<vmem>>, vector<16xf32>,
    tpu.vector_store %arg13[%swap3A_1825], %select_n3A_1824 {strides = array<i32>} : memref<1024xf32, #tpu.memory_space<vmem>>, vector<16xf32>,
    %add3A_1827 = arith.constant 16 : i32
    %add3A_1828 = vector.broadcast %add3A_1827 : i32 to vector<16xi32>
    %add3A_1829 = arith.addi %iota3A, %add3A_1828 : vector<16xi32>
    %shift_right_logical3A_1830 = arith.shrui %gather3A_1812, %add3A_1829 : vector<16xi32>
    %and3A_1831 = arith.constant 1 : i32
    %and3A_1832 = vector.broadcast %and3A_1831 : i32 to vector<16xi32>
    %and3A_1833 = arith.andi %shift_right_logical3A_1830, %and3A_1832 : vector<16xi32>
    %eq3A_1834 = arith.constant 1 : i32
    %eq3A_1835 = vector.broadcast %eq3A_1834 : i32 to vector<16xi32>
    %eq3A_1836 = arith.cmpi eq, %and3A_1833, %eq3A_1835 : vector<16xi32>
    %jit3A_1837 = arith.constant -1.000000e+00 : f32
    %jit3A_1838 = arith.constant 1.000000e+00 : f32
    %broadcast_in_dim3A_1839 = vector.broadcast %jit3A_1837 : f32 to vector<16xf32>
    %broadcast_in_dim3A_1840 = vector.broadcast %jit3A_1838 : f32 to vector<16xf32>
    %select_n3A_1841 = arith.select %eq3A_1836, %broadcast_in_dim3A_1839, %broadcast_in_dim3A_1840 : vector<16xi1>, vector<16xf32>
    %swap3A_1842 = arith.constant 304 : index
    %swap3A_1843 = tpu.vector_load %arg13[%swap3A_1842] {strides = array<i32>} : memref<1024xf32, #tpu.memory_space<vmem>>, vector<16xf32>,
    tpu.vector_store %arg13[%swap3A_1842], %select_n3A_1841 {strides = array<i32>} : memref<1024xf32, #tpu.memory_space<vmem>>, vector<16xf32>,
    %broadcast_in_dim3A_1844 = arith.constant 10 : i32
    %broadcast_in_dim3A_1845 = vector.broadcast %broadcast_in_dim3A_1844 : i32 to vector<16xi32>
    %lt3A_1846 = arith.constant 0 : i32
    %lt3A_1847 = vector.broadcast %lt3A_1846 : i32 to vector<16xi32>
    %lt3A_1848 = arith.cmpi slt, %broadcast_in_dim3A_1845, %lt3A_1847 : vector<16xi32>
    %add3A_1849 = arith.constant 16 : i32
    %add3A_1850 = vector.broadcast %add3A_1849 : i32 to vector<16xi32>
    %add3A_1851 = arith.addi %broadcast_in_dim3A_1845, %add3A_1850 : vector<16xi32>
    %select_n3A_1852 = arith.select %lt3A_1848, %add3A_1851, %broadcast_in_dim3A_1845 : vector<16xi1>, vector<16xi32>
    %broadcast_in_dim3A_1853 = vector.shape_cast %select_n3A_1852 : vector<16xi32> to vector<16x1xi32>
    %gather3A_1854 = vector.shape_cast %broadcast_in_dim3A_1853 : vector<16x1xi32> to vector<16xi32>
    %gather3A_1855 = tpu.dynamic_gather %or3A_1413[%gather3A_1854] in [0] : vector<16xi32>, vector<16xi32> -> vector<16xi32>
    %shift_right_logical3A_1856 = arith.shrui %gather3A_1855, %iota3A : vector<16xi32>
    %and3A_1857 = arith.constant 1 : i32
    %and3A_1858 = vector.broadcast %and3A_1857 : i32 to vector<16xi32>
    %and3A_1859 = arith.andi %shift_right_logical3A_1856, %and3A_1858 : vector<16xi32>
    %eq3A_1860 = arith.constant 1 : i32
    %eq3A_1861 = vector.broadcast %eq3A_1860 : i32 to vector<16xi32>
    %eq3A_1862 = arith.cmpi eq, %and3A_1859, %eq3A_1861 : vector<16xi32>
    %jit3A_1863 = arith.constant -1.000000e+00 : f32
    %jit3A_1864 = arith.constant 1.000000e+00 : f32
    %broadcast_in_dim3A_1865 = vector.broadcast %jit3A_1863 : f32 to vector<16xf32>
    %broadcast_in_dim3A_1866 = vector.broadcast %jit3A_1864 : f32 to vector<16xf32>
    %select_n3A_1867 = arith.select %eq3A_1862, %broadcast_in_dim3A_1865, %broadcast_in_dim3A_1866 : vector<16xi1>, vector<16xf32>
    %swap3A_1868 = arith.constant 320 : index
    %swap3A_1869 = tpu.vector_load %arg13[%swap3A_1868] {strides = array<i32>} : memref<1024xf32, #tpu.memory_space<vmem>>, vector<16xf32>,
    tpu.vector_store %arg13[%swap3A_1868], %select_n3A_1867 {strides = array<i32>} : memref<1024xf32, #tpu.memory_space<vmem>>, vector<16xf32>,
    %add3A_1870 = arith.constant 16 : i32
    %add3A_1871 = vector.broadcast %add3A_1870 : i32 to vector<16xi32>
    %add3A_1872 = arith.addi %iota3A, %add3A_1871 : vector<16xi32>
    %shift_right_logical3A_1873 = arith.shrui %gather3A_1855, %add3A_1872 : vector<16xi32>
    %and3A_1874 = arith.constant 1 : i32
    %and3A_1875 = vector.broadcast %and3A_1874 : i32 to vector<16xi32>
    %and3A_1876 = arith.andi %shift_right_logical3A_1873, %and3A_1875 : vector<16xi32>
    %eq3A_1877 = arith.constant 1 : i32
    %eq3A_1878 = vector.broadcast %eq3A_1877 : i32 to vector<16xi32>
    %eq3A_1879 = arith.cmpi eq, %and3A_1876, %eq3A_1878 : vector<16xi32>
    %jit3A_1880 = arith.constant -1.000000e+00 : f32
    %jit3A_1881 = arith.constant 1.000000e+00 : f32
    %broadcast_in_dim3A_1882 = vector.broadcast %jit3A_1880 : f32 to vector<16xf32>
    %broadcast_in_dim3A_1883 = vector.broadcast %jit3A_1881 : f32 to vector<16xf32>
    %select_n3A_1884 = arith.select %eq3A_1879, %broadcast_in_dim3A_1882, %broadcast_in_dim3A_1883 : vector<16xi1>, vector<16xf32>
    %swap3A_1885 = arith.constant 336 : index
    %swap3A_1886 = tpu.vector_load %arg13[%swap3A_1885] {strides = array<i32>} : memref<1024xf32, #tpu.memory_space<vmem>>, vector<16xf32>,
    tpu.vector_store %arg13[%swap3A_1885], %select_n3A_1884 {strides = array<i32>} : memref<1024xf32, #tpu.memory_space<vmem>>, vector<16xf32>,
    %broadcast_in_dim3A_1887 = arith.constant 11 : i32
    %broadcast_in_dim3A_1888 = vector.broadcast %broadcast_in_dim3A_1887 : i32 to vector<16xi32>
    %lt3A_1889 = arith.constant 0 : i32
    %lt3A_1890 = vector.broadcast %lt3A_1889 : i32 to vector<16xi32>
    %lt3A_1891 = arith.cmpi slt, %broadcast_in_dim3A_1888, %lt3A_1890 : vector<16xi32>
    %add3A_1892 = arith.constant 16 : i32
    %add3A_1893 = vector.broadcast %add3A_1892 : i32 to vector<16xi32>
    %add3A_1894 = arith.addi %broadcast_in_dim3A_1888, %add3A_1893 : vector<16xi32>
    %select_n3A_1895 = arith.select %lt3A_1891, %add3A_1894, %broadcast_in_dim3A_1888 : vector<16xi1>, vector<16xi32>
    %broadcast_in_dim3A_1896 = vector.shape_cast %select_n3A_1895 : vector<16xi32> to vector<16x1xi32>
    %gather3A_1897 = vector.shape_cast %broadcast_in_dim3A_1896 : vector<16x1xi32> to vector<16xi32>
    %gather3A_1898 = tpu.dynamic_gather %or3A_1413[%gather3A_1897] in [0] : vector<16xi32>, vector<16xi32> -> vector<16xi32>
    %shift_right_logical3A_1899 = arith.shrui %gather3A_1898, %iota3A : vector<16xi32>
    %and3A_1900 = arith.constant 1 : i32
    %and3A_1901 = vector.broadcast %and3A_1900 : i32 to vector<16xi32>
    %and3A_1902 = arith.andi %shift_right_logical3A_1899, %and3A_1901 : vector<16xi32>
    %eq3A_1903 = arith.constant 1 : i32
    %eq3A_1904 = vector.broadcast %eq3A_1903 : i32 to vector<16xi32>
    %eq3A_1905 = arith.cmpi eq, %and3A_1902, %eq3A_1904 : vector<16xi32>
    %jit3A_1906 = arith.constant -1.000000e+00 : f32
    %jit3A_1907 = arith.constant 1.000000e+00 : f32
    %broadcast_in_dim3A_1908 = vector.broadcast %jit3A_1906 : f32 to vector<16xf32>
    %broadcast_in_dim3A_1909 = vector.broadcast %jit3A_1907 : f32 to vector<16xf32>
    %select_n3A_1910 = arith.select %eq3A_1905, %broadcast_in_dim3A_1908, %broadcast_in_dim3A_1909 : vector<16xi1>, vector<16xf32>
    %swap3A_1911 = arith.constant 352 : index
    %swap3A_1912 = tpu.vector_load %arg13[%swap3A_1911] {strides = array<i32>} : memref<1024xf32, #tpu.memory_space<vmem>>, vector<16xf32>,
    tpu.vector_store %arg13[%swap3A_1911], %select_n3A_1910 {strides = array<i32>} : memref<1024xf32, #tpu.memory_space<vmem>>, vector<16xf32>,
    %add3A_1913 = arith.constant 16 : i32
    %add3A_1914 = vector.broadcast %add3A_1913 : i32 to vector<16xi32>
    %add3A_1915 = arith.addi %iota3A, %add3A_1914 : vector<16xi32>
    %shift_right_logical3A_1916 = arith.shrui %gather3A_1898, %add3A_1915 : vector<16xi32>
    %and3A_1917 = arith.constant 1 : i32
    %and3A_1918 = vector.broadcast %and3A_1917 : i32 to vector<16xi32>
    %and3A_1919 = arith.andi %shift_right_logical3A_1916, %and3A_1918 : vector<16xi32>
    %eq3A_1920 = arith.constant 1 : i32
    %eq3A_1921 = vector.broadcast %eq3A_1920 : i32 to vector<16xi32>
    %eq3A_1922 = arith.cmpi eq, %and3A_1919, %eq3A_1921 : vector<16xi32>
    %jit3A_1923 = arith.constant -1.000000e+00 : f32
    %jit3A_1924 = arith.constant 1.000000e+00 : f32
    %broadcast_in_dim3A_1925 = vector.broadcast %jit3A_1923 : f32 to vector<16xf32>
    %broadcast_in_dim3A_1926 = vector.broadcast %jit3A_1924 : f32 to vector<16xf32>
    %select_n3A_1927 = arith.select %eq3A_1922, %broadcast_in_dim3A_1925, %broadcast_in_dim3A_1926 : vector<16xi1>, vector<16xf32>
    %swap3A_1928 = arith.constant 368 : index
    %swap3A_1929 = tpu.vector_load %arg13[%swap3A_1928] {strides = array<i32>} : memref<1024xf32, #tpu.memory_space<vmem>>, vector<16xf32>,
    tpu.vector_store %arg13[%swap3A_1928], %select_n3A_1927 {strides = array<i32>} : memref<1024xf32, #tpu.memory_space<vmem>>, vector<16xf32>,
    %broadcast_in_dim3A_1930 = arith.constant 12 : i32
    %broadcast_in_dim3A_1931 = vector.broadcast %broadcast_in_dim3A_1930 : i32 to vector<16xi32>
    %lt3A_1932 = arith.constant 0 : i32
    %lt3A_1933 = vector.broadcast %lt3A_1932 : i32 to vector<16xi32>
    %lt3A_1934 = arith.cmpi slt, %broadcast_in_dim3A_1931, %lt3A_1933 : vector<16xi32>
    %add3A_1935 = arith.constant 16 : i32
    %add3A_1936 = vector.broadcast %add3A_1935 : i32 to vector<16xi32>
    %add3A_1937 = arith.addi %broadcast_in_dim3A_1931, %add3A_1936 : vector<16xi32>
    %select_n3A_1938 = arith.select %lt3A_1934, %add3A_1937, %broadcast_in_dim3A_1931 : vector<16xi1>, vector<16xi32>
    %broadcast_in_dim3A_1939 = vector.shape_cast %select_n3A_1938 : vector<16xi32> to vector<16x1xi32>
    %gather3A_1940 = vector.shape_cast %broadcast_in_dim3A_1939 : vector<16x1xi32> to vector<16xi32>
    %gather3A_1941 = tpu.dynamic_gather %or3A_1413[%gather3A_1940] in [0] : vector<16xi32>, vector<16xi32> -> vector<16xi32>
    %shift_right_logical3A_1942 = arith.shrui %gather3A_1941, %iota3A : vector<16xi32>
    %and3A_1943 = arith.constant 1 : i32
    %and3A_1944 = vector.broadcast %and3A_1943 : i32 to vector<16xi32>
    %and3A_1945 = arith.andi %shift_right_logical3A_1942, %and3A_1944 : vector<16xi32>
    %eq3A_1946 = arith.constant 1 : i32
    %eq3A_1947 = vector.broadcast %eq3A_1946 : i32 to vector<16xi32>
    %eq3A_1948 = arith.cmpi eq, %and3A_1945, %eq3A_1947 : vector<16xi32>
    %jit3A_1949 = arith.constant -1.000000e+00 : f32
    %jit3A_1950 = arith.constant 1.000000e+00 : f32
    %broadcast_in_dim3A_1951 = vector.broadcast %jit3A_1949 : f32 to vector<16xf32>
    %broadcast_in_dim3A_1952 = vector.broadcast %jit3A_1950 : f32 to vector<16xf32>
    %select_n3A_1953 = arith.select %eq3A_1948, %broadcast_in_dim3A_1951, %broadcast_in_dim3A_1952 : vector<16xi1>, vector<16xf32>
    %swap3A_1954 = arith.constant 384 : index
    %swap3A_1955 = tpu.vector_load %arg13[%swap3A_1954] {strides = array<i32>} : memref<1024xf32, #tpu.memory_space<vmem>>, vector<16xf32>,
    tpu.vector_store %arg13[%swap3A_1954], %select_n3A_1953 {strides = array<i32>} : memref<1024xf32, #tpu.memory_space<vmem>>, vector<16xf32>,
    %add3A_1956 = arith.constant 16 : i32
    %add3A_1957 = vector.broadcast %add3A_1956 : i32 to vector<16xi32>
    %add3A_1958 = arith.addi %iota3A, %add3A_1957 : vector<16xi32>
    %shift_right_logical3A_1959 = arith.shrui %gather3A_1941, %add3A_1958 : vector<16xi32>
    %and3A_1960 = arith.constant 1 : i32
    %and3A_1961 = vector.broadcast %and3A_1960 : i32 to vector<16xi32>
    %and3A_1962 = arith.andi %shift_right_logical3A_1959, %and3A_1961 : vector<16xi32>
    %eq3A_1963 = arith.constant 1 : i32
    %eq3A_1964 = vector.broadcast %eq3A_1963 : i32 to vector<16xi32>
    %eq3A_1965 = arith.cmpi eq, %and3A_1962, %eq3A_1964 : vector<16xi32>
    %jit3A_1966 = arith.constant -1.000000e+00 : f32
    %jit3A_1967 = arith.constant 1.000000e+00 : f32
    %broadcast_in_dim3A_1968 = vector.broadcast %jit3A_1966 : f32 to vector<16xf32>
    %broadcast_in_dim3A_1969 = vector.broadcast %jit3A_1967 : f32 to vector<16xf32>
    %select_n3A_1970 = arith.select %eq3A_1965, %broadcast_in_dim3A_1968, %broadcast_in_dim3A_1969 : vector<16xi1>, vector<16xf32>
    %swap3A_1971 = arith.constant 400 : index
    %swap3A_1972 = tpu.vector_load %arg13[%swap3A_1971] {strides = array<i32>} : memref<1024xf32, #tpu.memory_space<vmem>>, vector<16xf32>,
    tpu.vector_store %arg13[%swap3A_1971], %select_n3A_1970 {strides = array<i32>} : memref<1024xf32, #tpu.memory_space<vmem>>, vector<16xf32>,
    %broadcast_in_dim3A_1973 = arith.constant 13 : i32
    %broadcast_in_dim3A_1974 = vector.broadcast %broadcast_in_dim3A_1973 : i32 to vector<16xi32>
    %lt3A_1975 = arith.constant 0 : i32
    %lt3A_1976 = vector.broadcast %lt3A_1975 : i32 to vector<16xi32>
    %lt3A_1977 = arith.cmpi slt, %broadcast_in_dim3A_1974, %lt3A_1976 : vector<16xi32>
    %add3A_1978 = arith.constant 16 : i32
    %add3A_1979 = vector.broadcast %add3A_1978 : i32 to vector<16xi32>
    %add3A_1980 = arith.addi %broadcast_in_dim3A_1974, %add3A_1979 : vector<16xi32>
    %select_n3A_1981 = arith.select %lt3A_1977, %add3A_1980, %broadcast_in_dim3A_1974 : vector<16xi1>, vector<16xi32>
    %broadcast_in_dim3A_1982 = vector.shape_cast %select_n3A_1981 : vector<16xi32> to vector<16x1xi32>
    %gather3A_1983 = vector.shape_cast %broadcast_in_dim3A_1982 : vector<16x1xi32> to vector<16xi32>
    %gather3A_1984 = tpu.dynamic_gather %or3A_1413[%gather3A_1983] in [0] : vector<16xi32>, vector<16xi32> -> vector<16xi32>
    %shift_right_logical3A_1985 = arith.shrui %gather3A_1984, %iota3A : vector<16xi32>
    %and3A_1986 = arith.constant 1 : i32
    %and3A_1987 = vector.broadcast %and3A_1986 : i32 to vector<16xi32>
    %and3A_1988 = arith.andi %shift_right_logical3A_1985, %and3A_1987 : vector<16xi32>
    %eq3A_1989 = arith.constant 1 : i32
    %eq3A_1990 = vector.broadcast %eq3A_1989 : i32 to vector<16xi32>
    %eq3A_1991 = arith.cmpi eq, %and3A_1988, %eq3A_1990 : vector<16xi32>
    %jit3A_1992 = arith.constant -1.000000e+00 : f32
    %jit3A_1993 = arith.constant 1.000000e+00 : f32
    %broadcast_in_dim3A_1994 = vector.broadcast %jit3A_1992 : f32 to vector<16xf32>
    %broadcast_in_dim3A_1995 = vector.broadcast %jit3A_1993 : f32 to vector<16xf32>
    %select_n3A_1996 = arith.select %eq3A_1991, %broadcast_in_dim3A_1994, %broadcast_in_dim3A_1995 : vector<16xi1>, vector<16xf32>
    %swap3A_1997 = arith.constant 416 : index
    %swap3A_1998 = tpu.vector_load %arg13[%swap3A_1997] {strides = array<i32>} : memref<1024xf32, #tpu.memory_space<vmem>>, vector<16xf32>,
    tpu.vector_store %arg13[%swap3A_1997], %select_n3A_1996 {strides = array<i32>} : memref<1024xf32, #tpu.memory_space<vmem>>, vector<16xf32>,
    %add3A_1999 = arith.constant 16 : i32
    %add3A_2000 = vector.broadcast %add3A_1999 : i32 to vector<16xi32>
    %add3A_2001 = arith.addi %iota3A, %add3A_2000 : vector<16xi32>
    %shift_right_logical3A_2002 = arith.shrui %gather3A_1984, %add3A_2001 : vector<16xi32>
    %and3A_2003 = arith.constant 1 : i32
    %and3A_2004 = vector.broadcast %and3A_2003 : i32 to vector<16xi32>
    %and3A_2005 = arith.andi %shift_right_logical3A_2002, %and3A_2004 : vector<16xi32>
    %eq3A_2006 = arith.constant 1 : i32
    %eq3A_2007 = vector.broadcast %eq3A_2006 : i32 to vector<16xi32>
    %eq3A_2008 = arith.cmpi eq, %and3A_2005, %eq3A_2007 : vector<16xi32>
    %jit3A_2009 = arith.constant -1.000000e+00 : f32
    %jit3A_2010 = arith.constant 1.000000e+00 : f32
    %broadcast_in_dim3A_2011 = vector.broadcast %jit3A_2009 : f32 to vector<16xf32>
    %broadcast_in_dim3A_2012 = vector.broadcast %jit3A_2010 : f32 to vector<16xf32>
    %select_n3A_2013 = arith.select %eq3A_2008, %broadcast_in_dim3A_2011, %broadcast_in_dim3A_2012 : vector<16xi1>, vector<16xf32>
    %swap3A_2014 = arith.constant 432 : index
    %swap3A_2015 = tpu.vector_load %arg13[%swap3A_2014] {strides = array<i32>} : memref<1024xf32, #tpu.memory_space<vmem>>, vector<16xf32>,
    tpu.vector_store %arg13[%swap3A_2014], %select_n3A_2013 {strides = array<i32>} : memref<1024xf32, #tpu.memory_space<vmem>>, vector<16xf32>,
    %broadcast_in_dim3A_2016 = arith.constant 14 : i32
    %broadcast_in_dim3A_2017 = vector.broadcast %broadcast_in_dim3A_2016 : i32 to vector<16xi32>
    %lt3A_2018 = arith.constant 0 : i32
    %lt3A_2019 = vector.broadcast %lt3A_2018 : i32 to vector<16xi32>
    %lt3A_2020 = arith.cmpi slt, %broadcast_in_dim3A_2017, %lt3A_2019 : vector<16xi32>
    %add3A_2021 = arith.constant 16 : i32
    %add3A_2022 = vector.broadcast %add3A_2021 : i32 to vector<16xi32>
    %add3A_2023 = arith.addi %broadcast_in_dim3A_2017, %add3A_2022 : vector<16xi32>
    %select_n3A_2024 = arith.select %lt3A_2020, %add3A_2023, %broadcast_in_dim3A_2017 : vector<16xi1>, vector<16xi32>
    %broadcast_in_dim3A_2025 = vector.shape_cast %select_n3A_2024 : vector<16xi32> to vector<16x1xi32>
    %gather3A_2026 = vector.shape_cast %broadcast_in_dim3A_2025 : vector<16x1xi32> to vector<16xi32>
    %gather3A_2027 = tpu.dynamic_gather %or3A_1413[%gather3A_2026] in [0] : vector<16xi32>, vector<16xi32> -> vector<16xi32>
    %shift_right_logical3A_2028 = arith.shrui %gather3A_2027, %iota3A : vector<16xi32>
    %and3A_2029 = arith.constant 1 : i32
    %and3A_2030 = vector.broadcast %and3A_2029 : i32 to vector<16xi32>
    %and3A_2031 = arith.andi %shift_right_logical3A_2028, %and3A_2030 : vector<16xi32>
    %eq3A_2032 = arith.constant 1 : i32
    %eq3A_2033 = vector.broadcast %eq3A_2032 : i32 to vector<16xi32>
    %eq3A_2034 = arith.cmpi eq, %and3A_2031, %eq3A_2033 : vector<16xi32>
    %jit3A_2035 = arith.constant -1.000000e+00 : f32
    %jit3A_2036 = arith.constant 1.000000e+00 : f32
    %broadcast_in_dim3A_2037 = vector.broadcast %jit3A_2035 : f32 to vector<16xf32>
    %broadcast_in_dim3A_2038 = vector.broadcast %jit3A_2036 : f32 to vector<16xf32>
    %select_n3A_2039 = arith.select %eq3A_2034, %broadcast_in_dim3A_2037, %broadcast_in_dim3A_2038 : vector<16xi1>, vector<16xf32>
    %swap3A_2040 = arith.constant 448 : index
    %swap3A_2041 = tpu.vector_load %arg13[%swap3A_2040] {strides = array<i32>} : memref<1024xf32, #tpu.memory_space<vmem>>, vector<16xf32>,
    tpu.vector_store %arg13[%swap3A_2040], %select_n3A_2039 {strides = array<i32>} : memref<1024xf32, #tpu.memory_space<vmem>>, vector<16xf32>,
    %add3A_2042 = arith.constant 16 : i32
    %add3A_2043 = vector.broadcast %add3A_2042 : i32 to vector<16xi32>
    %add3A_2044 = arith.addi %iota3A, %add3A_2043 : vector<16xi32>
    %shift_right_logical3A_2045 = arith.shrui %gather3A_2027, %add3A_2044 : vector<16xi32>
    %and3A_2046 = arith.constant 1 : i32
    %and3A_2047 = vector.broadcast %and3A_2046 : i32 to vector<16xi32>
    %and3A_2048 = arith.andi %shift_right_logical3A_2045, %and3A_2047 : vector<16xi32>
    %eq3A_2049 = arith.constant 1 : i32
    %eq3A_2050 = vector.broadcast %eq3A_2049 : i32 to vector<16xi32>
    %eq3A_2051 = arith.cmpi eq, %and3A_2048, %eq3A_2050 : vector<16xi32>
    %jit3A_2052 = arith.constant -1.000000e+00 : f32
    %jit3A_2053 = arith.constant 1.000000e+00 : f32
    %broadcast_in_dim3A_2054 = vector.broadcast %jit3A_2052 : f32 to vector<16xf32>
    %broadcast_in_dim3A_2055 = vector.broadcast %jit3A_2053 : f32 to vector<16xf32>
    %select_n3A_2056 = arith.select %eq3A_2051, %broadcast_in_dim3A_2054, %broadcast_in_dim3A_2055 : vector<16xi1>, vector<16xf32>
    %swap3A_2057 = arith.constant 464 : index
    %swap3A_2058 = tpu.vector_load %arg13[%swap3A_2057] {strides = array<i32>} : memref<1024xf32, #tpu.memory_space<vmem>>, vector<16xf32>,
    tpu.vector_store %arg13[%swap3A_2057], %select_n3A_2056 {strides = array<i32>} : memref<1024xf32, #tpu.memory_space<vmem>>, vector<16xf32>,
    %broadcast_in_dim3A_2059 = arith.constant 15 : i32
    %broadcast_in_dim3A_2060 = vector.broadcast %broadcast_in_dim3A_2059 : i32 to vector<16xi32>
    %lt3A_2061 = arith.constant 0 : i32
    %lt3A_2062 = vector.broadcast %lt3A_2061 : i32 to vector<16xi32>
    %lt3A_2063 = arith.cmpi slt, %broadcast_in_dim3A_2060, %lt3A_2062 : vector<16xi32>
    %add3A_2064 = arith.constant 16 : i32
    %add3A_2065 = vector.broadcast %add3A_2064 : i32 to vector<16xi32>
    %add3A_2066 = arith.addi %broadcast_in_dim3A_2060, %add3A_2065 : vector<16xi32>
    %select_n3A_2067 = arith.select %lt3A_2063, %add3A_2066, %broadcast_in_dim3A_2060 : vector<16xi1>, vector<16xi32>
    %broadcast_in_dim3A_2068 = vector.shape_cast %select_n3A_2067 : vector<16xi32> to vector<16x1xi32>
    %gather3A_2069 = vector.shape_cast %broadcast_in_dim3A_2068 : vector<16x1xi32> to vector<16xi32>
    %gather3A_2070 = tpu.dynamic_gather %or3A_1413[%gather3A_2069] in [0] : vector<16xi32>, vector<16xi32> -> vector<16xi32>
    %shift_right_logical3A_2071 = arith.shrui %gather3A_2070, %iota3A : vector<16xi32>
    %and3A_2072 = arith.constant 1 : i32
    %and3A_2073 = vector.broadcast %and3A_2072 : i32 to vector<16xi32>
    %and3A_2074 = arith.andi %shift_right_logical3A_2071, %and3A_2073 : vector<16xi32>
    %eq3A_2075 = arith.constant 1 : i32
    %eq3A_2076 = vector.broadcast %eq3A_2075 : i32 to vector<16xi32>
    %eq3A_2077 = arith.cmpi eq, %and3A_2074, %eq3A_2076 : vector<16xi32>
    %jit3A_2078 = arith.constant -1.000000e+00 : f32
    %jit3A_2079 = arith.constant 1.000000e+00 : f32
    %broadcast_in_dim3A_2080 = vector.broadcast %jit3A_2078 : f32 to vector<16xf32>
    %broadcast_in_dim3A_2081 = vector.broadcast %jit3A_2079 : f32 to vector<16xf32>
    %select_n3A_2082 = arith.select %eq3A_2077, %broadcast_in_dim3A_2080, %broadcast_in_dim3A_2081 : vector<16xi1>, vector<16xf32>
    %swap3A_2083 = arith.constant 480 : index
    %swap3A_2084 = tpu.vector_load %arg13[%swap3A_2083] {strides = array<i32>} : memref<1024xf32, #tpu.memory_space<vmem>>, vector<16xf32>,
    tpu.vector_store %arg13[%swap3A_2083], %select_n3A_2082 {strides = array<i32>} : memref<1024xf32, #tpu.memory_space<vmem>>, vector<16xf32>,
    %add3A_2085 = arith.constant 16 : i32
    %add3A_2086 = vector.broadcast %add3A_2085 : i32 to vector<16xi32>
    %add3A_2087 = arith.addi %iota3A, %add3A_2086 : vector<16xi32>
    %shift_right_logical3A_2088 = arith.shrui %gather3A_2070, %add3A_2087 : vector<16xi32>
    %and3A_2089 = arith.constant 1 : i32
    %and3A_2090 = vector.broadcast %and3A_2089 : i32 to vector<16xi32>
    %and3A_2091 = arith.andi %shift_right_logical3A_2088, %and3A_2090 : vector<16xi32>
    %eq3A_2092 = arith.constant 1 : i32
    %eq3A_2093 = vector.broadcast %eq3A_2092 : i32 to vector<16xi32>
    %eq3A_2094 = arith.cmpi eq, %and3A_2091, %eq3A_2093 : vector<16xi32>
    %jit3A_2095 = arith.constant -1.000000e+00 : f32
    %jit3A_2096 = arith.constant 1.000000e+00 : f32
    %broadcast_in_dim3A_2097 = vector.broadcast %jit3A_2095 : f32 to vector<16xf32>
    %broadcast_in_dim3A_2098 = vector.broadcast %jit3A_2096 : f32 to vector<16xf32>
    %select_n3A_2099 = arith.select %eq3A_2094, %broadcast_in_dim3A_2097, %broadcast_in_dim3A_2098 : vector<16xi1>, vector<16xf32>
    %swap3A_2100 = arith.constant 496 : index
    %swap3A_2101 = tpu.vector_load %arg13[%swap3A_2100] {strides = array<i32>} : memref<1024xf32, #tpu.memory_space<vmem>>, vector<16xf32>,
    tpu.vector_store %arg13[%swap3A_2100], %select_n3A_2099 {strides = array<i32>} : memref<1024xf32, #tpu.memory_space<vmem>>, vector<16xf32>,
    %broadcast_in_dim3A_2102 = arith.constant 0 : i32
    %broadcast_in_dim3A_2103 = vector.broadcast %broadcast_in_dim3A_2102 : i32 to vector<16xi32>
    %scan3A_2104 = arith.constant 0 : i32
    %scan3A_2105 = arith.constant 47 : i32
    %scan3A_2106 = arith.addi %scan3A_2104, %scan3A_2105 : i32
    %scan3A_2107 = arith.constant 1 : i32
    %scan3A_2108:6 = scf.for %scan3A_2800 = %scan3A_2104 to %scan3A_2106 step %scan3A_2107 iter_args(%scan3A_2801 = %broadcast_in_dim3A_2103, %scan3A_2802 = %broadcast_in_dim3A_2103, %scan3A_2803 = %broadcast_in_dim3A_2103, %scan3A_2804 = %broadcast_in_dim3A_2103, %scan3A_2805 = %broadcast_in_dim3A_2103, %scan3A_2806 = %broadcast_in_dim3A_2103) -> (vector<16xi32>, vector<16xi32>, vector<16xi32>, vector<16xi32>, vector<16xi32>, vector<16xi32>)  : i32 {
      %mul3A_2807 = arith.constant 32 : i32
      %mul3A_2808 = arith.muli %scan3A_2800, %mul3A_2807 : i32
      %add3A_2809 = arith.constant 16 : i32
      %add3A_2810 = arith.addi %mul3A_2808, %add3A_2809 : i32
      %get3A = arith.index_cast %add3A_2810 : i32 to index
      %get3A_2811 = tpu.vector_load %arg12[%get3A] {strides = array<i32>} : memref<1600xi32, #tpu.memory_space<vmem>>, vector<16xi32>,
      %add3A_2812 = arith.constant 1 : i32
      %add3A_2813 = arith.addi %scan3A_2800, %add3A_2812 : i32
      %mul3A_2814 = arith.constant 32 : i32
      %mul3A_2815 = arith.muli %add3A_2813, %mul3A_2814 : i32
      %add3A_2816 = arith.constant 16 : i32
      %add3A_2817 = arith.addi %mul3A_2815, %add3A_2816 : i32
      %get3A_2818 = arith.index_cast %add3A_2817 : i32 to index
      %get3A_2819 = tpu.vector_load %arg11[%get3A_2818] {strides = array<i32>} : memref<1600xi32, #tpu.memory_space<vmem>>, vector<16xi32>,
      %xor3A = arith.xori %get3A_2811, %get3A_2819 : vector<16xi32>
      %add3A_2820 = arith.constant 2 : i32
      %add3A_2821 = arith.addi %scan3A_2800, %add3A_2820 : i32
      %mul3A_2822 = arith.constant 32 : i32
      %mul3A_2823 = arith.muli %add3A_2821, %mul3A_2822 : i32
      %add3A_2824 = arith.constant 16 : i32
      %add3A_2825 = arith.addi %mul3A_2823, %add3A_2824 : i32
      %get3A_2826 = arith.index_cast %add3A_2825 : i32 to index
      %get3A_2827 = tpu.vector_load %arg10[%get3A_2826] {strides = array<i32>} : memref<1600xi32, #tpu.memory_space<vmem>>, vector<16xi32>,
      %xor3A_2828 = arith.xori %xor3A, %get3A_2827 : vector<16xi32>
      %add3A_2829 = arith.constant 3 : i32
      %add3A_2830 = arith.addi %scan3A_2800, %add3A_2829 : i32
      %mul3A_2831 = arith.constant 33 : i32
      %mul3A_2832 = arith.muli %add3A_2830, %mul3A_2831 : i32
      %add3A_2833 = arith.constant 1 : i32
      %add3A_2834 = arith.addi %mul3A_2832, %add3A_2833 : i32
      %add3A_2835 = arith.constant 16 : i32
      %add3A_2836 = arith.addi %add3A_2834, %add3A_2835 : i32
      %get3A_2837 = arith.index_cast %add3A_2836 : i32 to index
      %get3A_2838 = tpu.vector_load %arg9[%get3A_2837] {strides = array<i32>} : memref<1650xi32, #tpu.memory_space<vmem>>, vector<16xi32>,
      %xor3A_2839 = arith.xori %xor3A_2828, %get3A_2838 : vector<16xi32>
      %xor3A_2840 = arith.xori %scan3A_2801, %xor3A_2839 : vector<16xi32>
      %and3A_2841 = arith.andi %scan3A_2801, %xor3A_2839 : vector<16xi32>
      %xor3A_2842 = arith.xori %scan3A_2802, %and3A_2841 : vector<16xi32>
      %and3A_2843 = arith.andi %scan3A_2802, %and3A_2841 : vector<16xi32>
      %xor3A_2844 = arith.xori %scan3A_2803, %and3A_2843 : vector<16xi32>
      %and3A_2845 = arith.andi %scan3A_2803, %and3A_2843 : vector<16xi32>
      %xor3A_2846 = arith.xori %scan3A_2804, %and3A_2845 : vector<16xi32>
      %and3A_2847 = arith.andi %scan3A_2804, %and3A_2845 : vector<16xi32>
      %xor3A_2848 = arith.xori %scan3A_2805, %and3A_2847 : vector<16xi32>
      %and3A_2849 = arith.andi %scan3A_2805, %and3A_2847 : vector<16xi32>
      %xor3A_2850 = arith.xori %scan3A_2806, %and3A_2849 : vector<16xi32>
      %and3A_2851 = arith.andi %scan3A_2806, %and3A_2849 : vector<16xi32>
      scf.yield %xor3A_2840, %xor3A_2842, %xor3A_2844, %xor3A_2846, %xor3A_2848, %xor3A_2850 : vector<16xi32>, vector<16xi32>, vector<16xi32>, vector<16xi32>, vector<16xi32>, vector<16xi32>
    }
    %scan3A_2109 = arith.constant 47 : i32
    %and3A_2110 = arith.andi %scan3A_2108#4, %scan3A_2108#3 : vector<16xi32>
    %or3A_2111 = arith.ori %scan3A_2108#5, %and3A_2110 : vector<16xi32>
    %broadcast_in_dim3A_2112 = arith.constant 0 : i32
    %broadcast_in_dim3A_2113 = vector.broadcast %broadcast_in_dim3A_2112 : i32 to vector<16xi32>
    %lt3A_2114 = arith.constant 0 : i32
    %lt3A_2115 = vector.broadcast %lt3A_2114 : i32 to vector<16xi32>
    %lt3A_2116 = arith.cmpi slt, %broadcast_in_dim3A_2113, %lt3A_2115 : vector<16xi32>
    %add3A_2117 = arith.constant 16 : i32
    %add3A_2118 = vector.broadcast %add3A_2117 : i32 to vector<16xi32>
    %add3A_2119 = arith.addi %broadcast_in_dim3A_2113, %add3A_2118 : vector<16xi32>
    %select_n3A_2120 = arith.select %lt3A_2116, %add3A_2119, %broadcast_in_dim3A_2113 : vector<16xi1>, vector<16xi32>
    %broadcast_in_dim3A_2121 = vector.shape_cast %select_n3A_2120 : vector<16xi32> to vector<16x1xi32>
    %gather3A_2122 = vector.shape_cast %broadcast_in_dim3A_2121 : vector<16x1xi32> to vector<16xi32>
    %gather3A_2123 = tpu.dynamic_gather %or3A_2111[%gather3A_2122] in [0] : vector<16xi32>, vector<16xi32> -> vector<16xi32>
    %shift_right_logical3A_2124 = arith.shrui %gather3A_2123, %iota3A : vector<16xi32>
    %and3A_2125 = arith.constant 1 : i32
    %and3A_2126 = vector.broadcast %and3A_2125 : i32 to vector<16xi32>
    %and3A_2127 = arith.andi %shift_right_logical3A_2124, %and3A_2126 : vector<16xi32>
    %eq3A_2128 = arith.constant 1 : i32
    %eq3A_2129 = vector.broadcast %eq3A_2128 : i32 to vector<16xi32>
    %eq3A_2130 = arith.cmpi eq, %and3A_2127, %eq3A_2129 : vector<16xi32>
    %jit3A_2131 = arith.constant -1.000000e+00 : f32
    %jit3A_2132 = arith.constant 1.000000e+00 : f32
    %broadcast_in_dim3A_2133 = vector.broadcast %jit3A_2131 : f32 to vector<16xf32>
    %broadcast_in_dim3A_2134 = vector.broadcast %jit3A_2132 : f32 to vector<16xf32>
    %select_n3A_2135 = arith.select %eq3A_2130, %broadcast_in_dim3A_2133, %broadcast_in_dim3A_2134 : vector<16xi1>, vector<16xf32>
    %swap3A_2136 = arith.constant 512 : index
    %swap3A_2137 = tpu.vector_load %arg13[%swap3A_2136] {strides = array<i32>} : memref<1024xf32, #tpu.memory_space<vmem>>, vector<16xf32>,
    tpu.vector_store %arg13[%swap3A_2136], %select_n3A_2135 {strides = array<i32>} : memref<1024xf32, #tpu.memory_space<vmem>>, vector<16xf32>,
    %add3A_2138 = arith.constant 16 : i32
    %add3A_2139 = vector.broadcast %add3A_2138 : i32 to vector<16xi32>
    %add3A_2140 = arith.addi %iota3A, %add3A_2139 : vector<16xi32>
    %shift_right_logical3A_2141 = arith.shrui %gather3A_2123, %add3A_2140 : vector<16xi32>
    %and3A_2142 = arith.constant 1 : i32
    %and3A_2143 = vector.broadcast %and3A_2142 : i32 to vector<16xi32>
    %and3A_2144 = arith.andi %shift_right_logical3A_2141, %and3A_2143 : vector<16xi32>
    %eq3A_2145 = arith.constant 1 : i32
    %eq3A_2146 = vector.broadcast %eq3A_2145 : i32 to vector<16xi32>
    %eq3A_2147 = arith.cmpi eq, %and3A_2144, %eq3A_2146 : vector<16xi32>
    %jit3A_2148 = arith.constant -1.000000e+00 : f32
    %jit3A_2149 = arith.constant 1.000000e+00 : f32
    %broadcast_in_dim3A_2150 = vector.broadcast %jit3A_2148 : f32 to vector<16xf32>
    %broadcast_in_dim3A_2151 = vector.broadcast %jit3A_2149 : f32 to vector<16xf32>
    %select_n3A_2152 = arith.select %eq3A_2147, %broadcast_in_dim3A_2150, %broadcast_in_dim3A_2151 : vector<16xi1>, vector<16xf32>
    %swap3A_2153 = arith.constant 528 : index
    %swap3A_2154 = tpu.vector_load %arg13[%swap3A_2153] {strides = array<i32>} : memref<1024xf32, #tpu.memory_space<vmem>>, vector<16xf32>,
    tpu.vector_store %arg13[%swap3A_2153], %select_n3A_2152 {strides = array<i32>} : memref<1024xf32, #tpu.memory_space<vmem>>, vector<16xf32>,
    %broadcast_in_dim3A_2155 = arith.constant 1 : i32
    %broadcast_in_dim3A_2156 = vector.broadcast %broadcast_in_dim3A_2155 : i32 to vector<16xi32>
    %lt3A_2157 = arith.constant 0 : i32
    %lt3A_2158 = vector.broadcast %lt3A_2157 : i32 to vector<16xi32>
    %lt3A_2159 = arith.cmpi slt, %broadcast_in_dim3A_2156, %lt3A_2158 : vector<16xi32>
    %add3A_2160 = arith.constant 16 : i32
    %add3A_2161 = vector.broadcast %add3A_2160 : i32 to vector<16xi32>
    %add3A_2162 = arith.addi %broadcast_in_dim3A_2156, %add3A_2161 : vector<16xi32>
    %select_n3A_2163 = arith.select %lt3A_2159, %add3A_2162, %broadcast_in_dim3A_2156 : vector<16xi1>, vector<16xi32>
    %broadcast_in_dim3A_2164 = vector.shape_cast %select_n3A_2163 : vector<16xi32> to vector<16x1xi32>
    %gather3A_2165 = vector.shape_cast %broadcast_in_dim3A_2164 : vector<16x1xi32> to vector<16xi32>
    %gather3A_2166 = tpu.dynamic_gather %or3A_2111[%gather3A_2165] in [0] : vector<16xi32>, vector<16xi32> -> vector<16xi32>
    %shift_right_logical3A_2167 = arith.shrui %gather3A_2166, %iota3A : vector<16xi32>
    %and3A_2168 = arith.constant 1 : i32
    %and3A_2169 = vector.broadcast %and3A_2168 : i32 to vector<16xi32>
    %and3A_2170 = arith.andi %shift_right_logical3A_2167, %and3A_2169 : vector<16xi32>
    %eq3A_2171 = arith.constant 1 : i32
    %eq3A_2172 = vector.broadcast %eq3A_2171 : i32 to vector<16xi32>
    %eq3A_2173 = arith.cmpi eq, %and3A_2170, %eq3A_2172 : vector<16xi32>
    %jit3A_2174 = arith.constant -1.000000e+00 : f32
    %jit3A_2175 = arith.constant 1.000000e+00 : f32
    %broadcast_in_dim3A_2176 = vector.broadcast %jit3A_2174 : f32 to vector<16xf32>
    %broadcast_in_dim3A_2177 = vector.broadcast %jit3A_2175 : f32 to vector<16xf32>
    %select_n3A_2178 = arith.select %eq3A_2173, %broadcast_in_dim3A_2176, %broadcast_in_dim3A_2177 : vector<16xi1>, vector<16xf32>
    %swap3A_2179 = arith.constant 544 : index
    %swap3A_2180 = tpu.vector_load %arg13[%swap3A_2179] {strides = array<i32>} : memref<1024xf32, #tpu.memory_space<vmem>>, vector<16xf32>,
    tpu.vector_store %arg13[%swap3A_2179], %select_n3A_2178 {strides = array<i32>} : memref<1024xf32, #tpu.memory_space<vmem>>, vector<16xf32>,
    %add3A_2181 = arith.constant 16 : i32
    %add3A_2182 = vector.broadcast %add3A_2181 : i32 to vector<16xi32>
    %add3A_2183 = arith.addi %iota3A, %add3A_2182 : vector<16xi32>
    %shift_right_logical3A_2184 = arith.shrui %gather3A_2166, %add3A_2183 : vector<16xi32>
    %and3A_2185 = arith.constant 1 : i32
    %and3A_2186 = vector.broadcast %and3A_2185 : i32 to vector<16xi32>
    %and3A_2187 = arith.andi %shift_right_logical3A_2184, %and3A_2186 : vector<16xi32>
    %eq3A_2188 = arith.constant 1 : i32
    %eq3A_2189 = vector.broadcast %eq3A_2188 : i32 to vector<16xi32>
    %eq3A_2190 = arith.cmpi eq, %and3A_2187, %eq3A_2189 : vector<16xi32>
    %jit3A_2191 = arith.constant -1.000000e+00 : f32
    %jit3A_2192 = arith.constant 1.000000e+00 : f32
    %broadcast_in_dim3A_2193 = vector.broadcast %jit3A_2191 : f32 to vector<16xf32>
    %broadcast_in_dim3A_2194 = vector.broadcast %jit3A_2192 : f32 to vector<16xf32>
    %select_n3A_2195 = arith.select %eq3A_2190, %broadcast_in_dim3A_2193, %broadcast_in_dim3A_2194 : vector<16xi1>, vector<16xf32>
    %swap3A_2196 = arith.constant 560 : index
    %swap3A_2197 = tpu.vector_load %arg13[%swap3A_2196] {strides = array<i32>} : memref<1024xf32, #tpu.memory_space<vmem>>, vector<16xf32>,
    tpu.vector_store %arg13[%swap3A_2196], %select_n3A_2195 {strides = array<i32>} : memref<1024xf32, #tpu.memory_space<vmem>>, vector<16xf32>,
    %broadcast_in_dim3A_2198 = arith.constant 2 : i32
    %broadcast_in_dim3A_2199 = vector.broadcast %broadcast_in_dim3A_2198 : i32 to vector<16xi32>
    %lt3A_2200 = arith.constant 0 : i32
    %lt3A_2201 = vector.broadcast %lt3A_2200 : i32 to vector<16xi32>
    %lt3A_2202 = arith.cmpi slt, %broadcast_in_dim3A_2199, %lt3A_2201 : vector<16xi32>
    %add3A_2203 = arith.constant 16 : i32
    %add3A_2204 = vector.broadcast %add3A_2203 : i32 to vector<16xi32>
    %add3A_2205 = arith.addi %broadcast_in_dim3A_2199, %add3A_2204 : vector<16xi32>
    %select_n3A_2206 = arith.select %lt3A_2202, %add3A_2205, %broadcast_in_dim3A_2199 : vector<16xi1>, vector<16xi32>
    %broadcast_in_dim3A_2207 = vector.shape_cast %select_n3A_2206 : vector<16xi32> to vector<16x1xi32>
    %gather3A_2208 = vector.shape_cast %broadcast_in_dim3A_2207 : vector<16x1xi32> to vector<16xi32>
    %gather3A_2209 = tpu.dynamic_gather %or3A_2111[%gather3A_2208] in [0] : vector<16xi32>, vector<16xi32> -> vector<16xi32>
    %shift_right_logical3A_2210 = arith.shrui %gather3A_2209, %iota3A : vector<16xi32>
    %and3A_2211 = arith.constant 1 : i32
    %and3A_2212 = vector.broadcast %and3A_2211 : i32 to vector<16xi32>
    %and3A_2213 = arith.andi %shift_right_logical3A_2210, %and3A_2212 : vector<16xi32>
    %eq3A_2214 = arith.constant 1 : i32
    %eq3A_2215 = vector.broadcast %eq3A_2214 : i32 to vector<16xi32>
    %eq3A_2216 = arith.cmpi eq, %and3A_2213, %eq3A_2215 : vector<16xi32>
    %jit3A_2217 = arith.constant -1.000000e+00 : f32
    %jit3A_2218 = arith.constant 1.000000e+00 : f32
    %broadcast_in_dim3A_2219 = vector.broadcast %jit3A_2217 : f32 to vector<16xf32>
    %broadcast_in_dim3A_2220 = vector.broadcast %jit3A_2218 : f32 to vector<16xf32>
    %select_n3A_2221 = arith.select %eq3A_2216, %broadcast_in_dim3A_2219, %broadcast_in_dim3A_2220 : vector<16xi1>, vector<16xf32>
    %swap3A_2222 = arith.constant 576 : index
    %swap3A_2223 = tpu.vector_load %arg13[%swap3A_2222] {strides = array<i32>} : memref<1024xf32, #tpu.memory_space<vmem>>, vector<16xf32>,
    tpu.vector_store %arg13[%swap3A_2222], %select_n3A_2221 {strides = array<i32>} : memref<1024xf32, #tpu.memory_space<vmem>>, vector<16xf32>,
    %add3A_2224 = arith.constant 16 : i32
    %add3A_2225 = vector.broadcast %add3A_2224 : i32 to vector<16xi32>
    %add3A_2226 = arith.addi %iota3A, %add3A_2225 : vector<16xi32>
    %shift_right_logical3A_2227 = arith.shrui %gather3A_2209, %add3A_2226 : vector<16xi32>
    %and3A_2228 = arith.constant 1 : i32
    %and3A_2229 = vector.broadcast %and3A_2228 : i32 to vector<16xi32>
    %and3A_2230 = arith.andi %shift_right_logical3A_2227, %and3A_2229 : vector<16xi32>
    %eq3A_2231 = arith.constant 1 : i32
    %eq3A_2232 = vector.broadcast %eq3A_2231 : i32 to vector<16xi32>
    %eq3A_2233 = arith.cmpi eq, %and3A_2230, %eq3A_2232 : vector<16xi32>
    %jit3A_2234 = arith.constant -1.000000e+00 : f32
    %jit3A_2235 = arith.constant 1.000000e+00 : f32
    %broadcast_in_dim3A_2236 = vector.broadcast %jit3A_2234 : f32 to vector<16xf32>
    %broadcast_in_dim3A_2237 = vector.broadcast %jit3A_2235 : f32 to vector<16xf32>
    %select_n3A_2238 = arith.select %eq3A_2233, %broadcast_in_dim3A_2236, %broadcast_in_dim3A_2237 : vector<16xi1>, vector<16xf32>
    %swap3A_2239 = arith.constant 592 : index
    %swap3A_2240 = tpu.vector_load %arg13[%swap3A_2239] {strides = array<i32>} : memref<1024xf32, #tpu.memory_space<vmem>>, vector<16xf32>,
    tpu.vector_store %arg13[%swap3A_2239], %select_n3A_2238 {strides = array<i32>} : memref<1024xf32, #tpu.memory_space<vmem>>, vector<16xf32>,
    %broadcast_in_dim3A_2241 = arith.constant 3 : i32
    %broadcast_in_dim3A_2242 = vector.broadcast %broadcast_in_dim3A_2241 : i32 to vector<16xi32>
    %lt3A_2243 = arith.constant 0 : i32
    %lt3A_2244 = vector.broadcast %lt3A_2243 : i32 to vector<16xi32>
    %lt3A_2245 = arith.cmpi slt, %broadcast_in_dim3A_2242, %lt3A_2244 : vector<16xi32>
    %add3A_2246 = arith.constant 16 : i32
    %add3A_2247 = vector.broadcast %add3A_2246 : i32 to vector<16xi32>
    %add3A_2248 = arith.addi %broadcast_in_dim3A_2242, %add3A_2247 : vector<16xi32>
    %select_n3A_2249 = arith.select %lt3A_2245, %add3A_2248, %broadcast_in_dim3A_2242 : vector<16xi1>, vector<16xi32>
    %broadcast_in_dim3A_2250 = vector.shape_cast %select_n3A_2249 : vector<16xi32> to vector<16x1xi32>
    %gather3A_2251 = vector.shape_cast %broadcast_in_dim3A_2250 : vector<16x1xi32> to vector<16xi32>
    %gather3A_2252 = tpu.dynamic_gather %or3A_2111[%gather3A_2251] in [0] : vector<16xi32>, vector<16xi32> -> vector<16xi32>
    %shift_right_logical3A_2253 = arith.shrui %gather3A_2252, %iota3A : vector<16xi32>
    %and3A_2254 = arith.constant 1 : i32
    %and3A_2255 = vector.broadcast %and3A_2254 : i32 to vector<16xi32>
    %and3A_2256 = arith.andi %shift_right_logical3A_2253, %and3A_2255 : vector<16xi32>
    %eq3A_2257 = arith.constant 1 : i32
    %eq3A_2258 = vector.broadcast %eq3A_2257 : i32 to vector<16xi32>
    %eq3A_2259 = arith.cmpi eq, %and3A_2256, %eq3A_2258 : vector<16xi32>
    %jit3A_2260 = arith.constant -1.000000e+00 : f32
    %jit3A_2261 = arith.constant 1.000000e+00 : f32
    %broadcast_in_dim3A_2262 = vector.broadcast %jit3A_2260 : f32 to vector<16xf32>
    %broadcast_in_dim3A_2263 = vector.broadcast %jit3A_2261 : f32 to vector<16xf32>
    %select_n3A_2264 = arith.select %eq3A_2259, %broadcast_in_dim3A_2262, %broadcast_in_dim3A_2263 : vector<16xi1>, vector<16xf32>
    %swap3A_2265 = arith.constant 608 : index
    %swap3A_2266 = tpu.vector_load %arg13[%swap3A_2265] {strides = array<i32>} : memref<1024xf32, #tpu.memory_space<vmem>>, vector<16xf32>,
    tpu.vector_store %arg13[%swap3A_2265], %select_n3A_2264 {strides = array<i32>} : memref<1024xf32, #tpu.memory_space<vmem>>, vector<16xf32>,
    %add3A_2267 = arith.constant 16 : i32
    %add3A_2268 = vector.broadcast %add3A_2267 : i32 to vector<16xi32>
    %add3A_2269 = arith.addi %iota3A, %add3A_2268 : vector<16xi32>
    %shift_right_logical3A_2270 = arith.shrui %gather3A_2252, %add3A_2269 : vector<16xi32>
    %and3A_2271 = arith.constant 1 : i32
    %and3A_2272 = vector.broadcast %and3A_2271 : i32 to vector<16xi32>
    %and3A_2273 = arith.andi %shift_right_logical3A_2270, %and3A_2272 : vector<16xi32>
    %eq3A_2274 = arith.constant 1 : i32
    %eq3A_2275 = vector.broadcast %eq3A_2274 : i32 to vector<16xi32>
    %eq3A_2276 = arith.cmpi eq, %and3A_2273, %eq3A_2275 : vector<16xi32>
    %jit3A_2277 = arith.constant -1.000000e+00 : f32
    %jit3A_2278 = arith.constant 1.000000e+00 : f32
    %broadcast_in_dim3A_2279 = vector.broadcast %jit3A_2277 : f32 to vector<16xf32>
    %broadcast_in_dim3A_2280 = vector.broadcast %jit3A_2278 : f32 to vector<16xf32>
    %select_n3A_2281 = arith.select %eq3A_2276, %broadcast_in_dim3A_2279, %broadcast_in_dim3A_2280 : vector<16xi1>, vector<16xf32>
    %swap3A_2282 = arith.constant 624 : index
    %swap3A_2283 = tpu.vector_load %arg13[%swap3A_2282] {strides = array<i32>} : memref<1024xf32, #tpu.memory_space<vmem>>, vector<16xf32>,
    tpu.vector_store %arg13[%swap3A_2282], %select_n3A_2281 {strides = array<i32>} : memref<1024xf32, #tpu.memory_space<vmem>>, vector<16xf32>,
    %broadcast_in_dim3A_2284 = arith.constant 4 : i32
    %broadcast_in_dim3A_2285 = vector.broadcast %broadcast_in_dim3A_2284 : i32 to vector<16xi32>
    %lt3A_2286 = arith.constant 0 : i32
    %lt3A_2287 = vector.broadcast %lt3A_2286 : i32 to vector<16xi32>
    %lt3A_2288 = arith.cmpi slt, %broadcast_in_dim3A_2285, %lt3A_2287 : vector<16xi32>
    %add3A_2289 = arith.constant 16 : i32
    %add3A_2290 = vector.broadcast %add3A_2289 : i32 to vector<16xi32>
    %add3A_2291 = arith.addi %broadcast_in_dim3A_2285, %add3A_2290 : vector<16xi32>
    %select_n3A_2292 = arith.select %lt3A_2288, %add3A_2291, %broadcast_in_dim3A_2285 : vector<16xi1>, vector<16xi32>
    %broadcast_in_dim3A_2293 = vector.shape_cast %select_n3A_2292 : vector<16xi32> to vector<16x1xi32>
    %gather3A_2294 = vector.shape_cast %broadcast_in_dim3A_2293 : vector<16x1xi32> to vector<16xi32>
    %gather3A_2295 = tpu.dynamic_gather %or3A_2111[%gather3A_2294] in [0] : vector<16xi32>, vector<16xi32> -> vector<16xi32>
    %shift_right_logical3A_2296 = arith.shrui %gather3A_2295, %iota3A : vector<16xi32>
    %and3A_2297 = arith.constant 1 : i32
    %and3A_2298 = vector.broadcast %and3A_2297 : i32 to vector<16xi32>
    %and3A_2299 = arith.andi %shift_right_logical3A_2296, %and3A_2298 : vector<16xi32>
    %eq3A_2300 = arith.constant 1 : i32
    %eq3A_2301 = vector.broadcast %eq3A_2300 : i32 to vector<16xi32>
    %eq3A_2302 = arith.cmpi eq, %and3A_2299, %eq3A_2301 : vector<16xi32>
    %jit3A_2303 = arith.constant -1.000000e+00 : f32
    %jit3A_2304 = arith.constant 1.000000e+00 : f32
    %broadcast_in_dim3A_2305 = vector.broadcast %jit3A_2303 : f32 to vector<16xf32>
    %broadcast_in_dim3A_2306 = vector.broadcast %jit3A_2304 : f32 to vector<16xf32>
    %select_n3A_2307 = arith.select %eq3A_2302, %broadcast_in_dim3A_2305, %broadcast_in_dim3A_2306 : vector<16xi1>, vector<16xf32>
    %swap3A_2308 = arith.constant 640 : index
    %swap3A_2309 = tpu.vector_load %arg13[%swap3A_2308] {strides = array<i32>} : memref<1024xf32, #tpu.memory_space<vmem>>, vector<16xf32>,
    tpu.vector_store %arg13[%swap3A_2308], %select_n3A_2307 {strides = array<i32>} : memref<1024xf32, #tpu.memory_space<vmem>>, vector<16xf32>,
    %add3A_2310 = arith.constant 16 : i32
    %add3A_2311 = vector.broadcast %add3A_2310 : i32 to vector<16xi32>
    %add3A_2312 = arith.addi %iota3A, %add3A_2311 : vector<16xi32>
    %shift_right_logical3A_2313 = arith.shrui %gather3A_2295, %add3A_2312 : vector<16xi32>
    %and3A_2314 = arith.constant 1 : i32
    %and3A_2315 = vector.broadcast %and3A_2314 : i32 to vector<16xi32>
    %and3A_2316 = arith.andi %shift_right_logical3A_2313, %and3A_2315 : vector<16xi32>
    %eq3A_2317 = arith.constant 1 : i32
    %eq3A_2318 = vector.broadcast %eq3A_2317 : i32 to vector<16xi32>
    %eq3A_2319 = arith.cmpi eq, %and3A_2316, %eq3A_2318 : vector<16xi32>
    %jit3A_2320 = arith.constant -1.000000e+00 : f32
    %jit3A_2321 = arith.constant 1.000000e+00 : f32
    %broadcast_in_dim3A_2322 = vector.broadcast %jit3A_2320 : f32 to vector<16xf32>
    %broadcast_in_dim3A_2323 = vector.broadcast %jit3A_2321 : f32 to vector<16xf32>
    %select_n3A_2324 = arith.select %eq3A_2319, %broadcast_in_dim3A_2322, %broadcast_in_dim3A_2323 : vector<16xi1>, vector<16xf32>
    %swap3A_2325 = arith.constant 656 : index
    %swap3A_2326 = tpu.vector_load %arg13[%swap3A_2325] {strides = array<i32>} : memref<1024xf32, #tpu.memory_space<vmem>>, vector<16xf32>,
    tpu.vector_store %arg13[%swap3A_2325], %select_n3A_2324 {strides = array<i32>} : memref<1024xf32, #tpu.memory_space<vmem>>, vector<16xf32>,
    %broadcast_in_dim3A_2327 = arith.constant 5 : i32
    %broadcast_in_dim3A_2328 = vector.broadcast %broadcast_in_dim3A_2327 : i32 to vector<16xi32>
    %lt3A_2329 = arith.constant 0 : i32
    %lt3A_2330 = vector.broadcast %lt3A_2329 : i32 to vector<16xi32>
    %lt3A_2331 = arith.cmpi slt, %broadcast_in_dim3A_2328, %lt3A_2330 : vector<16xi32>
    %add3A_2332 = arith.constant 16 : i32
    %add3A_2333 = vector.broadcast %add3A_2332 : i32 to vector<16xi32>
    %add3A_2334 = arith.addi %broadcast_in_dim3A_2328, %add3A_2333 : vector<16xi32>
    %select_n3A_2335 = arith.select %lt3A_2331, %add3A_2334, %broadcast_in_dim3A_2328 : vector<16xi1>, vector<16xi32>
    %broadcast_in_dim3A_2336 = vector.shape_cast %select_n3A_2335 : vector<16xi32> to vector<16x1xi32>
    %gather3A_2337 = vector.shape_cast %broadcast_in_dim3A_2336 : vector<16x1xi32> to vector<16xi32>
    %gather3A_2338 = tpu.dynamic_gather %or3A_2111[%gather3A_2337] in [0] : vector<16xi32>, vector<16xi32> -> vector<16xi32>
    %shift_right_logical3A_2339 = arith.shrui %gather3A_2338, %iota3A : vector<16xi32>
    %and3A_2340 = arith.constant 1 : i32
    %and3A_2341 = vector.broadcast %and3A_2340 : i32 to vector<16xi32>
    %and3A_2342 = arith.andi %shift_right_logical3A_2339, %and3A_2341 : vector<16xi32>
    %eq3A_2343 = arith.constant 1 : i32
    %eq3A_2344 = vector.broadcast %eq3A_2343 : i32 to vector<16xi32>
    %eq3A_2345 = arith.cmpi eq, %and3A_2342, %eq3A_2344 : vector<16xi32>
    %jit3A_2346 = arith.constant -1.000000e+00 : f32
    %jit3A_2347 = arith.constant 1.000000e+00 : f32
    %broadcast_in_dim3A_2348 = vector.broadcast %jit3A_2346 : f32 to vector<16xf32>
    %broadcast_in_dim3A_2349 = vector.broadcast %jit3A_2347 : f32 to vector<16xf32>
    %select_n3A_2350 = arith.select %eq3A_2345, %broadcast_in_dim3A_2348, %broadcast_in_dim3A_2349 : vector<16xi1>, vector<16xf32>
    %swap3A_2351 = arith.constant 672 : index
    %swap3A_2352 = tpu.vector_load %arg13[%swap3A_2351] {strides = array<i32>} : memref<1024xf32, #tpu.memory_space<vmem>>, vector<16xf32>,
    tpu.vector_store %arg13[%swap3A_2351], %select_n3A_2350 {strides = array<i32>} : memref<1024xf32, #tpu.memory_space<vmem>>, vector<16xf32>,
    %add3A_2353 = arith.constant 16 : i32
    %add3A_2354 = vector.broadcast %add3A_2353 : i32 to vector<16xi32>
    %add3A_2355 = arith.addi %iota3A, %add3A_2354 : vector<16xi32>
    %shift_right_logical3A_2356 = arith.shrui %gather3A_2338, %add3A_2355 : vector<16xi32>
    %and3A_2357 = arith.constant 1 : i32
    %and3A_2358 = vector.broadcast %and3A_2357 : i32 to vector<16xi32>
    %and3A_2359 = arith.andi %shift_right_logical3A_2356, %and3A_2358 : vector<16xi32>
    %eq3A_2360 = arith.constant 1 : i32
    %eq3A_2361 = vector.broadcast %eq3A_2360 : i32 to vector<16xi32>
    %eq3A_2362 = arith.cmpi eq, %and3A_2359, %eq3A_2361 : vector<16xi32>
    %jit3A_2363 = arith.constant -1.000000e+00 : f32
    %jit3A_2364 = arith.constant 1.000000e+00 : f32
    %broadcast_in_dim3A_2365 = vector.broadcast %jit3A_2363 : f32 to vector<16xf32>
    %broadcast_in_dim3A_2366 = vector.broadcast %jit3A_2364 : f32 to vector<16xf32>
    %select_n3A_2367 = arith.select %eq3A_2362, %broadcast_in_dim3A_2365, %broadcast_in_dim3A_2366 : vector<16xi1>, vector<16xf32>
    %swap3A_2368 = arith.constant 688 : index
    %swap3A_2369 = tpu.vector_load %arg13[%swap3A_2368] {strides = array<i32>} : memref<1024xf32, #tpu.memory_space<vmem>>, vector<16xf32>,
    tpu.vector_store %arg13[%swap3A_2368], %select_n3A_2367 {strides = array<i32>} : memref<1024xf32, #tpu.memory_space<vmem>>, vector<16xf32>,
    %broadcast_in_dim3A_2370 = arith.constant 6 : i32
    %broadcast_in_dim3A_2371 = vector.broadcast %broadcast_in_dim3A_2370 : i32 to vector<16xi32>
    %lt3A_2372 = arith.constant 0 : i32
    %lt3A_2373 = vector.broadcast %lt3A_2372 : i32 to vector<16xi32>
    %lt3A_2374 = arith.cmpi slt, %broadcast_in_dim3A_2371, %lt3A_2373 : vector<16xi32>
    %add3A_2375 = arith.constant 16 : i32
    %add3A_2376 = vector.broadcast %add3A_2375 : i32 to vector<16xi32>
    %add3A_2377 = arith.addi %broadcast_in_dim3A_2371, %add3A_2376 : vector<16xi32>
    %select_n3A_2378 = arith.select %lt3A_2374, %add3A_2377, %broadcast_in_dim3A_2371 : vector<16xi1>, vector<16xi32>
    %broadcast_in_dim3A_2379 = vector.shape_cast %select_n3A_2378 : vector<16xi32> to vector<16x1xi32>
    %gather3A_2380 = vector.shape_cast %broadcast_in_dim3A_2379 : vector<16x1xi32> to vector<16xi32>
    %gather3A_2381 = tpu.dynamic_gather %or3A_2111[%gather3A_2380] in [0] : vector<16xi32>, vector<16xi32> -> vector<16xi32>
    %shift_right_logical3A_2382 = arith.shrui %gather3A_2381, %iota3A : vector<16xi32>
    %and3A_2383 = arith.constant 1 : i32
    %and3A_2384 = vector.broadcast %and3A_2383 : i32 to vector<16xi32>
    %and3A_2385 = arith.andi %shift_right_logical3A_2382, %and3A_2384 : vector<16xi32>
    %eq3A_2386 = arith.constant 1 : i32
    %eq3A_2387 = vector.broadcast %eq3A_2386 : i32 to vector<16xi32>
    %eq3A_2388 = arith.cmpi eq, %and3A_2385, %eq3A_2387 : vector<16xi32>
    %jit3A_2389 = arith.constant -1.000000e+00 : f32
    %jit3A_2390 = arith.constant 1.000000e+00 : f32
    %broadcast_in_dim3A_2391 = vector.broadcast %jit3A_2389 : f32 to vector<16xf32>
    %broadcast_in_dim3A_2392 = vector.broadcast %jit3A_2390 : f32 to vector<16xf32>
    %select_n3A_2393 = arith.select %eq3A_2388, %broadcast_in_dim3A_2391, %broadcast_in_dim3A_2392 : vector<16xi1>, vector<16xf32>
    %swap3A_2394 = arith.constant 704 : index
    %swap3A_2395 = tpu.vector_load %arg13[%swap3A_2394] {strides = array<i32>} : memref<1024xf32, #tpu.memory_space<vmem>>, vector<16xf32>,
    tpu.vector_store %arg13[%swap3A_2394], %select_n3A_2393 {strides = array<i32>} : memref<1024xf32, #tpu.memory_space<vmem>>, vector<16xf32>,
    %add3A_2396 = arith.constant 16 : i32
    %add3A_2397 = vector.broadcast %add3A_2396 : i32 to vector<16xi32>
    %add3A_2398 = arith.addi %iota3A, %add3A_2397 : vector<16xi32>
    %shift_right_logical3A_2399 = arith.shrui %gather3A_2381, %add3A_2398 : vector<16xi32>
    %and3A_2400 = arith.constant 1 : i32
    %and3A_2401 = vector.broadcast %and3A_2400 : i32 to vector<16xi32>
    %and3A_2402 = arith.andi %shift_right_logical3A_2399, %and3A_2401 : vector<16xi32>
    %eq3A_2403 = arith.constant 1 : i32
    %eq3A_2404 = vector.broadcast %eq3A_2403 : i32 to vector<16xi32>
    %eq3A_2405 = arith.cmpi eq, %and3A_2402, %eq3A_2404 : vector<16xi32>
    %jit3A_2406 = arith.constant -1.000000e+00 : f32
    %jit3A_2407 = arith.constant 1.000000e+00 : f32
    %broadcast_in_dim3A_2408 = vector.broadcast %jit3A_2406 : f32 to vector<16xf32>
    %broadcast_in_dim3A_2409 = vector.broadcast %jit3A_2407 : f32 to vector<16xf32>
    %select_n3A_2410 = arith.select %eq3A_2405, %broadcast_in_dim3A_2408, %broadcast_in_dim3A_2409 : vector<16xi1>, vector<16xf32>
    %swap3A_2411 = arith.constant 720 : index
    %swap3A_2412 = tpu.vector_load %arg13[%swap3A_2411] {strides = array<i32>} : memref<1024xf32, #tpu.memory_space<vmem>>, vector<16xf32>,
    tpu.vector_store %arg13[%swap3A_2411], %select_n3A_2410 {strides = array<i32>} : memref<1024xf32, #tpu.memory_space<vmem>>, vector<16xf32>,
    %broadcast_in_dim3A_2413 = arith.constant 7 : i32
    %broadcast_in_dim3A_2414 = vector.broadcast %broadcast_in_dim3A_2413 : i32 to vector<16xi32>
    %lt3A_2415 = arith.constant 0 : i32
    %lt3A_2416 = vector.broadcast %lt3A_2415 : i32 to vector<16xi32>
    %lt3A_2417 = arith.cmpi slt, %broadcast_in_dim3A_2414, %lt3A_2416 : vector<16xi32>
    %add3A_2418 = arith.constant 16 : i32
    %add3A_2419 = vector.broadcast %add3A_2418 : i32 to vector<16xi32>
    %add3A_2420 = arith.addi %broadcast_in_dim3A_2414, %add3A_2419 : vector<16xi32>
    %select_n3A_2421 = arith.select %lt3A_2417, %add3A_2420, %broadcast_in_dim3A_2414 : vector<16xi1>, vector<16xi32>
    %broadcast_in_dim3A_2422 = vector.shape_cast %select_n3A_2421 : vector<16xi32> to vector<16x1xi32>
    %gather3A_2423 = vector.shape_cast %broadcast_in_dim3A_2422 : vector<16x1xi32> to vector<16xi32>
    %gather3A_2424 = tpu.dynamic_gather %or3A_2111[%gather3A_2423] in [0] : vector<16xi32>, vector<16xi32> -> vector<16xi32>
    %shift_right_logical3A_2425 = arith.shrui %gather3A_2424, %iota3A : vector<16xi32>
    %and3A_2426 = arith.constant 1 : i32
    %and3A_2427 = vector.broadcast %and3A_2426 : i32 to vector<16xi32>
    %and3A_2428 = arith.andi %shift_right_logical3A_2425, %and3A_2427 : vector<16xi32>
    %eq3A_2429 = arith.constant 1 : i32
    %eq3A_2430 = vector.broadcast %eq3A_2429 : i32 to vector<16xi32>
    %eq3A_2431 = arith.cmpi eq, %and3A_2428, %eq3A_2430 : vector<16xi32>
    %jit3A_2432 = arith.constant -1.000000e+00 : f32
    %jit3A_2433 = arith.constant 1.000000e+00 : f32
    %broadcast_in_dim3A_2434 = vector.broadcast %jit3A_2432 : f32 to vector<16xf32>
    %broadcast_in_dim3A_2435 = vector.broadcast %jit3A_2433 : f32 to vector<16xf32>
    %select_n3A_2436 = arith.select %eq3A_2431, %broadcast_in_dim3A_2434, %broadcast_in_dim3A_2435 : vector<16xi1>, vector<16xf32>
    %swap3A_2437 = arith.constant 736 : index
    %swap3A_2438 = tpu.vector_load %arg13[%swap3A_2437] {strides = array<i32>} : memref<1024xf32, #tpu.memory_space<vmem>>, vector<16xf32>,
    tpu.vector_store %arg13[%swap3A_2437], %select_n3A_2436 {strides = array<i32>} : memref<1024xf32, #tpu.memory_space<vmem>>, vector<16xf32>,
    %add3A_2439 = arith.constant 16 : i32
    %add3A_2440 = vector.broadcast %add3A_2439 : i32 to vector<16xi32>
    %add3A_2441 = arith.addi %iota3A, %add3A_2440 : vector<16xi32>
    %shift_right_logical3A_2442 = arith.shrui %gather3A_2424, %add3A_2441 : vector<16xi32>
    %and3A_2443 = arith.constant 1 : i32
    %and3A_2444 = vector.broadcast %and3A_2443 : i32 to vector<16xi32>
    %and3A_2445 = arith.andi %shift_right_logical3A_2442, %and3A_2444 : vector<16xi32>
    %eq3A_2446 = arith.constant 1 : i32
    %eq3A_2447 = vector.broadcast %eq3A_2446 : i32 to vector<16xi32>
    %eq3A_2448 = arith.cmpi eq, %and3A_2445, %eq3A_2447 : vector<16xi32>
    %jit3A_2449 = arith.constant -1.000000e+00 : f32
    %jit3A_2450 = arith.constant 1.000000e+00 : f32
    %broadcast_in_dim3A_2451 = vector.broadcast %jit3A_2449 : f32 to vector<16xf32>
    %broadcast_in_dim3A_2452 = vector.broadcast %jit3A_2450 : f32 to vector<16xf32>
    %select_n3A_2453 = arith.select %eq3A_2448, %broadcast_in_dim3A_2451, %broadcast_in_dim3A_2452 : vector<16xi1>, vector<16xf32>
    %swap3A_2454 = arith.constant 752 : index
    %swap3A_2455 = tpu.vector_load %arg13[%swap3A_2454] {strides = array<i32>} : memref<1024xf32, #tpu.memory_space<vmem>>, vector<16xf32>,
    tpu.vector_store %arg13[%swap3A_2454], %select_n3A_2453 {strides = array<i32>} : memref<1024xf32, #tpu.memory_space<vmem>>, vector<16xf32>,
    %broadcast_in_dim3A_2456 = arith.constant 8 : i32
    %broadcast_in_dim3A_2457 = vector.broadcast %broadcast_in_dim3A_2456 : i32 to vector<16xi32>
    %lt3A_2458 = arith.constant 0 : i32
    %lt3A_2459 = vector.broadcast %lt3A_2458 : i32 to vector<16xi32>
    %lt3A_2460 = arith.cmpi slt, %broadcast_in_dim3A_2457, %lt3A_2459 : vector<16xi32>
    %add3A_2461 = arith.constant 16 : i32
    %add3A_2462 = vector.broadcast %add3A_2461 : i32 to vector<16xi32>
    %add3A_2463 = arith.addi %broadcast_in_dim3A_2457, %add3A_2462 : vector<16xi32>
    %select_n3A_2464 = arith.select %lt3A_2460, %add3A_2463, %broadcast_in_dim3A_2457 : vector<16xi1>, vector<16xi32>
    %broadcast_in_dim3A_2465 = vector.shape_cast %select_n3A_2464 : vector<16xi32> to vector<16x1xi32>
    %gather3A_2466 = vector.shape_cast %broadcast_in_dim3A_2465 : vector<16x1xi32> to vector<16xi32>
    %gather3A_2467 = tpu.dynamic_gather %or3A_2111[%gather3A_2466] in [0] : vector<16xi32>, vector<16xi32> -> vector<16xi32>
    %shift_right_logical3A_2468 = arith.shrui %gather3A_2467, %iota3A : vector<16xi32>
    %and3A_2469 = arith.constant 1 : i32
    %and3A_2470 = vector.broadcast %and3A_2469 : i32 to vector<16xi32>
    %and3A_2471 = arith.andi %shift_right_logical3A_2468, %and3A_2470 : vector<16xi32>
    %eq3A_2472 = arith.constant 1 : i32
    %eq3A_2473 = vector.broadcast %eq3A_2472 : i32 to vector<16xi32>
    %eq3A_2474 = arith.cmpi eq, %and3A_2471, %eq3A_2473 : vector<16xi32>
    %jit3A_2475 = arith.constant -1.000000e+00 : f32
    %jit3A_2476 = arith.constant 1.000000e+00 : f32
    %broadcast_in_dim3A_2477 = vector.broadcast %jit3A_2475 : f32 to vector<16xf32>
    %broadcast_in_dim3A_2478 = vector.broadcast %jit3A_2476 : f32 to vector<16xf32>
    %select_n3A_2479 = arith.select %eq3A_2474, %broadcast_in_dim3A_2477, %broadcast_in_dim3A_2478 : vector<16xi1>, vector<16xf32>
    %swap3A_2480 = arith.constant 768 : index
    %swap3A_2481 = tpu.vector_load %arg13[%swap3A_2480] {strides = array<i32>} : memref<1024xf32, #tpu.memory_space<vmem>>, vector<16xf32>,
    tpu.vector_store %arg13[%swap3A_2480], %select_n3A_2479 {strides = array<i32>} : memref<1024xf32, #tpu.memory_space<vmem>>, vector<16xf32>,
    %add3A_2482 = arith.constant 16 : i32
    %add3A_2483 = vector.broadcast %add3A_2482 : i32 to vector<16xi32>
    %add3A_2484 = arith.addi %iota3A, %add3A_2483 : vector<16xi32>
    %shift_right_logical3A_2485 = arith.shrui %gather3A_2467, %add3A_2484 : vector<16xi32>
    %and3A_2486 = arith.constant 1 : i32
    %and3A_2487 = vector.broadcast %and3A_2486 : i32 to vector<16xi32>
    %and3A_2488 = arith.andi %shift_right_logical3A_2485, %and3A_2487 : vector<16xi32>
    %eq3A_2489 = arith.constant 1 : i32
    %eq3A_2490 = vector.broadcast %eq3A_2489 : i32 to vector<16xi32>
    %eq3A_2491 = arith.cmpi eq, %and3A_2488, %eq3A_2490 : vector<16xi32>
    %jit3A_2492 = arith.constant -1.000000e+00 : f32
    %jit3A_2493 = arith.constant 1.000000e+00 : f32
    %broadcast_in_dim3A_2494 = vector.broadcast %jit3A_2492 : f32 to vector<16xf32>
    %broadcast_in_dim3A_2495 = vector.broadcast %jit3A_2493 : f32 to vector<16xf32>
    %select_n3A_2496 = arith.select %eq3A_2491, %broadcast_in_dim3A_2494, %broadcast_in_dim3A_2495 : vector<16xi1>, vector<16xf32>
    %swap3A_2497 = arith.constant 784 : index
    %swap3A_2498 = tpu.vector_load %arg13[%swap3A_2497] {strides = array<i32>} : memref<1024xf32, #tpu.memory_space<vmem>>, vector<16xf32>,
    tpu.vector_store %arg13[%swap3A_2497], %select_n3A_2496 {strides = array<i32>} : memref<1024xf32, #tpu.memory_space<vmem>>, vector<16xf32>,
    %broadcast_in_dim3A_2499 = arith.constant 9 : i32
    %broadcast_in_dim3A_2500 = vector.broadcast %broadcast_in_dim3A_2499 : i32 to vector<16xi32>
    %lt3A_2501 = arith.constant 0 : i32
    %lt3A_2502 = vector.broadcast %lt3A_2501 : i32 to vector<16xi32>
    %lt3A_2503 = arith.cmpi slt, %broadcast_in_dim3A_2500, %lt3A_2502 : vector<16xi32>
    %add3A_2504 = arith.constant 16 : i32
    %add3A_2505 = vector.broadcast %add3A_2504 : i32 to vector<16xi32>
    %add3A_2506 = arith.addi %broadcast_in_dim3A_2500, %add3A_2505 : vector<16xi32>
    %select_n3A_2507 = arith.select %lt3A_2503, %add3A_2506, %broadcast_in_dim3A_2500 : vector<16xi1>, vector<16xi32>
    %broadcast_in_dim3A_2508 = vector.shape_cast %select_n3A_2507 : vector<16xi32> to vector<16x1xi32>
    %gather3A_2509 = vector.shape_cast %broadcast_in_dim3A_2508 : vector<16x1xi32> to vector<16xi32>
    %gather3A_2510 = tpu.dynamic_gather %or3A_2111[%gather3A_2509] in [0] : vector<16xi32>, vector<16xi32> -> vector<16xi32>
    %shift_right_logical3A_2511 = arith.shrui %gather3A_2510, %iota3A : vector<16xi32>
    %and3A_2512 = arith.constant 1 : i32
    %and3A_2513 = vector.broadcast %and3A_2512 : i32 to vector<16xi32>
    %and3A_2514 = arith.andi %shift_right_logical3A_2511, %and3A_2513 : vector<16xi32>
    %eq3A_2515 = arith.constant 1 : i32
    %eq3A_2516 = vector.broadcast %eq3A_2515 : i32 to vector<16xi32>
    %eq3A_2517 = arith.cmpi eq, %and3A_2514, %eq3A_2516 : vector<16xi32>
    %jit3A_2518 = arith.constant -1.000000e+00 : f32
    %jit3A_2519 = arith.constant 1.000000e+00 : f32
    %broadcast_in_dim3A_2520 = vector.broadcast %jit3A_2518 : f32 to vector<16xf32>
    %broadcast_in_dim3A_2521 = vector.broadcast %jit3A_2519 : f32 to vector<16xf32>
    %select_n3A_2522 = arith.select %eq3A_2517, %broadcast_in_dim3A_2520, %broadcast_in_dim3A_2521 : vector<16xi1>, vector<16xf32>
    %swap3A_2523 = arith.constant 800 : index
    %swap3A_2524 = tpu.vector_load %arg13[%swap3A_2523] {strides = array<i32>} : memref<1024xf32, #tpu.memory_space<vmem>>, vector<16xf32>,
    tpu.vector_store %arg13[%swap3A_2523], %select_n3A_2522 {strides = array<i32>} : memref<1024xf32, #tpu.memory_space<vmem>>, vector<16xf32>,
    %add3A_2525 = arith.constant 16 : i32
    %add3A_2526 = vector.broadcast %add3A_2525 : i32 to vector<16xi32>
    %add3A_2527 = arith.addi %iota3A, %add3A_2526 : vector<16xi32>
    %shift_right_logical3A_2528 = arith.shrui %gather3A_2510, %add3A_2527 : vector<16xi32>
    %and3A_2529 = arith.constant 1 : i32
    %and3A_2530 = vector.broadcast %and3A_2529 : i32 to vector<16xi32>
    %and3A_2531 = arith.andi %shift_right_logical3A_2528, %and3A_2530 : vector<16xi32>
    %eq3A_2532 = arith.constant 1 : i32
    %eq3A_2533 = vector.broadcast %eq3A_2532 : i32 to vector<16xi32>
    %eq3A_2534 = arith.cmpi eq, %and3A_2531, %eq3A_2533 : vector<16xi32>
    %jit3A_2535 = arith.constant -1.000000e+00 : f32
    %jit3A_2536 = arith.constant 1.000000e+00 : f32
    %broadcast_in_dim3A_2537 = vector.broadcast %jit3A_2535 : f32 to vector<16xf32>
    %broadcast_in_dim3A_2538 = vector.broadcast %jit3A_2536 : f32 to vector<16xf32>
    %select_n3A_2539 = arith.select %eq3A_2534, %broadcast_in_dim3A_2537, %broadcast_in_dim3A_2538 : vector<16xi1>, vector<16xf32>
    %swap3A_2540 = arith.constant 816 : index
    %swap3A_2541 = tpu.vector_load %arg13[%swap3A_2540] {strides = array<i32>} : memref<1024xf32, #tpu.memory_space<vmem>>, vector<16xf32>,
    tpu.vector_store %arg13[%swap3A_2540], %select_n3A_2539 {strides = array<i32>} : memref<1024xf32, #tpu.memory_space<vmem>>, vector<16xf32>,
    %broadcast_in_dim3A_2542 = arith.constant 10 : i32
    %broadcast_in_dim3A_2543 = vector.broadcast %broadcast_in_dim3A_2542 : i32 to vector<16xi32>
    %lt3A_2544 = arith.constant 0 : i32
    %lt3A_2545 = vector.broadcast %lt3A_2544 : i32 to vector<16xi32>
    %lt3A_2546 = arith.cmpi slt, %broadcast_in_dim3A_2543, %lt3A_2545 : vector<16xi32>
    %add3A_2547 = arith.constant 16 : i32
    %add3A_2548 = vector.broadcast %add3A_2547 : i32 to vector<16xi32>
    %add3A_2549 = arith.addi %broadcast_in_dim3A_2543, %add3A_2548 : vector<16xi32>
    %select_n3A_2550 = arith.select %lt3A_2546, %add3A_2549, %broadcast_in_dim3A_2543 : vector<16xi1>, vector<16xi32>
    %broadcast_in_dim3A_2551 = vector.shape_cast %select_n3A_2550 : vector<16xi32> to vector<16x1xi32>
    %gather3A_2552 = vector.shape_cast %broadcast_in_dim3A_2551 : vector<16x1xi32> to vector<16xi32>
    %gather3A_2553 = tpu.dynamic_gather %or3A_2111[%gather3A_2552] in [0] : vector<16xi32>, vector<16xi32> -> vector<16xi32>
    %shift_right_logical3A_2554 = arith.shrui %gather3A_2553, %iota3A : vector<16xi32>
    %and3A_2555 = arith.constant 1 : i32
    %and3A_2556 = vector.broadcast %and3A_2555 : i32 to vector<16xi32>
    %and3A_2557 = arith.andi %shift_right_logical3A_2554, %and3A_2556 : vector<16xi32>
    %eq3A_2558 = arith.constant 1 : i32
    %eq3A_2559 = vector.broadcast %eq3A_2558 : i32 to vector<16xi32>
    %eq3A_2560 = arith.cmpi eq, %and3A_2557, %eq3A_2559 : vector<16xi32>
    %jit3A_2561 = arith.constant -1.000000e+00 : f32
    %jit3A_2562 = arith.constant 1.000000e+00 : f32
    %broadcast_in_dim3A_2563 = vector.broadcast %jit3A_2561 : f32 to vector<16xf32>
    %broadcast_in_dim3A_2564 = vector.broadcast %jit3A_2562 : f32 to vector<16xf32>
    %select_n3A_2565 = arith.select %eq3A_2560, %broadcast_in_dim3A_2563, %broadcast_in_dim3A_2564 : vector<16xi1>, vector<16xf32>
    %swap3A_2566 = arith.constant 832 : index
    %swap3A_2567 = tpu.vector_load %arg13[%swap3A_2566] {strides = array<i32>} : memref<1024xf32, #tpu.memory_space<vmem>>, vector<16xf32>,
    tpu.vector_store %arg13[%swap3A_2566], %select_n3A_2565 {strides = array<i32>} : memref<1024xf32, #tpu.memory_space<vmem>>, vector<16xf32>,
    %add3A_2568 = arith.constant 16 : i32
    %add3A_2569 = vector.broadcast %add3A_2568 : i32 to vector<16xi32>
    %add3A_2570 = arith.addi %iota3A, %add3A_2569 : vector<16xi32>
    %shift_right_logical3A_2571 = arith.shrui %gather3A_2553, %add3A_2570 : vector<16xi32>
    %and3A_2572 = arith.constant 1 : i32
    %and3A_2573 = vector.broadcast %and3A_2572 : i32 to vector<16xi32>
    %and3A_2574 = arith.andi %shift_right_logical3A_2571, %and3A_2573 : vector<16xi32>
    %eq3A_2575 = arith.constant 1 : i32
    %eq3A_2576 = vector.broadcast %eq3A_2575 : i32 to vector<16xi32>
    %eq3A_2577 = arith.cmpi eq, %and3A_2574, %eq3A_2576 : vector<16xi32>
    %jit3A_2578 = arith.constant -1.000000e+00 : f32
    %jit3A_2579 = arith.constant 1.000000e+00 : f32
    %broadcast_in_dim3A_2580 = vector.broadcast %jit3A_2578 : f32 to vector<16xf32>
    %broadcast_in_dim3A_2581 = vector.broadcast %jit3A_2579 : f32 to vector<16xf32>
    %select_n3A_2582 = arith.select %eq3A_2577, %broadcast_in_dim3A_2580, %broadcast_in_dim3A_2581 : vector<16xi1>, vector<16xf32>
    %swap3A_2583 = arith.constant 848 : index
    %swap3A_2584 = tpu.vector_load %arg13[%swap3A_2583] {strides = array<i32>} : memref<1024xf32, #tpu.memory_space<vmem>>, vector<16xf32>,
    tpu.vector_store %arg13[%swap3A_2583], %select_n3A_2582 {strides = array<i32>} : memref<1024xf32, #tpu.memory_space<vmem>>, vector<16xf32>,
    %broadcast_in_dim3A_2585 = arith.constant 11 : i32
    %broadcast_in_dim3A_2586 = vector.broadcast %broadcast_in_dim3A_2585 : i32 to vector<16xi32>
    %lt3A_2587 = arith.constant 0 : i32
    %lt3A_2588 = vector.broadcast %lt3A_2587 : i32 to vector<16xi32>
    %lt3A_2589 = arith.cmpi slt, %broadcast_in_dim3A_2586, %lt3A_2588 : vector<16xi32>
    %add3A_2590 = arith.constant 16 : i32
    %add3A_2591 = vector.broadcast %add3A_2590 : i32 to vector<16xi32>
    %add3A_2592 = arith.addi %broadcast_in_dim3A_2586, %add3A_2591 : vector<16xi32>
    %select_n3A_2593 = arith.select %lt3A_2589, %add3A_2592, %broadcast_in_dim3A_2586 : vector<16xi1>, vector<16xi32>
    %broadcast_in_dim3A_2594 = vector.shape_cast %select_n3A_2593 : vector<16xi32> to vector<16x1xi32>
    %gather3A_2595 = vector.shape_cast %broadcast_in_dim3A_2594 : vector<16x1xi32> to vector<16xi32>
    %gather3A_2596 = tpu.dynamic_gather %or3A_2111[%gather3A_2595] in [0] : vector<16xi32>, vector<16xi32> -> vector<16xi32>
    %shift_right_logical3A_2597 = arith.shrui %gather3A_2596, %iota3A : vector<16xi32>
    %and3A_2598 = arith.constant 1 : i32
    %and3A_2599 = vector.broadcast %and3A_2598 : i32 to vector<16xi32>
    %and3A_2600 = arith.andi %shift_right_logical3A_2597, %and3A_2599 : vector<16xi32>
    %eq3A_2601 = arith.constant 1 : i32
    %eq3A_2602 = vector.broadcast %eq3A_2601 : i32 to vector<16xi32>
    %eq3A_2603 = arith.cmpi eq, %and3A_2600, %eq3A_2602 : vector<16xi32>
    %jit3A_2604 = arith.constant -1.000000e+00 : f32
    %jit3A_2605 = arith.constant 1.000000e+00 : f32
    %broadcast_in_dim3A_2606 = vector.broadcast %jit3A_2604 : f32 to vector<16xf32>
    %broadcast_in_dim3A_2607 = vector.broadcast %jit3A_2605 : f32 to vector<16xf32>
    %select_n3A_2608 = arith.select %eq3A_2603, %broadcast_in_dim3A_2606, %broadcast_in_dim3A_2607 : vector<16xi1>, vector<16xf32>
    %swap3A_2609 = arith.constant 864 : index
    %swap3A_2610 = tpu.vector_load %arg13[%swap3A_2609] {strides = array<i32>} : memref<1024xf32, #tpu.memory_space<vmem>>, vector<16xf32>,
    tpu.vector_store %arg13[%swap3A_2609], %select_n3A_2608 {strides = array<i32>} : memref<1024xf32, #tpu.memory_space<vmem>>, vector<16xf32>,
    %add3A_2611 = arith.constant 16 : i32
    %add3A_2612 = vector.broadcast %add3A_2611 : i32 to vector<16xi32>
    %add3A_2613 = arith.addi %iota3A, %add3A_2612 : vector<16xi32>
    %shift_right_logical3A_2614 = arith.shrui %gather3A_2596, %add3A_2613 : vector<16xi32>
    %and3A_2615 = arith.constant 1 : i32
    %and3A_2616 = vector.broadcast %and3A_2615 : i32 to vector<16xi32>
    %and3A_2617 = arith.andi %shift_right_logical3A_2614, %and3A_2616 : vector<16xi32>
    %eq3A_2618 = arith.constant 1 : i32
    %eq3A_2619 = vector.broadcast %eq3A_2618 : i32 to vector<16xi32>
    %eq3A_2620 = arith.cmpi eq, %and3A_2617, %eq3A_2619 : vector<16xi32>
    %jit3A_2621 = arith.constant -1.000000e+00 : f32
    %jit3A_2622 = arith.constant 1.000000e+00 : f32
    %broadcast_in_dim3A_2623 = vector.broadcast %jit3A_2621 : f32 to vector<16xf32>
    %broadcast_in_dim3A_2624 = vector.broadcast %jit3A_2622 : f32 to vector<16xf32>
    %select_n3A_2625 = arith.select %eq3A_2620, %broadcast_in_dim3A_2623, %broadcast_in_dim3A_2624 : vector<16xi1>, vector<16xf32>
    %swap3A_2626 = arith.constant 880 : index
    %swap3A_2627 = tpu.vector_load %arg13[%swap3A_2626] {strides = array<i32>} : memref<1024xf32, #tpu.memory_space<vmem>>, vector<16xf32>,
    tpu.vector_store %arg13[%swap3A_2626], %select_n3A_2625 {strides = array<i32>} : memref<1024xf32, #tpu.memory_space<vmem>>, vector<16xf32>,
    %broadcast_in_dim3A_2628 = arith.constant 12 : i32
    %broadcast_in_dim3A_2629 = vector.broadcast %broadcast_in_dim3A_2628 : i32 to vector<16xi32>
    %lt3A_2630 = arith.constant 0 : i32
    %lt3A_2631 = vector.broadcast %lt3A_2630 : i32 to vector<16xi32>
    %lt3A_2632 = arith.cmpi slt, %broadcast_in_dim3A_2629, %lt3A_2631 : vector<16xi32>
    %add3A_2633 = arith.constant 16 : i32
    %add3A_2634 = vector.broadcast %add3A_2633 : i32 to vector<16xi32>
    %add3A_2635 = arith.addi %broadcast_in_dim3A_2629, %add3A_2634 : vector<16xi32>
    %select_n3A_2636 = arith.select %lt3A_2632, %add3A_2635, %broadcast_in_dim3A_2629 : vector<16xi1>, vector<16xi32>
    %broadcast_in_dim3A_2637 = vector.shape_cast %select_n3A_2636 : vector<16xi32> to vector<16x1xi32>
    %gather3A_2638 = vector.shape_cast %broadcast_in_dim3A_2637 : vector<16x1xi32> to vector<16xi32>
    %gather3A_2639 = tpu.dynamic_gather %or3A_2111[%gather3A_2638] in [0] : vector<16xi32>, vector<16xi32> -> vector<16xi32>
    %shift_right_logical3A_2640 = arith.shrui %gather3A_2639, %iota3A : vector<16xi32>
    %and3A_2641 = arith.constant 1 : i32
    %and3A_2642 = vector.broadcast %and3A_2641 : i32 to vector<16xi32>
    %and3A_2643 = arith.andi %shift_right_logical3A_2640, %and3A_2642 : vector<16xi32>
    %eq3A_2644 = arith.constant 1 : i32
    %eq3A_2645 = vector.broadcast %eq3A_2644 : i32 to vector<16xi32>
    %eq3A_2646 = arith.cmpi eq, %and3A_2643, %eq3A_2645 : vector<16xi32>
    %jit3A_2647 = arith.constant -1.000000e+00 : f32
    %jit3A_2648 = arith.constant 1.000000e+00 : f32
    %broadcast_in_dim3A_2649 = vector.broadcast %jit3A_2647 : f32 to vector<16xf32>
    %broadcast_in_dim3A_2650 = vector.broadcast %jit3A_2648 : f32 to vector<16xf32>
    %select_n3A_2651 = arith.select %eq3A_2646, %broadcast_in_dim3A_2649, %broadcast_in_dim3A_2650 : vector<16xi1>, vector<16xf32>
    %swap3A_2652 = arith.constant 896 : index
    %swap3A_2653 = tpu.vector_load %arg13[%swap3A_2652] {strides = array<i32>} : memref<1024xf32, #tpu.memory_space<vmem>>, vector<16xf32>,
    tpu.vector_store %arg13[%swap3A_2652], %select_n3A_2651 {strides = array<i32>} : memref<1024xf32, #tpu.memory_space<vmem>>, vector<16xf32>,
    %add3A_2654 = arith.constant 16 : i32
    %add3A_2655 = vector.broadcast %add3A_2654 : i32 to vector<16xi32>
    %add3A_2656 = arith.addi %iota3A, %add3A_2655 : vector<16xi32>
    %shift_right_logical3A_2657 = arith.shrui %gather3A_2639, %add3A_2656 : vector<16xi32>
    %and3A_2658 = arith.constant 1 : i32
    %and3A_2659 = vector.broadcast %and3A_2658 : i32 to vector<16xi32>
    %and3A_2660 = arith.andi %shift_right_logical3A_2657, %and3A_2659 : vector<16xi32>
    %eq3A_2661 = arith.constant 1 : i32
    %eq3A_2662 = vector.broadcast %eq3A_2661 : i32 to vector<16xi32>
    %eq3A_2663 = arith.cmpi eq, %and3A_2660, %eq3A_2662 : vector<16xi32>
    %jit3A_2664 = arith.constant -1.000000e+00 : f32
    %jit3A_2665 = arith.constant 1.000000e+00 : f32
    %broadcast_in_dim3A_2666 = vector.broadcast %jit3A_2664 : f32 to vector<16xf32>
    %broadcast_in_dim3A_2667 = vector.broadcast %jit3A_2665 : f32 to vector<16xf32>
    %select_n3A_2668 = arith.select %eq3A_2663, %broadcast_in_dim3A_2666, %broadcast_in_dim3A_2667 : vector<16xi1>, vector<16xf32>
    %swap3A_2669 = arith.constant 912 : index
    %swap3A_2670 = tpu.vector_load %arg13[%swap3A_2669] {strides = array<i32>} : memref<1024xf32, #tpu.memory_space<vmem>>, vector<16xf32>,
    tpu.vector_store %arg13[%swap3A_2669], %select_n3A_2668 {strides = array<i32>} : memref<1024xf32, #tpu.memory_space<vmem>>, vector<16xf32>,
    %broadcast_in_dim3A_2671 = arith.constant 13 : i32
    %broadcast_in_dim3A_2672 = vector.broadcast %broadcast_in_dim3A_2671 : i32 to vector<16xi32>
    %lt3A_2673 = arith.constant 0 : i32
    %lt3A_2674 = vector.broadcast %lt3A_2673 : i32 to vector<16xi32>
    %lt3A_2675 = arith.cmpi slt, %broadcast_in_dim3A_2672, %lt3A_2674 : vector<16xi32>
    %add3A_2676 = arith.constant 16 : i32
    %add3A_2677 = vector.broadcast %add3A_2676 : i32 to vector<16xi32>
    %add3A_2678 = arith.addi %broadcast_in_dim3A_2672, %add3A_2677 : vector<16xi32>
    %select_n3A_2679 = arith.select %lt3A_2675, %add3A_2678, %broadcast_in_dim3A_2672 : vector<16xi1>, vector<16xi32>
    %broadcast_in_dim3A_2680 = vector.shape_cast %select_n3A_2679 : vector<16xi32> to vector<16x1xi32>
    %gather3A_2681 = vector.shape_cast %broadcast_in_dim3A_2680 : vector<16x1xi32> to vector<16xi32>
    %gather3A_2682 = tpu.dynamic_gather %or3A_2111[%gather3A_2681] in [0] : vector<16xi32>, vector<16xi32> -> vector<16xi32>
    %shift_right_logical3A_2683 = arith.shrui %gather3A_2682, %iota3A : vector<16xi32>
    %and3A_2684 = arith.constant 1 : i32
    %and3A_2685 = vector.broadcast %and3A_2684 : i32 to vector<16xi32>
    %and3A_2686 = arith.andi %shift_right_logical3A_2683, %and3A_2685 : vector<16xi32>
    %eq3A_2687 = arith.constant 1 : i32
    %eq3A_2688 = vector.broadcast %eq3A_2687 : i32 to vector<16xi32>
    %eq3A_2689 = arith.cmpi eq, %and3A_2686, %eq3A_2688 : vector<16xi32>
    %jit3A_2690 = arith.constant -1.000000e+00 : f32
    %jit3A_2691 = arith.constant 1.000000e+00 : f32
    %broadcast_in_dim3A_2692 = vector.broadcast %jit3A_2690 : f32 to vector<16xf32>
    %broadcast_in_dim3A_2693 = vector.broadcast %jit3A_2691 : f32 to vector<16xf32>
    %select_n3A_2694 = arith.select %eq3A_2689, %broadcast_in_dim3A_2692, %broadcast_in_dim3A_2693 : vector<16xi1>, vector<16xf32>
    %swap3A_2695 = arith.constant 928 : index
    %swap3A_2696 = tpu.vector_load %arg13[%swap3A_2695] {strides = array<i32>} : memref<1024xf32, #tpu.memory_space<vmem>>, vector<16xf32>,
    tpu.vector_store %arg13[%swap3A_2695], %select_n3A_2694 {strides = array<i32>} : memref<1024xf32, #tpu.memory_space<vmem>>, vector<16xf32>,
    %add3A_2697 = arith.constant 16 : i32
    %add3A_2698 = vector.broadcast %add3A_2697 : i32 to vector<16xi32>
    %add3A_2699 = arith.addi %iota3A, %add3A_2698 : vector<16xi32>
    %shift_right_logical3A_2700 = arith.shrui %gather3A_2682, %add3A_2699 : vector<16xi32>
    %and3A_2701 = arith.constant 1 : i32
    %and3A_2702 = vector.broadcast %and3A_2701 : i32 to vector<16xi32>
    %and3A_2703 = arith.andi %shift_right_logical3A_2700, %and3A_2702 : vector<16xi32>
    %eq3A_2704 = arith.constant 1 : i32
    %eq3A_2705 = vector.broadcast %eq3A_2704 : i32 to vector<16xi32>
    %eq3A_2706 = arith.cmpi eq, %and3A_2703, %eq3A_2705 : vector<16xi32>
    %jit3A_2707 = arith.constant -1.000000e+00 : f32
    %jit3A_2708 = arith.constant 1.000000e+00 : f32
    %broadcast_in_dim3A_2709 = vector.broadcast %jit3A_2707 : f32 to vector<16xf32>
    %broadcast_in_dim3A_2710 = vector.broadcast %jit3A_2708 : f32 to vector<16xf32>
    %select_n3A_2711 = arith.select %eq3A_2706, %broadcast_in_dim3A_2709, %broadcast_in_dim3A_2710 : vector<16xi1>, vector<16xf32>
    %swap3A_2712 = arith.constant 944 : index
    %swap3A_2713 = tpu.vector_load %arg13[%swap3A_2712] {strides = array<i32>} : memref<1024xf32, #tpu.memory_space<vmem>>, vector<16xf32>,
    tpu.vector_store %arg13[%swap3A_2712], %select_n3A_2711 {strides = array<i32>} : memref<1024xf32, #tpu.memory_space<vmem>>, vector<16xf32>,
    %broadcast_in_dim3A_2714 = arith.constant 14 : i32
    %broadcast_in_dim3A_2715 = vector.broadcast %broadcast_in_dim3A_2714 : i32 to vector<16xi32>
    %lt3A_2716 = arith.constant 0 : i32
    %lt3A_2717 = vector.broadcast %lt3A_2716 : i32 to vector<16xi32>
    %lt3A_2718 = arith.cmpi slt, %broadcast_in_dim3A_2715, %lt3A_2717 : vector<16xi32>
    %add3A_2719 = arith.constant 16 : i32
    %add3A_2720 = vector.broadcast %add3A_2719 : i32 to vector<16xi32>
    %add3A_2721 = arith.addi %broadcast_in_dim3A_2715, %add3A_2720 : vector<16xi32>
    %select_n3A_2722 = arith.select %lt3A_2718, %add3A_2721, %broadcast_in_dim3A_2715 : vector<16xi1>, vector<16xi32>
    %broadcast_in_dim3A_2723 = vector.shape_cast %select_n3A_2722 : vector<16xi32> to vector<16x1xi32>
    %gather3A_2724 = vector.shape_cast %broadcast_in_dim3A_2723 : vector<16x1xi32> to vector<16xi32>
    %gather3A_2725 = tpu.dynamic_gather %or3A_2111[%gather3A_2724] in [0] : vector<16xi32>, vector<16xi32> -> vector<16xi32>
    %shift_right_logical3A_2726 = arith.shrui %gather3A_2725, %iota3A : vector<16xi32>
    %and3A_2727 = arith.constant 1 : i32
    %and3A_2728 = vector.broadcast %and3A_2727 : i32 to vector<16xi32>
    %and3A_2729 = arith.andi %shift_right_logical3A_2726, %and3A_2728 : vector<16xi32>
    %eq3A_2730 = arith.constant 1 : i32
    %eq3A_2731 = vector.broadcast %eq3A_2730 : i32 to vector<16xi32>
    %eq3A_2732 = arith.cmpi eq, %and3A_2729, %eq3A_2731 : vector<16xi32>
    %jit3A_2733 = arith.constant -1.000000e+00 : f32
    %jit3A_2734 = arith.constant 1.000000e+00 : f32
    %broadcast_in_dim3A_2735 = vector.broadcast %jit3A_2733 : f32 to vector<16xf32>
    %broadcast_in_dim3A_2736 = vector.broadcast %jit3A_2734 : f32 to vector<16xf32>
    %select_n3A_2737 = arith.select %eq3A_2732, %broadcast_in_dim3A_2735, %broadcast_in_dim3A_2736 : vector<16xi1>, vector<16xf32>
    %swap3A_2738 = arith.constant 960 : index
    %swap3A_2739 = tpu.vector_load %arg13[%swap3A_2738] {strides = array<i32>} : memref<1024xf32, #tpu.memory_space<vmem>>, vector<16xf32>,
    tpu.vector_store %arg13[%swap3A_2738], %select_n3A_2737 {strides = array<i32>} : memref<1024xf32, #tpu.memory_space<vmem>>, vector<16xf32>,
    %add3A_2740 = arith.constant 16 : i32
    %add3A_2741 = vector.broadcast %add3A_2740 : i32 to vector<16xi32>
    %add3A_2742 = arith.addi %iota3A, %add3A_2741 : vector<16xi32>
    %shift_right_logical3A_2743 = arith.shrui %gather3A_2725, %add3A_2742 : vector<16xi32>
    %and3A_2744 = arith.constant 1 : i32
    %and3A_2745 = vector.broadcast %and3A_2744 : i32 to vector<16xi32>
    %and3A_2746 = arith.andi %shift_right_logical3A_2743, %and3A_2745 : vector<16xi32>
    %eq3A_2747 = arith.constant 1 : i32
    %eq3A_2748 = vector.broadcast %eq3A_2747 : i32 to vector<16xi32>
    %eq3A_2749 = arith.cmpi eq, %and3A_2746, %eq3A_2748 : vector<16xi32>
    %jit3A_2750 = arith.constant -1.000000e+00 : f32
    %jit3A_2751 = arith.constant 1.000000e+00 : f32
    %broadcast_in_dim3A_2752 = vector.broadcast %jit3A_2750 : f32 to vector<16xf32>
    %broadcast_in_dim3A_2753 = vector.broadcast %jit3A_2751 : f32 to vector<16xf32>
    %select_n3A_2754 = arith.select %eq3A_2749, %broadcast_in_dim3A_2752, %broadcast_in_dim3A_2753 : vector<16xi1>, vector<16xf32>
    %swap3A_2755 = arith.constant 976 : index
    %swap3A_2756 = tpu.vector_load %arg13[%swap3A_2755] {strides = array<i32>} : memref<1024xf32, #tpu.memory_space<vmem>>, vector<16xf32>,
    tpu.vector_store %arg13[%swap3A_2755], %select_n3A_2754 {strides = array<i32>} : memref<1024xf32, #tpu.memory_space<vmem>>, vector<16xf32>,
    %broadcast_in_dim3A_2757 = arith.constant 15 : i32
    %broadcast_in_dim3A_2758 = vector.broadcast %broadcast_in_dim3A_2757 : i32 to vector<16xi32>
    %lt3A_2759 = arith.constant 0 : i32
    %lt3A_2760 = vector.broadcast %lt3A_2759 : i32 to vector<16xi32>
    %lt3A_2761 = arith.cmpi slt, %broadcast_in_dim3A_2758, %lt3A_2760 : vector<16xi32>
    %add3A_2762 = arith.constant 16 : i32
    %add3A_2763 = vector.broadcast %add3A_2762 : i32 to vector<16xi32>
    %add3A_2764 = arith.addi %broadcast_in_dim3A_2758, %add3A_2763 : vector<16xi32>
    %select_n3A_2765 = arith.select %lt3A_2761, %add3A_2764, %broadcast_in_dim3A_2758 : vector<16xi1>, vector<16xi32>
    %broadcast_in_dim3A_2766 = vector.shape_cast %select_n3A_2765 : vector<16xi32> to vector<16x1xi32>
    %gather3A_2767 = vector.shape_cast %broadcast_in_dim3A_2766 : vector<16x1xi32> to vector<16xi32>
    %gather3A_2768 = tpu.dynamic_gather %or3A_2111[%gather3A_2767] in [0] : vector<16xi32>, vector<16xi32> -> vector<16xi32>
    %shift_right_logical3A_2769 = arith.shrui %gather3A_2768, %iota3A : vector<16xi32>
    %and3A_2770 = arith.constant 1 : i32
    %and3A_2771 = vector.broadcast %and3A_2770 : i32 to vector<16xi32>
    %and3A_2772 = arith.andi %shift_right_logical3A_2769, %and3A_2771 : vector<16xi32>
    %eq3A_2773 = arith.constant 1 : i32
    %eq3A_2774 = vector.broadcast %eq3A_2773 : i32 to vector<16xi32>
    %eq3A_2775 = arith.cmpi eq, %and3A_2772, %eq3A_2774 : vector<16xi32>
    %jit3A_2776 = arith.constant -1.000000e+00 : f32
    %jit3A_2777 = arith.constant 1.000000e+00 : f32
    %broadcast_in_dim3A_2778 = vector.broadcast %jit3A_2776 : f32 to vector<16xf32>
    %broadcast_in_dim3A_2779 = vector.broadcast %jit3A_2777 : f32 to vector<16xf32>
    %select_n3A_2780 = arith.select %eq3A_2775, %broadcast_in_dim3A_2778, %broadcast_in_dim3A_2779 : vector<16xi1>, vector<16xf32>
    %swap3A_2781 = arith.constant 992 : index
    %swap3A_2782 = tpu.vector_load %arg13[%swap3A_2781] {strides = array<i32>} : memref<1024xf32, #tpu.memory_space<vmem>>, vector<16xf32>,
    tpu.vector_store %arg13[%swap3A_2781], %select_n3A_2780 {strides = array<i32>} : memref<1024xf32, #tpu.memory_space<vmem>>, vector<16xf32>,
    %add3A_2783 = arith.constant 16 : i32
    %add3A_2784 = vector.broadcast %add3A_2783 : i32 to vector<16xi32>
    %add3A_2785 = arith.addi %iota3A, %add3A_2784 : vector<16xi32>
    %shift_right_logical3A_2786 = arith.shrui %gather3A_2768, %add3A_2785 : vector<16xi32>
    %and3A_2787 = arith.constant 1 : i32
    %and3A_2788 = vector.broadcast %and3A_2787 : i32 to vector<16xi32>
    %and3A_2789 = arith.andi %shift_right_logical3A_2786, %and3A_2788 : vector<16xi32>
    %eq3A_2790 = arith.constant 1 : i32
    %eq3A_2791 = vector.broadcast %eq3A_2790 : i32 to vector<16xi32>
    %eq3A_2792 = arith.cmpi eq, %and3A_2789, %eq3A_2791 : vector<16xi32>
    %jit3A_2793 = arith.constant -1.000000e+00 : f32
    %jit3A_2794 = arith.constant 1.000000e+00 : f32
    %broadcast_in_dim3A_2795 = vector.broadcast %jit3A_2793 : f32 to vector<16xf32>
    %broadcast_in_dim3A_2796 = vector.broadcast %jit3A_2794 : f32 to vector<16xf32>
    %select_n3A_2797 = arith.select %eq3A_2792, %broadcast_in_dim3A_2795, %broadcast_in_dim3A_2796 : vector<16xi1>, vector<16xf32>
    %swap3A_2798 = arith.constant 1008 : index
    %swap3A_2799 = tpu.vector_load %arg13[%swap3A_2798] {strides = array<i32>} : memref<1024xf32, #tpu.memory_space<vmem>>, vector<16xf32>,
    tpu.vector_store %arg13[%swap3A_2798], %select_n3A_2797 {strides = array<i32>} : memref<1024xf32, #tpu.memory_space<vmem>>, vector<16xf32>,
    "tpu.region"() ({
      %run_scoped3A = tpu.sem_alloc : memref<!tpu.dma_semaphore, #tpu.memory_space<semaphore_mem>>
      %dma_start3A = arith.constant 0 : i32
      %dma_start3A_2800 = tpu.memref_slice %arg4[%add3A_1395, %dma_start3A] : memref<64x1024xf32, #tpu.memory_space<hbm>> -> memref<1x1024xf32, #tpu.memory_space<hbm>>
      %dma_start3A_2801 = tpu.memref_squeeze %dma_start3A_2800 : memref<1x1024xf32, #tpu.memory_space<hbm>> -> memref<1024xf32, #tpu.memory_space<hbm>>
      %dma_start3A_2802 = arith.constant 0 : i32
      %dma_start3A_2803 = tpu.memref_slice %arg4[%add3A_1395, %dma_start3A_2802] : memref<64x1024xf32, #tpu.memory_space<hbm>> -> memref<1x1024xf32, #tpu.memory_space<hbm>>
      %dma_start3A_2804 = tpu.memref_squeeze %dma_start3A_2803 : memref<1x1024xf32, #tpu.memory_space<hbm>> -> memref<1024xf32, #tpu.memory_space<hbm>>
      tpu.enqueue_dma source(%arg13 : memref<1024xf32, #tpu.memory_space<vmem>>) target(%dma_start3A_2804 : memref<1024xf32, #tpu.memory_space<hbm>>) target_semaphore(%run_scoped3A : memref<!tpu.dma_semaphore, #tpu.memory_space<semaphore_mem>>)
      %dma_wait3A = arith.constant 0 : i32
      %dma_wait3A_2805 = tpu.memref_slice %arg4[%add3A_1395, %dma_wait3A] : memref<64x1024xf32, #tpu.memory_space<hbm>> -> memref<1x1024xf32, #tpu.memory_space<hbm>>
      %dma_wait3A_2806 = tpu.memref_squeeze %dma_wait3A_2805 : memref<1x1024xf32, #tpu.memory_space<hbm>> -> memref<1024xf32, #tpu.memory_space<hbm>>
      %dma_wait3A_2807 = arith.constant 0 : i32
      %dma_wait3A_2808 = tpu.memref_slice %arg4[%add3A_1395, %dma_wait3A_2807] : memref<64x1024xf32, #tpu.memory_space<hbm>> -> memref<1x1024xf32, #tpu.memory_space<hbm>>
      %dma_wait3A_2809 = tpu.memref_squeeze %dma_wait3A_2808 : memref<1x1024xf32, #tpu.memory_space<hbm>> -> memref<1024xf32, #tpu.memory_space<hbm>>
      tpu.wait_dma2 semaphore(%run_scoped3A : memref<!tpu.dma_semaphore, #tpu.memory_space<semaphore_mem>>) src(%arg13 : memref<1024xf32, #tpu.memory_space<vmem>>) dst(%dma_wait3A_2809 : memref<1024xf32, #tpu.memory_space<hbm>>)
      tpu.yield
    }) : () -> ()
    return
  }
}

module attributes {stable_mosaic.version = 14 : i64} {
  func.func @_pack_body(%arg0: i32, %arg1: memref<120x1024xf32, #tpu.memory_space<vmem>>, %arg2: memref<1024x32xbf16, #tpu.memory_space<vmem>>, %arg3: memref<1024x32xbf16, #tpu.memory_space<vmem>>, %arg4: memref<120x32xi32, #tpu.memory_space<vmem>>) attributes {dimension_semantics = [#tpu.dimension_semantics<arbitrary>], iteration_bounds = array<i64: 9>, scalar_prefetch = 0 : i64, scratch_operands = 0 : i64, tpu.core_type = #tpu.core_type<tc>, window_params = [{transform_indices = @transform_0, window_bounds = array<i64: 120, 1024>}, {pipeline_mode = #tpu.pipeline_mode<synchronous>, transform_indices = @transform_1, window_bounds = array<i64: 1024, 32>}, {pipeline_mode = #tpu.pipeline_mode<synchronous>, transform_indices = @transform_2, window_bounds = array<i64: 1024, 32>}, {transform_indices = @transform_3, window_bounds = array<i64: 120, 32>}]} {
    %get3A = arith.constant 0 : index
    %get3A_0 = arith.constant 0 : index
    %get3A_1 = vector.load %arg1[%get3A, %get3A_0] : memref<120x1024xf32, #tpu.memory_space<vmem>>, vector<120x1024xf32>
    %convert_element_type3A = arith.truncf %get3A_1 : vector<120x1024xf32> to vector<120x1024xbf16>
    %get3A_2 = arith.constant 0 : index
    %get3A_3 = arith.constant 0 : index
    %get3A_4 = vector.load %arg2[%get3A_2, %get3A_3] : memref<1024x32xbf16, #tpu.memory_space<vmem>>, vector<1024x32xbf16>
    %dot_general3A = arith.constant dense<0.000000e+00> : vector<120x32xf32>
    %dot_general3A_5 = tpu.matmul %convert_element_type3A, %get3A_4, %dot_general3A {dimension_numbers = #tpu.dot_dimension_numbers<[1], [0], [0], [1], [0, 0, 1, 1], [], []>, transpose_lhs_hint = false} : vector<120x1024xbf16>, vector<1024x32xbf16>, vector<120x32xf32> -> vector<120x32xf32>
    %get3A_6 = arith.constant 0 : index
    %get3A_7 = arith.constant 0 : index
    %get3A_8 = vector.load %arg3[%get3A_6, %get3A_7] : memref<1024x32xbf16, #tpu.memory_space<vmem>>, vector<1024x32xbf16>
    %dot_general3A_9 = arith.constant dense<0.000000e+00> : vector<120x32xf32>
    %dot_general3A_10 = tpu.matmul %convert_element_type3A, %get3A_8, %dot_general3A_9 {dimension_numbers = #tpu.dot_dimension_numbers<[1], [0], [0], [1], [0, 0, 1, 1], [], []>, transpose_lhs_hint = false} : vector<120x1024xbf16>, vector<1024x32xbf16>, vector<120x32xf32> -> vector<120x32xf32>
    %sub3A = arith.constant 6.553500e+04 : f32
    %sub3A_11 = vector.broadcast %sub3A : f32 to vector<120x32xf32>
    %sub3A_12 = arith.subf %sub3A_11, %dot_general3A_5 : vector<120x32xf32>
    %mul3A = arith.constant 5.000000e-01 : f32
    %mul3A_13 = vector.broadcast %mul3A : f32 to vector<120x32xf32>
    %mul3A_14 = arith.mulf %sub3A_12, %mul3A_13 : vector<120x32xf32>
    %convert_element_type3A_15 = arith.fptosi %mul3A_14 : vector<120x32xf32> to vector<120x32xi32>
    %sub3A_16 = arith.constant 6.553500e+04 : f32
    %sub3A_17 = vector.broadcast %sub3A_16 : f32 to vector<120x32xf32>
    %sub3A_18 = arith.subf %sub3A_17, %dot_general3A_10 : vector<120x32xf32>
    %mul3A_19 = arith.constant 5.000000e-01 : f32
    %mul3A_20 = vector.broadcast %mul3A_19 : f32 to vector<120x32xf32>
    %mul3A_21 = arith.mulf %sub3A_18, %mul3A_20 : vector<120x32xf32>
    %convert_element_type3A_22 = arith.fptosi %mul3A_21 : vector<120x32xf32> to vector<120x32xi32>
    %shift_left3A = arith.constant 16 : i32
    %shift_left3A_23 = vector.broadcast %shift_left3A : i32 to vector<120x32xi32>
    %shift_left3A_24 = arith.shli %convert_element_type3A_22, %shift_left3A_23 : vector<120x32xi32>
    %or3A = arith.ori %convert_element_type3A_15, %shift_left3A_24 : vector<120x32xi32>
    %swap3A = arith.constant 0 : index
    %swap3A_25 = arith.constant 0 : index
    %swap3A_26 = vector.load %arg4[%swap3A, %swap3A_25] : memref<120x32xi32, #tpu.memory_space<vmem>>, vector<120x32xi32>
    tpu.vector_store %arg4[%swap3A, %swap3A_25], %or3A {strides = array<i32>} : memref<120x32xi32, #tpu.memory_space<vmem>>, vector<120x32xi32>,
    return
  }
  func.func @transform_0(%arg0: i32) -> (i32, i32) {
    %c0_i32 = arith.constant 0 : i32
    %c0_i32_0 = arith.constant 0 : i32
    return %arg0, %c0_i32 : i32, i32
  }
  func.func @transform_1(%arg0: i32) -> (i32, i32) {
    %c0_i32 = arith.constant 0 : i32
    %c0_i32_0 = arith.constant 0 : i32
    %c0_i32_1 = arith.constant 0 : i32
    return %c0_i32, %c0_i32_0 : i32, i32
  }
  func.func @transform_2(%arg0: i32) -> (i32, i32) {
    %c0_i32 = arith.constant 0 : i32
    %c0_i32_0 = arith.constant 0 : i32
    %c0_i32_1 = arith.constant 0 : i32
    return %c0_i32, %c0_i32_0 : i32, i32
  }
  func.func @transform_3(%arg0: i32) -> (i32, i32) {
    %c0_i32 = arith.constant 0 : i32
    %c0_i32_0 = arith.constant 0 : i32
    return %arg0, %c0_i32 : i32, i32
  }
}

</mosaic_0001>

<sc_bundles>
// kernel: _encode.4.cloned.1.call-start
scs
__scs_entry_jumppad:
0x0: {  	(pc) =	sbr.rel $0x88, $3  }
0x1: {  	(tag) =	ssettag $0x0;
	lr =	simm.s32 $0x1  }
0x2: {  	[smem:$0x3F9D] =	sst lr;
	_ =	strace $0xD0000000  }
0x3: {  	_ = 	snop  }
0x4: {  	_ = 	snop  }
0x5: {  	_ = 	snop  }
0x6: {  	_ = 	snop  }
0x7: {  	_ = 	snop  }
__scs_overlays_trampoline_lowered:
0x8: {  	[smem:$0x3FAC] =	sst s0  }
0x9: {  	[smem:$0x3FAD] =	sst s1  }
0xa: {  	[smem:$0x3FAE] =	sst s2  }
0xb: {  	[smem:$0x3FAF] =	sst s3  }
0xc: {  	[smem:$0x3FB0] =	sst s4  }
0xd: {  	[smem:$0x3FB1] =	sst s5  }
0xe: {  	[smem:$0x3FB2] =	sst s6  }
0xf: {  	[smem:$0x3FB3] =	sst s7  }
0x10: {  	[smem:$0x3FB4] =	sst s8  }
0x11: {  	[smem:$0x3FB5] =	sst s9;
	s0 =	simm.s32 @!p0 $0x0  }
0x12: {  	s1 =	sld [smem:$0x3F9B];
	s0 =	simm.s32 @p0 $0x1  }
0x13: {  	[smem:$0x3FB6] =	sst s0;
	s0 =	simm.s32 @!p1 $0x0  }
0x14: {  	s2 =	sld [smem:$0x3F9A];
	s0 =	simm.s32 @p1 $0x1  }
0x15: {  	[smem:$0x3FB7] =	sst s0;
	s0 =	simm.s32 @!p2 $0x0  }
0x16: {  	s3 =	sld [smem:$0x3FDB];
	s0 =	simm.s32 @p2 $0x1  }
0x17: {  	s4 =	simm.s32 $0x1BF5;
	[smem:$0x3FB9] =	sst s0  }
0x18: {  	s0 =	sld [smem:$0x3F9C];
	_ =	swait.ge [sflag:s4], $0x0  }
0x19: {  	s7 =	sld [smem:$0x3F9D]  }
0x1a: {  	s8 =	sadd.s32 $0xFFFFE003, lr  }
0x1b: {  	s9 =	sadd.s32 $0xFFFFFEF7, lr;
	s5 =	simm.s32 $0xFFFFFFFF;
	p2 =	slt.u32 s8, $0xFFFFF086  }
0x1c: {  	p1 =	slt.u32 s9, $0xF7A;
	s5 =	simm.s32 @!p2 $0x0  }
0x1d: {  	s5 =	simm.s32 @p1 $0x1;
	p0 =	seq.s32 s7, s2  }
0x1e: {  	s7 =	smul.u32 @!p0 $0xF7A, s2;
	p2 =	seq.s32 @!p0 s5, $0x0  }
0x1f: {  	s9 =	smul.u32 $0xF7A, s1;
	s8 =	simm.s32 @!p0 $0x1BF5;
	p2 =	por !p2, p0  }
0x20: {  	[sflag:s8] =	ssyncset.s32 @!p0 $0xFFFFF086;
	s6 =	sadd.s32 @!p0 s3, s7;
	s7 =	simm.s32 @!p0 $0x108  }
0x21: {  	s3 =	sadd.s32 s3, s9;
	s6 =	sadd.s32 @!p0 $0x88, s6;
	s7 =	simm.s32 @p2 $0x1082  }
0x22: {  	[simem:s7], [sflag:s8] =	dma.local @!p0 [hbm:s6], $0xF7A  }
0x23: {  	s9 =	sor.u32 $0xD0000000, s2;
	s6 =	simm.s32 $0x108;
	_ =	swait.ge @!p0 [sflag:s8], $0x0  }
0x24: {  	s3 =	sadd.s32 $0x88, s3;
	s6 =	simm.s32 @!p1 $0x1082;
	[sflag:s4] =	ssyncset.s32 $0xFFFFF086  }
0x25: {  	[simem:s6], [sflag:s4] =	dma.local [hbm:s3], $0xF7A  }
0x26: {  	[smem:$0x3F9D] =	sst s1;
	(tag) =	ssettag s2;
	_ =	strace s9  }
0x27: {  	s1 =	sld [smem:$0x3FAD]  }
0x28: {  	s2 =	sld [smem:$0x3FAE]  }
0x29: {  	s4 =	sld [smem:$0x3FB0]  }
0x2a: {  	p0 =	seq.s32 s5, $0x0;
	s5 =	sld [smem:$0x3FB1]  }
0x2b: {  	s6 =	sld [smem:$0x3FB2]  }
0x2c: {  	s7 =	sld [smem:$0x3FB3]  }
0x2d: {  	s3 =	simm.s32 $0x108;
	s8 =	sld [smem:$0x3FB4]  }
0x2e: {  	s3 =	simm.s32 @!p0 $0x1082;
	s9 =	sld [smem:$0x3FB5]  }
0x2f: {  	lr =	sadd.s32 s0, s3;
	s0 =	sld [smem:$0x3FAC]  }
0x30: {  	s3 =	sld [smem:$0x3FAF]  }
0x31: {  	[smem:$0x3FB8] =	sst s10  }
0x32: {  	s10 =	sld [smem:$0x3FB6];
	_ =	sdelay $0x3  }
0x33: {  	p0 =	seq.s32 s10, $0x1;
	s10 =	sld [smem:$0x3FB8];
	_ =	sdelay $0x3  }
0x34: {  	[smem:$0x3FB8] =	sst s10  }
0x35: {  	s10 =	sld [smem:$0x3FB7];
	_ =	sdelay $0x3  }
0x36: {  	p1 =	seq.s32 s10, $0x1;
	s10 =	sld [smem:$0x3FB8];
	_ =	sdelay $0x3  }
0x37: {  	[smem:$0x3FB8] =	sst s10  }
0x38: {  	s10 =	sld [smem:$0x3FB9]  }
0x39: {  	_ = 	snop;
	(pc) =	sbr.ind lr, $3  }
0x3a: {  	_ = 	snop  }
0x3b: {  	_ = 	snop  }
0x3c: {  	p2 =	seq.s32 s10, $0x1;
	s10 =	sld [smem:$0x3FB8]  }
0x3d: {  	_ =	shalt  }
0x3e: {  	_ =	shalt  }
0x3f: {  	_ =	shalt  }
0x40: {  	_ =	shalt  }
0x41: {  	_ =	shalt  }
0x42: {  	_ =	shalt  }
0x43: {  	_ =	shalt  }
0x44: {  	_ =	shalt  }
0x45: {  	_ =	shalt  }
0x46: {  	_ =	shalt  }
0x47: {  	_ =	shalt  }
0x48: {  	_ =	shalt  }
0x49: {  	_ =	shalt  }
0x4a: {  	_ =	shalt  }
0x4b: {  	_ =	shalt  }
0x4c: {  	_ =	shalt  }
0x4d: {  	_ =	shalt  }
0x4e: {  	_ =	shalt  }
0x4f: {  	_ =	shalt  }
0x50: {  	_ =	shalt  }
0x51: {  	_ =	shalt  }
0x52: {  	_ =	shalt  }
0x53: {  	_ =	shalt  }
0x54: {  	_ =	shalt  }
0x55: {  	_ =	shalt  }
0x56: {  	_ =	shalt  }
0x57: {  	_ =	shalt  }
0x58: {  	_ =	shalt  }
0x59: {  	_ =	shalt  }
0x5a: {  	_ =	shalt  }
0x5b: {  	_ =	shalt  }
0x5c: {  	_ =	shalt  }
0x5d: {  	_ =	shalt  }
0x5e: {  	_ =	shalt  }
0x5f: {  	_ =	shalt  }
0x60: {  	_ =	shalt  }
0x61: {  	_ =	shalt  }
0x62: {  	_ =	shalt  }
0x63: {  	_ =	shalt  }
0x64: {  	_ =	shalt  }
0x65: {  	_ =	shalt  }
0x66: {  	_ =	shalt  }
0x67: {  	_ =	shalt  }
0x68: {  	_ =	shalt  }
0x69: {  	_ =	shalt  }
0x6a: {  	_ =	shalt  }
0x6b: {  	_ =	shalt  }
0x6c: {  	_ =	shalt  }
0x6d: {  	_ =	shalt  }
0x6e: {  	_ =	shalt  }
0x6f: {  	_ =	shalt  }
0x70: {  	_ =	shalt  }
0x71: {  	_ =	shalt  }
0x72: {  	_ =	shalt  }
0x73: {  	_ =	shalt  }
0x74: {  	_ =	shalt  }
0x75: {  	_ =	shalt  }
0x76: {  	_ =	shalt  }
0x77: {  	_ =	shalt  }
0x78: {  	_ =	shalt  }
0x79: {  	_ =	shalt  }
0x7a: {  	_ =	shalt  }
0x7b: {  	_ =	shalt  }
0x7c: {  	_ =	shalt  }
0x7d: {  	_ =	shalt  }
0x7e: {  	_ =	shalt  }
0x7f: {  	_ =	shalt  }
0x80: {  	_ =	shalt  }
0x81: {  	_ =	shalt  }
0x82: {  	_ =	shalt  }
0x83: {  	_ =	shalt  }
0x84: {  	_ =	shalt  }
0x85: {  	_ =	shalt  }
0x86: {  	_ =	shalt  }
0x87: {  	_ =	shalt  }
.Lfunc_end0:
.L_simem_size_0:
called_computation_lowered:
.L_overlay_start_0:
0x88: {  	s2 =	sld [smem:$0x3FD9]  }
0x89: {  	s3 =	sld [smem:$0x3FFE];
	_ =	sdelay $0x1  }
0x8a: {  	s1 =	srdreg.scid  }
0x8b: {  	s0 =	sand.u32 $0x1, s1  }
0x8c: {  	s17 =	sshll.u32 s0, $0xA;
	s2 =	sadd.s32 s3, s2  }
0x8d: {  	s2 =	sadd.s32 s2, s17  }
0x8e: {  	[smem:$0x3FC4] =	sst s2  }
0x8f: {  	_ = 	snop  }
0x90: {  	s2 =	sld [smem:$0x3FD0];
	(tm) =	ssettm $0x1  }
0x91: {  	s18 =	sld [smem:$0x3FFB];
	_ =	sdelay $0x3  }
0x92: {  	_ =	strace s18  }
0x93: {  	s3 =	sld [smem:$0x3FFC];
	_ =	sdelay $0x3  }
0x94: {  	_ =	strace s3  }
0x95: {  	s3 =	sld [smem:$0x3FFD];
	_ =	sdelay $0x3  }
0x96: {  	_ =	strace s3  }
0x97: {  	_ =	strace $0x8FFFFFFF  }
0x98: {  	s19 =	sld [smem:$0x3FDB];
	_ =	sdelay $0x1  }
0x99: {  	s4 =	simm.s32 $_scs_section_size  }
0x9a: {  	s5 =	simm.s32 $_size__tile_overlayer_lowered;
	s6 =	simm.s32 $_tile_overlayer_lowered  }
0x9b: {  	s22 =	simm.s32 $0x1BFF;
	s21 =	sshll.u32 s6, $0x1;
	s3 =	sadd.s32 s4, s19  }
0x9c: {  	s7 =	simm.s32 $0x0;
	s20 =	sshll.u32 s5, $0x1;
	s5 =	sadd.s32 s21, s3  }
0x9d: {  	[timem:s7], [sflag:s22] =	dma.local [hbm:s5], s20  }
0x9e: {  	_ =	swait.ge [sflag:s22], s20  }
0x9f: {  	s4 =	ssub.s32 $0x0, s20;
	[sflag:s22] =	ssyncset.done $0x0  }
0xa0: {  	[sflag:s22] =	ssyncadd.s32 s4;
	_ =	sdelay $0x1  }
0xa1: {  	s23 =	simm.s32 $0x1B8B  }
0xa2: {  	_ =	swait.ge [sflag:s23], $0x1  }
0xa3: {  	[sflag:s23] =	ssyncset.done $0x0  }
0xa4: {  	s25 =	simm.s32 $0x1B8E;
	s24 =	sld [smem:$0x3FFE];
	[sflag:s23] =	ssyncadd.s32 $0xFFFFFFFF  }
0xa5: {  	s26 =	simm.s32 $execute0_lowered;
	[smem:$0x3FD2] =	sst s25  }
0xa6: {  	s5 =	sshll.u32 s26, $0x1;
	_ =	strace $0x80000046;
	[dreg:$0x1] =	wrdreg $0xFFFFFFFF  }
0xa7: {  	s28 =	simm.s32 $_size_execute0_lowered;
	s3 =	sadd.s32 s3, s5;
	[dreg:$0x0] =	wrdreg $0x0  }
0xa8: {  	s5 =	sshll.u32 s28, $0x1;
	[dreg:$0x2] =	wrdreg s3  }
0xa9: {  	[dreg:$0x3] =	wrdreg s5  }
0xaa: {  	[dreg:$0x4] =	wrdreg $0xC0  }
0xab: {  	_ =	task [dreg:s7], $0x5FFFF  }
0xac: {  	[dreg:$0x1] =	wrdreg $0xFFFFFFFF  }
0xad: {  	[dreg:$0x0] =	wrdreg $0x60  }
0xae: {  	[dreg:$0x2] =	wrdreg s24  }
0xaf: {  	[dreg:$0x3] =	wrdreg s2  }
0xb0: {  	[dreg:$0x4] =	wrdreg $0x9  }
0xb1: {  	_ =	task.clear_ibuf [dreg:s7], $0x5FFFF;
	_ =	strace $0x90000046  }
0xb2: {  	s29 =	simm.s32 $0x9;
	_ =	strace $0x80000048  }
0xb3: {  	_ =	swait.ge [sflag:s29], $0x1  }
0xb4: {  	[sflag:s29] =	ssyncadd.s32 $0xFFFFFFFF  }
0xb5: {  	_ =	strace $0x90000048  }
0xb6: {  	_ =	sfence  }
0xb7: {  	s30 =	sld [smem:$0x0];
	_ =	sdelay $0x2  }
0xb8: {  	s31 =	sshll.u32 s1, $0xD;
	s1 =	sshrl.u32 s1, $0x2  }
0xb9: {  	s3 =	sand.u32 $0x4000, s31;
	s1 =	sadd.s32 s1, s30  }
0xba: {  	s0 =	sor.u32 s3, s0;
	s1 =	sshll.u32 s1, $0x11  }
0xbb: {  	s0 =	sor.u32 s1, s0  }
0xbc: {  	s0 =	sadd.s32 $0x8F2B, s0  }
0xbd: {  	[sflag:s0] =	ssyncadd.remote.s32 $0x1  }
0xbe: {  	_ =	sfence.sel $0xFFFF  }
0xbf: {  	[dreg:$0x0] =	wrdreg $0xFFFFFFFF;
	(pc) =	sbr.abs _section_cstart, $3  }
0xc0: {  	[dreg:$0x1] =	wrdreg $0xFFFFFFFF  }
0xc1: {  	_ =	task.clear_ibuf [dreg:s7], $0x2FFFF;
	_ =	strace $0x9FFFFFFF  }
0xc2: {  	(tm) =	ssettm $0x7FFFFFFF  }
0xc3: {  	_ =	shalt  }
tec
execute0_lowered:
.L_overlay_start_1:
0x0: {  	(tag) =	ssettag $0x1  }
0x1: {  	v36 =	vimm.s32 $0x5;
	v1 =	vlaneseq.u32  }
0x2: {  	v38 =	vimm.s32 $0x1;
	v39 =	vimm.s32 $0x2;
	v4 =	vimm.s32 $0x3  }
0x3: {  	v5 =	vimm.s32 $0x4;
	v6 =	vimm.s32 $0x6;
	v7 =	vimm.s32 $0x7  }
0x4: {  	v8 =	vimm.s32 $0x8;
	v9 =	vimm.s32 $0x9;
	v10 =	vimm.s32 $0xA  }
0x5: {  	v11 =	vimm.s32 $0xB;
	v12 =	vimm.s32 $0xC;
	v13 =	vimm.s32 $0xD  }
0x6: {  	v16 =	vimm.s32 $0x8040201;
	v14 =	vimm.s32 $0xE;
	v15 =	vimm.s32 $0xF  }
0x7: {  	s5 =	rddreg [dreg:$0x0];
	vm0 =	vcmask $0xF00;
	v17 =	vimm.s32 $0x80000000;
	vm1 =	vcmask $0x300  }
0x8: {  	s9 =	rddreg [dreg:$0x1];
	v18 =	vimm.s32 $0x80402010;
	vm14 =	vcmask $0x704;
	v17 =	vsel vm1, $0x10000, v17  }
0x9: {  	s0 =	rddreg [dreg:$0x2];
	s1 =	simm.s32 $0x0;
	s2 =	srdreg.scid;
	vm15 =	vcmask $0xB08;
	vm4 =	vcmask $0xF0C;
	v17 =	vsel vm14, $0x20000, v17  }
0xa: {  	vm5 =	vcmask $0x1310;
	vm6 =	vcmask $0x1F10;
	s14 =	simm.s32 $0x8280;
	s15 =	simm.s32 $0x8900;
	s16 =	simm.s32 $0x80;
	v17 =	vsel vm15, $0x40000, v17  }
0xb: {  	vm7 =	vcmask $0x1714;
	vm8 =	vcmask $0x1B18;
	s17 =	simm.s32 $0x400;
	s18 =	simm.s32 $0xA300;
	s19 =	simm.s32 $0x0;
	v17 =	vsel vm4, $0x80000, v17  }
0xc: {  	v16 =	vunpack.c.0.s8.s32 v16;
	[smem:$0x7FF] =	sst s1;
	v18 =	vunpack.c.0.s8.s32 v18;
	s4 =	sand.u32 $0x1, s2;
	s8 =	sadd.s32 $0x1C00, s5;
	v17 =	vsel vm5, $0x100000, v17  }
0xd: {  	vm9 =	vcmask $0x2320;
	vm10 =	vcmask $0x1F1C;
	s2 =	stileid.u32;
	s3 =	sadd.s32 $0xA00, s5;
	_ =	strace $0x80000047;
	v17 =	vsel vm7, $0x200000, v17  }
0xe: {  	s6 =	ssub.s32 $0x2, s4;
	s10 =	sshll.u32 s2, $0x1;
	s31 =	sshll.u32 s2, $0xB;
	v16 =	vnsel vm0, $0x8000, v16;
	v18 =	vand.u32 $0xFF, v18;
	v17 =	vsel vm8, $0x400000, v17  }
0xf: {  	vm2 =	vcmask $0x2724;
	s7 =	sshrl.u32 s6, $0x1;
	s30 =	sor.u32 s4, s10;
	s4 =	sadd.s32 $0x19A0, s5;
	v16 =	vsel vm6, v18, v16;
	v17 =	vsel vm10, $0x800000, v17  }
0x10: {  	vm11 =	vcmask $0x2B28;
	s5 =	sadd.s32 $0x19E0, s5;
	s11 =	ssub.s32 s6, s7;
	s10 =	sshll.u32 s30, $0x7;
	v16 =	vsel vm9, $0x100, v16;
	v17 =	vsel vm9, $0x1000000, v17  }
0x11: {  	vm12 =	vcmask $0x2F2C;
	s12 =	sor.u32 $0x20, s30;
	s6 =	smul.u32 $0x64, s30;
	s7 =	sor.u32 s31, s10;
	v16 =	vsel vm2, $0x200, v16;
	v17 =	vsel vm2, $0x2000000, v17  }
0x12: {  	vm13 =	vcmask $0x3330;
	s13 =	sshll.u32 s12, $0xA;
	s12 =	smul.u32 $0x64, s12;
	s7 =	sand.u32 $0x6380, s7;
	v16 =	vsel vm11, $0x400, v16;
	v17 =	vsel vm11, $0x4000000, v17  }
0x13: {  	vm14 =	vcmask $0x3734;
	s10 =	sor.u32 s10, s13;
	s6 =	sadd.s32 s8, s6;
	s13 =	simm.s32 $0x8080;
	v16 =	vsel vm12, $0x800, v16;
	v17 =	vsel vm12, $0x8000000, v17  }
0x14: {  	vm15 =	vcmask $0x3B38;
	s7 =	sshrl.u32 s7, $0x3;
	s10 =	sand.u32 $0xE380, s10;
	s8 =	sadd.s32 s8, s12;
	v16 =	vsel vm13, $0x1000, v16;
	v19 =	vsel vm13, $0x10000000, v17  }
0x15: {  	s12 =	simm.s32 $0x1;
	s7 =	sadd.s32 s9, s7;
	s10 =	sshrl.u32 s10, $0x3;
	v18 =	vsel vm14, $0x2000, v16;
	v16 =	vor.u32 $0x10, v1;
	v19 =	vsel vm14, $0x20000000, v19  }
0x16: {  	s9 =	sadd.s32 s9, s10;
	s10 =	smax.u32 s11, $0x1;
	s11 =	simm.s32 $0x380;
	v17 =	vsel vm15, $0x4000, v18;
	v18 =	vimm.f32 $-1.000000000e+00;
	v19 =	vsel vm15, $0x40000000, v19  }
.LBB2_1:
0x17: {  	[tilespmem:s11], [sflag:$0x1] =	stream.linear.gather [hbm4b:s3+s1], $0x7D00, $0x38;
	[tilespmem:$0xA700] =	vst v63  }
0x18: {  	_ =	swait.ge [sflag:s12], $0x7D00  }
0x19: {  	[sflag:s12] =	ssyncset.done $0x0  }
0x1a: {  	[sflag:s12] =	ssyncadd.s32 $0xFFFF8300  }
0x1b: {  	[tilespmem:s13], [sflag:$0x1] =	stream.linear.gather [hbm4b:s4+s1], $0x200, $0x38;
	[tilespmem:$0xA700] =	vst v63  }
0x1c: {  	_ =	swait.ge [sflag:s12], $0x200  }
0x1d: {  	[sflag:s12] =	ssyncset.done $0x0  }
0x1e: {  	[sflag:s12] =	ssyncadd.s32 $0xFFFFFE00  }
0x1f: {  	[tilespmem:s14], [sflag:$0x1] =	stream.linear.gather [hbm4b:s5+s1], $0x640, $0x38;
	[tilespmem:$0xA700] =	vst v63  }
0x20: {  	_ =	swait.ge [sflag:s12], $0x640  }
0x21: {  	[sflag:s12] =	ssyncset.done $0x0  }
0x22: {  	[sflag:s12] =	ssyncadd.s32 $0xFFFFF9C0  }
0x23: {  	[tilespmem:s1], [sflag:$0x1] =	stream.linear.gather [hbm4b:s6+s1], $0x320, $0x38;
	[tilespmem:$0xA700] =	vst v63  }
0x24: {  	_ =	swait.ge [sflag:s12], $0x320  }
0x25: {  	s20 =	simm.s32 $0x40;
	s21 =	simm.s32 $0x8911;
	[sflag:s12] =	ssyncset.done $0x0  }
0x26: {  	s22 =	simm.s32 $0x0;
	s23 =	simm.s32 $0x0;
	[sflag:s12] =	ssyncadd.s32 $0xFFFFFCE0  }
.LBB2_2:
0x27: {  	v21 =	vld [tilespmem:s23+$0x0];
	_ =	sdelay $0x4  }
0x28: {  	v37 =	vshll.u32 v21, $0x5;
	v21 =	vimm.s32 $0x0  }
0x29: {  	v41 =	vld [tilespmem:$0x80A0];
	v28 =	vperm.xlane v37, v21  }
0x2a: {  	v43 =	vld [tilespmem:$0x80C0];
	v25 =	vperm.xlane v37, v38  }
0x2b: {  	v45 =	vld [tilespmem:$0x80E0];
	v24 =	vadd.s32 v1, v28  }
0x2c: {  	v47 =	vld [tilespmem:$0x8100];
	v23 =	vperm.xlane v37, v39;
	v26 =	vadd.s32 v1, v25  }
0x2d: {  	v49 =	vld [tilespmem:$0x8120];
	v22 =	vperm.xlane v37, v4  }
0x2e: {  	v51 =	vld [tilespmem:$0x8140];
	v27 =	vadd.s32 v1, v23  }
0x2f: {  	v53 =	vld [tilespmem:$0x8160];
	v29 =	vadd.s32 v1, v22  }
0x30: {  	v38 =	vld.idx.msk [tilespmem:v24+s11+$0x0], $0xffff;
	v24 =	vperm.xlane v37, v5  }
0x31: {  	v40 =	vld.idx.msk [tilespmem:v26+s11+$0x0], $0xffff;
	v26 =	vperm.xlane v37, v36  }
0x32: {  	v55 =	vld [tilespmem:$0x8180];
	v30 =	vadd.s32 v1, v24  }
0x33: {  	v42 =	vld.idx.msk [tilespmem:v27+s11+$0x0], $0xffff;
	v27 =	vperm.xlane v37, v6;
	v31 =	vadd.s32 v1, v26  }
0x34: {  	v44 =	vld.idx.msk [tilespmem:v29+s11+$0x0], $0xffff;
	v29 =	vperm.xlane v37, v7  }
0x35: {  	v58 =	vld [tilespmem:$0x81A0];
	v32 =	vadd.s32 v1, v27  }
0x36: {  	v39 =	vld [tilespmem:$0x8080];
	v33 =	vadd.s32 v1, v29  }
0x37: {  	v46 =	vld.idx.msk [tilespmem:v30+s11+$0x0], $0xffff;
	v30 =	vperm.xlane v37, v8  }
0x38: {  	v48 =	vld.idx.msk [tilespmem:v31+s11+$0x0], $0xffff;
	v31 =	vperm.xlane v37, v9  }
0x39: {  	v61 =	vld [tilespmem:$0x81C0];
	v36 =	vperm.xlane v37, v14;
	v34 =	vadd.s32 v1, v30  }
0x3a: {  	v50 =	vld.idx.msk [tilespmem:v32+s11+$0x0], $0xffff;
	v32 =	vperm.xlane v37, v10;
	v35 =	vadd.s32 v1, v31  }
0x3b: {  	v20 =	vadd.s32 v1, v36;
	v52 =	vld.idx.msk [tilespmem:v33+s11+$0x0], $0xffff;
	v33 =	vperm.xlane v37, v11  }
0x3c: {  	v63 =	vld [tilespmem:$0x81E0];
	v60 =	vadd.s32 v1, v32  }
0x3d: {  	v38 =	vxor.u32 v38, v39;
	v39 =	vld [tilespmem:$0x8240];
	v56 =	vadd.s32 v1, v33  }
0x3e: {  	v54 =	vld.idx.msk [tilespmem:v34+s11+$0x0], $0xffff;
	v34 =	vperm.xlane v37, v12  }
0x3f: {  	v57 =	vld.idx.msk [tilespmem:v35+s11+$0x0], $0xffff;
	v35 =	vperm.xlane v37, v13  }
0x40: {  	v20 =	vld.idx.msk [tilespmem:v20+s11+$0x0], $0xffff;
	v59 =	vadd.s32 v1, v34  }
0x41: {  	v60 =	vld.idx.msk [tilespmem:v60+s11+$0x0], $0xffff;
	v37 =	vperm.xlane v37, v15;
	v62 =	vadd.s32 v1, v35  }
0x42: {  	v56 =	vld.idx.msk [tilespmem:v56+s11+$0x0], $0xffff  }
0x43: {  	v0 =	vld [tilespmem:$0x8200];
	v3 =	vadd.s32 v1, v37  }
0x44: {  	v2 =	vld [tilespmem:$0x8220];
	v40 =	vxor.u32 v40, v41;
	v41 =	vxor.u32 v42, v43;
	v42 =	vxor.u32 v44, v45  }
0x45: {  	v43 =	vxor.u32 v46, v47;
	v44 =	vxor.u32 v48, v49;
	v45 =	vxor.u32 v50, v51;
	v59 =	vld.idx.msk [tilespmem:v59+s11+$0x0], $0xffff  }
0x46: {  	v46 =	vxor.u32 v52, v53;
	v20 =	vxor.u32 v20, v39;
	v47 =	vxor.u32 v54, v55;
	v62 =	vld.idx.msk [tilespmem:v62+s11+$0x0], $0xffff  }
0x47: {  	v51 =	vld [tilespmem:$0x8260];
	v48 =	vxor.u32 v57, v58;
	v49 =	vxor.u32 v60, v61;
	v50 =	vxor.u32 v56, v63  }
0x48: {  	v61 =	vxor.u32 v38, v40;
	v63 =	vxor.u32 v43, v44;
	v56 =	vxor.u32 v45, v46;
	v3 =	vld.idx.msk [tilespmem:v3+s11+$0x0], $0xffff  }
0x49: {  	v43 =	vand.u32 v43, v44;
	v45 =	vand.u32 v45, v46;
	v58 =	vand.u32 v63, v56  }
0x4a: {  	v38 =	vand.u32 v38, v40;
	v60 =	vxor.u32 v58, v43;
	v43 =	vand.u32 v43, v45  }
0x4b: {  	v58 =	vxor.u32 v49, v50;
	v0 =	vxor.u32 v59, v0;
	v2 =	vxor.u32 v62, v2  }
0x4c: {  	v62 =	vxor.u32 v41, v42;
	v41 =	vand.u32 v41, v42;
	v42 =	vxor.u32 v63, v56  }
0x4d: {  	v3 =	vxor.u32 v3, v51;
	v56 =	vxor.u32 v47, v48;
	v57 =	vand.u32 v61, v62  }
0x4e: {  	v39 =	vxor.u32 v61, v62;
	v61 =	vxor.u32 v45, v60;
	v60 =	vxor.u32 v0, v2  }
0x4f: {  	v0 =	vand.u32 v0, v2;
	v2 =	vxor.u32 v20, v3;
	v3 =	vand.u32 v20, v3  }
0x50: {  	v20 =	vand.u32 v56, v58;
	v59 =	vxor.u32 v57, v38;
	v62 =	vand.u32 v39, v42  }
0x51: {  	v38 =	vand.u32 v38, v41;
	v39 =	vxor.u32 v39, v42;
	v57 =	vand.u32 v47, v48  }
0x52: {  	v42 =	vxor.u32 v56, v58;
	v40 =	vxor.u32 v41, v59;
	v54 =	vxor.u32 v38, v43  }
0x53: {  	v38 =	vand.u32 v38, v43;
	v59 =	vand.u32 v49, v50;
	v20 =	vxor.u32 v20, v57  }
0x54: {  	v63 =	vxor.u32 v40, v61;
	v40 =	vand.u32 v40, v61;
	v61 =	vand.u32 v60, v2  }
0x55: {  	v20 =	vxor.u32 v59, v20;
	v2 =	vxor.u32 v60, v2;
	v44 =	vand.u32 v57, v59  }
0x56: {  	v52 =	vand.u32 v62, v63;
	v53 =	vxor.u32 v62, v63;
	v62 =	vxor.u32 v61, v0  }
0x57: {  	v63 =	vand.u32 v42, v2;
	v0 =	vand.u32 v0, v3;
	v2 =	vxor.u32 v42, v2  }
0x58: {  	v40 =	vor.u32 v40, v52;
	v45 =	vxor.u32 v3, v62;
	v2 =	vand.u32 v39, v2  }
0x59: {  	v55 =	vand.u32 v54, v40;
	v40 =	vxor.u32 v54, v40;
	v48 =	vxor.u32 v20, v45  }
0x5a: {  	v3 =	vand.u32 v20, v45;
	v20 =	vand.u32 v63, v48;
	v49 =	vxor.u32 v63, v48  }
0x5b: {  	v3 =	vor.u32 v3, v20;
	v20 =	vxor.u32 v44, v0;
	v0 =	vand.u32 v44, v0  }
0x5c: {  	s24 =	sshra.s32 s20, $0x2;
	v50 =	vand.u32 v20, v3;
	v3 =	vxor.u32 v20, v3;
	v20 =	vxor.u32 v53, v49  }
0x5d: {  	v52 =	vld [tilespmem:s24+$0x8270];
	v51 =	vand.u32 v53, v49;
	v2 =	vand.u32 v20, v2;
	v20 =	vor.u32 v38, v55  }
0x5e: {  	v53 =	vand.u32 v40, v3;
	v3 =	vxor.u32 v40, v3;
	v0 =	vor.u32 v0, v20  }
0x5f: {  	v2 =	vor.u32 v51, v2;
	v20 =	vadd.s32 v16, v28;
	v0 =	vor.u32 v50, v0  }
0x60: {  	v2 =	vand.u32 v3, v2;
	v0 =	vor.u32 v53, v0  }
0x61: {  	v0 =	vor.u32 v2, v0  }
0x62: {  	v22 =	vadd.s32 v16, v22;
	v0 =	vxor.u32 v52, v0  }
0x63: {  	[tilespmem:s21+$0xFFFFFFF0] =	vst v0  }
0x64: {  	v24 =	vadd.s32 v16, v24;
	v3 =	vld.idx.msk [tilespmem:v20+s11+$0x0], $0xffff  }
0x65: {  	v20 =	vld [tilespmem:$0x8090]  }
0x66: {  	v26 =	vadd.s32 v16, v26;
	v0 =	vadd.s32 v16, v23;
	v23 =	vld [tilespmem:$0x80B0]  }
0x67: {  	v22 =	vld.idx.msk [tilespmem:v22+s11+$0x0], $0xffff  }
0x68: {  	v27 =	vadd.s32 v16, v27;
	v54 =	vld [tilespmem:$0x80F0]  }
0x69: {  	v24 =	vld.idx.msk [tilespmem:v24+s11+$0x0], $0xffff  }
0x6a: {  	v29 =	vadd.s32 v16, v29;
	v55 =	vld [tilespmem:$0x8110]  }
0x6b: {  	v26 =	vld.idx.msk [tilespmem:v26+s11+$0x0], $0xffff  }
0x6c: {  	v30 =	vadd.s32 v16, v30;
	v56 =	vld [tilespmem:$0x8130]  }
0x6d: {  	v27 =	vld.idx.msk [tilespmem:v27+s11+$0x0], $0xffff  }
0x6e: {  	v31 =	vadd.s32 v16, v31;
	v57 =	vld [tilespmem:$0x8150]  }
0x6f: {  	v29 =	vld.idx.msk [tilespmem:v29+s11+$0x0], $0xffff  }
0x70: {  	v32 =	vadd.s32 v16, v32;
	v58 =	vld [tilespmem:$0x8170]  }
0x71: {  	v30 =	vld.idx.msk [tilespmem:v30+s11+$0x0], $0xffff  }
0x72: {  	v33 =	vadd.s32 v16, v33;
	v59 =	vld [tilespmem:$0x8190]  }
0x73: {  	v31 =	vld.idx.msk [tilespmem:v31+s11+$0x0], $0xffff  }
0x74: {  	v34 =	vadd.s32 v16, v34;
	v60 =	vld [tilespmem:$0x81B0]  }
0x75: {  	v32 =	vld.idx.msk [tilespmem:v32+s11+$0x0], $0xffff  }
0x76: {  	v35 =	vadd.s32 v16, v35;
	v61 =	vld [tilespmem:$0x81D0]  }
0x77: {  	v33 =	vld.idx.msk [tilespmem:v33+s11+$0x0], $0xffff  }
0x78: {  	v2 =	vadd.s32 v16, v25;
	v62 =	vld [tilespmem:$0x81F0]  }
0x79: {  	v36 =	vadd.s32 v16, v36;
	v34 =	vld.idx.msk [tilespmem:v34+s11+$0x0], $0xffff  }
0x7a: {  	v63 =	vld [tilespmem:$0x8210]  }
0x7b: {  	v35 =	vld.idx.msk [tilespmem:v35+s11+$0x0], $0xffff  }
0x7c: {  	v37 =	vadd.s32 v16, v37;
	v52 =	vld [tilespmem:$0x8230]  }
0x7d: {  	v2 =	vld.idx.msk [tilespmem:v2+s11+$0x0], $0xffff  }
0x7e: {  	v36 =	vld.idx.msk [tilespmem:v36+s11+$0x0], $0xffff  }
0x7f: {  	v53 =	vld [tilespmem:$0x8250]  }
0x80: {  	v25 =	vld [tilespmem:$0x80D0];
	v3 =	vxor.u32 v3, v20;
	v22 =	vxor.u32 v22, v54;
	v54 =	vxor.u32 v26, v56  }
0x81: {  	v37 =	vld.idx.msk [tilespmem:v37+s11+$0x0], $0xffff;
	v56 =	vxor.u32 v29, v58;
	v58 =	vxor.u32 v31, v60;
	v60 =	vxor.u32 v33, v62  }
0x82: {  	v0 =	vld.idx.msk [tilespmem:v0+s11+$0x0], $0xffff;
	v62 =	vxor.u32 v35, v52;
	v2 =	vxor.u32 v2, v23;
	v23 =	vxor.u32 v24, v55  }
0x83: {  	v20 =	vld [tilespmem:$0x8270];
	v55 =	vxor.u32 v27, v57;
	v57 =	vxor.u32 v30, v59;
	v59 =	vxor.u32 v32, v61  }
0x84: {  	v61 =	vxor.u32 v34, v63;
	v63 =	vxor.u32 v36, v53;
	v40 =	vxor.u32 v3, v2  }
0x85: {  	v2 =	vand.u32 v3, v2;
	v41 =	vxor.u32 v55, v56;
	v47 =	vxor.u32 v57, v58  }
0x86: {  	v48 =	vand.u32 v57, v58;
	v49 =	vxor.u32 v59, v60;
	v50 =	vand.u32 v59, v60  }
0x87: {  	v51 =	vxor.u32 v61, v62;
	v52 =	vand.u32 v61, v62;
	v0 =	vxor.u32 v0, v25  }
0x88: {  	v25 =	vand.u32 v55, v56;
	v26 =	vand.u32 v48, v50;
	v20 =	vxor.u32 v37, v20  }
0x89: {  	v3 =	vxor.u32 v0, v22;
	v0 =	vand.u32 v0, v22;
	v22 =	vxor.u32 v23, v54  }
0x8a: {  	v23 =	vand.u32 v23, v54;
	v54 =	vand.u32 v47, v49;
	v42 =	vxor.u32 v40, v3  }
0x8b: {  	v3 =	vand.u32 v40, v3;
	v43 =	vand.u32 v22, v41;
	v44 =	vand.u32 v2, v0  }
0x8c: {  	v53 =	vxor.u32 v63, v20;
	v20 =	vand.u32 v63, v20;
	v56 =	vxor.u32 v54, v48  }
0x8d: {  	v2 =	vxor.u32 v3, v2;
	v3 =	vxor.u32 v43, v23;
	v55 =	vand.u32 v51, v53  }
0x8e: {  	v27 =	vxor.u32 v50, v56;
	v29 =	vxor.u32 v51, v53;
	v0 =	vxor.u32 v0, v2  }
0x8f: {  	v2 =	vxor.u32 v22, v41;
	v3 =	vxor.u32 v25, v3;
	v22 =	vand.u32 v23, v25  }
0x90: {  	v25 =	vxor.u32 v47, v49;
	v57 =	vxor.u32 v55, v52;
	v23 =	vand.u32 v42, v2  }
0x91: {  	v45 =	vxor.u32 v0, v3;
	v2 =	vxor.u32 v42, v2;
	v0 =	vand.u32 v0, v3  }
0x92: {  	v58 =	vxor.u32 v20, v57;
	v20 =	vand.u32 v52, v20;
	v3 =	vand.u32 v23, v45  }
0x93: {  	v32 =	vxor.u32 v27, v58;
	v27 =	vand.u32 v27, v58;
	v60 =	vxor.u32 v26, v20  }
0x94: {  	v0 =	vor.u32 v0, v3;
	v3 =	vxor.u32 v23, v45;
	v23 =	vxor.u32 v44, v22  }
0x95: {  	v20 =	vand.u32 v26, v20;
	v22 =	vand.u32 v44, v22;
	v46 =	vand.u32 v23, v0  }
0x96: {  	v0 =	vxor.u32 v23, v0;
	v23 =	vand.u32 v25, v29;
	v25 =	vxor.u32 v25, v29  }
0x97: {  	v59 =	vand.u32 v23, v32;
	v23 =	vxor.u32 v23, v32;
	v2 =	vand.u32 v2, v25  }
0x98: {  	v22 =	vor.u32 v22, v46;
	v27 =	vor.u32 v27, v59;
	v62 =	vxor.u32 v3, v23  }
0x99: {  	v3 =	vand.u32 v3, v23;
	v23 =	vld [tilespmem:s24+$0x8280];
	v61 =	vand.u32 v60, v27;
	v2 =	vand.u32 v62, v2  }
0x9a: {  	v63 =	vxor.u32 v60, v27;
	v2 =	vor.u32 v3, v2;
	v3 =	vor.u32 v20, v22  }
0x9b: {  	v20 =	vand.u32 v0, v63;
	v0 =	vxor.u32 v0, v63;
	v3 =	vor.u32 v61, v3  }
0x9c: {  	v0 =	vand.u32 v0, v2;
	v2 =	vor.u32 v20, v3;
	v3 =	vmov s22  }
0x9d: {  	v0 =	vor.u32 v0, v2  }
0x9e: {  	v0 =	vxor.u32 v23, v0  }
0x9f: {  	v2 =	vperm.xlane v0, v15  }
0xa0: {  	[tilespmem:s21+$0x0] =	vst v0  }
0xa1: {  	[tilespmem:v3+s15+$0x0] =	vst.idx.msk $0x1, v2  }
0xa2: {  	v0 =	vld [tilespmem:s21+$0xFFFFFFEF]  }
0xa3: {  	v2 =	vld [tilespmem:s21+$0xFFFFFFF0];
	_ =	sdelay $0x3  }
0xa4: {  	v0 =	vshrl.u32 v0, $0x1  }
0xa5: {  	v3 =	vshll.u32 v2, $0x1;
	v20 =	vshrl.u32 v0, $0x1E  }
0xa6: {  	v22 =	vshrl.u32 v0, $0x1D;
	v3 =	vor.u32 v20, v3;
	v20 =	vshll.u32 v2, $0x2  }
0xa7: {  	v0 =	vshrl.u32 v0, $0x1C;
	v2 =	vshll.u32 v2, $0x3;
	[tilespmem:s24+$0x8F70] =	vst v3;
	v3 =	vor.u32 v22, v20  }
0xa8: {  	v0 =	vor.u32 v0, v2;
	[tilespmem:s24+$0x95F0] =	vst v3  }
0xa9: {  	[tilespmem:s24+$0x9C70] =	vst v0  }
0xaa: {  	v0 =	vld [tilespmem:s21+$0xFFFFFFFF]  }
0xab: {  	v2 =	vld [tilespmem:s21+$0x0];
	_ =	sdelay $0x3  }
0xac: {  	p0 =	sne.s32 s20, $0x18C0;
	v0 =	vshrl.u32 v0, $0x1  }
.Ltmp0:
0xad: {  	v3 =	vshll.u32 v2, $0x1;
	v20 =	vshrl.u32 v0, $0x1E;
	(pc) =	sbr.rel @p0 .LBB2_2-.Ltmp0, $4  }
0xae: {  	v22 =	vshrl.u32 v0, $0x1D;
	v3 =	vor.u32 v20, v3;
	v20 =	vshll.u32 v2, $0x2  }
0xaf: {  	v0 =	vshrl.u32 v0, $0x1C;
	v2 =	vshll.u32 v2, $0x3;
	[tilespmem:s24+$0x8F80] =	vst v3;
	v3 =	vor.u32 v22, v20  }
0xb0: {  	s23 =	sadd.s32 $0x10, s23;
	v0 =	vor.u32 v0, v2;
	[tilespmem:s24+$0x9600] =	vst v3  }
0xb1: {  	s20 =	sadd.s32 $0x80, s20;
	v39 =	vimm.s32 $0x2;
	v38 =	vimm.s32 $0x1;
	v36 =	vimm.s32 $0x5;
	s22 =	sadd.s32 $0x21, s22;
	s21 =	sadd.s32 $0x21, s21;
	[tilespmem:s24+$0x9C80] =	vst v0  }
0xb2: {  	s20 =	simm.s32 $0x0  }
0xb3: {  	v0 =	vld [tilespmem:s20+$0x9C80]  }
0xb4: {  	v2 =	vld [tilespmem:s20+$0x9620]  }
0xb5: {  	s21 =	simm.s32 $0x8964;
	v3 =	vld [tilespmem:s20+$0x8FC0]  }
0xb6: {  	v20 =	vld [tilespmem:s21+$0x0]  }
0xb7: {  	s29 =	simm.s32 $0x20  }
0xb8: {  	v22 =	vld [tilespmem:s29+$0x9C80]  }
0xb9: {  	v0 =	vxor.u32 v0, v2;
	v2 =	vld [tilespmem:s29+$0x9620]  }
0xba: {  	s30 =	simm.s32 $0x8985;
	v0 =	vxor.u32 v3, v0;
	v3 =	vld [tilespmem:s29+$0x8FC0]  }
0xbb: {  	v0 =	vxor.u32 v20, v0;
	v20 =	vld [tilespmem:s30+$0x0];
	_ =	sdelay $0x1  }
0xbc: {  	s31 =	simm.s32 $0x40;
	v29 =	vand.u32 v21, v0  }
0xbd: {  	v25 =	vld [tilespmem:s31+$0x9C80];
	v31 =	vand.u32 v21, v29;
	v2 =	vxor.u32 v22, v2  }
0xbe: {  	v32 =	vimm.s32 $0x0;
	v33 =	vld [tilespmem:s31+$0x9620];
	v24 =	vand.u32 v21, v31;
	v2 =	vxor.u32 v3, v2  }
0xbf: {  	v34 =	vld [tilespmem:s31+$0x8FC0];
	s20 =	simm.s32 $0x89A6;
	v27 =	vxor.u32 v21, v0;
	v22 =	vand.u32 v21, v24;
	v26 =	vxor.u32 v20, v2  }
0xc0: {  	v35 =	vld [tilespmem:s20+$0x0];
	v29 =	vxor.u32 v21, v29;
	v3 =	vand.u32 v21, v22;
	v28 =	vand.u32 v27, v26  }
0xc1: {  	s21 =	simm.s32 $0x180;
	v31 =	vxor.u32 v21, v31;
	v23 =	vxor.u32 v21, v3;
	v30 =	vand.u32 v29, v28  }
.LBB2_4:
0xc2: {  	s22 =	sshra.s32 s21, $0x2;
	v21 =	vxor.u32 v21, v24;
	v24 =	vand.u32 v31, v30;
	p0 =	sne.s32 s21, $0x1700  }
.Ltmp1:
0xc3: {  	s21 =	sadd.s32 $0x80, s21;
	v32 =	vxor.u32 v32, v22;
	v0 =	vxor.u32 v25, v33;
	v25 =	vld [tilespmem:s22+$0x9C80];
	v22 =	vand.u32 v21, v24;
	(pc) =	sbr.rel @p0 .LBB2_4-.Ltmp1, $4  }
0xc4: {  	v33 =	vld [tilespmem:s22+$0x9620];
	v0 =	vxor.u32 v34, v0;
	v2 =	vand.u32 v32, v22  }
0xc5: {  	s20 =	sadd.s32 $0x21, s20;
	v27 =	vxor.u32 v27, v26;
	v34 =	vld [tilespmem:s22+$0x8FC0];
	v26 =	vxor.u32 v35, v0;
	v23 =	vxor.u32 v23, v2  }
0xc6: {  	v29 =	vxor.u32 v29, v28;
	v35 =	vld [tilespmem:s20+$0x0];
	v28 =	vand.u32 v27, v26  }
0xc7: {  	v31 =	vxor.u32 v31, v30;
	v30 =	vand.u32 v29, v28  }
0xc8: {  	_ = 	snop  }
0xc9: {  	v0 =	vxor.u32 v25, v33  }
0xca: {  	v0 =	vxor.u32 v34, v0  }
0xcb: {  	v2 =	vand.u32 v31, v30;
	v3 =	vxor.u32 v27, v26;
	v0 =	vxor.u32 v35, v0  }
0xcc: {  	v20 =	vxor.u32 v21, v24;
	v0 =	vand.u32 v3, v0;
	v3 =	vxor.u32 v29, v28  }
0xcd: {  	v22 =	vxor.u32 v32, v22;
	v0 =	vand.u32 v3, v0;
	v3 =	vxor.u32 v31, v30  }
0xce: {  	v21 =	vand.u32 v20, v2;
	v2 =	vxor.u32 v20, v2;
	v0 =	vand.u32 v3, v0  }
0xcf: {  	v3 =	vand.u32 v22, v21;
	v21 =	vxor.u32 v22, v21;
	v20 =	vand.u32 v2, v0  }
0xd0: {  	v3 =	vxor.u32 v23, v3;
	v0 =	vxor.u32 v2, v0;
	v20 =	vand.u32 v21, v20  }
0xd1: {  	v0 =	vand.u32 v0, v21;
	v2 =	vxor.u32 v3, v20  }
0xd2: {  	v21 =	vimm.s32 $0x0;
	v0 =	vor.u32 v0, v2  }
0xd3: {  	v2 =	vperm.xlane v0, v21  }
0xd4: {  	v20 =	vperm.xlane v0, v38  }
0xd5: {  	v24 =	vperm.xlane v0, v4;
	v3 =	vand.u32 v17, v2  }
0xd6: {  	v2 =	vand.u32 v19, v2;
	v22 =	vand.u32 v17, v20;
	v20 =	vand.u32 v19, v20  }
0xd7: {  	vm0 =	veq.s32 v3, $0x0;
	vm10 =	veq.s32 v2, $0x0;
	vm1 =	veq.s32 v22, $0x0  }
0xd8: {  	v2 =	vperm.xlane v0, v39;
	vm11 =	veq.s32 v20, $0x0;
	v3 =	vsel vm0, $0x3F800000, v18  }
0xd9: {  	v22 =	vsel vm10, $0x3F800000, v18;
	v23 =	vsel vm1, $0x3F800000, v18;
	v25 =	vsel vm11, $0x3F800000, v18  }
0xda: {  	v20 =	vand.u32 v17, v2;
	v2 =	vand.u32 v19, v2;
	[tilespmem:$0xA310] =	vst v22;
	v22 =	vand.u32 v19, v24  }
0xdb: {  	vm12 =	veq.s32 v20, $0x0;
	vm13 =	veq.s32 v2, $0x0;
	v2 =	vand.u32 v17, v24  }
0xdc: {  	v20 =	vperm.xlane v0, v5;
	vm15 =	veq.s32 v22, $0x0;
	v22 =	vperm.xlane v0, v36  }
0xdd: {  	[tilespmem:$0xA300] =	vst v3;
	v3 =	vsel vm12, $0x3F800000, v18;
	v26 =	vsel vm13, $0x3F800000, v18;
	vm14 =	veq.s32 v2, $0x0  }
0xde: {  	[tilespmem:$0xA320] =	vst v23;
	v23 =	vsel vm15, $0x3F800000, v18;
	v2 =	vsel vm14, $0x3F800000, v18;
	v24 =	vand.u32 v17, v20  }
0xdf: {  	v20 =	vand.u32 v19, v20;
	[tilespmem:$0xA340] =	vst v3;
	v3 =	vand.u32 v17, v22;
	vm4 =	veq.s32 v24, $0x0  }
0xe0: {  	[tilespmem:$0xA330] =	vst v25;
	vm5 =	veq.s32 v20, $0x0;
	v20 =	vperm.xlane v0, v6;
	vm6 =	veq.s32 v3, $0x0  }
0xe1: {  	[tilespmem:$0xA350] =	vst v26;
	v3 =	vand.u32 v19, v22;
	v24 =	vsel vm4, $0x3F800000, v18;
	v25 =	vsel vm5, $0x3F800000, v18  }
0xe2: {  	[tilespmem:$0xA370] =	vst v23;
	vm7 =	veq.s32 v3, $0x0;
	v3 =	vperm.xlane v0, v7;
	v22 =	vsel vm6, $0x3F800000, v18  }
0xe3: {  	[tilespmem:$0xA360] =	vst v2;
	v2 =	vand.u32 v17, v20;
	v23 =	vsel vm7, $0x3F800000, v18;
	v20 =	vand.u32 v19, v20  }
0xe4: {  	[tilespmem:$0xA380] =	vst v24;
	vm8 =	veq.s32 v2, $0x0;
	v24 =	vand.u32 v17, v3;
	vm9 =	veq.s32 v20, $0x0  }
0xe5: {  	v20 =	vperm.xlane v0, v8;
	v3 =	vand.u32 v19, v3;
	[tilespmem:$0xA3B0] =	vst v23;
	v23 =	vperm.xlane v0, v9  }
0xe6: {  	[tilespmem:$0xA3A0] =	vst v22;
	v2 =	vsel vm8, $0x3F800000, v18;
	vm10 =	veq.s32 v24, $0x0;
	v22 =	vsel vm9, $0x3F800000, v18  }
0xe7: {  	[tilespmem:$0xA390] =	vst v25;
	vm11 =	veq.s32 v3, $0x0;
	v24 =	vsel vm10, $0x3F800000, v18;
	v3 =	vand.u32 v17, v20  }
0xe8: {  	[tilespmem:$0xA3C0] =	vst v2;
	v2 =	vsel vm11, $0x3F800000, v18;
	vm12 =	veq.s32 v3, $0x0;
	v3 =	vand.u32 v19, v20  }
0xe9: {  	[tilespmem:$0xA3D0] =	vst v22;
	v20 =	vperm.xlane v0, v10;
	vm13 =	veq.s32 v3, $0x0;
	v3 =	vand.u32 v17, v23  }
0xea: {  	[tilespmem:$0xA3E0] =	vst v24;
	v22 =	vsel vm12, $0x3F800000, v18;
	v24 =	vsel vm13, $0x3F800000, v18;
	vm14 =	veq.s32 v3, $0x0  }
0xeb: {  	[tilespmem:$0xA3F0] =	vst v2;
	v3 =	vand.u32 v19, v23;
	v23 =	vand.u32 v17, v20;
	v20 =	vand.u32 v19, v20  }
0xec: {  	[tilespmem:$0xA400] =	vst v22;
	v2 =	vsel vm14, $0x3F800000, v18;
	vm15 =	veq.s32 v3, $0x0;
	v3 =	vperm.xlane v0, v11  }
0xed: {  	vm4 =	veq.s32 v23, $0x0;
	[tilespmem:$0xA410] =	vst v24;
	vm5 =	veq.s32 v20, $0x0;
	v20 =	vperm.xlane v0, v12  }
0xee: {  	v22 =	vsel vm15, $0x3F800000, v18;
	v23 =	vsel vm4, $0x3F800000, v18;
	[tilespmem:$0xA420] =	vst v2;
	v2 =	vand.u32 v17, v3  }
0xef: {  	[tilespmem:$0xA430] =	vst v22;
	v22 =	vsel vm5, $0x3F800000, v18;
	vm6 =	veq.s32 v2, $0x0;
	v2 =	vand.u32 v19, v3  }
0xf0: {  	[tilespmem:$0xA440] =	vst v23;
	v3 =	vperm.xlane v0, v13;
	vm7 =	veq.s32 v2, $0x0;
	v2 =	vand.u32 v17, v20  }
0xf1: {  	[tilespmem:$0xA450] =	vst v22;
	v22 =	vsel vm6, $0x3F800000, v18;
	v20 =	vand.u32 v19, v20;
	v23 =	vsel vm7, $0x3F800000, v18  }
0xf2: {  	vm8 =	veq.s32 v2, $0x0;
	[tilespmem:$0xA460] =	vst v22;
	v22 =	vand.u32 v17, v3;
	vm9 =	veq.s32 v20, $0x0  }
0xf3: {  	v20 =	vperm.xlane v0, v14;
	v3 =	vand.u32 v19, v3;
	v2 =	vsel vm8, $0x3F800000, v18;
	[tilespmem:$0xA470] =	vst v23  }
0xf4: {  	v0 =	vperm.xlane v0, v15;
	vm10 =	veq.s32 v22, $0x0;
	v22 =	vsel vm9, $0x3F800000, v18;
	[tilespmem:$0xA480] =	vst v2  }
0xf5: {  	vm11 =	veq.s32 v3, $0x0;
	v2 =	vsel vm10, $0x3F800000, v18;
	[tilespmem:$0xA490] =	vst v22;
	v3 =	vand.u32 v17, v20  }
0xf6: {  	[tilespmem:$0xA4A0] =	vst v2;
	v2 =	vsel vm11, $0x3F800000, v18;
	vm12 =	veq.s32 v3, $0x0;
	v3 =	vand.u32 v19, v20  }
0xf7: {  	[tilespmem:$0xA4B0] =	vst v2;
	v2 =	vsel vm12, $0x3F800000, v18;
	vm13 =	veq.s32 v3, $0x0;
	v3 =	vand.u32 v17, v0  }
0xf8: {  	v0 =	vand.u32 v19, v0;
	[tilespmem:$0xA4C0] =	vst v2;
	v2 =	vsel vm13, $0x3F800000, v18;
	vm14 =	veq.s32 v3, $0x0  }
0xf9: {  	vm15 =	veq.s32 v0, $0x0;
	[tilespmem:$0xA4D0] =	vst v2;
	v2 =	vsel vm14, $0x3F800000, v18  }
0xfa: {  	v0 =	vsel vm15, $0x3F800000, v18;
	[tilespmem:$0xA4E0] =	vst v2  }
0xfb: {  	s20 =	simm.s32 $0x0;
	[tilespmem:$0xA4F0] =	vst v0  }
0xfc: {  	v0 =	vld [tilespmem:s20+$0x9C90]  }
0xfd: {  	v2 =	vld [tilespmem:s20+$0x9630]  }
0xfe: {  	s21 =	simm.s32 $0x8974;
	v3 =	vld [tilespmem:s20+$0x8FD0]  }
0xff: {  	v20 =	vld [tilespmem:s21+$0x0]  }
0x100: {  	s29 =	simm.s32 $0x20  }
0x101: {  	v22 =	vld [tilespmem:s29+$0x9C90]  }
0x102: {  	v0 =	vxor.u32 v0, v2;
	v2 =	vld [tilespmem:s29+$0x9630]  }
0x103: {  	s30 =	simm.s32 $0x8995;
	v0 =	vxor.u32 v3, v0;
	v3 =	vld [tilespmem:s29+$0x8FD0]  }
0x104: {  	v0 =	vxor.u32 v20, v0;
	v20 =	vld [tilespmem:s30+$0x0];
	_ =	sdelay $0x1  }
0x105: {  	s31 =	simm.s32 $0x40;
	v29 =	vand.u32 v21, v0  }
0x106: {  	v25 =	vld [tilespmem:s31+$0x9C90];
	v31 =	vand.u32 v21, v29;
	v2 =	vxor.u32 v22, v2  }
0x107: {  	v32 =	vimm.s32 $0x0;
	v33 =	vld [tilespmem:s31+$0x9630];
	v24 =	vand.u32 v21, v31;
	v2 =	vxor.u32 v3, v2  }
0x108: {  	v34 =	vld [tilespmem:s31+$0x8FD0];
	s20 =	simm.s32 $0x89B6;
	v27 =	vxor.u32 v21, v0;
	v22 =	vand.u32 v21, v24;
	v26 =	vxor.u32 v20, v2  }
0x109: {  	v35 =	vld [tilespmem:s20+$0x0];
	v29 =	vxor.u32 v21, v29;
	v3 =	vand.u32 v21, v22;
	v28 =	vand.u32 v27, v26  }
0x10a: {  	s21 =	simm.s32 $0x180;
	v31 =	vxor.u32 v21, v31;
	v23 =	vxor.u32 v21, v3;
	v30 =	vand.u32 v29, v28  }
.LBB2_6:
0x10b: {  	s22 =	sshra.s32 s21, $0x2;
	v21 =	vxor.u32 v21, v24;
	v24 =	vand.u32 v31, v30;
	p0 =	sne.s32 s21, $0x1700  }
.Ltmp2:
0x10c: {  	s21 =	sadd.s32 $0x80, s21;
	v32 =	vxor.u32 v32, v22;
	v0 =	vxor.u32 v25, v33;
	v25 =	vld [tilespmem:s22+$0x9C90];
	v22 =	vand.u32 v21, v24;
	(pc) =	sbr.rel @p0 .LBB2_6-.Ltmp2, $4  }
0x10d: {  	v33 =	vld [tilespmem:s22+$0x9630];
	v0 =	vxor.u32 v34, v0;
	v2 =	vand.u32 v32, v22  }
0x10e: {  	s20 =	sadd.s32 $0x21, s20;
	v27 =	vxor.u32 v27, v26;
	v34 =	vld [tilespmem:s22+$0x8FD0];
	v26 =	vxor.u32 v35, v0;
	v23 =	vxor.u32 v23, v2  }
0x10f: {  	v29 =	vxor.u32 v29, v28;
	v35 =	vld [tilespmem:s20+$0x0];
	v28 =	vand.u32 v27, v26  }
0x110: {  	v31 =	vxor.u32 v31, v30;
	v30 =	vand.u32 v29, v28  }
0x111: {  	_ = 	snop  }
0x112: {  	v0 =	vxor.u32 v25, v33  }
0x113: {  	v0 =	vxor.u32 v34, v0  }
0x114: {  	v2 =	vand.u32 v31, v30;
	v3 =	vxor.u32 v27, v26;
	v0 =	vxor.u32 v35, v0  }
0x115: {  	v20 =	vxor.u32 v21, v24;
	v0 =	vand.u32 v3, v0;
	v3 =	vxor.u32 v29, v28  }
0x116: {  	v22 =	vxor.u32 v32, v22;
	v0 =	vand.u32 v3, v0;
	v3 =	vxor.u32 v31, v30  }
0x117: {  	v21 =	vand.u32 v20, v2;
	v2 =	vxor.u32 v20, v2;
	v0 =	vand.u32 v3, v0  }
0x118: {  	v3 =	vand.u32 v22, v21;
	v21 =	vxor.u32 v22, v21;
	v20 =	vand.u32 v2, v0  }
0x119: {  	v3 =	vxor.u32 v23, v3;
	v0 =	vxor.u32 v2, v0;
	v20 =	vand.u32 v21, v20  }
0x11a: {  	v0 =	vand.u32 v0, v21;
	v2 =	vxor.u32 v3, v20  }
0x11b: {  	v0 =	vor.u32 v0, v2;
	v2 =	vimm.s32 $0x0  }
0x11c: {  	v2 =	vperm.xlane v0, v2;
	v20 =	vperm.xlane v0, v38  }
0x11d: {  	v42 =	vperm.xlane v0, v4;
	v47 =	vperm.xlane v0, v36  }
0x11e: {  	v54 =	vperm.xlane v0, v9;
	v3 =	vand.u32 v17, v2;
	v2 =	vand.u32 v19, v2  }
0x11f: {  	v37 =	vand.u32 v17, v20;
	v20 =	vand.u32 v19, v20;
	v45 =	vand.u32 v19, v42  }
0x120: {  	vm0 =	veq.s32 v3, $0x0;
	vm10 =	veq.s32 v2, $0x0;
	vm1 =	veq.s32 v37, $0x0  }
0x121: {  	v2 =	vperm.xlane v0, v39;
	vm11 =	veq.s32 v20, $0x0;
	vm15 =	veq.s32 v45, $0x0  }
0x122: {  	v3 =	vsel vm0, $0x3F800000, v18;
	v40 =	vsel vm10, $0x3F800000, v18;
	v41 =	vsel vm1, $0x3F800000, v18  }
0x123: {  	v43 =	vsel vm11, $0x3F800000, v18;
	v20 =	vand.u32 v17, v2;
	v2 =	vand.u32 v19, v2  }
0x124: {  	v48 =	vsel vm15, $0x3F800000, v18;
	[tilespmem:$0xA500] =	vst v3;
	vm13 =	veq.s32 v2, $0x0;
	v2 =	vand.u32 v17, v42  }
0x125: {  	[tilespmem:$0xA510] =	vst v40;
	vm12 =	veq.s32 v20, $0x0;
	v20 =	vperm.xlane v0, v5;
	vm14 =	veq.s32 v2, $0x0  }
0x126: {  	[tilespmem:$0xA520] =	vst v41;
	v3 =	vsel vm12, $0x3F800000, v18;
	v44 =	vsel vm13, $0x3F800000, v18;
	v2 =	vsel vm14, $0x3F800000, v18  }
0x127: {  	v46 =	vand.u32 v17, v20;
	v20 =	vand.u32 v19, v20;
	[tilespmem:$0xA540] =	vst v3;
	v3 =	vand.u32 v17, v47  }
0x128: {  	[tilespmem:$0xA530] =	vst v43;
	vm4 =	veq.s32 v46, $0x0;
	vm5 =	veq.s32 v20, $0x0;
	v20 =	vperm.xlane v0, v6  }
0x129: {  	[tilespmem:$0xA570] =	vst v48;
	vm6 =	veq.s32 v3, $0x0;
	v3 =	vand.u32 v19, v47;
	v23 =	vsel vm4, $0x3F800000, v18  }
0x12a: {  	[tilespmem:$0xA550] =	vst v44;
	v49 =	vsel vm5, $0x3F800000, v18;
	vm7 =	veq.s32 v3, $0x0;
	v3 =	vperm.xlane v0, v7  }
0x12b: {  	[tilespmem:$0xA560] =	vst v2;
	v50 =	vsel vm6, $0x3F800000, v18;
	v2 =	vand.u32 v17, v20;
	v51 =	vsel vm7, $0x3F800000, v18  }
0x12c: {  	[tilespmem:$0xA580] =	vst v23;
	v20 =	vand.u32 v19, v20;
	vm8 =	veq.s32 v2, $0x0;
	v52 =	vand.u32 v17, v3  }
0x12d: {  	[tilespmem:$0xA590] =	vst v49;
	vm9 =	veq.s32 v20, $0x0;
	v20 =	vperm.xlane v0, v8;
	v3 =	vand.u32 v19, v3  }
0x12e: {  	[tilespmem:$0xA5A0] =	vst v50;
	v2 =	vsel vm8, $0x3F800000, v18;
	vm10 =	veq.s32 v52, $0x0;
	v53 =	vsel vm9, $0x3F800000, v18  }
0x12f: {  	[tilespmem:$0xA5B0] =	vst v51;
	vm11 =	veq.s32 v3, $0x0;
	v23 =	vsel vm10, $0x3F800000, v18;
	v3 =	vand.u32 v17, v20  }
0x130: {  	[tilespmem:$0xA5C0] =	vst v2;
	v2 =	vsel vm11, $0x3F800000, v18;
	vm12 =	veq.s32 v3, $0x0;
	v3 =	vand.u32 v19, v20  }
0x131: {  	[tilespmem:$0xA5D0] =	vst v53;
	v20 =	vperm.xlane v0, v10;
	vm13 =	veq.s32 v3, $0x0;
	v3 =	vand.u32 v17, v54  }
0x132: {  	[tilespmem:$0xA5E0] =	vst v23;
	v55 =	vsel vm12, $0x3F800000, v18;
	v56 =	vsel vm13, $0x3F800000, v18;
	vm14 =	veq.s32 v3, $0x0  }
0x133: {  	[tilespmem:$0xA5F0] =	vst v2;
	v3 =	vand.u32 v19, v54;
	v57 =	vand.u32 v17, v20;
	v20 =	vand.u32 v19, v20  }
0x134: {  	[tilespmem:$0xA600] =	vst v55;
	v2 =	vsel vm14, $0x3F800000, v18;
	vm15 =	veq.s32 v3, $0x0;
	v3 =	vperm.xlane v0, v11  }
0x135: {  	vm4 =	veq.s32 v57, $0x0;
	[tilespmem:$0xA610] =	vst v56;
	vm5 =	veq.s32 v20, $0x0;
	v20 =	vperm.xlane v0, v12  }
0x136: {  	v58 =	vsel vm15, $0x3F800000, v18;
	v22 =	vsel vm4, $0x3F800000, v18;
	[tilespmem:$0xA620] =	vst v2;
	v2 =	vand.u32 v17, v3  }
0x137: {  	v59 =	vsel vm5, $0x3F800000, v18;
	[tilespmem:$0xA630] =	vst v58;
	vm6 =	veq.s32 v2, $0x0;
	v2 =	vand.u32 v19, v3  }
0x138: {  	[tilespmem:$0xA640] =	vst v22;
	v3 =	vperm.xlane v0, v13;
	vm7 =	veq.s32 v2, $0x0;
	v2 =	vand.u32 v17, v20  }
0x139: {  	[tilespmem:$0xA650] =	vst v59;
	v60 =	vsel vm6, $0x3F800000, v18;
	v20 =	vand.u32 v19, v20;
	v61 =	vsel vm7, $0x3F800000, v18  }
0x13a: {  	vm8 =	veq.s32 v2, $0x0;
	[tilespmem:$0xA660] =	vst v60;
	v62 =	vand.u32 v17, v3;
	vm9 =	veq.s32 v20, $0x0  }
0x13b: {  	v20 =	vperm.xlane v0, v14;
	v3 =	vand.u32 v19, v3;
	v2 =	vsel vm8, $0x3F800000, v18;
	[tilespmem:$0xA670] =	vst v61  }
0x13c: {  	v0 =	vperm.xlane v0, v15;
	vm10 =	veq.s32 v62, $0x0;
	v63 =	vsel vm9, $0x3F800000, v18;
	[tilespmem:$0xA680] =	vst v2  }
0x13d: {  	vm11 =	veq.s32 v3, $0x0;
	v2 =	vsel vm10, $0x3F800000, v18;
	[tilespmem:$0xA690] =	vst v63;
	v3 =	vand.u32 v17, v20  }
0x13e: {  	[tilespmem:$0xA6A0] =	vst v2;
	v2 =	vsel vm11, $0x3F800000, v18;
	vm12 =	veq.s32 v3, $0x0;
	v3 =	vand.u32 v19, v20  }
0x13f: {  	[tilespmem:$0xA6B0] =	vst v2;
	v2 =	vsel vm12, $0x3F800000, v18;
	vm13 =	veq.s32 v3, $0x0;
	v3 =	vand.u32 v17, v0  }
0x140: {  	v0 =	vand.u32 v19, v0;
	[tilespmem:$0xA6C0] =	vst v2;
	v2 =	vsel vm13, $0x3F800000, v18;
	vm14 =	veq.s32 v3, $0x0  }
0x141: {  	vm15 =	veq.s32 v0, $0x0;
	[tilespmem:$0xA6D0] =	vst v2;
	v2 =	vsel vm14, $0x3F800000, v18  }
0x142: {  	v0 =	vsel vm15, $0x3F800000, v18;
	[tilespmem:$0xA6E0] =	vst v2  }
0x143: {  	[tilespmem:$0xA6F0] =	vst v0  }
0x144: {  	[hbm4b:s7+s16] =	stream.strided.scatter [tilespmem:s18], [sflag:$0x1], $0x400, s17, s16, $0x38;
	[tilespmem:$0xA700] =	vst v63  }
0x145: {  	_ =	swait.ge [sflag:s12], $0x400  }
0x146: {  	[sflag:s12] =	ssyncset.done $0x0  }
0x147: {  	s20 =	simm.s32 $0x0;
	[sflag:s12] =	ssyncadd.s32 $0xFFFFFC00  }
0x148: {  	[tilespmem:s20], [sflag:$0x1] =	stream.linear.gather [hbm4b:s8+s20], $0x320, $0x38;
	[tilespmem:$0xA700] =	vst v63  }
0x149: {  	_ =	swait.ge [sflag:s12], $0x320  }
0x14a: {  	s21 =	simm.s32 $0x40;
	[sflag:s12] =	ssyncset.done $0x0  }
0x14b: {  	s22 =	simm.s32 $0x8911;
	s23 =	simm.s32 $0x0;
	[sflag:s12] =	ssyncadd.s32 $0xFFFFFCE0  }
.LBB2_8:
0x14c: {  	v0 =	vld [tilespmem:s23+$0x0]  }
0x14d: {  	v40 =	vld [tilespmem:$0x80C0]  }
0x14e: {  	v42 =	vld [tilespmem:$0x80E0]  }
0x14f: {  	v44 =	vld [tilespmem:$0x8100]  }
0x150: {  	v46 =	vld [tilespmem:$0x8120]  }
0x151: {  	v48 =	vld [tilespmem:$0x8140];
	v0 =	vshll.u32 v0, $0x5  }
0x152: {  	v50 =	vld [tilespmem:$0x8160];
	v22 =	vperm.xlane v0, v4  }
0x153: {  	v52 =	vld [tilespmem:$0x8180];
	v24 =	vperm.xlane v0, v5  }
0x154: {  	v54 =	vld [tilespmem:$0x81A0];
	v26 =	vperm.xlane v0, v36;
	v29 =	vadd.s32 v1, v22  }
0x155: {  	v21 =	vimm.s32 $0x0;
	v57 =	vld [tilespmem:$0x81C0];
	v30 =	vadd.s32 v1, v24  }
0x156: {  	v62 =	vld [tilespmem:$0x8200];
	v28 =	vperm.xlane v0, v21;
	v31 =	vadd.s32 v1, v26  }
0x157: {  	v63 =	vld [tilespmem:$0x8220];
	v27 =	vperm.xlane v0, v6  }
0x158: {  	v25 =	vperm.xlane v0, v38;
	v38 =	vld [tilespmem:$0x8080];
	v2 =	vadd.s32 v1, v28  }
0x159: {  	v32 =	vadd.s32 v1, v27;
	v41 =	vld.idx.msk [tilespmem:v29+s11+$0x0], $0xffff;
	v29 =	vperm.xlane v0, v7  }
0x15a: {  	v3 =	vadd.s32 v1, v25;
	v43 =	vld.idx.msk [tilespmem:v30+s11+$0x0], $0xffff;
	v30 =	vperm.xlane v0, v8  }
0x15b: {  	v45 =	vld.idx.msk [tilespmem:v31+s11+$0x0], $0xffff;
	v31 =	vperm.xlane v0, v9;
	v33 =	vadd.s32 v1, v29  }
0x15c: {  	v23 =	vperm.xlane v0, v39;
	v39 =	vld [tilespmem:$0x80A0];
	v34 =	vadd.s32 v1, v30  }
0x15d: {  	v2 =	vld.idx.msk [tilespmem:v2+s11+$0x0], $0xffff;
	v35 =	vadd.s32 v1, v31  }
0x15e: {  	v20 =	vadd.s32 v1, v23;
	v47 =	vld.idx.msk [tilespmem:v32+s11+$0x0], $0xffff;
	v32 =	vperm.xlane v0, v10  }
0x15f: {  	v3 =	vld.idx.msk [tilespmem:v3+s11+$0x0], $0xffff  }
0x160: {  	v60 =	vadd.s32 v1, v32;
	v49 =	vld.idx.msk [tilespmem:v33+s11+$0x0], $0xffff;
	v33 =	vperm.xlane v0, v11  }
0x161: {  	v51 =	vld.idx.msk [tilespmem:v34+s11+$0x0], $0xffff;
	v34 =	vperm.xlane v0, v12  }
0x162: {  	v53 =	vld.idx.msk [tilespmem:v35+s11+$0x0], $0xffff;
	v35 =	vperm.xlane v0, v13;
	v37 =	vadd.s32 v1, v33  }
0x163: {  	v36 =	vperm.xlane v0, v14;
	v20 =	vld.idx.msk [tilespmem:v20+s11+$0x0], $0xffff;
	v55 =	vadd.s32 v1, v34  }
0x164: {  	v2 =	vxor.u32 v2, v38;
	v38 =	vld [tilespmem:$0x8240];
	v58 =	vadd.s32 v1, v35  }
0x165: {  	v61 =	vadd.s32 v1, v36;
	v56 =	vld.idx.msk [tilespmem:v60+s11+$0x0], $0xffff  }
0x166: {  	v60 =	vld [tilespmem:$0x81E0]  }
0x167: {  	v59 =	vld.idx.msk [tilespmem:v37+s11+$0x0], $0xffff  }
0x168: {  	v3 =	vxor.u32 v3, v39;
	v20 =	vxor.u32 v20, v40;
	v55 =	vld.idx.msk [tilespmem:v55+s11+$0x0], $0xffff  }
0x169: {  	v39 =	vxor.u32 v41, v42;
	v40 =	vxor.u32 v43, v44;
	v58 =	vld.idx.msk [tilespmem:v58+s11+$0x0], $0xffff;
	v37 =	vperm.xlane v0, v15  }
0x16a: {  	v41 =	vxor.u32 v45, v46;
	v42 =	vxor.u32 v47, v48;
	v43 =	vxor.u32 v49, v50;
	v0 =	vld.idx.msk [tilespmem:v61+s11+$0x0], $0xffff  }
0x16b: {  	v44 =	vxor.u32 v51, v52;
	v45 =	vxor.u32 v53, v54;
	v61 =	vadd.s32 v1, v37  }
0x16c: {  	v46 =	vxor.u32 v56, v57;
	v56 =	vxor.u32 v42, v43;
	v42 =	vand.u32 v42, v43  }
0x16d: {  	v52 =	vxor.u32 v44, v45;
	v53 =	vand.u32 v44, v45;
	v47 =	vxor.u32 v59, v60  }
0x16e: {  	v48 =	vxor.u32 v55, v62;
	v49 =	vxor.u32 v58, v63;
	v63 =	vxor.u32 v40, v41  }
0x16f: {  	v0 =	vxor.u32 v0, v38;
	v40 =	vand.u32 v40, v41;
	v58 =	vand.u32 v63, v56  }
0x170: {  	v54 =	vxor.u32 v46, v47;
	v55 =	vand.u32 v46, v47;
	v38 =	vld.idx.msk [tilespmem:v61+s11+$0x0], $0xffff;
	v61 =	vxor.u32 v2, v3  }
0x171: {  	v2 =	vand.u32 v2, v3;
	v3 =	vxor.u32 v20, v39;
	v20 =	vand.u32 v20, v39  }
0x172: {  	v59 =	vxor.u32 v58, v40;
	v39 =	vxor.u32 v63, v56;
	v40 =	vand.u32 v40, v42  }
0x173: {  	v62 =	vld [tilespmem:$0x8260];
	v56 =	vxor.u32 v48, v49;
	v41 =	vxor.u32 v52, v54;
	v57 =	vand.u32 v61, v3  }
0x174: {  	v3 =	vxor.u32 v61, v3;
	v60 =	vxor.u32 v42, v59;
	v59 =	vand.u32 v52, v54  }
0x175: {  	v42 =	vand.u32 v53, v55;
	v43 =	vxor.u32 v57, v2;
	v61 =	vand.u32 v3, v39  }
0x176: {  	v2 =	vand.u32 v2, v20;
	v3 =	vxor.u32 v3, v39;
	v57 =	vand.u32 v48, v49  }
0x177: {  	v43 =	vxor.u32 v20, v43;
	v51 =	vxor.u32 v2, v40;
	v2 =	vand.u32 v2, v40  }
0x178: {  	v20 =	vand.u32 v43, v60;
	v38 =	vxor.u32 v38, v62;
	v62 =	vxor.u32 v43, v60  }
0x179: {  	v63 =	vand.u32 v61, v62;
	v39 =	vxor.u32 v61, v62;
	v58 =	vxor.u32 v0, v38  }
0x17a: {  	v0 =	vand.u32 v0, v38;
	v38 =	vxor.u32 v59, v53;
	v20 =	vor.u32 v20, v63  }
0x17b: {  	v60 =	vand.u32 v56, v58;
	v38 =	vxor.u32 v55, v38;
	v45 =	vxor.u32 v56, v58  }
0x17c: {  	v40 =	vand.u32 v51, v20;
	v20 =	vxor.u32 v51, v20;
	v61 =	vxor.u32 v60, v57  }
0x17d: {  	v62 =	vand.u32 v41, v45;
	v41 =	vxor.u32 v41, v45;
	v43 =	vxor.u32 v0, v61  }
0x17e: {  	v0 =	vand.u32 v57, v0;
	v3 =	vand.u32 v3, v41;
	v2 =	vor.u32 v2, v40  }
0x17f: {  	v63 =	vxor.u32 v38, v43;
	v38 =	vand.u32 v38, v43;
	v49 =	vxor.u32 v42, v0  }
0x180: {  	v0 =	vand.u32 v42, v0;
	v48 =	vand.u32 v62, v63;
	v44 =	vxor.u32 v62, v63  }
0x181: {  	s24 =	sshra.s32 s21, $0x2;
	v38 =	vor.u32 v38, v48;
	v51 =	vxor.u32 v39, v44;
	v39 =	vand.u32 v39, v44  }
0x182: {  	v52 =	vld [tilespmem:s24+$0x8270];
	v50 =	vand.u32 v49, v38;
	v38 =	vxor.u32 v49, v38;
	v3 =	vand.u32 v51, v3  }
0x183: {  	v0 =	vor.u32 v0, v2;
	v3 =	vor.u32 v39, v3;
	v53 =	vand.u32 v20, v38  }
0x184: {  	v2 =	vxor.u32 v20, v38;
	v0 =	vor.u32 v50, v0;
	v20 =	vadd.s32 v16, v28  }
0x185: {  	v2 =	vand.u32 v2, v3;
	v0 =	vor.u32 v53, v0  }
0x186: {  	v0 =	vor.u32 v2, v0  }
0x187: {  	v22 =	vadd.s32 v16, v22;
	v0 =	vxor.u32 v52, v0  }
0x188: {  	[tilespmem:s22+$0xFFFFFFF0] =	vst v0  }
0x189: {  	v24 =	vadd.s32 v16, v24;
	v3 =	vld.idx.msk [tilespmem:v20+s11+$0x0], $0xffff  }
0x18a: {  	v20 =	vld [tilespmem:$0x8090]  }
0x18b: {  	v26 =	vadd.s32 v16, v26;
	v0 =	vadd.s32 v16, v23;
	v23 =	vld [tilespmem:$0x80B0]  }
0x18c: {  	v22 =	vld.idx.msk [tilespmem:v22+s11+$0x0], $0xffff  }
0x18d: {  	v27 =	vadd.s32 v16, v27;
	v54 =	vld [tilespmem:$0x80F0]  }
0x18e: {  	v24 =	vld.idx.msk [tilespmem:v24+s11+$0x0], $0xffff  }
0x18f: {  	v29 =	vadd.s32 v16, v29;
	v55 =	vld [tilespmem:$0x8110]  }
0x190: {  	v26 =	vld.idx.msk [tilespmem:v26+s11+$0x0], $0xffff  }
0x191: {  	v30 =	vadd.s32 v16, v30;
	v56 =	vld [tilespmem:$0x8130]  }
0x192: {  	v27 =	vld.idx.msk [tilespmem:v27+s11+$0x0], $0xffff  }
0x193: {  	v31 =	vadd.s32 v16, v31;
	v57 =	vld [tilespmem:$0x8150]  }
0x194: {  	v29 =	vld.idx.msk [tilespmem:v29+s11+$0x0], $0xffff  }
0x195: {  	v32 =	vadd.s32 v16, v32;
	v58 =	vld [tilespmem:$0x8170]  }
0x196: {  	v30 =	vld.idx.msk [tilespmem:v30+s11+$0x0], $0xffff  }
0x197: {  	v33 =	vadd.s32 v16, v33;
	v59 =	vld [tilespmem:$0x8190]  }
0x198: {  	v31 =	vld.idx.msk [tilespmem:v31+s11+$0x0], $0xffff  }
0x199: {  	v34 =	vadd.s32 v16, v34;
	v60 =	vld [tilespmem:$0x81B0]  }
0x19a: {  	v32 =	vld.idx.msk [tilespmem:v32+s11+$0x0], $0xffff  }
0x19b: {  	v35 =	vadd.s32 v16, v35;
	v61 =	vld [tilespmem:$0x81D0]  }
0x19c: {  	v33 =	vld.idx.msk [tilespmem:v33+s11+$0x0], $0xffff  }
0x19d: {  	v2 =	vadd.s32 v16, v25;
	v62 =	vld [tilespmem:$0x81F0]  }
0x19e: {  	v36 =	vadd.s32 v16, v36;
	v34 =	vld.idx.msk [tilespmem:v34+s11+$0x0], $0xffff  }
0x19f: {  	v63 =	vld [tilespmem:$0x8210]  }
0x1a0: {  	v35 =	vld.idx.msk [tilespmem:v35+s11+$0x0], $0xffff  }
0x1a1: {  	v37 =	vadd.s32 v16, v37;
	v52 =	vld [tilespmem:$0x8230]  }
0x1a2: {  	v2 =	vld.idx.msk [tilespmem:v2+s11+$0x0], $0xffff  }
0x1a3: {  	v36 =	vld.idx.msk [tilespmem:v36+s11+$0x0], $0xffff  }
0x1a4: {  	v53 =	vld [tilespmem:$0x8250]  }
0x1a5: {  	v25 =	vld [tilespmem:$0x80D0];
	v3 =	vxor.u32 v3, v20;
	v22 =	vxor.u32 v22, v54;
	v54 =	vxor.u32 v26, v56  }
0x1a6: {  	v37 =	vld.idx.msk [tilespmem:v37+s11+$0x0], $0xffff;
	v56 =	vxor.u32 v29, v58;
	v58 =	vxor.u32 v31, v60;
	v60 =	vxor.u32 v33, v62  }
0x1a7: {  	v0 =	vld.idx.msk [tilespmem:v0+s11+$0x0], $0xffff;
	v62 =	vxor.u32 v35, v52;
	v2 =	vxor.u32 v2, v23;
	v23 =	vxor.u32 v24, v55  }
0x1a8: {  	v20 =	vld [tilespmem:$0x8270];
	v55 =	vxor.u32 v27, v57;
	v57 =	vxor.u32 v30, v59;
	v59 =	vxor.u32 v32, v61  }
0x1a9: {  	v61 =	vxor.u32 v34, v63;
	v63 =	vxor.u32 v36, v53;
	v40 =	vxor.u32 v3, v2  }
0x1aa: {  	v2 =	vand.u32 v3, v2;
	v41 =	vxor.u32 v55, v56;
	v47 =	vxor.u32 v57, v58  }
0x1ab: {  	v48 =	vand.u32 v57, v58;
	v49 =	vxor.u32 v59, v60;
	v50 =	vand.u32 v59, v60  }
0x1ac: {  	v51 =	vxor.u32 v61, v62;
	v52 =	vand.u32 v61, v62;
	v0 =	vxor.u32 v0, v25  }
0x1ad: {  	v25 =	vand.u32 v55, v56;
	v26 =	vand.u32 v48, v50;
	v20 =	vxor.u32 v37, v20  }
0x1ae: {  	v3 =	vxor.u32 v0, v22;
	v0 =	vand.u32 v0, v22;
	v22 =	vxor.u32 v23, v54  }
0x1af: {  	v23 =	vand.u32 v23, v54;
	v54 =	vand.u32 v47, v49;
	v42 =	vxor.u32 v40, v3  }
0x1b0: {  	v3 =	vand.u32 v40, v3;
	v43 =	vand.u32 v22, v41;
	v44 =	vand.u32 v2, v0  }
0x1b1: {  	v53 =	vxor.u32 v63, v20;
	v20 =	vand.u32 v63, v20;
	v56 =	vxor.u32 v54, v48  }
0x1b2: {  	v2 =	vxor.u32 v3, v2;
	v3 =	vxor.u32 v43, v23;
	v55 =	vand.u32 v51, v53  }
0x1b3: {  	v27 =	vxor.u32 v50, v56;
	v29 =	vxor.u32 v51, v53;
	v0 =	vxor.u32 v0, v2  }
0x1b4: {  	v2 =	vxor.u32 v22, v41;
	v3 =	vxor.u32 v25, v3;
	v22 =	vand.u32 v23, v25  }
0x1b5: {  	v25 =	vxor.u32 v47, v49;
	v57 =	vxor.u32 v55, v52;
	v23 =	vand.u32 v42, v2  }
0x1b6: {  	v45 =	vxor.u32 v0, v3;
	v2 =	vxor.u32 v42, v2;
	v0 =	vand.u32 v0, v3  }
0x1b7: {  	v58 =	vxor.u32 v20, v57;
	v20 =	vand.u32 v52, v20;
	v3 =	vand.u32 v23, v45  }
0x1b8: {  	v32 =	vxor.u32 v27, v58;
	v27 =	vand.u32 v27, v58;
	v60 =	vxor.u32 v26, v20  }
0x1b9: {  	v0 =	vor.u32 v0, v3;
	v3 =	vxor.u32 v23, v45;
	v23 =	vxor.u32 v44, v22  }
0x1ba: {  	v20 =	vand.u32 v26, v20;
	v22 =	vand.u32 v44, v22;
	v46 =	vand.u32 v23, v0  }
0x1bb: {  	v0 =	vxor.u32 v23, v0;
	v23 =	vand.u32 v25, v29;
	v25 =	vxor.u32 v25, v29  }
0x1bc: {  	v59 =	vand.u32 v23, v32;
	v23 =	vxor.u32 v23, v32;
	v2 =	vand.u32 v2, v25  }
0x1bd: {  	v22 =	vor.u32 v22, v46;
	v27 =	vor.u32 v27, v59;
	v62 =	vxor.u32 v3, v23  }
0x1be: {  	v3 =	vand.u32 v3, v23;
	v23 =	vld [tilespmem:s24+$0x8280];
	v61 =	vand.u32 v60, v27;
	v2 =	vand.u32 v62, v2  }
0x1bf: {  	v63 =	vxor.u32 v60, v27;
	v2 =	vor.u32 v3, v2;
	v3 =	vor.u32 v20, v22  }
0x1c0: {  	v20 =	vand.u32 v0, v63;
	v0 =	vxor.u32 v0, v63;
	v3 =	vor.u32 v61, v3  }
0x1c1: {  	v0 =	vand.u32 v0, v2;
	v2 =	vor.u32 v20, v3;
	v3 =	vmov s20  }
0x1c2: {  	v0 =	vor.u32 v0, v2  }
0x1c3: {  	v0 =	vxor.u32 v23, v0  }
0x1c4: {  	v2 =	vperm.xlane v0, v15  }
0x1c5: {  	[tilespmem:s22+$0x0] =	vst v0  }
0x1c6: {  	[tilespmem:v3+s15+$0x0] =	vst.idx.msk $0x1, v2  }
0x1c7: {  	v0 =	vld [tilespmem:s22+$0xFFFFFFEF]  }
0x1c8: {  	v2 =	vld [tilespmem:s22+$0xFFFFFFF0];
	_ =	sdelay $0x3  }
0x1c9: {  	v0 =	vshrl.u32 v0, $0x1  }
0x1ca: {  	v3 =	vshll.u32 v2, $0x1;
	v20 =	vshrl.u32 v0, $0x1E  }
0x1cb: {  	v22 =	vshrl.u32 v0, $0x1D;
	v3 =	vor.u32 v20, v3;
	v20 =	vshll.u32 v2, $0x2  }
0x1cc: {  	v0 =	vshrl.u32 v0, $0x1C;
	v2 =	vshll.u32 v2, $0x3;
	[tilespmem:s24+$0x8F70] =	vst v3;
	v3 =	vor.u32 v22, v20  }
0x1cd: {  	v0 =	vor.u32 v0, v2;
	[tilespmem:s24+$0x95F0] =	vst v3  }
0x1ce: {  	[tilespmem:s24+$0x9C70] =	vst v0  }
0x1cf: {  	v0 =	vld [tilespmem:s22+$0xFFFFFFFF]  }
0x1d0: {  	v2 =	vld [tilespmem:s22+$0x0];
	_ =	sdelay $0x3  }
0x1d1: {  	p0 =	sne.s32 s21, $0x18C0;
	v0 =	vshrl.u32 v0, $0x1  }
.Ltmp3:
0x1d2: {  	v3 =	vshll.u32 v2, $0x1;
	v20 =	vshrl.u32 v0, $0x1E;
	(pc) =	sbr.rel @p0 .LBB2_8-.Ltmp3, $4  }
0x1d3: {  	v22 =	vshrl.u32 v0, $0x1D;
	v3 =	vor.u32 v20, v3;
	v20 =	vshll.u32 v2, $0x2  }
0x1d4: {  	v0 =	vshrl.u32 v0, $0x1C;
	v2 =	vshll.u32 v2, $0x3;
	[tilespmem:s24+$0x8F80] =	vst v3;
	v3 =	vor.u32 v22, v20  }
0x1d5: {  	s23 =	sadd.s32 $0x10, s23;
	v0 =	vor.u32 v0, v2;
	[tilespmem:s24+$0x9600] =	vst v3  }
0x1d6: {  	s21 =	sadd.s32 $0x80, s21;
	v38 =	vimm.s32 $0x1;
	v39 =	vimm.s32 $0x2;
	v36 =	vimm.s32 $0x5;
	s20 =	sadd.s32 $0x21, s20;
	s22 =	sadd.s32 $0x21, s22;
	[tilespmem:s24+$0x9C80] =	vst v0  }
0x1d7: {  	s20 =	simm.s32 $0x0  }
0x1d8: {  	v0 =	vld [tilespmem:s20+$0x9C80]  }
0x1d9: {  	v2 =	vld [tilespmem:s20+$0x9620]  }
0x1da: {  	s21 =	simm.s32 $0x8964;
	v3 =	vld [tilespmem:s20+$0x8FC0]  }
0x1db: {  	v20 =	vld [tilespmem:s21+$0x0]  }
0x1dc: {  	s29 =	simm.s32 $0x20  }
0x1dd: {  	v22 =	vld [tilespmem:s29+$0x9C80]  }
0x1de: {  	v0 =	vxor.u32 v0, v2;
	v2 =	vld [tilespmem:s29+$0x9620]  }
0x1df: {  	s30 =	simm.s32 $0x8985;
	v0 =	vxor.u32 v3, v0;
	v3 =	vld [tilespmem:s29+$0x8FC0]  }
0x1e0: {  	v0 =	vxor.u32 v20, v0;
	v20 =	vld [tilespmem:s30+$0x0];
	_ =	sdelay $0x1  }
0x1e1: {  	s31 =	simm.s32 $0x40;
	v29 =	vand.u32 v21, v0  }
0x1e2: {  	v25 =	vld [tilespmem:s31+$0x9C80];
	v31 =	vand.u32 v21, v29;
	v2 =	vxor.u32 v22, v2  }
0x1e3: {  	v32 =	vimm.s32 $0x0;
	v33 =	vld [tilespmem:s31+$0x9620];
	v24 =	vand.u32 v21, v31;
	v2 =	vxor.u32 v3, v2  }
0x1e4: {  	v34 =	vld [tilespmem:s31+$0x8FC0];
	s20 =	simm.s32 $0x89A6;
	v27 =	vxor.u32 v21, v0;
	v22 =	vand.u32 v21, v24;
	v26 =	vxor.u32 v20, v2  }
0x1e5: {  	v35 =	vld [tilespmem:s20+$0x0];
	v29 =	vxor.u32 v21, v29;
	v3 =	vand.u32 v21, v22;
	v28 =	vand.u32 v27, v26  }
0x1e6: {  	s21 =	simm.s32 $0x180;
	v31 =	vxor.u32 v21, v31;
	v23 =	vxor.u32 v21, v3;
	v30 =	vand.u32 v29, v28  }
.LBB2_10:
0x1e7: {  	s22 =	sshra.s32 s21, $0x2;
	v21 =	vxor.u32 v21, v24;
	v24 =	vand.u32 v31, v30;
	p0 =	sne.s32 s21, $0x1700  }
.Ltmp4:
0x1e8: {  	s21 =	sadd.s32 $0x80, s21;
	v32 =	vxor.u32 v32, v22;
	v0 =	vxor.u32 v25, v33;
	v25 =	vld [tilespmem:s22+$0x9C80];
	v22 =	vand.u32 v21, v24;
	(pc) =	sbr.rel @p0 .LBB2_10-.Ltmp4, $4  }
0x1e9: {  	v33 =	vld [tilespmem:s22+$0x9620];
	v0 =	vxor.u32 v34, v0;
	v2 =	vand.u32 v32, v22  }
0x1ea: {  	s20 =	sadd.s32 $0x21, s20;
	v27 =	vxor.u32 v27, v26;
	v34 =	vld [tilespmem:s22+$0x8FC0];
	v26 =	vxor.u32 v35, v0;
	v23 =	vxor.u32 v23, v2  }
0x1eb: {  	v29 =	vxor.u32 v29, v28;
	v35 =	vld [tilespmem:s20+$0x0];
	v28 =	vand.u32 v27, v26  }
0x1ec: {  	v31 =	vxor.u32 v31, v30;
	v30 =	vand.u32 v29, v28  }
0x1ed: {  	_ = 	snop  }
0x1ee: {  	v0 =	vxor.u32 v25, v33  }
0x1ef: {  	v0 =	vxor.u32 v34, v0  }
0x1f0: {  	v2 =	vand.u32 v31, v30;
	v3 =	vxor.u32 v27, v26;
	v0 =	vxor.u32 v35, v0  }
0x1f1: {  	v20 =	vxor.u32 v21, v24;
	v0 =	vand.u32 v3, v0;
	v3 =	vxor.u32 v29, v28  }
0x1f2: {  	v22 =	vxor.u32 v32, v22;
	v0 =	vand.u32 v3, v0;
	v3 =	vxor.u32 v31, v30  }
0x1f3: {  	v21 =	vand.u32 v20, v2;
	v2 =	vxor.u32 v20, v2;
	v0 =	vand.u32 v3, v0  }
0x1f4: {  	v3 =	vand.u32 v22, v21;
	v21 =	vxor.u32 v22, v21;
	v20 =	vand.u32 v2, v0  }
0x1f5: {  	v3 =	vxor.u32 v23, v3;
	v0 =	vxor.u32 v2, v0;
	v20 =	vand.u32 v21, v20  }
0x1f6: {  	v0 =	vand.u32 v0, v21;
	v2 =	vxor.u32 v3, v20  }
0x1f7: {  	v21 =	vimm.s32 $0x0;
	v0 =	vor.u32 v0, v2  }
0x1f8: {  	v2 =	vperm.xlane v0, v21  }
0x1f9: {  	v20 =	vperm.xlane v0, v38  }
0x1fa: {  	v24 =	vperm.xlane v0, v4;
	v3 =	vand.u32 v17, v2  }
0x1fb: {  	v2 =	vand.u32 v19, v2;
	v22 =	vand.u32 v17, v20;
	v20 =	vand.u32 v19, v20  }
0x1fc: {  	vm0 =	veq.s32 v3, $0x0;
	vm10 =	veq.s32 v2, $0x0;
	vm1 =	veq.s32 v22, $0x0  }
0x1fd: {  	v2 =	vperm.xlane v0, v39;
	vm11 =	veq.s32 v20, $0x0;
	v3 =	vsel vm0, $0x3F800000, v18  }
0x1fe: {  	v22 =	vsel vm10, $0x3F800000, v18;
	v23 =	vsel vm1, $0x3F800000, v18;
	v25 =	vsel vm11, $0x3F800000, v18  }
0x1ff: {  	v20 =	vand.u32 v17, v2;
	v2 =	vand.u32 v19, v2;
	[tilespmem:$0xA310] =	vst v22;
	v22 =	vand.u32 v19, v24  }
0x200: {  	vm12 =	veq.s32 v20, $0x0;
	vm13 =	veq.s32 v2, $0x0;
	v2 =	vand.u32 v17, v24  }
0x201: {  	v20 =	vperm.xlane v0, v5;
	vm15 =	veq.s32 v22, $0x0;
	v22 =	vperm.xlane v0, v36  }
0x202: {  	[tilespmem:$0xA300] =	vst v3;
	v3 =	vsel vm12, $0x3F800000, v18;
	v26 =	vsel vm13, $0x3F800000, v18;
	vm14 =	veq.s32 v2, $0x0  }
0x203: {  	[tilespmem:$0xA320] =	vst v23;
	v23 =	vsel vm15, $0x3F800000, v18;
	v2 =	vsel vm14, $0x3F800000, v18;
	v24 =	vand.u32 v17, v20  }
0x204: {  	v20 =	vand.u32 v19, v20;
	[tilespmem:$0xA340] =	vst v3;
	v3 =	vand.u32 v17, v22;
	vm4 =	veq.s32 v24, $0x0  }
0x205: {  	[tilespmem:$0xA330] =	vst v25;
	vm5 =	veq.s32 v20, $0x0;
	v20 =	vperm.xlane v0, v6;
	vm6 =	veq.s32 v3, $0x0  }
0x206: {  	[tilespmem:$0xA350] =	vst v26;
	v3 =	vand.u32 v19, v22;
	v24 =	vsel vm4, $0x3F800000, v18;
	v25 =	vsel vm5, $0x3F800000, v18  }
0x207: {  	[tilespmem:$0xA370] =	vst v23;
	vm7 =	veq.s32 v3, $0x0;
	v3 =	vperm.xlane v0, v7;
	v22 =	vsel vm6, $0x3F800000, v18  }
0x208: {  	[tilespmem:$0xA360] =	vst v2;
	v2 =	vand.u32 v17, v20;
	v23 =	vsel vm7, $0x3F800000, v18;
	v20 =	vand.u32 v19, v20  }
0x209: {  	[tilespmem:$0xA380] =	vst v24;
	vm8 =	veq.s32 v2, $0x0;
	v24 =	vand.u32 v17, v3;
	vm9 =	veq.s32 v20, $0x0  }
0x20a: {  	v20 =	vperm.xlane v0, v8;
	v3 =	vand.u32 v19, v3;
	[tilespmem:$0xA3B0] =	vst v23;
	v23 =	vperm.xlane v0, v9  }
0x20b: {  	[tilespmem:$0xA3A0] =	vst v22;
	v2 =	vsel vm8, $0x3F800000, v18;
	vm10 =	veq.s32 v24, $0x0;
	v22 =	vsel vm9, $0x3F800000, v18  }
0x20c: {  	[tilespmem:$0xA390] =	vst v25;
	vm11 =	veq.s32 v3, $0x0;
	v24 =	vsel vm10, $0x3F800000, v18;
	v3 =	vand.u32 v17, v20  }
0x20d: {  	[tilespmem:$0xA3C0] =	vst v2;
	v2 =	vsel vm11, $0x3F800000, v18;
	vm12 =	veq.s32 v3, $0x0;
	v3 =	vand.u32 v19, v20  }
0x20e: {  	[tilespmem:$0xA3D0] =	vst v22;
	v20 =	vperm.xlane v0, v10;
	vm13 =	veq.s32 v3, $0x0;
	v3 =	vand.u32 v17, v23  }
0x20f: {  	[tilespmem:$0xA3E0] =	vst v24;
	v22 =	vsel vm12, $0x3F800000, v18;
	v24 =	vsel vm13, $0x3F800000, v18;
	vm14 =	veq.s32 v3, $0x0  }
0x210: {  	[tilespmem:$0xA3F0] =	vst v2;
	v3 =	vand.u32 v19, v23;
	v23 =	vand.u32 v17, v20;
	v20 =	vand.u32 v19, v20  }
0x211: {  	[tilespmem:$0xA400] =	vst v22;
	v2 =	vsel vm14, $0x3F800000, v18;
	vm15 =	veq.s32 v3, $0x0;
	v3 =	vperm.xlane v0, v11  }
0x212: {  	vm4 =	veq.s32 v23, $0x0;
	[tilespmem:$0xA410] =	vst v24;
	vm5 =	veq.s32 v20, $0x0;
	v20 =	vperm.xlane v0, v12  }
0x213: {  	v22 =	vsel vm15, $0x3F800000, v18;
	v23 =	vsel vm4, $0x3F800000, v18;
	[tilespmem:$0xA420] =	vst v2;
	v2 =	vand.u32 v17, v3  }
0x214: {  	[tilespmem:$0xA430] =	vst v22;
	v22 =	vsel vm5, $0x3F800000, v18;
	vm6 =	veq.s32 v2, $0x0;
	v2 =	vand.u32 v19, v3  }
0x215: {  	[tilespmem:$0xA440] =	vst v23;
	v3 =	vperm.xlane v0, v13;
	vm7 =	veq.s32 v2, $0x0;
	v2 =	vand.u32 v17, v20  }
0x216: {  	[tilespmem:$0xA450] =	vst v22;
	v22 =	vsel vm6, $0x3F800000, v18;
	v20 =	vand.u32 v19, v20;
	v23 =	vsel vm7, $0x3F800000, v18  }
0x217: {  	vm8 =	veq.s32 v2, $0x0;
	[tilespmem:$0xA460] =	vst v22;
	v22 =	vand.u32 v17, v3;
	vm9 =	veq.s32 v20, $0x0  }
0x218: {  	v20 =	vperm.xlane v0, v14;
	v3 =	vand.u32 v19, v3;
	v2 =	vsel vm8, $0x3F800000, v18;
	[tilespmem:$0xA470] =	vst v23  }
0x219: {  	v0 =	vperm.xlane v0, v15;
	vm10 =	veq.s32 v22, $0x0;
	v22 =	vsel vm9, $0x3F800000, v18;
	[tilespmem:$0xA480] =	vst v2  }
0x21a: {  	vm11 =	veq.s32 v3, $0x0;
	v2 =	vsel vm10, $0x3F800000, v18;
	[tilespmem:$0xA490] =	vst v22;
	v3 =	vand.u32 v17, v20  }
0x21b: {  	[tilespmem:$0xA4A0] =	vst v2;
	v2 =	vsel vm11, $0x3F800000, v18;
	vm12 =	veq.s32 v3, $0x0;
	v3 =	vand.u32 v19, v20  }
0x21c: {  	[tilespmem:$0xA4B0] =	vst v2;
	v2 =	vsel vm12, $0x3F800000, v18;
	vm13 =	veq.s32 v3, $0x0;
	v3 =	vand.u32 v17, v0  }
0x21d: {  	v0 =	vand.u32 v19, v0;
	[tilespmem:$0xA4C0] =	vst v2;
	v2 =	vsel vm13, $0x3F800000, v18;
	vm14 =	veq.s32 v3, $0x0  }
0x21e: {  	vm15 =	veq.s32 v0, $0x0;
	[tilespmem:$0xA4D0] =	vst v2;
	v2 =	vsel vm14, $0x3F800000, v18  }
0x21f: {  	v0 =	vsel vm15, $0x3F800000, v18;
	[tilespmem:$0xA4E0] =	vst v2  }
0x220: {  	s20 =	simm.s32 $0x0;
	[tilespmem:$0xA4F0] =	vst v0  }
0x221: {  	v0 =	vld [tilespmem:s20+$0x9C90]  }
0x222: {  	v2 =	vld [tilespmem:s20+$0x9630]  }
0x223: {  	s21 =	simm.s32 $0x8974;
	v3 =	vld [tilespmem:s20+$0x8FD0]  }
0x224: {  	v20 =	vld [tilespmem:s21+$0x0]  }
0x225: {  	s29 =	simm.s32 $0x20  }
0x226: {  	v22 =	vld [tilespmem:s29+$0x9C90]  }
0x227: {  	v0 =	vxor.u32 v0, v2;
	v2 =	vld [tilespmem:s29+$0x9630]  }
0x228: {  	s30 =	simm.s32 $0x8995;
	v0 =	vxor.u32 v3, v0;
	v3 =	vld [tilespmem:s29+$0x8FD0]  }
0x229: {  	v0 =	vxor.u32 v20, v0;
	v20 =	vld [tilespmem:s30+$0x0];
	_ =	sdelay $0x1  }
0x22a: {  	s31 =	simm.s32 $0x40;
	v29 =	vand.u32 v21, v0  }
0x22b: {  	v25 =	vld [tilespmem:s31+$0x9C90];
	v31 =	vand.u32 v21, v29;
	v2 =	vxor.u32 v22, v2  }
0x22c: {  	v32 =	vimm.s32 $0x0;
	v33 =	vld [tilespmem:s31+$0x9630];
	v24 =	vand.u32 v21, v31;
	v2 =	vxor.u32 v3, v2  }
0x22d: {  	v34 =	vld [tilespmem:s31+$0x8FD0];
	s20 =	simm.s32 $0x89B6;
	v27 =	vxor.u32 v21, v0;
	v22 =	vand.u32 v21, v24;
	v26 =	vxor.u32 v20, v2  }
0x22e: {  	v35 =	vld [tilespmem:s20+$0x0];
	v29 =	vxor.u32 v21, v29;
	v3 =	vand.u32 v21, v22;
	v28 =	vand.u32 v27, v26  }
0x22f: {  	s21 =	simm.s32 $0x180;
	v31 =	vxor.u32 v21, v31;
	v23 =	vxor.u32 v21, v3;
	v30 =	vand.u32 v29, v28  }
.LBB2_12:
0x230: {  	s22 =	sshra.s32 s21, $0x2;
	v21 =	vxor.u32 v21, v24;
	v24 =	vand.u32 v31, v30;
	p0 =	sne.s32 s21, $0x1700  }
.Ltmp5:
0x231: {  	s21 =	sadd.s32 $0x80, s21;
	v32 =	vxor.u32 v32, v22;
	v0 =	vxor.u32 v25, v33;
	v25 =	vld [tilespmem:s22+$0x9C90];
	v22 =	vand.u32 v21, v24;
	(pc) =	sbr.rel @p0 .LBB2_12-.Ltmp5, $4  }
0x232: {  	v33 =	vld [tilespmem:s22+$0x9630];
	v0 =	vxor.u32 v34, v0;
	v2 =	vand.u32 v32, v22  }
0x233: {  	s20 =	sadd.s32 $0x21, s20;
	v27 =	vxor.u32 v27, v26;
	v34 =	vld [tilespmem:s22+$0x8FD0];
	v26 =	vxor.u32 v35, v0;
	v23 =	vxor.u32 v23, v2  }
0x234: {  	v29 =	vxor.u32 v29, v28;
	v35 =	vld [tilespmem:s20+$0x0];
	v28 =	vand.u32 v27, v26  }
0x235: {  	v31 =	vxor.u32 v31, v30;
	v30 =	vand.u32 v29, v28  }
0x236: {  	_ = 	snop  }
0x237: {  	v0 =	vxor.u32 v25, v33  }
0x238: {  	v0 =	vxor.u32 v34, v0  }
0x239: {  	v2 =	vand.u32 v31, v30;
	v3 =	vxor.u32 v27, v26;
	v0 =	vxor.u32 v35, v0  }
0x23a: {  	v20 =	vxor.u32 v21, v24;
	v0 =	vand.u32 v3, v0;
	v3 =	vxor.u32 v29, v28  }
0x23b: {  	v22 =	vxor.u32 v32, v22;
	v0 =	vand.u32 v3, v0;
	v3 =	vxor.u32 v31, v30  }
0x23c: {  	v21 =	vand.u32 v20, v2;
	v2 =	vxor.u32 v20, v2;
	v0 =	vand.u32 v3, v0  }
0x23d: {  	v3 =	vand.u32 v22, v21;
	v21 =	vxor.u32 v22, v21;
	v20 =	vand.u32 v2, v0  }
0x23e: {  	v3 =	vxor.u32 v23, v3;
	v0 =	vxor.u32 v2, v0;
	v20 =	vand.u32 v21, v20  }
0x23f: {  	v0 =	vand.u32 v0, v21;
	v2 =	vxor.u32 v3, v20  }
0x240: {  	v0 =	vor.u32 v0, v2;
	v2 =	vimm.s32 $0x0  }
0x241: {  	v2 =	vperm.xlane v0, v2;
	v20 =	vperm.xlane v0, v38  }
0x242: {  	v42 =	vperm.xlane v0, v4;
	v47 =	vperm.xlane v0, v36  }
0x243: {  	v54 =	vperm.xlane v0, v9;
	v3 =	vand.u32 v17, v2;
	v2 =	vand.u32 v19, v2  }
0x244: {  	v37 =	vand.u32 v17, v20;
	v20 =	vand.u32 v19, v20;
	v45 =	vand.u32 v19, v42  }
0x245: {  	vm0 =	veq.s32 v3, $0x0;
	vm10 =	veq.s32 v2, $0x0;
	vm1 =	veq.s32 v37, $0x0  }
0x246: {  	v2 =	vperm.xlane v0, v39;
	vm11 =	veq.s32 v20, $0x0;
	vm15 =	veq.s32 v45, $0x0  }
0x247: {  	v3 =	vsel vm0, $0x3F800000, v18;
	v40 =	vsel vm10, $0x3F800000, v18;
	v41 =	vsel vm1, $0x3F800000, v18  }
0x248: {  	v43 =	vsel vm11, $0x3F800000, v18;
	v20 =	vand.u32 v17, v2;
	v2 =	vand.u32 v19, v2  }
0x249: {  	v48 =	vsel vm15, $0x3F800000, v18;
	[tilespmem:$0xA500] =	vst v3;
	vm13 =	veq.s32 v2, $0x0;
	v2 =	vand.u32 v17, v42  }
0x24a: {  	[tilespmem:$0xA510] =	vst v40;
	vm12 =	veq.s32 v20, $0x0;
	v20 =	vperm.xlane v0, v5;
	vm14 =	veq.s32 v2, $0x0  }
0x24b: {  	[tilespmem:$0xA520] =	vst v41;
	v3 =	vsel vm12, $0x3F800000, v18;
	v44 =	vsel vm13, $0x3F800000, v18;
	v2 =	vsel vm14, $0x3F800000, v18  }
0x24c: {  	v46 =	vand.u32 v17, v20;
	v20 =	vand.u32 v19, v20;
	[tilespmem:$0xA540] =	vst v3;
	v3 =	vand.u32 v17, v47  }
0x24d: {  	[tilespmem:$0xA530] =	vst v43;
	vm4 =	veq.s32 v46, $0x0;
	vm5 =	veq.s32 v20, $0x0;
	v20 =	vperm.xlane v0, v6  }
0x24e: {  	[tilespmem:$0xA570] =	vst v48;
	vm6 =	veq.s32 v3, $0x0;
	v3 =	vand.u32 v19, v47;
	v23 =	vsel vm4, $0x3F800000, v18  }
0x24f: {  	[tilespmem:$0xA550] =	vst v44;
	v49 =	vsel vm5, $0x3F800000, v18;
	vm7 =	veq.s32 v3, $0x0;
	v3 =	vperm.xlane v0, v7  }
0x250: {  	[tilespmem:$0xA560] =	vst v2;
	v50 =	vsel vm6, $0x3F800000, v18;
	v2 =	vand.u32 v17, v20;
	v51 =	vsel vm7, $0x3F800000, v18  }
0x251: {  	[tilespmem:$0xA580] =	vst v23;
	v20 =	vand.u32 v19, v20;
	vm8 =	veq.s32 v2, $0x0;
	v52 =	vand.u32 v17, v3  }
0x252: {  	[tilespmem:$0xA590] =	vst v49;
	vm9 =	veq.s32 v20, $0x0;
	v20 =	vperm.xlane v0, v8;
	v3 =	vand.u32 v19, v3  }
0x253: {  	[tilespmem:$0xA5A0] =	vst v50;
	v2 =	vsel vm8, $0x3F800000, v18;
	vm10 =	veq.s32 v52, $0x0;
	v53 =	vsel vm9, $0x3F800000, v18  }
0x254: {  	[tilespmem:$0xA5B0] =	vst v51;
	vm11 =	veq.s32 v3, $0x0;
	v23 =	vsel vm10, $0x3F800000, v18;
	v3 =	vand.u32 v17, v20  }
0x255: {  	[tilespmem:$0xA5C0] =	vst v2;
	v2 =	vsel vm11, $0x3F800000, v18;
	vm12 =	veq.s32 v3, $0x0;
	v3 =	vand.u32 v19, v20  }
0x256: {  	[tilespmem:$0xA5D0] =	vst v53;
	v20 =	vperm.xlane v0, v10;
	vm13 =	veq.s32 v3, $0x0;
	v3 =	vand.u32 v17, v54  }
0x257: {  	[tilespmem:$0xA5E0] =	vst v23;
	v55 =	vsel vm12, $0x3F800000, v18;
	v56 =	vsel vm13, $0x3F800000, v18;
	vm14 =	veq.s32 v3, $0x0  }
0x258: {  	[tilespmem:$0xA5F0] =	vst v2;
	v3 =	vand.u32 v19, v54;
	v57 =	vand.u32 v17, v20;
	v20 =	vand.u32 v19, v20  }
0x259: {  	[tilespmem:$0xA600] =	vst v55;
	v2 =	vsel vm14, $0x3F800000, v18;
	vm15 =	veq.s32 v3, $0x0;
	v3 =	vperm.xlane v0, v11  }
0x25a: {  	vm4 =	veq.s32 v57, $0x0;
	[tilespmem:$0xA610] =	vst v56;
	vm5 =	veq.s32 v20, $0x0;
	v20 =	vperm.xlane v0, v12  }
0x25b: {  	v58 =	vsel vm15, $0x3F800000, v18;
	v22 =	vsel vm4, $0x3F800000, v18;
	[tilespmem:$0xA620] =	vst v2;
	v2 =	vand.u32 v17, v3  }
0x25c: {  	v59 =	vsel vm5, $0x3F800000, v18;
	[tilespmem:$0xA630] =	vst v58;
	vm6 =	veq.s32 v2, $0x0;
	v2 =	vand.u32 v19, v3  }
0x25d: {  	[tilespmem:$0xA640] =	vst v22;
	v3 =	vperm.xlane v0, v13;
	vm7 =	veq.s32 v2, $0x0;
	v2 =	vand.u32 v17, v20  }
0x25e: {  	[tilespmem:$0xA650] =	vst v59;
	v60 =	vsel vm6, $0x3F800000, v18;
	v20 =	vand.u32 v19, v20;
	v61 =	vsel vm7, $0x3F800000, v18  }
0x25f: {  	vm8 =	veq.s32 v2, $0x0;
	[tilespmem:$0xA660] =	vst v60;
	v62 =	vand.u32 v17, v3;
	vm9 =	veq.s32 v20, $0x0  }
0x260: {  	v20 =	vperm.xlane v0, v14;
	v3 =	vand.u32 v19, v3;
	v2 =	vsel vm8, $0x3F800000, v18;
	[tilespmem:$0xA670] =	vst v61  }
0x261: {  	v0 =	vperm.xlane v0, v15;
	vm10 =	veq.s32 v62, $0x0;
	v63 =	vsel vm9, $0x3F800000, v18;
	[tilespmem:$0xA680] =	vst v2  }
0x262: {  	vm11 =	veq.s32 v3, $0x0;
	v2 =	vsel vm10, $0x3F800000, v18;
	[tilespmem:$0xA690] =	vst v63;
	v3 =	vand.u32 v17, v20  }
0x263: {  	[tilespmem:$0xA6A0] =	vst v2;
	v2 =	vsel vm11, $0x3F800000, v18;
	vm12 =	veq.s32 v3, $0x0;
	v3 =	vand.u32 v19, v20  }
0x264: {  	[tilespmem:$0xA6B0] =	vst v2;
	v2 =	vsel vm12, $0x3F800000, v18;
	vm13 =	veq.s32 v3, $0x0;
	v3 =	vand.u32 v17, v0  }
0x265: {  	v0 =	vand.u32 v19, v0;
	[tilespmem:$0xA6C0] =	vst v2;
	v2 =	vsel vm13, $0x3F800000, v18;
	vm14 =	veq.s32 v3, $0x0  }
0x266: {  	s19 =	sadd.s32 $0x1, s19;
	vm15 =	veq.s32 v0, $0x0;
	[tilespmem:$0xA6D0] =	vst v2;
	v2 =	vsel vm14, $0x3F800000, v18  }
0x267: {  	p0 =	sne.s32 s19, s10;
	v0 =	vsel vm15, $0x3F800000, v18;
	[tilespmem:$0xA6E0] =	vst v2  }
.Ltmp6:
0x268: {  	[tilespmem:$0xA6F0] =	vst v0;
	(pc) =	sbr.rel @p0 .LBB2_1-.Ltmp6, $4  }
0x269: {  	[hbm4b:s9+s16] =	stream.strided.scatter [tilespmem:s18], [sflag:$0x1], $0x400, s17, s16, $0x38;
	[tilespmem:$0xA700] =	vst v63  }
0x26a: {  	_ =	swait.ge [sflag:s12], $0x400  }
0x26b: {  	[sflag:s12] =	ssyncset.done $0x0  }
0x26c: {  	[sflag:s12] =	ssyncadd.s32 $0xFFFFFC00  }
0x26d: {  	_ =	sfence.sel $0x180000  }
0x26e: {  	[bflag:$0x0] =	sbarrier.arrive $0xFFFF  }
0x26f: {  	p0 =	sne.s32 s2, $0x0;
	_ =	strace $0x90000047  }
0x270: {  	s0 =	sadd.s32 @!p0 $0x100000, s0;
	[bflag:$0x2] =	sbarrier.arrive $0xFFFF  }
0x271: {  	[sflag:s0] =	ssyncadd.tile.s32 @!p0 $0x1;
	_ =	shalt  }
.Lfunc_end2:
_tile_overlayer_lowered:
.L_overlay_start_2:
0x272: {  	(tag) =	ssettag $0x2  }
0x273: {  	s0 =	rddreg [dreg:$0x0];
	s2 =	stileid.u32  }
0x274: {  	s1 =	rddreg [dreg:$0x1];
	p0 =	sne.s32 s2, $0x0  }
0x275: {  	s3 =	rddreg [dreg:$0x2];
	[bflag:$0x3] =	sbarrier.arrive $0xFFFF;
	s2 =	simm.s32 @!p0 $0x1C01  }
0x276: {  	[timem:s3], [sflag:s2] =	dma.local @!p0 [hbm:s0], s1  }
0x277: {  	s0 =	simm.s32 @!p0 $0x1  }
0x278: {  	_ =	swait.ge @!p0 [sflag:s0], s1  }
0x279: {  	s1 =	ssub.s32 @!p0 $0x0, s1;
	[sflag:s0] =	ssyncset.done @!p0 $0x0  }
0x27a: {  	[sflag:s0] =	ssyncadd.s32 @!p0 s1  }
0x27b: {  	[bflag:$0x3] =	sbarrier.arrive $0xFFFF  }
0x27c: {  	_ =	shalt  }

</sc_bundles>
